<compile_context>
chip_gen: v7x
topology: tpu7x:2x2x1
jax: 0.10.2.dev20260603
libtpu: 0.0.44.dev20260713+nightly
codegen_flags: <defaults>
</compile_context>

<pallas_src>
import jax
import jax.numpy as jnp
from jax import lax
from jax.experimental import pallas as pl
from jax.experimental.pallas import tpu as pltpu, tpu_sc as plsc

N = 4096
D = 128
BLK = 256
K_RIPS = 32
K_KDE = 16
E = N * K_RIPS
CHUNK = 8192
NSUB = 16
TGT = E // NSUB
MAXDEG = N - 1 + K_RIPS
CAPW = 12320
DESTNUM = 10


def _k1_body(xb_ref, x_ref, f_ref, nbrs_ref):
    blk = pl.program_id(0)
    xb = xb_ref[...]
    xall = x_ref[...]
    sb = jnp.sum(xb * xb, axis=1)
    sa = jnp.sum(xall * xall, axis=1)
    g = lax.dot_general(xb, xall, (((1,), (1,)), ((), ())),
                        preferred_element_type=jnp.float32)
    d2 = jnp.maximum(sb[:, None] + sa[None, :] - 2.0 * g, 0.0)
    col = lax.broadcasted_iota(jnp.int32, (BLK, N), 1)
    rowg = lax.broadcasted_iota(jnp.int32, (BLK, N), 0) + blk * BLK
    neg = -d2 - jnp.where(col == rowg, 1e9, 0.0).astype(jnp.float32)
    colk = lax.broadcasted_iota(jnp.int32, (BLK, K_RIPS), 1)

    def extract(k, carry):
        neg, acc, idxacc = carry
        m = jnp.max(neg, axis=1)
        am = jnp.min(jnp.where(neg == m[:, None], col, N), axis=1)
        acc = acc + jnp.where(k < K_KDE, jnp.exp(m), 0.0)
        idxacc = jnp.where(colk == k, am[:, None], idxacc)
        neg = jnp.where(col == am[:, None], -jnp.inf, neg)
        return neg, acc, idxacc

    _, acc, idxacc = lax.fori_loop(
        0, K_RIPS, extract,
        (neg, jnp.zeros((BLK,), jnp.float32),
         jnp.zeros((BLK, K_RIPS), jnp.int32)))
    f_ref[...] = acc * (1.0 / K_KDE)
    nbrs_ref[...] = idxacc


def _density_topk(x):
    return pl.pallas_call(
        _k1_body,
        grid=(N // BLK,),
        in_specs=[pl.BlockSpec((BLK, D), lambda i: (i, 0)),
                  pl.BlockSpec((N, D), lambda i: (0, 0))],
        out_specs=[pl.BlockSpec((BLK,), lambda i: (i,)),
                   pl.BlockSpec((BLK, K_RIPS), lambda i: (i, 0))],
        out_shape=[jax.ShapeDtypeStruct((N,), jnp.float32),
                   jax.ShapeDtypeStruct((N, K_RIPS), jnp.int32)],
    )(x, x)


def _k2_body(f_ref, rank_ref):
    fall = f_ref[...]
    colu = lax.broadcasted_iota(jnp.int32, (BLK, N), 1)
    rowi = lax.broadcasted_iota(jnp.int32, (BLK, N), 0)

    def chunk(i, _):
        fb = f_ref[pl.ds(i * BLK, BLK)]
        vglob = rowi + i * BLK
        gt = fall[None, :] > fb[:, None]
        tie = (fall[None, :] == fb[:, None]) & (colu < vglob)
        r = jnp.sum(jnp.where(gt | tie, 1, 0).astype(jnp.int32), axis=1)
        rank_ref[pl.ds(i * BLK, BLK)] = r
        return 0

    lax.fori_loop(0, N // BLK, chunk, 0)


def _ranks(f):
    return pl.pallas_call(
        _k2_body,
        out_shape=jax.ShapeDtypeStruct((N,), jnp.int32),
    )(f)


def _k3_body(nbrs_hbm, rank_hbm, f_hbm, codes_hbm, fsorted_hbm,
             rank_v, f_v, fs_v, nbuf, cbuf, sem):
    wid = lax.axis_index("s") * 2 + lax.axis_index("c")

    @pl.when(wid == 0)
    def _():
        pltpu.sync_copy(rank_hbm, rank_v)
        pltpu.sync_copy(f_hbm, f_v)

        def scat(i, _):
            idx = rank_v[pl.ds(i * 16, 16)]
            fv = f_v[pl.ds(i * 16, 16)]
            plsc.store_scatter(fs_v, [idx], fv)
            return 0

        lax.fori_loop(0, N // 16, scat, 0)
        pltpu.sync_copy(fs_v, fsorted_hbm)

        def chunk_body(ch, _):
            pltpu.sync_copy(nbrs_hbm.at[pl.ds(ch * CHUNK, CHUNK)], nbuf)

            def vec_body(j, _):
                base = ch * CHUNK + j * 16
                flat = lax.iota(jnp.int32, 16) + base
                u = lax.shift_right_logical(flat, 5)
                a = plsc.load_gather(rank_v, [u])
                w = nbuf[pl.ds(j * 16, 16)]
                b = plsc.load_gather(rank_v, [w])
                code = jnp.bitwise_or(
                    lax.shift_left(jnp.maximum(a, b), 12), jnp.minimum(a, b))
                cbuf[pl.ds(j * 16, 16)] = code
                return 0

            lax.fori_loop(0, CHUNK // 16, vec_body, 0)
            pltpu.sync_copy(cbuf, codes_hbm.at[pl.ds(ch * CHUNK, CHUNK)])
            return 0

        lax.fori_loop(0, E // CHUNK, chunk_body, 0)


_SC_PARAMS = pltpu.CompilerParams(use_tc_tiling_on_sc=False,
                                  needs_layout_passes=False)


def _edge_codes(nbrs_flat, rank, f):
    mesh = plsc.VectorSubcoreMesh(core_axis_name="c", subcore_axis_name="s")
    kfn = pl.kernel(
        _k3_body,
        mesh=mesh,
        compiler_params=_SC_PARAMS,
        out_type=[jax.ShapeDtypeStruct((E,), jnp.int32),
                  jax.ShapeDtypeStruct((N,), jnp.float32)],
        scratch_types=[pltpu.VMEM((N,), jnp.int32),
                       pltpu.VMEM((N,), jnp.float32),
                       pltpu.VMEM((N,), jnp.float32),
                       pltpu.VMEM((CHUNK,), jnp.int32),
                       pltpu.VMEM((CHUNK,), jnp.int32),
                       pltpu.SemaphoreType.DMA],
    )
    return kfn(nbrs_flat, rank, f)


def _sload(ref, i):
    return plsc.load_gather(ref, [jnp.full((16,), i, jnp.int32)])[0]


def _sstore(ref, i, v):
    plsc.store_scatter(ref, [jnp.full((16,), i, jnp.int32)],
                       jnp.full((16,), v),
                       mask=lax.iota(jnp.int32, 16) == 0)


def _k4_body(codes_hbm, fsorted_hbm, out_hbm, hist_hbm, cum_hbm, swin_hbm,
             fs_v, parent, pers, cur, hbuf, win, cbuf, bnd, obuf, sem):
    cid = lax.axis_index("c")
    sid = lax.axis_index("s")

    def _locate(t):
        def cnt(i, acc):
            v = cur[pl.ds(i * 16, 16)]
            return acc + jnp.sum(jnp.where(v < t, 1, 0).astype(jnp.int32))

        return lax.fori_loop(0, N // 16, cnt, jnp.int32(0))

    def _cumval(x):
        return jnp.where(x < N, _sload(cur, jnp.minimum(x, N - 1)),
                         jnp.int32(E))

    @pl.when(cid == 0)
    def _():
        def zero(i, _):
            cur[pl.ds(i * 16, 16)] = jnp.zeros((16,), jnp.int32)
            return 0

        lax.fori_loop(0, N // 16, zero, 0)
        pltpu.sync_copy(codes_hbm.at[pl.ds(sid * CHUNK, CHUNK)], cbuf)

        def hist_v(j, _):
            kv = lax.shift_right_logical(cbuf[pl.ds(j * 16, 16)], 12)
            for lane in range(16):
                k = kv[lane]
                _sstore(cur, k, _sload(cur, k) + 1)
            return 0

        lax.fori_loop(0, CHUNK // 16, hist_v, 0)
        pltpu.sync_copy(cur, hist_hbm.at[sid])
        plsc.subcore_barrier()

        @pl.when(sid == 0)
        def _():
            def addrow(r, _):
                pltpu.sync_copy(hist_hbm.at[r], hbuf)

                def av(i, _):
                    cur[pl.ds(i * 16, 16)] = (cur[pl.ds(i * 16, 16)]
                                              + hbuf[pl.ds(i * 16, 16)])
                    return 0

                lax.fori_loop(0, N // 16, av, 0)
                return 0

            lax.fori_loop(1, NSUB, addrow, 0)

            def pfx(j, run):
                v = cur[pl.ds(j * 16, 16)]
                cs = jnp.cumsum(v)
                cur[pl.ds(j * 16, 16)] = cs - v + run
                return run + cs[15]

            lax.fori_loop(0, N // 16, pfx, jnp.int32(0))
            pltpu.sync_copy(cur, cum_hbm)

        plsc.subcore_barrier()

        pltpu.sync_copy(cum_hbm, cur)
        lo = _locate(sid * TGT)
        hi = _locate((sid + 1) * TGT)
        base = _cumval(lo)

        def fill_chunk(ch, _):
            pltpu.sync_copy(codes_hbm.at[pl.ds(ch * CHUNK, CHUNK)], cbuf)

            def fill_v(j, _):
                cv = cbuf[pl.ds(j * 16, 16)]
                kv = lax.shift_right_logical(cv, 12)
                inr = jnp.logical_and(kv >= lo, kv < hi)
                nhit = plsc.all_reduce_population_count(inr)[0]

                @pl.when(nhit > 0)
                def _():
                    for lane in range(16):
                        k = kv[lane]

                        @pl.when(jnp.logical_and(k >= lo, k < hi))
                        def _():
                            pos = _sload(cur, k)
                            _sstore(cur, k, pos + 1)
                            _sstore(win, pos - base, cv[lane])

                return 0

            lax.fori_loop(0, CHUNK // 16, fill_v, 0)
            return 0

        lax.fori_loop(0, E // CHUNK, fill_chunk, 0)
        pltpu.sync_copy(win, swin_hbm.at[pl.ds(sid * CAPW, CAPW)])
        plsc.subcore_barrier()

        @pl.when(sid == 0)
        def _():
            pltpu.sync_copy(fsorted_hbm, fs_v)
            pltpu.sync_copy(cum_hbm, cur)

            def init(i, _):
                parent[pl.ds(i * 16, 16)] = lax.iota(jnp.int32, 16) + i * 16
                pers[pl.ds(i * 16, 16)] = jnp.full((16,), -1.0, jnp.float32)
                return 0

            lax.fori_loop(0, N // 16, init, 0)

            def setb(w, _):
                _sstore(bnd, w, _locate(w * TGT))
                return 0

            lax.fori_loop(0, NSUB + 1, setb, 0)

            def scan_window(w, carry):
                wlo = _sload(bnd, w)
                whi = _sload(bnd, w + 1)
                wcnt = _cumval(whi) - _cumval(wlo)
                pltpu.sync_copy(swin_hbm.at[pl.ds(w * CAPW, CAPW)], win)

                def blk(b, c2):
                    ev = win[pl.ds(b * 16, 16)]
                    ov = jnp.bitwise_and(ev, 4095)
                    kv = lax.shift_right_logical(ev, 12)

                    def pf_cond(c3):
                        return c3[1]

                    def pf_body(c3):
                        r, _ = c3
                        pr = plsc.load_gather(parent, [r])
                        moved = plsc.all_reduce_population_count(pr != r)[0]
                        return (pr, moved != 0)

                    rts, _ = lax.while_loop(pf_cond, pf_body,
                                            (ov, jnp.bool_(True)))

                    cur_key, rk = c2
                    for lane in range(16):
                        valid = b * 16 + lane < wcnt
                        k = kv[lane]
                        o = ov[lane]
                        rk = jnp.where(jnp.logical_and(valid, k != cur_key),
                                       k, rk)
                        cur_key = jnp.where(valid, k, cur_key)

                        def find_cond(r):
                            return _sload(parent, r) != r

                        ro = lax.while_loop(find_cond,
                                            lambda r: _sload(parent, r),
                                            rts[lane])
                        dying = jnp.maximum(rk, ro)
                        main = jnp.minimum(rk, ro)
                        do_union = jnp.logical_and(valid, ro != rk)

                        @pl.when(valid)
                        def _():
                            _sstore(parent, o, ro)

                        @pl.when(do_union)
                        def _():
                            _sstore(parent, dying, main)

                            @pl.when(dying != k)
                            def _():
                                _sstore(pers, dying,
                                        _sload(fs_v, dying) - _sload(fs_v, k))

                        rk = jnp.where(do_union, main, rk)
                    return (cur_key, rk)

                return lax.fori_loop(0, (wcnt + 15) // 16, blk, carry)

            lax.fori_loop(0, NSUB, scan_window,
                          (jnp.int32(-1), jnp.int32(-1)))

            fmin = _sload(fs_v, N - 1)

            def fin(i, carry):
                sumsq, kcnt = carry
                base = i * 16
                rvec = lax.iota(jnp.int32, 16) + base
                par = parent[pl.ds(base, 16)]
                death = pers[pl.ds(base, 16)]
                fsv = fs_v[pl.ds(base, 16)]
                is_root = par == rvec
                valid = jnp.logical_or(is_root, death >= 0.0)
                val = jnp.where(is_root, fsv - fmin, death)
                val = jnp.where(valid, val, jnp.float32(-1.0))
                pers[pl.ds(base, 16)] = val
                sumsq = sumsq + jnp.sum(jnp.where(valid, val * val, 0.0))
                kcnt = kcnt + jnp.sum(jnp.where(valid, 1, 0).astype(jnp.int32))
                return (sumsq, kcnt)

            sumsq, kcnt = lax.fori_loop(0, N // 16, fin,
                                        (jnp.float32(0.0), jnp.int32(0)))

            def top_j(j, carry):
                loss = carry

                def mx(i, m):
                    return jnp.maximum(m, jnp.max(pers[pl.ds(i * 16, 16)]))

                m = lax.fori_loop(0, N // 16, mx, jnp.float32(-3.0))

                def floc(i, st):
                    found, pos = st
                    chunk = pers[pl.ds(i * 16, 16)]
                    hit = jnp.logical_and(jnp.logical_not(found),
                                          jnp.max(chunk) >= m)
                    lane = jnp.max(plsc.all_reduce_ffs(chunk == m))
                    return (jnp.logical_or(found, hit),
                            jnp.where(hit, i * 16 + lane, pos))

                _, pos = lax.fori_loop(0, N // 16, floc,
                                       (jnp.bool_(False), jnp.int32(0)))
                _sstore(pers, pos, jnp.float32(-3.0))
                return loss + jnp.where(j < jnp.minimum(kcnt, DESTNUM),
                                        1.0 - 2.0 * m, 0.0)

            loss = lax.fori_loop(0, DESTNUM, top_j, sumsq)
            obuf[...] = jnp.full((16,), 0.0, jnp.float32) + loss
            pltpu.sync_copy(obuf, out_hbm)


def _persistence_loss(codes, fsorted):
    mesh = plsc.VectorSubcoreMesh(core_axis_name="c", subcore_axis_name="s")
    kfn = pl.kernel(
        _k4_body,
        mesh=mesh,
        compiler_params=_SC_PARAMS,
        out_type=[jax.ShapeDtypeStruct((16,), jnp.float32),
                  jax.ShapeDtypeStruct((NSUB, N), jnp.int32),
                  jax.ShapeDtypeStruct((N,), jnp.int32),
                  jax.ShapeDtypeStruct((NSUB * CAPW,), jnp.int32)],
        scratch_types=[pltpu.VMEM((N,), jnp.float32),
                       pltpu.VMEM((N,), jnp.int32),
                       pltpu.VMEM((N,), jnp.float32),
                       pltpu.VMEM((N,), jnp.int32),
                       pltpu.VMEM((N,), jnp.int32),
                       pltpu.VMEM((CAPW,), jnp.int32),
                       pltpu.VMEM((CHUNK,), jnp.int32),
                       pltpu.VMEM((32,), jnp.int32),
                       pltpu.VMEM((16,), jnp.float32),
                       pltpu.SemaphoreType.DMA],
    )
    return kfn(codes, fsorted)[0]


def kernel(x):
    f, nbrs = _density_topk(x)
    rank = _ranks(f)
    codes, fsorted = _edge_codes(nbrs.reshape(E), rank, f)
    out = _persistence_loss(codes, fsorted)
    return out[0]

# --- scband reference (transcript-rebuilt; emitter-appended) ---
"""Pipeline reference for scband-topo-grad-loss-69054484185626 (READ-ONLY COPY).

The authoritative reference and input builder live on the scoring server;
editing this copy changes nothing except your own understanding.
"""

import jax, jax.numpy as jnp
import numpy as np

K_KDE = 16
K_RIPS = 32
SCALE = 1.0
DESTNUM = 10


def _pairwise_sq_dists(x):
    s = jnp.sum(x * x, axis=1)
    d2 = s[:, None] + s[None, :] - 2.0 * (x @ x.T)
    return jnp.maximum(d2, 0.0)


def _density_and_neighbors(x):
    d2 = _pairwise_sq_dists(x)
    N = d2.shape[0]
    neg = -d2 - jnp.eye(N, dtype=d2.dtype) * 1e9  # exclude self
    kde_vals, _ = jax.lax.top_k(neg, K_KDE)       # -(squared dist) of k_kde NN
    f = jnp.mean(jnp.exp(kde_vals / SCALE), axis=1)  # KDE density per point
    _, nbrs = jax.lax.top_k(neg, K_RIPS)          # k_rips-NN Rips graph
    return f, nbrs


def _persistence_pairs(f, nbrs):
    # 0-dim superlevel-set persistence of density f on the kNN graph (ToMATo-style).
    N = f.shape[0]
    order = jnp.argsort(-f)
    rank = jnp.zeros(N, dtype=jnp.int32).at[order].set(jnp.arange(N, dtype=jnp.int32))
    adj = jnp.zeros((N, N), dtype=bool).at[jnp.arange(N)[:, None], nbrs].set(True)
    adj = (adj | adj.T) & ~jnp.eye(N, dtype=bool)
    ids = jnp.arange(N, dtype=jnp.int32)

    def body(i, state):
        root, processed, birth, death = state
        v = order[i]
        nbr_mask = adj[v] & processed
        present = jnp.zeros(N, dtype=bool).at[
            jnp.where(nbr_mask, root, N)
        ].set(True, mode="drop")
        has = jnp.any(present)
        main = jnp.argmin(jnp.where(present, rank, N)).astype(jnp.int32)
        die = present & (ids != main) & has
        root = root.at[v].set(jnp.where(has, main, v.astype(jnp.int32)))
        root = jnp.where(die[root], main, root)
        birth = birth.at[v].set(~has)
        death = jnp.where(die, v.astype(jnp.int32), death)
        processed = processed.at[v].set(True)
        return root, processed, birth, death

    state0 = (
        ids,
        jnp.zeros(N, dtype=bool),
        jnp.zeros(N, dtype=bool),
        jnp.full(N, -1, dtype=jnp.int32),
    )
    root, processed, birth, death = jax.lax.fori_loop(0, N, body, state0)

    gmin = jnp.argmin(f).astype(jnp.int32)
    death = jnp.where(birth & (death < 0), gmin, death)  # essential classes die at global density min
    return birth, death


def setup_inputs(seed: int = 0):
    key = jax.random.key(seed)
    x = jax.random.normal(key, (4096, 128), dtype=jnp.float32)
    return {"x": x}


def reference(x):
    f, nbrs = _density_and_neighbors(x)
    birth, death = _persistence_pairs(f, nbrs)
    death_safe = jnp.where(birth, death, 0)
    pers_all = jnp.where(birth, f - f[death_safe], -jnp.inf)
    pers_sorted = -jnp.sort(-pers_all)
    k = jnp.sum(birth)
    idx = jnp.arange(pers_all.shape[0])
    valid = idx < k
    sig_mask = valid & (idx < DESTNUM)      # keep destnum most persistent clusters
    nonsig_mask = valid & (idx >= DESTNUM)  # kill the rest
    loss = jnp.sum(jnp.where(nonsig_mask, pers_sorted ** 2, 0.0)) + jnp.sum(
        jnp.where(sig_mask, (1.0 - pers_sorted) ** 2, 0.0)
    )
    return loss

if __name__ == "__main__":
    import jax
    _d = setup_inputs()
    print(jax.jit(kernel)(*tuple(_d.values())))

</pallas_src>

<mosaic_0001>
#map = affine_map<(d0, d1) -> (0)>
module attributes {stable_mosaic.version = 14 : i64} {
  func.func @_k3_body(%arg0: i32, %arg1: i32, %arg2: memref<131072xi32, #tpu.memory_space<hbm>>, %arg3: memref<4096xi32, #tpu.memory_space<hbm>>, %arg4: memref<4096xf32, #tpu.memory_space<hbm>>, %arg5: memref<131072xi32, #tpu.memory_space<hbm>>, %arg6: memref<4096xf32, #tpu.memory_space<hbm>>, %arg7: memref<4096xi32, #tpu.memory_space<vmem>>, %arg8: memref<4096xf32, #tpu.memory_space<vmem>>, %arg9: memref<4096xf32, #tpu.memory_space<vmem>>, %arg10: memref<8192xi32, #tpu.memory_space<vmem>>, %arg11: memref<8192xi32, #tpu.memory_space<vmem>>, %arg12: memref<!tpu.dma_semaphore, #tpu.memory_space<semaphore_mem>>) attributes {dimension_semantics = [#tpu.dimension_semantics<core_parallel>, #tpu.dimension_semantics<subcore_parallel>], iteration_bounds = array<i64: 2, 16>, scalar_prefetch = 0 : i64, scratch_operands = 6 : i64, tpu.core_type = #tpu.core_type<sc_vector_subcore>, window_params = [{transform_indices = #map}, {transform_indices = #map}, {transform_indices = #map}, {transform_indices = #map}, {transform_indices = #map}]} {
    %mul3A = arith.constant 2 : i32
    %mul3A_0 = arith.muli %arg1, %mul3A : i32
    %add3A = arith.addi %mul3A_0, %arg0 : i32
    %eq3A = arith.constant 0 : i32
    %eq3A_1 = arith.cmpi eq, %add3A, %eq3A : i32
    %convert_element_type3A = arith.extui %eq3A_1 : i1 to i32
    %cond3A = arith.constant 0 : i32
    %cond3A_2 = arith.cmpi ne, %convert_element_type3A, %cond3A : i32
    scf.if %cond3A_2 {
      "tpu.region"() ({
        %run_scoped3A = tpu.sem_alloc : memref<!tpu.dma_semaphore, #tpu.memory_space<semaphore_mem>>
        tpu.enqueue_dma source(%arg3 : memref<4096xi32, #tpu.memory_space<hbm>>) target(%arg7 : memref<4096xi32, #tpu.memory_space<vmem>>) target_semaphore(%run_scoped3A : memref<!tpu.dma_semaphore, #tpu.memory_space<semaphore_mem>>)
        tpu.wait_dma2 semaphore(%run_scoped3A : memref<!tpu.dma_semaphore, #tpu.memory_space<semaphore_mem>>) src(%arg3 : memref<4096xi32, #tpu.memory_space<hbm>>) dst(%arg7 : memref<4096xi32, #tpu.memory_space<vmem>>)
        tpu.yield
      }) : () -> ()
      "tpu.region"() ({
        %run_scoped3A = tpu.sem_alloc : memref<!tpu.dma_semaphore, #tpu.memory_space<semaphore_mem>>
        tpu.enqueue_dma source(%arg4 : memref<4096xf32, #tpu.memory_space<hbm>>) target(%arg8 : memref<4096xf32, #tpu.memory_space<vmem>>) target_semaphore(%run_scoped3A : memref<!tpu.dma_semaphore, #tpu.memory_space<semaphore_mem>>)
        tpu.wait_dma2 semaphore(%run_scoped3A : memref<!tpu.dma_semaphore, #tpu.memory_space<semaphore_mem>>) src(%arg4 : memref<4096xf32, #tpu.memory_space<hbm>>) dst(%arg8 : memref<4096xf32, #tpu.memory_space<vmem>>)
        tpu.yield
      }) : () -> ()
      %scan3A = arith.constant 0 : i32
      %scan3A_3 = arith.constant 0 : i32
      %scan3A_4 = arith.constant 256 : i32
      %scan3A_5 = arith.addi %scan3A_3, %scan3A_4 : i32
      %scan3A_6 = arith.constant 1 : i32
      %scan3A_7 = scf.for %scan3A_16 = %scan3A_3 to %scan3A_5 step %scan3A_6 iter_args(%scan3A_17 = %scan3A) -> (i32)  : i32 {
        %mul3A_18 = arith.constant 16 : i32
        %mul3A_19 = arith.muli %scan3A_16, %mul3A_18 : i32
        %get3A = arith.index_cast %mul3A_19 : i32 to index
        %get3A_20 = tpu.vector_load %arg7[%get3A] {strides = array<i32>} : memref<4096xi32, #tpu.memory_space<vmem>>, vector<16xi32>,
        %mul3A_21 = arith.constant 16 : i32
        %mul3A_22 = arith.muli %scan3A_16, %mul3A_21 : i32
        %get3A_23 = arith.index_cast %mul3A_22 : i32 to index
        %get3A_24 = tpu.vector_load %arg8[%get3A_23] {strides = array<i32>} : memref<4096xf32, #tpu.memory_space<vmem>>, vector<16xf32>,
        tpu.vector_store_idx %arg9[%get3A_20], %get3A_24 : memref<4096xf32, #tpu.memory_space<vmem>>[vector<16xi32>], vector<16xf32>,
        %scan3A_25 = arith.constant 0 : i32
        scf.yield %scan3A_25 : i32
      }
      %scan3A_8 = arith.constant 256 : i32
      "tpu.region"() ({
        %run_scoped3A = tpu.sem_alloc : memref<!tpu.dma_semaphore, #tpu.memory_space<semaphore_mem>>
        tpu.enqueue_dma source(%arg9 : memref<4096xf32, #tpu.memory_space<vmem>>) target(%arg6 : memref<4096xf32, #tpu.memory_space<hbm>>) target_semaphore(%run_scoped3A : memref<!tpu.dma_semaphore, #tpu.memory_space<semaphore_mem>>)
        tpu.wait_dma2 semaphore(%run_scoped3A : memref<!tpu.dma_semaphore, #tpu.memory_space<semaphore_mem>>) src(%arg9 : memref<4096xf32, #tpu.memory_space<vmem>>) dst(%arg6 : memref<4096xf32, #tpu.memory_space<hbm>>)
        tpu.yield
      }) : () -> ()
      %scan3A_9 = arith.constant 0 : i32
      %scan3A_10 = arith.constant 0 : i32
      %scan3A_11 = arith.constant 16 : i32
      %scan3A_12 = arith.addi %scan3A_10, %scan3A_11 : i32
      %scan3A_13 = arith.constant 1 : i32
      %scan3A_14 = scf.for %scan3A_16 = %scan3A_10 to %scan3A_12 step %scan3A_13 iter_args(%scan3A_17 = %scan3A_9) -> (i32)  : i32 {
        %mul3A_18 = arith.constant 8192 : i32
        %mul3A_19 = arith.muli %scan3A_16, %mul3A_18 : i32
        "tpu.region"() ({
          %run_scoped3A = tpu.sem_alloc : memref<!tpu.dma_semaphore, #tpu.memory_space<semaphore_mem>>
          %dma_start3A = tpu.memref_slice %arg2[%mul3A_19] : memref<131072xi32, #tpu.memory_space<hbm>> -> memref<8192xi32, #tpu.memory_space<hbm>>
          %dma_start3A_30 = tpu.memref_slice %arg2[%mul3A_19] : memref<131072xi32, #tpu.memory_space<hbm>> -> memref<8192xi32, #tpu.memory_space<hbm>>
          tpu.enqueue_dma source(%dma_start3A_30 : memref<8192xi32, #tpu.memory_space<hbm>>) target(%arg10 : memref<8192xi32, #tpu.memory_space<vmem>>) target_semaphore(%run_scoped3A : memref<!tpu.dma_semaphore, #tpu.memory_space<semaphore_mem>>)
          %dma_wait3A = tpu.memref_slice %arg2[%mul3A_19] : memref<131072xi32, #tpu.memory_space<hbm>> -> memref<8192xi32, #tpu.memory_space<hbm>>
          %dma_wait3A_31 = tpu.memref_slice %arg2[%mul3A_19] : memref<131072xi32, #tpu.memory_space<hbm>> -> memref<8192xi32, #tpu.memory_space<hbm>>
          tpu.wait_dma2 semaphore(%run_scoped3A : memref<!tpu.dma_semaphore, #tpu.memory_space<semaphore_mem>>) src(%dma_wait3A_31 : memref<8192xi32, #tpu.memory_space<hbm>>) dst(%arg10 : memref<8192xi32, #tpu.memory_space<vmem>>)
          tpu.yield
        }) : () -> ()
        %scan3A_20 = arith.constant 0 : i32
        %scan3A_21 = arith.constant 0 : i32
        %scan3A_22 = arith.constant 512 : i32
        %scan3A_23 = arith.addi %scan3A_21, %scan3A_22 : i32
        %scan3A_24 = arith.constant 1 : i32
        %scan3A_25 = scf.for %scan3A_30 = %scan3A_21 to %scan3A_23 step %scan3A_24 iter_args(%scan3A_31 = %scan3A_20) -> (i32)  : i32 {
          %mul3A_32 = arith.constant 8192 : i32
          %mul3A_33 = arith.muli %scan3A_16, %mul3A_32 : i32
          %mul3A_34 = arith.constant 16 : i32
          %mul3A_35 = arith.muli %scan3A_30, %mul3A_34 : i32
          %add3A_36 = arith.addi %mul3A_33, %mul3A_35 : i32
          %iota3A = tpu.iota {dimensions = array<i32: 0>} : vector<16xi32>
          %add3A_37 = vector.broadcast %add3A_36 : i32 to vector<16xi32>
          %add3A_38 = arith.addi %iota3A, %add3A_37 : vector<16xi32>
          %shift_right_logical3A = arith.constant 5 : i32
          %shift_right_logical3A_39 = vector.broadcast %shift_right_logical3A : i32 to vector<16xi32>
          %shift_right_logical3A_40 = arith.shrui %add3A_38, %shift_right_logical3A_39 : vector<16xi32>
          %gather3A = tpu.vector_load_idx %arg7[%shift_right_logical3A_40] : memref<4096xi32, #tpu.memory_space<vmem>>[vector<16xi32>], vector<16xi32>,
          %mul3A_41 = arith.constant 16 : i32
          %mul3A_42 = arith.muli %scan3A_30, %mul3A_41 : i32
          %get3A = arith.index_cast %mul3A_42 : i32 to index
          %get3A_43 = tpu.vector_load %arg10[%get3A] {strides = array<i32>} : memref<8192xi32, #tpu.memory_space<vmem>>, vector<16xi32>,
          %gather3A_44 = tpu.vector_load_idx %arg7[%get3A_43] : memref<4096xi32, #tpu.memory_space<vmem>>[vector<16xi32>], vector<16xi32>,
          %max3A = arith.maxsi %gather3A, %gather3A_44 : vector<16xi32>
          %shift_left3A = arith.constant 12 : i32
          %shift_left3A_45 = vector.broadcast %shift_left3A : i32 to vector<16xi32>
          %shift_left3A_46 = arith.shli %max3A, %shift_left3A_45 : vector<16xi32>
          %min3A = arith.minsi %gather3A, %gather3A_44 : vector<16xi32>
          %or3A = arith.ori %shift_left3A_46, %min3A : vector<16xi32>
          %mul3A_47 = arith.constant 16 : i32
          %mul3A_48 = arith.muli %scan3A_30, %mul3A_47 : i32
          %swap3A = arith.index_cast %mul3A_48 : i32 to index
          %swap3A_49 = tpu.vector_load %arg11[%swap3A] {strides = array<i32>} : memref<8192xi32, #tpu.memory_space<vmem>>, vector<16xi32>,
          tpu.vector_store %arg11[%swap3A], %or3A {strides = array<i32>} : memref<8192xi32, #tpu.memory_space<vmem>>, vector<16xi32>,
          %scan3A_50 = arith.constant 0 : i32
          scf.yield %scan3A_50 : i32
        }
        %scan3A_26 = arith.constant 512 : i32
        %mul3A_27 = arith.constant 8192 : i32
        %mul3A_28 = arith.muli %scan3A_16, %mul3A_27 : i32
        "tpu.region"() ({
          %run_scoped3A = tpu.sem_alloc : memref<!tpu.dma_semaphore, #tpu.memory_space<semaphore_mem>>
          %dma_start3A = tpu.memref_slice %arg5[%mul3A_28] : memref<131072xi32, #tpu.memory_space<hbm>> -> memref<8192xi32, #tpu.memory_space<hbm>>
          %dma_start3A_30 = tpu.memref_slice %arg5[%mul3A_28] : memref<131072xi32, #tpu.memory_space<hbm>> -> memref<8192xi32, #tpu.memory_space<hbm>>
          tpu.enqueue_dma source(%arg11 : memref<8192xi32, #tpu.memory_space<vmem>>) target(%dma_start3A_30 : memref<8192xi32, #tpu.memory_space<hbm>>) target_semaphore(%run_scoped3A : memref<!tpu.dma_semaphore, #tpu.memory_space<semaphore_mem>>)
          %dma_wait3A = tpu.memref_slice %arg5[%mul3A_28] : memref<131072xi32, #tpu.memory_space<hbm>> -> memref<8192xi32, #tpu.memory_space<hbm>>
          %dma_wait3A_31 = tpu.memref_slice %arg5[%mul3A_28] : memref<131072xi32, #tpu.memory_space<hbm>> -> memref<8192xi32, #tpu.memory_space<hbm>>
          tpu.wait_dma2 semaphore(%run_scoped3A : memref<!tpu.dma_semaphore, #tpu.memory_space<semaphore_mem>>) src(%arg11 : memref<8192xi32, #tpu.memory_space<vmem>>) dst(%dma_wait3A_31 : memref<8192xi32, #tpu.memory_space<hbm>>)
          tpu.yield
        }) : () -> ()
        %scan3A_29 = arith.constant 0 : i32
        scf.yield %scan3A_29 : i32
      }
      %scan3A_15 = arith.constant 16 : i32
    } else {
    }
    return
  }
}

#map = affine_map<(d0, d1) -> (0)>
#map1 = affine_map<(d0, d1) -> (0, 0)>
module attributes {stable_mosaic.version = 14 : i64} {
  func.func @_k4_body(%arg0: i32, %arg1: i32, %arg2: memref<131072xi32, #tpu.memory_space<hbm>>, %arg3: memref<4096xf32, #tpu.memory_space<hbm>>, %arg4: memref<16xf32, #tpu.memory_space<hbm>>, %arg5: memref<16x4096xi32, #tpu.memory_space<hbm>>, %arg6: memref<4096xi32, #tpu.memory_space<hbm>>, %arg7: memref<197120xi32, #tpu.memory_space<hbm>>, %arg8: memref<4096xf32, #tpu.memory_space<vmem>>, %arg9: memref<4096xi32, #tpu.memory_space<vmem>>, %arg10: memref<4096xf32, #tpu.memory_space<vmem>>, %arg11: memref<4096xi32, #tpu.memory_space<vmem>>, %arg12: memref<4096xi32, #tpu.memory_space<vmem>>, %arg13: memref<12320xi32, #tpu.memory_space<vmem>>, %arg14: memref<8192xi32, #tpu.memory_space<vmem>>, %arg15: memref<32xi32, #tpu.memory_space<vmem>>, %arg16: memref<16xf32, #tpu.memory_space<vmem>>, %arg17: memref<!tpu.dma_semaphore, #tpu.memory_space<semaphore_mem>>) attributes {dimension_semantics = [#tpu.dimension_semantics<core_parallel>, #tpu.dimension_semantics<subcore_parallel>], iteration_bounds = array<i64: 2, 16>, scalar_prefetch = 0 : i64, scratch_operands = 10 : i64, tpu.core_type = #tpu.core_type<sc_vector_subcore>, window_params = [{transform_indices = #map}, {transform_indices = #map}, {transform_indices = #map}, {transform_indices = #map1}, {transform_indices = #map}, {transform_indices = #map}]} {
    %eq3A = arith.constant 0 : i32
    %eq3A_0 = arith.cmpi eq, %arg0, %eq3A : i32
    %convert_element_type3A = arith.extui %eq3A_0 : i1 to i32
    %cond3A = arith.constant 0 : i32
    %cond3A_1 = arith.cmpi ne, %convert_element_type3A, %cond3A : i32
    scf.if %cond3A_1 {
      %scan3A = arith.constant 0 : i32
      %scan3A_2 = arith.constant 0 : i32
      %scan3A_3 = arith.constant 256 : i32
      %scan3A_4 = arith.addi %scan3A_2, %scan3A_3 : i32
      %scan3A_5 = arith.constant 1 : i32
      %scan3A_6 = scf.for %scan3A_58 = %scan3A_2 to %scan3A_4 step %scan3A_5 iter_args(%scan3A_59 = %scan3A) -> (i32)  : i32 {
        %broadcast_in_dim3A_60 = arith.constant 0 : i32
        %broadcast_in_dim3A_61 = vector.broadcast %broadcast_in_dim3A_60 : i32 to vector<16xi32>
        %mul3A_62 = arith.constant 16 : i32
        %mul3A_63 = arith.muli %scan3A_58, %mul3A_62 : i32
        %swap3A = arith.index_cast %mul3A_63 : i32 to index
        %swap3A_64 = tpu.vector_load %arg11[%swap3A] {strides = array<i32>} : memref<4096xi32, #tpu.memory_space<vmem>>, vector<16xi32>,
        tpu.vector_store %arg11[%swap3A], %broadcast_in_dim3A_61 {strides = array<i32>} : memref<4096xi32, #tpu.memory_space<vmem>>, vector<16xi32>,
        %scan3A_65 = arith.constant 0 : i32
        scf.yield %scan3A_65 : i32
      }
      %scan3A_7 = arith.constant 256 : i32
      %mul3A = arith.constant 8192 : i32
      %mul3A_8 = arith.muli %arg1, %mul3A : i32
      "tpu.region"() ({
        %run_scoped3A = tpu.sem_alloc : memref<!tpu.dma_semaphore, #tpu.memory_space<semaphore_mem>>
        %dma_start3A = tpu.memref_slice %arg2[%mul3A_8] : memref<131072xi32, #tpu.memory_space<hbm>> -> memref<8192xi32, #tpu.memory_space<hbm>>
        %dma_start3A_58 = tpu.memref_slice %arg2[%mul3A_8] : memref<131072xi32, #tpu.memory_space<hbm>> -> memref<8192xi32, #tpu.memory_space<hbm>>
        tpu.enqueue_dma source(%dma_start3A_58 : memref<8192xi32, #tpu.memory_space<hbm>>) target(%arg14 : memref<8192xi32, #tpu.memory_space<vmem>>) target_semaphore(%run_scoped3A : memref<!tpu.dma_semaphore, #tpu.memory_space<semaphore_mem>>)
        %dma_wait3A = tpu.memref_slice %arg2[%mul3A_8] : memref<131072xi32, #tpu.memory_space<hbm>> -> memref<8192xi32, #tpu.memory_space<hbm>>
        %dma_wait3A_59 = tpu.memref_slice %arg2[%mul3A_8] : memref<131072xi32, #tpu.memory_space<hbm>> -> memref<8192xi32, #tpu.memory_space<hbm>>
        tpu.wait_dma2 semaphore(%run_scoped3A : memref<!tpu.dma_semaphore, #tpu.memory_space<semaphore_mem>>) src(%dma_wait3A_59 : memref<8192xi32, #tpu.memory_space<hbm>>) dst(%arg14 : memref<8192xi32, #tpu.memory_space<vmem>>)
        tpu.yield
      }) : () -> ()
      %scan3A_9 = arith.constant 0 : i32
      %scan3A_10 = arith.constant 0 : i32
      %scan3A_11 = arith.constant 512 : i32
      %scan3A_12 = arith.addi %scan3A_10, %scan3A_11 : i32
      %scan3A_13 = arith.constant 1 : i32
      %scan3A_14 = scf.for %scan3A_58 = %scan3A_10 to %scan3A_12 step %scan3A_13 iter_args(%scan3A_59 = %scan3A_9) -> (i32)  : i32 {
        %mul3A_60 = arith.constant 16 : i32
        %mul3A_61 = arith.muli %scan3A_58, %mul3A_60 : i32
        %get3A = arith.index_cast %mul3A_61 : i32 to index
        %get3A_62 = tpu.vector_load %arg14[%get3A] {strides = array<i32>} : memref<8192xi32, #tpu.memory_space<vmem>>, vector<16xi32>,
        %shift_right_logical3A = arith.constant 12 : i32
        %shift_right_logical3A_63 = vector.broadcast %shift_right_logical3A : i32 to vector<16xi32>
        %shift_right_logical3A_64 = arith.shrui %get3A_62, %shift_right_logical3A_63 : vector<16xi32>
        %slice3A_65 = vector.extract_strided_slice %shift_right_logical3A_64 {offsets = [0], sizes = [1], strides = [1]} : vector<16xi32> to vector<1xi32>
        %squeeze3A_66 = vector.extract %slice3A_65[0] : i32 from vector<1xi32>
        %broadcast_in_dim3A_67 = vector.broadcast %squeeze3A_66 : i32 to vector<16xi32>
        %gather3A_68 = tpu.vector_load_idx %arg11[%broadcast_in_dim3A_67] : memref<4096xi32, #tpu.memory_space<vmem>>[vector<16xi32>], vector<16xi32>,
        %slice3A_69 = vector.extract_strided_slice %gather3A_68 {offsets = [0], sizes = [1], strides = [1]} : vector<16xi32> to vector<1xi32>
        %squeeze3A_70 = vector.extract %slice3A_69[0] : i32 from vector<1xi32>
        %add3A_71 = arith.constant 1 : i32
        %add3A_72 = arith.addi %squeeze3A_70, %add3A_71 : i32
        %broadcast_in_dim3A_73 = vector.broadcast %squeeze3A_66 : i32 to vector<16xi32>
        %broadcast_in_dim3A_74 = vector.broadcast %add3A_72 : i32 to vector<16xi32>
        %iota3A = tpu.iota {dimensions = array<i32: 0>} : vector<16xi32>
        %eq3A_75 = arith.constant 0 : i32
        %eq3A_76 = vector.broadcast %eq3A_75 : i32 to vector<16xi32>
        %eq3A_77 = arith.cmpi eq, %iota3A, %eq3A_76 : vector<16xi32>
        tpu.vector_store_idx %arg11[%broadcast_in_dim3A_73], %broadcast_in_dim3A_74 masked %eq3A_77 : memref<4096xi32, #tpu.memory_space<vmem>>[vector<16xi32>], vector<16xi32>, vector<16xi1>
        %slice3A_78 = vector.extract_strided_slice %shift_right_logical3A_64 {offsets = [1], sizes = [1], strides = [1]} : vector<16xi32> to vector<1xi32>
        %squeeze3A_79 = vector.extract %slice3A_78[0] : i32 from vector<1xi32>
        %broadcast_in_dim3A_80 = vector.broadcast %squeeze3A_79 : i32 to vector<16xi32>
        %gather3A_81 = tpu.vector_load_idx %arg11[%broadcast_in_dim3A_80] : memref<4096xi32, #tpu.memory_space<vmem>>[vector<16xi32>], vector<16xi32>,
        %slice3A_82 = vector.extract_strided_slice %gather3A_81 {offsets = [0], sizes = [1], strides = [1]} : vector<16xi32> to vector<1xi32>
        %squeeze3A_83 = vector.extract %slice3A_82[0] : i32 from vector<1xi32>
        %add3A_84 = arith.constant 1 : i32
        %add3A_85 = arith.addi %squeeze3A_83, %add3A_84 : i32
        %broadcast_in_dim3A_86 = vector.broadcast %squeeze3A_79 : i32 to vector<16xi32>
        %broadcast_in_dim3A_87 = vector.broadcast %add3A_85 : i32 to vector<16xi32>
        %iota3A_88 = tpu.iota {dimensions = array<i32: 0>} : vector<16xi32>
        %eq3A_89 = arith.constant 0 : i32
        %eq3A_90 = vector.broadcast %eq3A_89 : i32 to vector<16xi32>
        %eq3A_91 = arith.cmpi eq, %iota3A_88, %eq3A_90 : vector<16xi32>
        tpu.vector_store_idx %arg11[%broadcast_in_dim3A_86], %broadcast_in_dim3A_87 masked %eq3A_91 : memref<4096xi32, #tpu.memory_space<vmem>>[vector<16xi32>], vector<16xi32>, vector<16xi1>
        %slice3A_92 = vector.extract_strided_slice %shift_right_logical3A_64 {offsets = [2], sizes = [1], strides = [1]} : vector<16xi32> to vector<1xi32>
        %squeeze3A_93 = vector.extract %slice3A_92[0] : i32 from vector<1xi32>
        %broadcast_in_dim3A_94 = vector.broadcast %squeeze3A_93 : i32 to vector<16xi32>
        %gather3A_95 = tpu.vector_load_idx %arg11[%broadcast_in_dim3A_94] : memref<4096xi32, #tpu.memory_space<vmem>>[vector<16xi32>], vector<16xi32>,
        %slice3A_96 = vector.extract_strided_slice %gather3A_95 {offsets = [0], sizes = [1], strides = [1]} : vector<16xi32> to vector<1xi32>
        %squeeze3A_97 = vector.extract %slice3A_96[0] : i32 from vector<1xi32>
        %add3A_98 = arith.constant 1 : i32
        %add3A_99 = arith.addi %squeeze3A_97, %add3A_98 : i32
        %broadcast_in_dim3A_100 = vector.broadcast %squeeze3A_93 : i32 to vector<16xi32>
        %broadcast_in_dim3A_101 = vector.broadcast %add3A_99 : i32 to vector<16xi32>
        %iota3A_102 = tpu.iota {dimensions = array<i32: 0>} : vector<16xi32>
        %eq3A_103 = arith.constant 0 : i32
        %eq3A_104 = vector.broadcast %eq3A_103 : i32 to vector<16xi32>
        %eq3A_105 = arith.cmpi eq, %iota3A_102, %eq3A_104 : vector<16xi32>
        tpu.vector_store_idx %arg11[%broadcast_in_dim3A_100], %broadcast_in_dim3A_101 masked %eq3A_105 : memref<4096xi32, #tpu.memory_space<vmem>>[vector<16xi32>], vector<16xi32>, vector<16xi1>
        %slice3A_106 = vector.extract_strided_slice %shift_right_logical3A_64 {offsets = [3], sizes = [1], strides = [1]} : vector<16xi32> to vector<1xi32>
        %squeeze3A_107 = vector.extract %slice3A_106[0] : i32 from vector<1xi32>
        %broadcast_in_dim3A_108 = vector.broadcast %squeeze3A_107 : i32 to vector<16xi32>
        %gather3A_109 = tpu.vector_load_idx %arg11[%broadcast_in_dim3A_108] : memref<4096xi32, #tpu.memory_space<vmem>>[vector<16xi32>], vector<16xi32>,
        %slice3A_110 = vector.extract_strided_slice %gather3A_109 {offsets = [0], sizes = [1], strides = [1]} : vector<16xi32> to vector<1xi32>
        %squeeze3A_111 = vector.extract %slice3A_110[0] : i32 from vector<1xi32>
        %add3A_112 = arith.constant 1 : i32
        %add3A_113 = arith.addi %squeeze3A_111, %add3A_112 : i32
        %broadcast_in_dim3A_114 = vector.broadcast %squeeze3A_107 : i32 to vector<16xi32>
        %broadcast_in_dim3A_115 = vector.broadcast %add3A_113 : i32 to vector<16xi32>
        %iota3A_116 = tpu.iota {dimensions = array<i32: 0>} : vector<16xi32>
        %eq3A_117 = arith.constant 0 : i32
        %eq3A_118 = vector.broadcast %eq3A_117 : i32 to vector<16xi32>
        %eq3A_119 = arith.cmpi eq, %iota3A_116, %eq3A_118 : vector<16xi32>
        tpu.vector_store_idx %arg11[%broadcast_in_dim3A_114], %broadcast_in_dim3A_115 masked %eq3A_119 : memref<4096xi32, #tpu.memory_space<vmem>>[vector<16xi32>], vector<16xi32>, vector<16xi1>
        %slice3A_120 = vector.extract_strided_slice %shift_right_logical3A_64 {offsets = [4], sizes = [1], strides = [1]} : vector<16xi32> to vector<1xi32>
        %squeeze3A_121 = vector.extract %slice3A_120[0] : i32 from vector<1xi32>
        %broadcast_in_dim3A_122 = vector.broadcast %squeeze3A_121 : i32 to vector<16xi32>
        %gather3A_123 = tpu.vector_load_idx %arg11[%broadcast_in_dim3A_122] : memref<4096xi32, #tpu.memory_space<vmem>>[vector<16xi32>], vector<16xi32>,
        %slice3A_124 = vector.extract_strided_slice %gather3A_123 {offsets = [0], sizes = [1], strides = [1]} : vector<16xi32> to vector<1xi32>
        %squeeze3A_125 = vector.extract %slice3A_124[0] : i32 from vector<1xi32>
        %add3A_126 = arith.constant 1 : i32
        %add3A_127 = arith.addi %squeeze3A_125, %add3A_126 : i32
        %broadcast_in_dim3A_128 = vector.broadcast %squeeze3A_121 : i32 to vector<16xi32>
        %broadcast_in_dim3A_129 = vector.broadcast %add3A_127 : i32 to vector<16xi32>
        %iota3A_130 = tpu.iota {dimensions = array<i32: 0>} : vector<16xi32>
        %eq3A_131 = arith.constant 0 : i32
        %eq3A_132 = vector.broadcast %eq3A_131 : i32 to vector<16xi32>
        %eq3A_133 = arith.cmpi eq, %iota3A_130, %eq3A_132 : vector<16xi32>
        tpu.vector_store_idx %arg11[%broadcast_in_dim3A_128], %broadcast_in_dim3A_129 masked %eq3A_133 : memref<4096xi32, #tpu.memory_space<vmem>>[vector<16xi32>], vector<16xi32>, vector<16xi1>
        %slice3A_134 = vector.extract_strided_slice %shift_right_logical3A_64 {offsets = [5], sizes = [1], strides = [1]} : vector<16xi32> to vector<1xi32>
        %squeeze3A_135 = vector.extract %slice3A_134[0] : i32 from vector<1xi32>
        %broadcast_in_dim3A_136 = vector.broadcast %squeeze3A_135 : i32 to vector<16xi32>
        %gather3A_137 = tpu.vector_load_idx %arg11[%broadcast_in_dim3A_136] : memref<4096xi32, #tpu.memory_space<vmem>>[vector<16xi32>], vector<16xi32>,
        %slice3A_138 = vector.extract_strided_slice %gather3A_137 {offsets = [0], sizes = [1], strides = [1]} : vector<16xi32> to vector<1xi32>
        %squeeze3A_139 = vector.extract %slice3A_138[0] : i32 from vector<1xi32>
        %add3A_140 = arith.constant 1 : i32
        %add3A_141 = arith.addi %squeeze3A_139, %add3A_140 : i32
        %broadcast_in_dim3A_142 = vector.broadcast %squeeze3A_135 : i32 to vector<16xi32>
        %broadcast_in_dim3A_143 = vector.broadcast %add3A_141 : i32 to vector<16xi32>
        %iota3A_144 = tpu.iota {dimensions = array<i32: 0>} : vector<16xi32>
        %eq3A_145 = arith.constant 0 : i32
        %eq3A_146 = vector.broadcast %eq3A_145 : i32 to vector<16xi32>
        %eq3A_147 = arith.cmpi eq, %iota3A_144, %eq3A_146 : vector<16xi32>
        tpu.vector_store_idx %arg11[%broadcast_in_dim3A_142], %broadcast_in_dim3A_143 masked %eq3A_147 : memref<4096xi32, #tpu.memory_space<vmem>>[vector<16xi32>], vector<16xi32>, vector<16xi1>
        %slice3A_148 = vector.extract_strided_slice %shift_right_logical3A_64 {offsets = [6], sizes = [1], strides = [1]} : vector<16xi32> to vector<1xi32>
        %squeeze3A_149 = vector.extract %slice3A_148[0] : i32 from vector<1xi32>
        %broadcast_in_dim3A_150 = vector.broadcast %squeeze3A_149 : i32 to vector<16xi32>
        %gather3A_151 = tpu.vector_load_idx %arg11[%broadcast_in_dim3A_150] : memref<4096xi32, #tpu.memory_space<vmem>>[vector<16xi32>], vector<16xi32>,
        %slice3A_152 = vector.extract_strided_slice %gather3A_151 {offsets = [0], sizes = [1], strides = [1]} : vector<16xi32> to vector<1xi32>
        %squeeze3A_153 = vector.extract %slice3A_152[0] : i32 from vector<1xi32>
        %add3A_154 = arith.constant 1 : i32
        %add3A_155 = arith.addi %squeeze3A_153, %add3A_154 : i32
        %broadcast_in_dim3A_156 = vector.broadcast %squeeze3A_149 : i32 to vector<16xi32>
        %broadcast_in_dim3A_157 = vector.broadcast %add3A_155 : i32 to vector<16xi32>
        %iota3A_158 = tpu.iota {dimensions = array<i32: 0>} : vector<16xi32>
        %eq3A_159 = arith.constant 0 : i32
        %eq3A_160 = vector.broadcast %eq3A_159 : i32 to vector<16xi32>
        %eq3A_161 = arith.cmpi eq, %iota3A_158, %eq3A_160 : vector<16xi32>
        tpu.vector_store_idx %arg11[%broadcast_in_dim3A_156], %broadcast_in_dim3A_157 masked %eq3A_161 : memref<4096xi32, #tpu.memory_space<vmem>>[vector<16xi32>], vector<16xi32>, vector<16xi1>
        %slice3A_162 = vector.extract_strided_slice %shift_right_logical3A_64 {offsets = [7], sizes = [1], strides = [1]} : vector<16xi32> to vector<1xi32>
        %squeeze3A_163 = vector.extract %slice3A_162[0] : i32 from vector<1xi32>
        %broadcast_in_dim3A_164 = vector.broadcast %squeeze3A_163 : i32 to vector<16xi32>
        %gather3A_165 = tpu.vector_load_idx %arg11[%broadcast_in_dim3A_164] : memref<4096xi32, #tpu.memory_space<vmem>>[vector<16xi32>], vector<16xi32>,
        %slice3A_166 = vector.extract_strided_slice %gather3A_165 {offsets = [0], sizes = [1], strides = [1]} : vector<16xi32> to vector<1xi32>
        %squeeze3A_167 = vector.extract %slice3A_166[0] : i32 from vector<1xi32>
        %add3A_168 = arith.constant 1 : i32
        %add3A_169 = arith.addi %squeeze3A_167, %add3A_168 : i32
        %broadcast_in_dim3A_170 = vector.broadcast %squeeze3A_163 : i32 to vector<16xi32>
        %broadcast_in_dim3A_171 = vector.broadcast %add3A_169 : i32 to vector<16xi32>
        %iota3A_172 = tpu.iota {dimensions = array<i32: 0>} : vector<16xi32>
        %eq3A_173 = arith.constant 0 : i32
        %eq3A_174 = vector.broadcast %eq3A_173 : i32 to vector<16xi32>
        %eq3A_175 = arith.cmpi eq, %iota3A_172, %eq3A_174 : vector<16xi32>
        tpu.vector_store_idx %arg11[%broadcast_in_dim3A_170], %broadcast_in_dim3A_171 masked %eq3A_175 : memref<4096xi32, #tpu.memory_space<vmem>>[vector<16xi32>], vector<16xi32>, vector<16xi1>
        %slice3A_176 = vector.extract_strided_slice %shift_right_logical3A_64 {offsets = [8], sizes = [1], strides = [1]} : vector<16xi32> to vector<1xi32>
        %squeeze3A_177 = vector.extract %slice3A_176[0] : i32 from vector<1xi32>
        %broadcast_in_dim3A_178 = vector.broadcast %squeeze3A_177 : i32 to vector<16xi32>
        %gather3A_179 = tpu.vector_load_idx %arg11[%broadcast_in_dim3A_178] : memref<4096xi32, #tpu.memory_space<vmem>>[vector<16xi32>], vector<16xi32>,
        %slice3A_180 = vector.extract_strided_slice %gather3A_179 {offsets = [0], sizes = [1], strides = [1]} : vector<16xi32> to vector<1xi32>
        %squeeze3A_181 = vector.extract %slice3A_180[0] : i32 from vector<1xi32>
        %add3A_182 = arith.constant 1 : i32
        %add3A_183 = arith.addi %squeeze3A_181, %add3A_182 : i32
        %broadcast_in_dim3A_184 = vector.broadcast %squeeze3A_177 : i32 to vector<16xi32>
        %broadcast_in_dim3A_185 = vector.broadcast %add3A_183 : i32 to vector<16xi32>
        %iota3A_186 = tpu.iota {dimensions = array<i32: 0>} : vector<16xi32>
        %eq3A_187 = arith.constant 0 : i32
        %eq3A_188 = vector.broadcast %eq3A_187 : i32 to vector<16xi32>
        %eq3A_189 = arith.cmpi eq, %iota3A_186, %eq3A_188 : vector<16xi32>
        tpu.vector_store_idx %arg11[%broadcast_in_dim3A_184], %broadcast_in_dim3A_185 masked %eq3A_189 : memref<4096xi32, #tpu.memory_space<vmem>>[vector<16xi32>], vector<16xi32>, vector<16xi1>
        %slice3A_190 = vector.extract_strided_slice %shift_right_logical3A_64 {offsets = [9], sizes = [1], strides = [1]} : vector<16xi32> to vector<1xi32>
        %squeeze3A_191 = vector.extract %slice3A_190[0] : i32 from vector<1xi32>
        %broadcast_in_dim3A_192 = vector.broadcast %squeeze3A_191 : i32 to vector<16xi32>
        %gather3A_193 = tpu.vector_load_idx %arg11[%broadcast_in_dim3A_192] : memref<4096xi32, #tpu.memory_space<vmem>>[vector<16xi32>], vector<16xi32>,
        %slice3A_194 = vector.extract_strided_slice %gather3A_193 {offsets = [0], sizes = [1], strides = [1]} : vector<16xi32> to vector<1xi32>
        %squeeze3A_195 = vector.extract %slice3A_194[0] : i32 from vector<1xi32>
        %add3A_196 = arith.constant 1 : i32
        %add3A_197 = arith.addi %squeeze3A_195, %add3A_196 : i32
        %broadcast_in_dim3A_198 = vector.broadcast %squeeze3A_191 : i32 to vector<16xi32>
        %broadcast_in_dim3A_199 = vector.broadcast %add3A_197 : i32 to vector<16xi32>
        %iota3A_200 = tpu.iota {dimensions = array<i32: 0>} : vector<16xi32>
        %eq3A_201 = arith.constant 0 : i32
        %eq3A_202 = vector.broadcast %eq3A_201 : i32 to vector<16xi32>
        %eq3A_203 = arith.cmpi eq, %iota3A_200, %eq3A_202 : vector<16xi32>
        tpu.vector_store_idx %arg11[%broadcast_in_dim3A_198], %broadcast_in_dim3A_199 masked %eq3A_203 : memref<4096xi32, #tpu.memory_space<vmem>>[vector<16xi32>], vector<16xi32>, vector<16xi1>
        %slice3A_204 = vector.extract_strided_slice %shift_right_logical3A_64 {offsets = [10], sizes = [1], strides = [1]} : vector<16xi32> to vector<1xi32>
        %squeeze3A_205 = vector.extract %slice3A_204[0] : i32 from vector<1xi32>
        %broadcast_in_dim3A_206 = vector.broadcast %squeeze3A_205 : i32 to vector<16xi32>
        %gather3A_207 = tpu.vector_load_idx %arg11[%broadcast_in_dim3A_206] : memref<4096xi32, #tpu.memory_space<vmem>>[vector<16xi32>], vector<16xi32>,
        %slice3A_208 = vector.extract_strided_slice %gather3A_207 {offsets = [0], sizes = [1], strides = [1]} : vector<16xi32> to vector<1xi32>
        %squeeze3A_209 = vector.extract %slice3A_208[0] : i32 from vector<1xi32>
        %add3A_210 = arith.constant 1 : i32
        %add3A_211 = arith.addi %squeeze3A_209, %add3A_210 : i32
        %broadcast_in_dim3A_212 = vector.broadcast %squeeze3A_205 : i32 to vector<16xi32>
        %broadcast_in_dim3A_213 = vector.broadcast %add3A_211 : i32 to vector<16xi32>
        %iota3A_214 = tpu.iota {dimensions = array<i32: 0>} : vector<16xi32>
        %eq3A_215 = arith.constant 0 : i32
        %eq3A_216 = vector.broadcast %eq3A_215 : i32 to vector<16xi32>
        %eq3A_217 = arith.cmpi eq, %iota3A_214, %eq3A_216 : vector<16xi32>
        tpu.vector_store_idx %arg11[%broadcast_in_dim3A_212], %broadcast_in_dim3A_213 masked %eq3A_217 : memref<4096xi32, #tpu.memory_space<vmem>>[vector<16xi32>], vector<16xi32>, vector<16xi1>
        %slice3A_218 = vector.extract_strided_slice %shift_right_logical3A_64 {offsets = [11], sizes = [1], strides = [1]} : vector<16xi32> to vector<1xi32>
        %squeeze3A_219 = vector.extract %slice3A_218[0] : i32 from vector<1xi32>
        %broadcast_in_dim3A_220 = vector.broadcast %squeeze3A_219 : i32 to vector<16xi32>
        %gather3A_221 = tpu.vector_load_idx %arg11[%broadcast_in_dim3A_220] : memref<4096xi32, #tpu.memory_space<vmem>>[vector<16xi32>], vector<16xi32>,
        %slice3A_222 = vector.extract_strided_slice %gather3A_221 {offsets = [0], sizes = [1], strides = [1]} : vector<16xi32> to vector<1xi32>
        %squeeze3A_223 = vector.extract %slice3A_222[0] : i32 from vector<1xi32>
        %add3A_224 = arith.constant 1 : i32
        %add3A_225 = arith.addi %squeeze3A_223, %add3A_224 : i32
        %broadcast_in_dim3A_226 = vector.broadcast %squeeze3A_219 : i32 to vector<16xi32>
        %broadcast_in_dim3A_227 = vector.broadcast %add3A_225 : i32 to vector<16xi32>
        %iota3A_228 = tpu.iota {dimensions = array<i32: 0>} : vector<16xi32>
        %eq3A_229 = arith.constant 0 : i32
        %eq3A_230 = vector.broadcast %eq3A_229 : i32 to vector<16xi32>
        %eq3A_231 = arith.cmpi eq, %iota3A_228, %eq3A_230 : vector<16xi32>
        tpu.vector_store_idx %arg11[%broadcast_in_dim3A_226], %broadcast_in_dim3A_227 masked %eq3A_231 : memref<4096xi32, #tpu.memory_space<vmem>>[vector<16xi32>], vector<16xi32>, vector<16xi1>
        %slice3A_232 = vector.extract_strided_slice %shift_right_logical3A_64 {offsets = [12], sizes = [1], strides = [1]} : vector<16xi32> to vector<1xi32>
        %squeeze3A_233 = vector.extract %slice3A_232[0] : i32 from vector<1xi32>
        %broadcast_in_dim3A_234 = vector.broadcast %squeeze3A_233 : i32 to vector<16xi32>
        %gather3A_235 = tpu.vector_load_idx %arg11[%broadcast_in_dim3A_234] : memref<4096xi32, #tpu.memory_space<vmem>>[vector<16xi32>], vector<16xi32>,
        %slice3A_236 = vector.extract_strided_slice %gather3A_235 {offsets = [0], sizes = [1], strides = [1]} : vector<16xi32> to vector<1xi32>
        %squeeze3A_237 = vector.extract %slice3A_236[0] : i32 from vector<1xi32>
        %add3A_238 = arith.constant 1 : i32
        %add3A_239 = arith.addi %squeeze3A_237, %add3A_238 : i32
        %broadcast_in_dim3A_240 = vector.broadcast %squeeze3A_233 : i32 to vector<16xi32>
        %broadcast_in_dim3A_241 = vector.broadcast %add3A_239 : i32 to vector<16xi32>
        %iota3A_242 = tpu.iota {dimensions = array<i32: 0>} : vector<16xi32>
        %eq3A_243 = arith.constant 0 : i32
        %eq3A_244 = vector.broadcast %eq3A_243 : i32 to vector<16xi32>
        %eq3A_245 = arith.cmpi eq, %iota3A_242, %eq3A_244 : vector<16xi32>
        tpu.vector_store_idx %arg11[%broadcast_in_dim3A_240], %broadcast_in_dim3A_241 masked %eq3A_245 : memref<4096xi32, #tpu.memory_space<vmem>>[vector<16xi32>], vector<16xi32>, vector<16xi1>
        %slice3A_246 = vector.extract_strided_slice %shift_right_logical3A_64 {offsets = [13], sizes = [1], strides = [1]} : vector<16xi32> to vector<1xi32>
        %squeeze3A_247 = vector.extract %slice3A_246[0] : i32 from vector<1xi32>
        %broadcast_in_dim3A_248 = vector.broadcast %squeeze3A_247 : i32 to vector<16xi32>
        %gather3A_249 = tpu.vector_load_idx %arg11[%broadcast_in_dim3A_248] : memref<4096xi32, #tpu.memory_space<vmem>>[vector<16xi32>], vector<16xi32>,
        %slice3A_250 = vector.extract_strided_slice %gather3A_249 {offsets = [0], sizes = [1], strides = [1]} : vector<16xi32> to vector<1xi32>
        %squeeze3A_251 = vector.extract %slice3A_250[0] : i32 from vector<1xi32>
        %add3A_252 = arith.constant 1 : i32
        %add3A_253 = arith.addi %squeeze3A_251, %add3A_252 : i32
        %broadcast_in_dim3A_254 = vector.broadcast %squeeze3A_247 : i32 to vector<16xi32>
        %broadcast_in_dim3A_255 = vector.broadcast %add3A_253 : i32 to vector<16xi32>
        %iota3A_256 = tpu.iota {dimensions = array<i32: 0>} : vector<16xi32>
        %eq3A_257 = arith.constant 0 : i32
        %eq3A_258 = vector.broadcast %eq3A_257 : i32 to vector<16xi32>
        %eq3A_259 = arith.cmpi eq, %iota3A_256, %eq3A_258 : vector<16xi32>
        tpu.vector_store_idx %arg11[%broadcast_in_dim3A_254], %broadcast_in_dim3A_255 masked %eq3A_259 : memref<4096xi32, #tpu.memory_space<vmem>>[vector<16xi32>], vector<16xi32>, vector<16xi1>
        %slice3A_260 = vector.extract_strided_slice %shift_right_logical3A_64 {offsets = [14], sizes = [1], strides = [1]} : vector<16xi32> to vector<1xi32>
        %squeeze3A_261 = vector.extract %slice3A_260[0] : i32 from vector<1xi32>
        %broadcast_in_dim3A_262 = vector.broadcast %squeeze3A_261 : i32 to vector<16xi32>
        %gather3A_263 = tpu.vector_load_idx %arg11[%broadcast_in_dim3A_262] : memref<4096xi32, #tpu.memory_space<vmem>>[vector<16xi32>], vector<16xi32>,
        %slice3A_264 = vector.extract_strided_slice %gather3A_263 {offsets = [0], sizes = [1], strides = [1]} : vector<16xi32> to vector<1xi32>
        %squeeze3A_265 = vector.extract %slice3A_264[0] : i32 from vector<1xi32>
        %add3A_266 = arith.constant 1 : i32
        %add3A_267 = arith.addi %squeeze3A_265, %add3A_266 : i32
        %broadcast_in_dim3A_268 = vector.broadcast %squeeze3A_261 : i32 to vector<16xi32>
        %broadcast_in_dim3A_269 = vector.broadcast %add3A_267 : i32 to vector<16xi32>
        %iota3A_270 = tpu.iota {dimensions = array<i32: 0>} : vector<16xi32>
        %eq3A_271 = arith.constant 0 : i32
        %eq3A_272 = vector.broadcast %eq3A_271 : i32 to vector<16xi32>
        %eq3A_273 = arith.cmpi eq, %iota3A_270, %eq3A_272 : vector<16xi32>
        tpu.vector_store_idx %arg11[%broadcast_in_dim3A_268], %broadcast_in_dim3A_269 masked %eq3A_273 : memref<4096xi32, #tpu.memory_space<vmem>>[vector<16xi32>], vector<16xi32>, vector<16xi1>
        %slice3A_274 = vector.extract_strided_slice %shift_right_logical3A_64 {offsets = [15], sizes = [1], strides = [1]} : vector<16xi32> to vector<1xi32>
        %squeeze3A_275 = vector.extract %slice3A_274[0] : i32 from vector<1xi32>
        %broadcast_in_dim3A_276 = vector.broadcast %squeeze3A_275 : i32 to vector<16xi32>
        %gather3A_277 = tpu.vector_load_idx %arg11[%broadcast_in_dim3A_276] : memref<4096xi32, #tpu.memory_space<vmem>>[vector<16xi32>], vector<16xi32>,
        %slice3A_278 = vector.extract_strided_slice %gather3A_277 {offsets = [0], sizes = [1], strides = [1]} : vector<16xi32> to vector<1xi32>
        %squeeze3A_279 = vector.extract %slice3A_278[0] : i32 from vector<1xi32>
        %add3A_280 = arith.constant 1 : i32
        %add3A_281 = arith.addi %squeeze3A_279, %add3A_280 : i32
        %broadcast_in_dim3A_282 = vector.broadcast %squeeze3A_275 : i32 to vector<16xi32>
        %broadcast_in_dim3A_283 = vector.broadcast %add3A_281 : i32 to vector<16xi32>
        %iota3A_284 = tpu.iota {dimensions = array<i32: 0>} : vector<16xi32>
        %eq3A_285 = arith.constant 0 : i32
        %eq3A_286 = vector.broadcast %eq3A_285 : i32 to vector<16xi32>
        %eq3A_287 = arith.cmpi eq, %iota3A_284, %eq3A_286 : vector<16xi32>
        tpu.vector_store_idx %arg11[%broadcast_in_dim3A_282], %broadcast_in_dim3A_283 masked %eq3A_287 : memref<4096xi32, #tpu.memory_space<vmem>>[vector<16xi32>], vector<16xi32>, vector<16xi1>
        %scan3A_288 = arith.constant 0 : i32
        scf.yield %scan3A_288 : i32
      }
      %scan3A_15 = arith.constant 512 : i32
      "tpu.region"() ({
        %run_scoped3A = tpu.sem_alloc : memref<!tpu.dma_semaphore, #tpu.memory_space<semaphore_mem>>
        %dma_start3A = arith.constant 0 : i32
        %dma_start3A_58 = tpu.memref_slice %arg5[%arg1, %dma_start3A] : memref<16x4096xi32, #tpu.memory_space<hbm>> -> memref<1x4096xi32, #tpu.memory_space<hbm>>
        %dma_start3A_59 = tpu.memref_squeeze %dma_start3A_58 : memref<1x4096xi32, #tpu.memory_space<hbm>> -> memref<4096xi32, #tpu.memory_space<hbm>>
        %dma_start3A_60 = arith.constant 0 : i32
        %dma_start3A_61 = tpu.memref_slice %arg5[%arg1, %dma_start3A_60] : memref<16x4096xi32, #tpu.memory_space<hbm>> -> memref<1x4096xi32, #tpu.memory_space<hbm>>
        %dma_start3A_62 = tpu.memref_squeeze %dma_start3A_61 : memref<1x4096xi32, #tpu.memory_space<hbm>> -> memref<4096xi32, #tpu.memory_space<hbm>>
        tpu.enqueue_dma source(%arg11 : memref<4096xi32, #tpu.memory_space<vmem>>) target(%dma_start3A_62 : memref<4096xi32, #tpu.memory_space<hbm>>) target_semaphore(%run_scoped3A : memref<!tpu.dma_semaphore, #tpu.memory_space<semaphore_mem>>)
        %dma_wait3A = arith.constant 0 : i32
        %dma_wait3A_63 = tpu.memref_slice %arg5[%arg1, %dma_wait3A] : memref<16x4096xi32, #tpu.memory_space<hbm>> -> memref<1x4096xi32, #tpu.memory_space<hbm>>
        %dma_wait3A_64 = tpu.memref_squeeze %dma_wait3A_63 : memref<1x4096xi32, #tpu.memory_space<hbm>> -> memref<4096xi32, #tpu.memory_space<hbm>>
        %dma_wait3A_65 = arith.constant 0 : i32
        %dma_wait3A_66 = tpu.memref_slice %arg5[%arg1, %dma_wait3A_65] : memref<16x4096xi32, #tpu.memory_space<hbm>> -> memref<1x4096xi32, #tpu.memory_space<hbm>>
        %dma_wait3A_67 = tpu.memref_squeeze %dma_wait3A_66 : memref<1x4096xi32, #tpu.memory_space<hbm>> -> memref<4096xi32, #tpu.memory_space<hbm>>
        tpu.wait_dma2 semaphore(%run_scoped3A : memref<!tpu.dma_semaphore, #tpu.memory_space<semaphore_mem>>) src(%arg11 : memref<4096xi32, #tpu.memory_space<vmem>>) dst(%dma_wait3A_67 : memref<4096xi32, #tpu.memory_space<hbm>>)
        tpu.yield
      }) : () -> ()
      %barrier3A = arith.constant 0 : index
      tpu.barrier barrier_id(%barrier3A)
      %eq3A_16 = arith.constant 0 : i32
      %eq3A_17 = arith.cmpi eq, %arg1, %eq3A_16 : i32
      %convert_element_type3A_18 = arith.extui %eq3A_17 : i1 to i32
      %cond3A_19 = arith.constant 0 : i32
      %cond3A_20 = arith.cmpi ne, %convert_element_type3A_18, %cond3A_19 : i32
      scf.if %cond3A_20 {
        %scan3A_58 = arith.constant 0 : i32
        %scan3A_59 = arith.constant 1 : i32
        %scan3A_60 = arith.constant 15 : i32
        %scan3A_61 = arith.addi %scan3A_59, %scan3A_60 : i32
        %scan3A_62 = arith.constant 1 : i32
        %scan3A_63 = scf.for %scan3A_72 = %scan3A_59 to %scan3A_61 step %scan3A_62 iter_args(%scan3A_73 = %scan3A_58) -> (i32)  : i32 {
          "tpu.region"() ({
            %run_scoped3A = tpu.sem_alloc : memref<!tpu.dma_semaphore, #tpu.memory_space<semaphore_mem>>
            %dma_start3A = arith.constant 0 : i32
            %dma_start3A_82 = tpu.memref_slice %arg5[%scan3A_72, %dma_start3A] : memref<16x4096xi32, #tpu.memory_space<hbm>> -> memref<1x4096xi32, #tpu.memory_space<hbm>>
            %dma_start3A_83 = tpu.memref_squeeze %dma_start3A_82 : memref<1x4096xi32, #tpu.memory_space<hbm>> -> memref<4096xi32, #tpu.memory_space<hbm>>
            %dma_start3A_84 = arith.constant 0 : i32
            %dma_start3A_85 = tpu.memref_slice %arg5[%scan3A_72, %dma_start3A_84] : memref<16x4096xi32, #tpu.memory_space<hbm>> -> memref<1x4096xi32, #tpu.memory_space<hbm>>
            %dma_start3A_86 = tpu.memref_squeeze %dma_start3A_85 : memref<1x4096xi32, #tpu.memory_space<hbm>> -> memref<4096xi32, #tpu.memory_space<hbm>>
            tpu.enqueue_dma source(%dma_start3A_86 : memref<4096xi32, #tpu.memory_space<hbm>>) target(%arg12 : memref<4096xi32, #tpu.memory_space<vmem>>) target_semaphore(%run_scoped3A : memref<!tpu.dma_semaphore, #tpu.memory_space<semaphore_mem>>)
            %dma_wait3A = arith.constant 0 : i32
            %dma_wait3A_87 = tpu.memref_slice %arg5[%scan3A_72, %dma_wait3A] : memref<16x4096xi32, #tpu.memory_space<hbm>> -> memref<1x4096xi32, #tpu.memory_space<hbm>>
            %dma_wait3A_88 = tpu.memref_squeeze %dma_wait3A_87 : memref<1x4096xi32, #tpu.memory_space<hbm>> -> memref<4096xi32, #tpu.memory_space<hbm>>
            %dma_wait3A_89 = arith.constant 0 : i32
            %dma_wait3A_90 = tpu.memref_slice %arg5[%scan3A_72, %dma_wait3A_89] : memref<16x4096xi32, #tpu.memory_space<hbm>> -> memref<1x4096xi32, #tpu.memory_space<hbm>>
            %dma_wait3A_91 = tpu.memref_squeeze %dma_wait3A_90 : memref<1x4096xi32, #tpu.memory_space<hbm>> -> memref<4096xi32, #tpu.memory_space<hbm>>
            tpu.wait_dma2 semaphore(%run_scoped3A : memref<!tpu.dma_semaphore, #tpu.memory_space<semaphore_mem>>) src(%dma_wait3A_91 : memref<4096xi32, #tpu.memory_space<hbm>>) dst(%arg12 : memref<4096xi32, #tpu.memory_space<vmem>>)
            tpu.yield
          }) : () -> ()
          %scan3A_74 = arith.constant 0 : i32
          %scan3A_75 = arith.constant 0 : i32
          %scan3A_76 = arith.constant 256 : i32
          %scan3A_77 = arith.addi %scan3A_75, %scan3A_76 : i32
          %scan3A_78 = arith.constant 1 : i32
          %scan3A_79 = scf.for %scan3A_82 = %scan3A_75 to %scan3A_77 step %scan3A_78 iter_args(%scan3A_83 = %scan3A_74) -> (i32)  : i32 {
            %mul3A_84 = arith.constant 16 : i32
            %mul3A_85 = arith.muli %scan3A_82, %mul3A_84 : i32
            %get3A = arith.index_cast %mul3A_85 : i32 to index
            %get3A_86 = tpu.vector_load %arg11[%get3A] {strides = array<i32>} : memref<4096xi32, #tpu.memory_space<vmem>>, vector<16xi32>,
            %mul3A_87 = arith.constant 16 : i32
            %mul3A_88 = arith.muli %scan3A_82, %mul3A_87 : i32
            %get3A_89 = arith.index_cast %mul3A_88 : i32 to index
            %get3A_90 = tpu.vector_load %arg12[%get3A_89] {strides = array<i32>} : memref<4096xi32, #tpu.memory_space<vmem>>, vector<16xi32>,
            %add3A_91 = arith.addi %get3A_86, %get3A_90 : vector<16xi32>
            %mul3A_92 = arith.constant 16 : i32
            %mul3A_93 = arith.muli %scan3A_82, %mul3A_92 : i32
            %swap3A = arith.index_cast %mul3A_93 : i32 to index
            %swap3A_94 = tpu.vector_load %arg11[%swap3A] {strides = array<i32>} : memref<4096xi32, #tpu.memory_space<vmem>>, vector<16xi32>,
            tpu.vector_store %arg11[%swap3A], %add3A_91 {strides = array<i32>} : memref<4096xi32, #tpu.memory_space<vmem>>, vector<16xi32>,
            %scan3A_95 = arith.constant 0 : i32
            scf.yield %scan3A_95 : i32
          }
          %scan3A_80 = arith.constant 256 : i32
          %scan3A_81 = arith.constant 0 : i32
          scf.yield %scan3A_81 : i32
        }
        %scan3A_64 = arith.constant 15 : i32
        %scan3A_65 = arith.constant 0 : i32
        %scan3A_66 = arith.constant 0 : i32
        %scan3A_67 = arith.constant 256 : i32
        %scan3A_68 = arith.addi %scan3A_66, %scan3A_67 : i32
        %scan3A_69 = arith.constant 1 : i32
        %scan3A_70 = scf.for %scan3A_72 = %scan3A_66 to %scan3A_68 step %scan3A_69 iter_args(%scan3A_73 = %scan3A_65) -> (i32)  : i32 {
          %mul3A_74 = arith.constant 16 : i32
          %mul3A_75 = arith.muli %scan3A_72, %mul3A_74 : i32
          %get3A = arith.index_cast %mul3A_75 : i32 to index
          %get3A_76 = tpu.vector_load %arg11[%get3A] {strides = array<i32>} : memref<4096xi32, #tpu.memory_space<vmem>>, vector<16xi32>,
          %cumsum3A = arith.constant true
          %cumsum3A_77 = vector.broadcast %cumsum3A : i1 to vector<16xi1>
          %cumsum3A_78 = tpu.scan <sum>, %get3A_76 masked %cumsum3A_77 : vector<16xi32>, vector<16xi1> -> vector<16xi32>
          %sub3A = arith.subi %cumsum3A_78, %get3A_76 : vector<16xi32>
          %add3A_79 = vector.broadcast %scan3A_73 : i32 to vector<16xi32>
          %add3A_80 = arith.addi %sub3A, %add3A_79 : vector<16xi32>
          %mul3A_81 = arith.constant 16 : i32
          %mul3A_82 = arith.muli %scan3A_72, %mul3A_81 : i32
          %swap3A = arith.index_cast %mul3A_82 : i32 to index
          %swap3A_83 = tpu.vector_load %arg11[%swap3A] {strides = array<i32>} : memref<4096xi32, #tpu.memory_space<vmem>>, vector<16xi32>,
          tpu.vector_store %arg11[%swap3A], %add3A_80 {strides = array<i32>} : memref<4096xi32, #tpu.memory_space<vmem>>, vector<16xi32>,
          %slice3A_84 = vector.extract_strided_slice %cumsum3A_78 {offsets = [15], sizes = [1], strides = [1]} : vector<16xi32> to vector<1xi32>
          %squeeze3A_85 = vector.extract %slice3A_84[0] : i32 from vector<1xi32>
          %add3A_86 = arith.addi %scan3A_73, %squeeze3A_85 : i32
          scf.yield %add3A_86 : i32
        }
        %scan3A_71 = arith.constant 256 : i32
        "tpu.region"() ({
          %run_scoped3A = tpu.sem_alloc : memref<!tpu.dma_semaphore, #tpu.memory_space<semaphore_mem>>
          tpu.enqueue_dma source(%arg11 : memref<4096xi32, #tpu.memory_space<vmem>>) target(%arg6 : memref<4096xi32, #tpu.memory_space<hbm>>) target_semaphore(%run_scoped3A : memref<!tpu.dma_semaphore, #tpu.memory_space<semaphore_mem>>)
          tpu.wait_dma2 semaphore(%run_scoped3A : memref<!tpu.dma_semaphore, #tpu.memory_space<semaphore_mem>>) src(%arg11 : memref<4096xi32, #tpu.memory_space<vmem>>) dst(%arg6 : memref<4096xi32, #tpu.memory_space<hbm>>)
          tpu.yield
        }) : () -> ()
      } else {
      }
      %barrier3A_21 = arith.constant 0 : index
      tpu.barrier barrier_id(%barrier3A_21)
      "tpu.region"() ({
        %run_scoped3A = tpu.sem_alloc : memref<!tpu.dma_semaphore, #tpu.memory_space<semaphore_mem>>
        tpu.enqueue_dma source(%arg6 : memref<4096xi32, #tpu.memory_space<hbm>>) target(%arg11 : memref<4096xi32, #tpu.memory_space<vmem>>) target_semaphore(%run_scoped3A : memref<!tpu.dma_semaphore, #tpu.memory_space<semaphore_mem>>)
        tpu.wait_dma2 semaphore(%run_scoped3A : memref<!tpu.dma_semaphore, #tpu.memory_space<semaphore_mem>>) src(%arg6 : memref<4096xi32, #tpu.memory_space<hbm>>) dst(%arg11 : memref<4096xi32, #tpu.memory_space<vmem>>)
        tpu.yield
      }) : () -> ()
      %mul3A_22 = arith.constant 8192 : i32
      %mul3A_23 = arith.muli %arg1, %mul3A_22 : i32
      %scan3A_24 = arith.constant 0 : i32
      %scan3A_25 = arith.constant 0 : i32
      %scan3A_26 = arith.constant 256 : i32
      %scan3A_27 = arith.addi %scan3A_25, %scan3A_26 : i32
      %scan3A_28 = arith.constant 1 : i32
      %scan3A_29 = scf.for %scan3A_58 = %scan3A_25 to %scan3A_27 step %scan3A_28 iter_args(%scan3A_59 = %scan3A_24) -> (i32)  : i32 {
        %mul3A_60 = arith.constant 16 : i32
        %mul3A_61 = arith.muli %scan3A_58, %mul3A_60 : i32
        %get3A = arith.index_cast %mul3A_61 : i32 to index
        %get3A_62 = tpu.vector_load %arg11[%get3A] {strides = array<i32>} : memref<4096xi32, #tpu.memory_space<vmem>>, vector<16xi32>,
        %lt3A_63 = vector.broadcast %mul3A_23 : i32 to vector<16xi32>
        %lt3A_64 = arith.cmpi slt, %get3A_62, %lt3A_63 : vector<16xi32>
        %jit3A_65 = arith.constant 1 : i32
        %jit3A_66 = arith.constant 0 : i32
        %broadcast_in_dim3A_67 = vector.broadcast %jit3A_65 : i32 to vector<16xi32>
        %broadcast_in_dim3A_68 = vector.broadcast %jit3A_66 : i32 to vector<16xi32>
        %select_n3A_69 = arith.select %lt3A_64, %broadcast_in_dim3A_67, %broadcast_in_dim3A_68 : vector<16xi1>, vector<16xi32>
        %reduce_sum3A = arith.constant true
        %reduce_sum3A_70 = vector.broadcast %reduce_sum3A : i1 to vector<16xi1>
        %reduce_sum3A_71 = tpu.scan <sum>, %select_n3A_69 masked %reduce_sum3A_70 : vector<16xi32>, vector<16xi1> -> vector<16xi32>
        %reduce_sum3A_72 = vector.extract %reduce_sum3A_71[15] : i32 from vector<16xi32>
        %add3A_73 = arith.addi %scan3A_59, %reduce_sum3A_72 : i32
        scf.yield %add3A_73 : i32
      }
      %scan3A_30 = arith.constant 256 : i32
      %add3A = arith.constant 1 : i32
      %add3A_31 = arith.addi %arg1, %add3A : i32
      %mul3A_32 = arith.constant 8192 : i32
      %mul3A_33 = arith.muli %add3A_31, %mul3A_32 : i32
      %scan3A_34 = arith.constant 0 : i32
      %scan3A_35 = arith.constant 0 : i32
      %scan3A_36 = arith.constant 256 : i32
      %scan3A_37 = arith.addi %scan3A_35, %scan3A_36 : i32
      %scan3A_38 = arith.constant 1 : i32
      %scan3A_39 = scf.for %scan3A_58 = %scan3A_35 to %scan3A_37 step %scan3A_38 iter_args(%scan3A_59 = %scan3A_34) -> (i32)  : i32 {
        %mul3A_60 = arith.constant 16 : i32
        %mul3A_61 = arith.muli %scan3A_58, %mul3A_60 : i32
        %get3A = arith.index_cast %mul3A_61 : i32 to index
        %get3A_62 = tpu.vector_load %arg11[%get3A] {strides = array<i32>} : memref<4096xi32, #tpu.memory_space<vmem>>, vector<16xi32>,
        %lt3A_63 = vector.broadcast %mul3A_33 : i32 to vector<16xi32>
        %lt3A_64 = arith.cmpi slt, %get3A_62, %lt3A_63 : vector<16xi32>
        %jit3A_65 = arith.constant 1 : i32
        %jit3A_66 = arith.constant 0 : i32
        %broadcast_in_dim3A_67 = vector.broadcast %jit3A_65 : i32 to vector<16xi32>
        %broadcast_in_dim3A_68 = vector.broadcast %jit3A_66 : i32 to vector<16xi32>
        %select_n3A_69 = arith.select %lt3A_64, %broadcast_in_dim3A_67, %broadcast_in_dim3A_68 : vector<16xi1>, vector<16xi32>
        %reduce_sum3A = arith.constant true
        %reduce_sum3A_70 = vector.broadcast %reduce_sum3A : i1 to vector<16xi1>
        %reduce_sum3A_71 = tpu.scan <sum>, %select_n3A_69 masked %reduce_sum3A_70 : vector<16xi32>, vector<16xi1> -> vector<16xi32>
        %reduce_sum3A_72 = vector.extract %reduce_sum3A_71[15] : i32 from vector<16xi32>
        %add3A_73 = arith.addi %scan3A_59, %reduce_sum3A_72 : i32
        scf.yield %add3A_73 : i32
      }
      %scan3A_40 = arith.constant 256 : i32
      %lt3A = arith.constant 4096 : i32
      %lt3A_41 = arith.cmpi slt, %scan3A_29, %lt3A : i32
      %min3A = arith.constant 4095 : i32
      %min3A_42 = arith.minsi %scan3A_29, %min3A : i32
      %broadcast_in_dim3A = vector.broadcast %min3A_42 : i32 to vector<16xi32>
      %gather3A = tpu.vector_load_idx %arg11[%broadcast_in_dim3A] : memref<4096xi32, #tpu.memory_space<vmem>>[vector<16xi32>], vector<16xi32>,
      %slice3A = vector.extract_strided_slice %gather3A {offsets = [0], sizes = [1], strides = [1]} : vector<16xi32> to vector<1xi32>
      %squeeze3A = vector.extract %slice3A[0] : i32 from vector<1xi32>
      %jit3A = arith.constant 131072 : i32
      %select_n3A = arith.select %lt3A_41, %squeeze3A, %jit3A : i32
      %scan3A_43 = arith.constant 0 : i32
      %scan3A_44 = arith.constant 0 : i32
      %scan3A_45 = arith.constant 16 : i32
      %scan3A_46 = arith.addi %scan3A_44, %scan3A_45 : i32
      %scan3A_47 = arith.constant 1 : i32
      %scan3A_48 = scf.for %scan3A_58 = %scan3A_44 to %scan3A_46 step %scan3A_47 iter_args(%scan3A_59 = %scan3A_43) -> (i32)  : i32 {
        %mul3A_60 = arith.constant 8192 : i32
        %mul3A_61 = arith.muli %scan3A_58, %mul3A_60 : i32
        "tpu.region"() ({
          %run_scoped3A = tpu.sem_alloc : memref<!tpu.dma_semaphore, #tpu.memory_space<semaphore_mem>>
          %dma_start3A = tpu.memref_slice %arg2[%mul3A_61] : memref<131072xi32, #tpu.memory_space<hbm>> -> memref<8192xi32, #tpu.memory_space<hbm>>
          %dma_start3A_70 = tpu.memref_slice %arg2[%mul3A_61] : memref<131072xi32, #tpu.memory_space<hbm>> -> memref<8192xi32, #tpu.memory_space<hbm>>
          tpu.enqueue_dma source(%dma_start3A_70 : memref<8192xi32, #tpu.memory_space<hbm>>) target(%arg14 : memref<8192xi32, #tpu.memory_space<vmem>>) target_semaphore(%run_scoped3A : memref<!tpu.dma_semaphore, #tpu.memory_space<semaphore_mem>>)
          %dma_wait3A = tpu.memref_slice %arg2[%mul3A_61] : memref<131072xi32, #tpu.memory_space<hbm>> -> memref<8192xi32, #tpu.memory_space<hbm>>
          %dma_wait3A_71 = tpu.memref_slice %arg2[%mul3A_61] : memref<131072xi32, #tpu.memory_space<hbm>> -> memref<8192xi32, #tpu.memory_space<hbm>>
          tpu.wait_dma2 semaphore(%run_scoped3A : memref<!tpu.dma_semaphore, #tpu.memory_space<semaphore_mem>>) src(%dma_wait3A_71 : memref<8192xi32, #tpu.memory_space<hbm>>) dst(%arg14 : memref<8192xi32, #tpu.memory_space<vmem>>)
          tpu.yield
        }) : () -> ()
        %scan3A_62 = arith.constant 0 : i32
        %scan3A_63 = arith.constant 0 : i32
        %scan3A_64 = arith.constant 512 : i32
        %scan3A_65 = arith.addi %scan3A_63, %scan3A_64 : i32
        %scan3A_66 = arith.constant 1 : i32
        %scan3A_67 = scf.for %scan3A_70 = %scan3A_63 to %scan3A_65 step %scan3A_66 iter_args(%scan3A_71 = %scan3A_62) -> (i32)  : i32 {
          %mul3A_72 = arith.constant 16 : i32
          %mul3A_73 = arith.muli %scan3A_70, %mul3A_72 : i32
          %get3A = arith.index_cast %mul3A_73 : i32 to index
          %get3A_74 = tpu.vector_load %arg14[%get3A] {strides = array<i32>} : memref<8192xi32, #tpu.memory_space<vmem>>, vector<16xi32>,
          %shift_right_logical3A = arith.constant 12 : i32
          %shift_right_logical3A_75 = vector.broadcast %shift_right_logical3A : i32 to vector<16xi32>
          %shift_right_logical3A_76 = arith.shrui %get3A_74, %shift_right_logical3A_75 : vector<16xi32>
          %ge3A = vector.broadcast %scan3A_29 : i32 to vector<16xi32>
          %ge3A_77 = arith.cmpi sge, %shift_right_logical3A_76, %ge3A : vector<16xi32>
          %lt3A_78 = vector.broadcast %scan3A_39 : i32 to vector<16xi32>
          %lt3A_79 = arith.cmpi slt, %shift_right_logical3A_76, %lt3A_78 : vector<16xi32>
          %and3A = arith.andi %ge3A_77, %lt3A_79 : vector<16xi1>
          %all_reduce_population_count3A = tpu.all_reduce %and3A {dim = 0 : i64, kind = #tpu.reduction_kind<sum>} : vector<16xi1> -> vector<16xi32>
          %slice3A_80 = vector.extract_strided_slice %all_reduce_population_count3A {offsets = [0], sizes = [1], strides = [1]} : vector<16xi32> to vector<1xi32>
          %squeeze3A_81 = vector.extract %slice3A_80[0] : i32 from vector<1xi32>
          %gt3A = arith.constant 0 : i32
          %gt3A_82 = arith.cmpi sgt, %squeeze3A_81, %gt3A : i32
          %convert_element_type3A_83 = arith.extui %gt3A_82 : i1 to i32
          %cond3A_84 = arith.constant 0 : i32
          %cond3A_85 = arith.cmpi ne, %convert_element_type3A_83, %cond3A_84 : i32
          scf.if %cond3A_85 {
            %slice3A_87 = vector.extract_strided_slice %shift_right_logical3A_76 {offsets = [0], sizes = [1], strides = [1]} : vector<16xi32> to vector<1xi32>
            %squeeze3A_88 = vector.extract %slice3A_87[0] : i32 from vector<1xi32>
            %ge3A_89 = arith.cmpi sge, %squeeze3A_88, %scan3A_29 : i32
            %lt3A_90 = arith.cmpi slt, %squeeze3A_88, %scan3A_39 : i32
            %and3A_91 = arith.andi %ge3A_89, %lt3A_90 : i1
            %convert_element_type3A_92 = arith.extui %and3A_91 : i1 to i32
            %cond3A_93 = arith.constant 0 : i32
            %cond3A_94 = arith.cmpi ne, %convert_element_type3A_92, %cond3A_93 : i32
            scf.if %cond3A_94 {
              %broadcast_in_dim3A_215 = vector.broadcast %squeeze3A_88 : i32 to vector<16xi32>
              %gather3A_216 = tpu.vector_load_idx %arg11[%broadcast_in_dim3A_215] : memref<4096xi32, #tpu.memory_space<vmem>>[vector<16xi32>], vector<16xi32>,
              %slice3A_217 = vector.extract_strided_slice %gather3A_216 {offsets = [0], sizes = [1], strides = [1]} : vector<16xi32> to vector<1xi32>
              %squeeze3A_218 = vector.extract %slice3A_217[0] : i32 from vector<1xi32>
              %add3A_219 = arith.constant 1 : i32
              %add3A_220 = arith.addi %squeeze3A_218, %add3A_219 : i32
              %broadcast_in_dim3A_221 = vector.broadcast %squeeze3A_88 : i32 to vector<16xi32>
              %broadcast_in_dim3A_222 = vector.broadcast %add3A_220 : i32 to vector<16xi32>
              %iota3A = tpu.iota {dimensions = array<i32: 0>} : vector<16xi32>
              %eq3A_223 = arith.constant 0 : i32
              %eq3A_224 = vector.broadcast %eq3A_223 : i32 to vector<16xi32>
              %eq3A_225 = arith.cmpi eq, %iota3A, %eq3A_224 : vector<16xi32>
              tpu.vector_store_idx %arg11[%broadcast_in_dim3A_221], %broadcast_in_dim3A_222 masked %eq3A_225 : memref<4096xi32, #tpu.memory_space<vmem>>[vector<16xi32>], vector<16xi32>, vector<16xi1>
              %sub3A = arith.subi %squeeze3A_218, %select_n3A : i32
              %slice3A_226 = vector.extract_strided_slice %get3A_74 {offsets = [0], sizes = [1], strides = [1]} : vector<16xi32> to vector<1xi32>
              %squeeze3A_227 = vector.extract %slice3A_226[0] : i32 from vector<1xi32>
              %broadcast_in_dim3A_228 = vector.broadcast %sub3A : i32 to vector<16xi32>
              %broadcast_in_dim3A_229 = vector.broadcast %squeeze3A_227 : i32 to vector<16xi32>
              %iota3A_230 = tpu.iota {dimensions = array<i32: 0>} : vector<16xi32>
              %eq3A_231 = arith.constant 0 : i32
              %eq3A_232 = vector.broadcast %eq3A_231 : i32 to vector<16xi32>
              %eq3A_233 = arith.cmpi eq, %iota3A_230, %eq3A_232 : vector<16xi32>
              tpu.vector_store_idx %arg13[%broadcast_in_dim3A_228], %broadcast_in_dim3A_229 masked %eq3A_233 : memref<12320xi32, #tpu.memory_space<vmem>>[vector<16xi32>], vector<16xi32>, vector<16xi1>
            } else {
            }
            %slice3A_95 = vector.extract_strided_slice %shift_right_logical3A_76 {offsets = [1], sizes = [1], strides = [1]} : vector<16xi32> to vector<1xi32>
            %squeeze3A_96 = vector.extract %slice3A_95[0] : i32 from vector<1xi32>
            %ge3A_97 = arith.cmpi sge, %squeeze3A_96, %scan3A_29 : i32
            %lt3A_98 = arith.cmpi slt, %squeeze3A_96, %scan3A_39 : i32
            %and3A_99 = arith.andi %ge3A_97, %lt3A_98 : i1
            %convert_element_type3A_100 = arith.extui %and3A_99 : i1 to i32
            %cond3A_101 = arith.constant 0 : i32
            %cond3A_102 = arith.cmpi ne, %convert_element_type3A_100, %cond3A_101 : i32
            scf.if %cond3A_102 {
              %broadcast_in_dim3A_215 = vector.broadcast %squeeze3A_96 : i32 to vector<16xi32>
              %gather3A_216 = tpu.vector_load_idx %arg11[%broadcast_in_dim3A_215] : memref<4096xi32, #tpu.memory_space<vmem>>[vector<16xi32>], vector<16xi32>,
              %slice3A_217 = vector.extract_strided_slice %gather3A_216 {offsets = [0], sizes = [1], strides = [1]} : vector<16xi32> to vector<1xi32>
              %squeeze3A_218 = vector.extract %slice3A_217[0] : i32 from vector<1xi32>
              %add3A_219 = arith.constant 1 : i32
              %add3A_220 = arith.addi %squeeze3A_218, %add3A_219 : i32
              %broadcast_in_dim3A_221 = vector.broadcast %squeeze3A_96 : i32 to vector<16xi32>
              %broadcast_in_dim3A_222 = vector.broadcast %add3A_220 : i32 to vector<16xi32>
              %iota3A = tpu.iota {dimensions = array<i32: 0>} : vector<16xi32>
              %eq3A_223 = arith.constant 0 : i32
              %eq3A_224 = vector.broadcast %eq3A_223 : i32 to vector<16xi32>
              %eq3A_225 = arith.cmpi eq, %iota3A, %eq3A_224 : vector<16xi32>
              tpu.vector_store_idx %arg11[%broadcast_in_dim3A_221], %broadcast_in_dim3A_222 masked %eq3A_225 : memref<4096xi32, #tpu.memory_space<vmem>>[vector<16xi32>], vector<16xi32>, vector<16xi1>
              %sub3A = arith.subi %squeeze3A_218, %select_n3A : i32
              %slice3A_226 = vector.extract_strided_slice %get3A_74 {offsets = [1], sizes = [1], strides = [1]} : vector<16xi32> to vector<1xi32>
              %squeeze3A_227 = vector.extract %slice3A_226[0] : i32 from vector<1xi32>
              %broadcast_in_dim3A_228 = vector.broadcast %sub3A : i32 to vector<16xi32>
              %broadcast_in_dim3A_229 = vector.broadcast %squeeze3A_227 : i32 to vector<16xi32>
              %iota3A_230 = tpu.iota {dimensions = array<i32: 0>} : vector<16xi32>
              %eq3A_231 = arith.constant 0 : i32
              %eq3A_232 = vector.broadcast %eq3A_231 : i32 to vector<16xi32>
              %eq3A_233 = arith.cmpi eq, %iota3A_230, %eq3A_232 : vector<16xi32>
              tpu.vector_store_idx %arg13[%broadcast_in_dim3A_228], %broadcast_in_dim3A_229 masked %eq3A_233 : memref<12320xi32, #tpu.memory_space<vmem>>[vector<16xi32>], vector<16xi32>, vector<16xi1>
            } else {
            }
            %slice3A_103 = vector.extract_strided_slice %shift_right_logical3A_76 {offsets = [2], sizes = [1], strides = [1]} : vector<16xi32> to vector<1xi32>
            %squeeze3A_104 = vector.extract %slice3A_103[0] : i32 from vector<1xi32>
            %ge3A_105 = arith.cmpi sge, %squeeze3A_104, %scan3A_29 : i32
            %lt3A_106 = arith.cmpi slt, %squeeze3A_104, %scan3A_39 : i32
            %and3A_107 = arith.andi %ge3A_105, %lt3A_106 : i1
            %convert_element_type3A_108 = arith.extui %and3A_107 : i1 to i32
            %cond3A_109 = arith.constant 0 : i32
            %cond3A_110 = arith.cmpi ne, %convert_element_type3A_108, %cond3A_109 : i32
            scf.if %cond3A_110 {
              %broadcast_in_dim3A_215 = vector.broadcast %squeeze3A_104 : i32 to vector<16xi32>
              %gather3A_216 = tpu.vector_load_idx %arg11[%broadcast_in_dim3A_215] : memref<4096xi32, #tpu.memory_space<vmem>>[vector<16xi32>], vector<16xi32>,
              %slice3A_217 = vector.extract_strided_slice %gather3A_216 {offsets = [0], sizes = [1], strides = [1]} : vector<16xi32> to vector<1xi32>
              %squeeze3A_218 = vector.extract %slice3A_217[0] : i32 from vector<1xi32>
              %add3A_219 = arith.constant 1 : i32
              %add3A_220 = arith.addi %squeeze3A_218, %add3A_219 : i32
              %broadcast_in_dim3A_221 = vector.broadcast %squeeze3A_104 : i32 to vector<16xi32>
              %broadcast_in_dim3A_222 = vector.broadcast %add3A_220 : i32 to vector<16xi32>
              %iota3A = tpu.iota {dimensions = array<i32: 0>} : vector<16xi32>
              %eq3A_223 = arith.constant 0 : i32
              %eq3A_224 = vector.broadcast %eq3A_223 : i32 to vector<16xi32>
              %eq3A_225 = arith.cmpi eq, %iota3A, %eq3A_224 : vector<16xi32>
              tpu.vector_store_idx %arg11[%broadcast_in_dim3A_221], %broadcast_in_dim3A_222 masked %eq3A_225 : memref<4096xi32, #tpu.memory_space<vmem>>[vector<16xi32>], vector<16xi32>, vector<16xi1>
              %sub3A = arith.subi %squeeze3A_218, %select_n3A : i32
              %slice3A_226 = vector.extract_strided_slice %get3A_74 {offsets = [2], sizes = [1], strides = [1]} : vector<16xi32> to vector<1xi32>
              %squeeze3A_227 = vector.extract %slice3A_226[0] : i32 from vector<1xi32>
              %broadcast_in_dim3A_228 = vector.broadcast %sub3A : i32 to vector<16xi32>
              %broadcast_in_dim3A_229 = vector.broadcast %squeeze3A_227 : i32 to vector<16xi32>
              %iota3A_230 = tpu.iota {dimensions = array<i32: 0>} : vector<16xi32>
              %eq3A_231 = arith.constant 0 : i32
              %eq3A_232 = vector.broadcast %eq3A_231 : i32 to vector<16xi32>
              %eq3A_233 = arith.cmpi eq, %iota3A_230, %eq3A_232 : vector<16xi32>
              tpu.vector_store_idx %arg13[%broadcast_in_dim3A_228], %broadcast_in_dim3A_229 masked %eq3A_233 : memref<12320xi32, #tpu.memory_space<vmem>>[vector<16xi32>], vector<16xi32>, vector<16xi1>
            } else {
            }
            %slice3A_111 = vector.extract_strided_slice %shift_right_logical3A_76 {offsets = [3], sizes = [1], strides = [1]} : vector<16xi32> to vector<1xi32>
            %squeeze3A_112 = vector.extract %slice3A_111[0] : i32 from vector<1xi32>
            %ge3A_113 = arith.cmpi sge, %squeeze3A_112, %scan3A_29 : i32
            %lt3A_114 = arith.cmpi slt, %squeeze3A_112, %scan3A_39 : i32
            %and3A_115 = arith.andi %ge3A_113, %lt3A_114 : i1
            %convert_element_type3A_116 = arith.extui %and3A_115 : i1 to i32
            %cond3A_117 = arith.constant 0 : i32
            %cond3A_118 = arith.cmpi ne, %convert_element_type3A_116, %cond3A_117 : i32
            scf.if %cond3A_118 {
              %broadcast_in_dim3A_215 = vector.broadcast %squeeze3A_112 : i32 to vector<16xi32>
              %gather3A_216 = tpu.vector_load_idx %arg11[%broadcast_in_dim3A_215] : memref<4096xi32, #tpu.memory_space<vmem>>[vector<16xi32>], vector<16xi32>,
              %slice3A_217 = vector.extract_strided_slice %gather3A_216 {offsets = [0], sizes = [1], strides = [1]} : vector<16xi32> to vector<1xi32>
              %squeeze3A_218 = vector.extract %slice3A_217[0] : i32 from vector<1xi32>
              %add3A_219 = arith.constant 1 : i32
              %add3A_220 = arith.addi %squeeze3A_218, %add3A_219 : i32
              %broadcast_in_dim3A_221 = vector.broadcast %squeeze3A_112 : i32 to vector<16xi32>
              %broadcast_in_dim3A_222 = vector.broadcast %add3A_220 : i32 to vector<16xi32>
              %iota3A = tpu.iota {dimensions = array<i32: 0>} : vector<16xi32>
              %eq3A_223 = arith.constant 0 : i32
              %eq3A_224 = vector.broadcast %eq3A_223 : i32 to vector<16xi32>
              %eq3A_225 = arith.cmpi eq, %iota3A, %eq3A_224 : vector<16xi32>
              tpu.vector_store_idx %arg11[%broadcast_in_dim3A_221], %broadcast_in_dim3A_222 masked %eq3A_225 : memref<4096xi32, #tpu.memory_space<vmem>>[vector<16xi32>], vector<16xi32>, vector<16xi1>
              %sub3A = arith.subi %squeeze3A_218, %select_n3A : i32
              %slice3A_226 = vector.extract_strided_slice %get3A_74 {offsets = [3], sizes = [1], strides = [1]} : vector<16xi32> to vector<1xi32>
              %squeeze3A_227 = vector.extract %slice3A_226[0] : i32 from vector<1xi32>
              %broadcast_in_dim3A_228 = vector.broadcast %sub3A : i32 to vector<16xi32>
              %broadcast_in_dim3A_229 = vector.broadcast %squeeze3A_227 : i32 to vector<16xi32>
              %iota3A_230 = tpu.iota {dimensions = array<i32: 0>} : vector<16xi32>
              %eq3A_231 = arith.constant 0 : i32
              %eq3A_232 = vector.broadcast %eq3A_231 : i32 to vector<16xi32>
              %eq3A_233 = arith.cmpi eq, %iota3A_230, %eq3A_232 : vector<16xi32>
              tpu.vector_store_idx %arg13[%broadcast_in_dim3A_228], %broadcast_in_dim3A_229 masked %eq3A_233 : memref<12320xi32, #tpu.memory_space<vmem>>[vector<16xi32>], vector<16xi32>, vector<16xi1>
            } else {
            }
            %slice3A_119 = vector.extract_strided_slice %shift_right_logical3A_76 {offsets = [4], sizes = [1], strides = [1]} : vector<16xi32> to vector<1xi32>
            %squeeze3A_120 = vector.extract %slice3A_119[0] : i32 from vector<1xi32>
            %ge3A_121 = arith.cmpi sge, %squeeze3A_120, %scan3A_29 : i32
            %lt3A_122 = arith.cmpi slt, %squeeze3A_120, %scan3A_39 : i32
            %and3A_123 = arith.andi %ge3A_121, %lt3A_122 : i1
            %convert_element_type3A_124 = arith.extui %and3A_123 : i1 to i32
            %cond3A_125 = arith.constant 0 : i32
            %cond3A_126 = arith.cmpi ne, %convert_element_type3A_124, %cond3A_125 : i32
            scf.if %cond3A_126 {
              %broadcast_in_dim3A_215 = vector.broadcast %squeeze3A_120 : i32 to vector<16xi32>
              %gather3A_216 = tpu.vector_load_idx %arg11[%broadcast_in_dim3A_215] : memref<4096xi32, #tpu.memory_space<vmem>>[vector<16xi32>], vector<16xi32>,
              %slice3A_217 = vector.extract_strided_slice %gather3A_216 {offsets = [0], sizes = [1], strides = [1]} : vector<16xi32> to vector<1xi32>
              %squeeze3A_218 = vector.extract %slice3A_217[0] : i32 from vector<1xi32>
              %add3A_219 = arith.constant 1 : i32
              %add3A_220 = arith.addi %squeeze3A_218, %add3A_219 : i32
              %broadcast_in_dim3A_221 = vector.broadcast %squeeze3A_120 : i32 to vector<16xi32>
              %broadcast_in_dim3A_222 = vector.broadcast %add3A_220 : i32 to vector<16xi32>
              %iota3A = tpu.iota {dimensions = array<i32: 0>} : vector<16xi32>
              %eq3A_223 = arith.constant 0 : i32
              %eq3A_224 = vector.broadcast %eq3A_223 : i32 to vector<16xi32>
              %eq3A_225 = arith.cmpi eq, %iota3A, %eq3A_224 : vector<16xi32>
              tpu.vector_store_idx %arg11[%broadcast_in_dim3A_221], %broadcast_in_dim3A_222 masked %eq3A_225 : memref<4096xi32, #tpu.memory_space<vmem>>[vector<16xi32>], vector<16xi32>, vector<16xi1>
              %sub3A = arith.subi %squeeze3A_218, %select_n3A : i32
              %slice3A_226 = vector.extract_strided_slice %get3A_74 {offsets = [4], sizes = [1], strides = [1]} : vector<16xi32> to vector<1xi32>
              %squeeze3A_227 = vector.extract %slice3A_226[0] : i32 from vector<1xi32>
              %broadcast_in_dim3A_228 = vector.broadcast %sub3A : i32 to vector<16xi32>
              %broadcast_in_dim3A_229 = vector.broadcast %squeeze3A_227 : i32 to vector<16xi32>
              %iota3A_230 = tpu.iota {dimensions = array<i32: 0>} : vector<16xi32>
              %eq3A_231 = arith.constant 0 : i32
              %eq3A_232 = vector.broadcast %eq3A_231 : i32 to vector<16xi32>
              %eq3A_233 = arith.cmpi eq, %iota3A_230, %eq3A_232 : vector<16xi32>
              tpu.vector_store_idx %arg13[%broadcast_in_dim3A_228], %broadcast_in_dim3A_229 masked %eq3A_233 : memref<12320xi32, #tpu.memory_space<vmem>>[vector<16xi32>], vector<16xi32>, vector<16xi1>
            } else {
            }
            %slice3A_127 = vector.extract_strided_slice %shift_right_logical3A_76 {offsets = [5], sizes = [1], strides = [1]} : vector<16xi32> to vector<1xi32>
            %squeeze3A_128 = vector.extract %slice3A_127[0] : i32 from vector<1xi32>
            %ge3A_129 = arith.cmpi sge, %squeeze3A_128, %scan3A_29 : i32
            %lt3A_130 = arith.cmpi slt, %squeeze3A_128, %scan3A_39 : i32
            %and3A_131 = arith.andi %ge3A_129, %lt3A_130 : i1
            %convert_element_type3A_132 = arith.extui %and3A_131 : i1 to i32
            %cond3A_133 = arith.constant 0 : i32
            %cond3A_134 = arith.cmpi ne, %convert_element_type3A_132, %cond3A_133 : i32
            scf.if %cond3A_134 {
              %broadcast_in_dim3A_215 = vector.broadcast %squeeze3A_128 : i32 to vector<16xi32>
              %gather3A_216 = tpu.vector_load_idx %arg11[%broadcast_in_dim3A_215] : memref<4096xi32, #tpu.memory_space<vmem>>[vector<16xi32>], vector<16xi32>,
              %slice3A_217 = vector.extract_strided_slice %gather3A_216 {offsets = [0], sizes = [1], strides = [1]} : vector<16xi32> to vector<1xi32>
              %squeeze3A_218 = vector.extract %slice3A_217[0] : i32 from vector<1xi32>
              %add3A_219 = arith.constant 1 : i32
              %add3A_220 = arith.addi %squeeze3A_218, %add3A_219 : i32
              %broadcast_in_dim3A_221 = vector.broadcast %squeeze3A_128 : i32 to vector<16xi32>
              %broadcast_in_dim3A_222 = vector.broadcast %add3A_220 : i32 to vector<16xi32>
              %iota3A = tpu.iota {dimensions = array<i32: 0>} : vector<16xi32>
              %eq3A_223 = arith.constant 0 : i32
              %eq3A_224 = vector.broadcast %eq3A_223 : i32 to vector<16xi32>
              %eq3A_225 = arith.cmpi eq, %iota3A, %eq3A_224 : vector<16xi32>
              tpu.vector_store_idx %arg11[%broadcast_in_dim3A_221], %broadcast_in_dim3A_222 masked %eq3A_225 : memref<4096xi32, #tpu.memory_space<vmem>>[vector<16xi32>], vector<16xi32>, vector<16xi1>
              %sub3A = arith.subi %squeeze3A_218, %select_n3A : i32
              %slice3A_226 = vector.extract_strided_slice %get3A_74 {offsets = [5], sizes = [1], strides = [1]} : vector<16xi32> to vector<1xi32>
              %squeeze3A_227 = vector.extract %slice3A_226[0] : i32 from vector<1xi32>
              %broadcast_in_dim3A_228 = vector.broadcast %sub3A : i32 to vector<16xi32>
              %broadcast_in_dim3A_229 = vector.broadcast %squeeze3A_227 : i32 to vector<16xi32>
              %iota3A_230 = tpu.iota {dimensions = array<i32: 0>} : vector<16xi32>
              %eq3A_231 = arith.constant 0 : i32
              %eq3A_232 = vector.broadcast %eq3A_231 : i32 to vector<16xi32>
              %eq3A_233 = arith.cmpi eq, %iota3A_230, %eq3A_232 : vector<16xi32>
              tpu.vector_store_idx %arg13[%broadcast_in_dim3A_228], %broadcast_in_dim3A_229 masked %eq3A_233 : memref<12320xi32, #tpu.memory_space<vmem>>[vector<16xi32>], vector<16xi32>, vector<16xi1>
            } else {
            }
            %slice3A_135 = vector.extract_strided_slice %shift_right_logical3A_76 {offsets = [6], sizes = [1], strides = [1]} : vector<16xi32> to vector<1xi32>
            %squeeze3A_136 = vector.extract %slice3A_135[0] : i32 from vector<1xi32>
            %ge3A_137 = arith.cmpi sge, %squeeze3A_136, %scan3A_29 : i32
            %lt3A_138 = arith.cmpi slt, %squeeze3A_136, %scan3A_39 : i32
            %and3A_139 = arith.andi %ge3A_137, %lt3A_138 : i1
            %convert_element_type3A_140 = arith.extui %and3A_139 : i1 to i32
            %cond3A_141 = arith.constant 0 : i32
            %cond3A_142 = arith.cmpi ne, %convert_element_type3A_140, %cond3A_141 : i32
            scf.if %cond3A_142 {
              %broadcast_in_dim3A_215 = vector.broadcast %squeeze3A_136 : i32 to vector<16xi32>
              %gather3A_216 = tpu.vector_load_idx %arg11[%broadcast_in_dim3A_215] : memref<4096xi32, #tpu.memory_space<vmem>>[vector<16xi32>], vector<16xi32>,
              %slice3A_217 = vector.extract_strided_slice %gather3A_216 {offsets = [0], sizes = [1], strides = [1]} : vector<16xi32> to vector<1xi32>
              %squeeze3A_218 = vector.extract %slice3A_217[0] : i32 from vector<1xi32>
              %add3A_219 = arith.constant 1 : i32
              %add3A_220 = arith.addi %squeeze3A_218, %add3A_219 : i32
              %broadcast_in_dim3A_221 = vector.broadcast %squeeze3A_136 : i32 to vector<16xi32>
              %broadcast_in_dim3A_222 = vector.broadcast %add3A_220 : i32 to vector<16xi32>
              %iota3A = tpu.iota {dimensions = array<i32: 0>} : vector<16xi32>
              %eq3A_223 = arith.constant 0 : i32
              %eq3A_224 = vector.broadcast %eq3A_223 : i32 to vector<16xi32>
              %eq3A_225 = arith.cmpi eq, %iota3A, %eq3A_224 : vector<16xi32>
              tpu.vector_store_idx %arg11[%broadcast_in_dim3A_221], %broadcast_in_dim3A_222 masked %eq3A_225 : memref<4096xi32, #tpu.memory_space<vmem>>[vector<16xi32>], vector<16xi32>, vector<16xi1>
              %sub3A = arith.subi %squeeze3A_218, %select_n3A : i32
              %slice3A_226 = vector.extract_strided_slice %get3A_74 {offsets = [6], sizes = [1], strides = [1]} : vector<16xi32> to vector<1xi32>
              %squeeze3A_227 = vector.extract %slice3A_226[0] : i32 from vector<1xi32>
              %broadcast_in_dim3A_228 = vector.broadcast %sub3A : i32 to vector<16xi32>
              %broadcast_in_dim3A_229 = vector.broadcast %squeeze3A_227 : i32 to vector<16xi32>
              %iota3A_230 = tpu.iota {dimensions = array<i32: 0>} : vector<16xi32>
              %eq3A_231 = arith.constant 0 : i32
              %eq3A_232 = vector.broadcast %eq3A_231 : i32 to vector<16xi32>
              %eq3A_233 = arith.cmpi eq, %iota3A_230, %eq3A_232 : vector<16xi32>
              tpu.vector_store_idx %arg13[%broadcast_in_dim3A_228], %broadcast_in_dim3A_229 masked %eq3A_233 : memref<12320xi32, #tpu.memory_space<vmem>>[vector<16xi32>], vector<16xi32>, vector<16xi1>
            } else {
            }
            %slice3A_143 = vector.extract_strided_slice %shift_right_logical3A_76 {offsets = [7], sizes = [1], strides = [1]} : vector<16xi32> to vector<1xi32>
            %squeeze3A_144 = vector.extract %slice3A_143[0] : i32 from vector<1xi32>
            %ge3A_145 = arith.cmpi sge, %squeeze3A_144, %scan3A_29 : i32
            %lt3A_146 = arith.cmpi slt, %squeeze3A_144, %scan3A_39 : i32
            %and3A_147 = arith.andi %ge3A_145, %lt3A_146 : i1
            %convert_element_type3A_148 = arith.extui %and3A_147 : i1 to i32
            %cond3A_149 = arith.constant 0 : i32
            %cond3A_150 = arith.cmpi ne, %convert_element_type3A_148, %cond3A_149 : i32
            scf.if %cond3A_150 {
              %broadcast_in_dim3A_215 = vector.broadcast %squeeze3A_144 : i32 to vector<16xi32>
              %gather3A_216 = tpu.vector_load_idx %arg11[%broadcast_in_dim3A_215] : memref<4096xi32, #tpu.memory_space<vmem>>[vector<16xi32>], vector<16xi32>,
              %slice3A_217 = vector.extract_strided_slice %gather3A_216 {offsets = [0], sizes = [1], strides = [1]} : vector<16xi32> to vector<1xi32>
              %squeeze3A_218 = vector.extract %slice3A_217[0] : i32 from vector<1xi32>
              %add3A_219 = arith.constant 1 : i32
              %add3A_220 = arith.addi %squeeze3A_218, %add3A_219 : i32
              %broadcast_in_dim3A_221 = vector.broadcast %squeeze3A_144 : i32 to vector<16xi32>
              %broadcast_in_dim3A_222 = vector.broadcast %add3A_220 : i32 to vector<16xi32>
              %iota3A = tpu.iota {dimensions = array<i32: 0>} : vector<16xi32>
              %eq3A_223 = arith.constant 0 : i32
              %eq3A_224 = vector.broadcast %eq3A_223 : i32 to vector<16xi32>
              %eq3A_225 = arith.cmpi eq, %iota3A, %eq3A_224 : vector<16xi32>
              tpu.vector_store_idx %arg11[%broadcast_in_dim3A_221], %broadcast_in_dim3A_222 masked %eq3A_225 : memref<4096xi32, #tpu.memory_space<vmem>>[vector<16xi32>], vector<16xi32>, vector<16xi1>
              %sub3A = arith.subi %squeeze3A_218, %select_n3A : i32
              %slice3A_226 = vector.extract_strided_slice %get3A_74 {offsets = [7], sizes = [1], strides = [1]} : vector<16xi32> to vector<1xi32>
              %squeeze3A_227 = vector.extract %slice3A_226[0] : i32 from vector<1xi32>
              %broadcast_in_dim3A_228 = vector.broadcast %sub3A : i32 to vector<16xi32>
              %broadcast_in_dim3A_229 = vector.broadcast %squeeze3A_227 : i32 to vector<16xi32>
              %iota3A_230 = tpu.iota {dimensions = array<i32: 0>} : vector<16xi32>
              %eq3A_231 = arith.constant 0 : i32
              %eq3A_232 = vector.broadcast %eq3A_231 : i32 to vector<16xi32>
              %eq3A_233 = arith.cmpi eq, %iota3A_230, %eq3A_232 : vector<16xi32>
              tpu.vector_store_idx %arg13[%broadcast_in_dim3A_228], %broadcast_in_dim3A_229 masked %eq3A_233 : memref<12320xi32, #tpu.memory_space<vmem>>[vector<16xi32>], vector<16xi32>, vector<16xi1>
            } else {
            }
            %slice3A_151 = vector.extract_strided_slice %shift_right_logical3A_76 {offsets = [8], sizes = [1], strides = [1]} : vector<16xi32> to vector<1xi32>
            %squeeze3A_152 = vector.extract %slice3A_151[0] : i32 from vector<1xi32>
            %ge3A_153 = arith.cmpi sge, %squeeze3A_152, %scan3A_29 : i32
            %lt3A_154 = arith.cmpi slt, %squeeze3A_152, %scan3A_39 : i32
            %and3A_155 = arith.andi %ge3A_153, %lt3A_154 : i1
            %convert_element_type3A_156 = arith.extui %and3A_155 : i1 to i32
            %cond3A_157 = arith.constant 0 : i32
            %cond3A_158 = arith.cmpi ne, %convert_element_type3A_156, %cond3A_157 : i32
            scf.if %cond3A_158 {
              %broadcast_in_dim3A_215 = vector.broadcast %squeeze3A_152 : i32 to vector<16xi32>
              %gather3A_216 = tpu.vector_load_idx %arg11[%broadcast_in_dim3A_215] : memref<4096xi32, #tpu.memory_space<vmem>>[vector<16xi32>], vector<16xi32>,
              %slice3A_217 = vector.extract_strided_slice %gather3A_216 {offsets = [0], sizes = [1], strides = [1]} : vector<16xi32> to vector<1xi32>
              %squeeze3A_218 = vector.extract %slice3A_217[0] : i32 from vector<1xi32>
              %add3A_219 = arith.constant 1 : i32
              %add3A_220 = arith.addi %squeeze3A_218, %add3A_219 : i32
              %broadcast_in_dim3A_221 = vector.broadcast %squeeze3A_152 : i32 to vector<16xi32>
              %broadcast_in_dim3A_222 = vector.broadcast %add3A_220 : i32 to vector<16xi32>
              %iota3A = tpu.iota {dimensions = array<i32: 0>} : vector<16xi32>
              %eq3A_223 = arith.constant 0 : i32
              %eq3A_224 = vector.broadcast %eq3A_223 : i32 to vector<16xi32>
              %eq3A_225 = arith.cmpi eq, %iota3A, %eq3A_224 : vector<16xi32>
              tpu.vector_store_idx %arg11[%broadcast_in_dim3A_221], %broadcast_in_dim3A_222 masked %eq3A_225 : memref<4096xi32, #tpu.memory_space<vmem>>[vector<16xi32>], vector<16xi32>, vector<16xi1>
              %sub3A = arith.subi %squeeze3A_218, %select_n3A : i32
              %slice3A_226 = vector.extract_strided_slice %get3A_74 {offsets = [8], sizes = [1], strides = [1]} : vector<16xi32> to vector<1xi32>
              %squeeze3A_227 = vector.extract %slice3A_226[0] : i32 from vector<1xi32>
              %broadcast_in_dim3A_228 = vector.broadcast %sub3A : i32 to vector<16xi32>
              %broadcast_in_dim3A_229 = vector.broadcast %squeeze3A_227 : i32 to vector<16xi32>
              %iota3A_230 = tpu.iota {dimensions = array<i32: 0>} : vector<16xi32>
              %eq3A_231 = arith.constant 0 : i32
              %eq3A_232 = vector.broadcast %eq3A_231 : i32 to vector<16xi32>
              %eq3A_233 = arith.cmpi eq, %iota3A_230, %eq3A_232 : vector<16xi32>
              tpu.vector_store_idx %arg13[%broadcast_in_dim3A_228], %broadcast_in_dim3A_229 masked %eq3A_233 : memref<12320xi32, #tpu.memory_space<vmem>>[vector<16xi32>], vector<16xi32>, vector<16xi1>
            } else {
            }
            %slice3A_159 = vector.extract_strided_slice %shift_right_logical3A_76 {offsets = [9], sizes = [1], strides = [1]} : vector<16xi32> to vector<1xi32>
            %squeeze3A_160 = vector.extract %slice3A_159[0] : i32 from vector<1xi32>
            %ge3A_161 = arith.cmpi sge, %squeeze3A_160, %scan3A_29 : i32
            %lt3A_162 = arith.cmpi slt, %squeeze3A_160, %scan3A_39 : i32
            %and3A_163 = arith.andi %ge3A_161, %lt3A_162 : i1
            %convert_element_type3A_164 = arith.extui %and3A_163 : i1 to i32
            %cond3A_165 = arith.constant 0 : i32
            %cond3A_166 = arith.cmpi ne, %convert_element_type3A_164, %cond3A_165 : i32
            scf.if %cond3A_166 {
              %broadcast_in_dim3A_215 = vector.broadcast %squeeze3A_160 : i32 to vector<16xi32>
              %gather3A_216 = tpu.vector_load_idx %arg11[%broadcast_in_dim3A_215] : memref<4096xi32, #tpu.memory_space<vmem>>[vector<16xi32>], vector<16xi32>,
              %slice3A_217 = vector.extract_strided_slice %gather3A_216 {offsets = [0], sizes = [1], strides = [1]} : vector<16xi32> to vector<1xi32>
              %squeeze3A_218 = vector.extract %slice3A_217[0] : i32 from vector<1xi32>
              %add3A_219 = arith.constant 1 : i32
              %add3A_220 = arith.addi %squeeze3A_218, %add3A_219 : i32
              %broadcast_in_dim3A_221 = vector.broadcast %squeeze3A_160 : i32 to vector<16xi32>
              %broadcast_in_dim3A_222 = vector.broadcast %add3A_220 : i32 to vector<16xi32>
              %iota3A = tpu.iota {dimensions = array<i32: 0>} : vector<16xi32>
              %eq3A_223 = arith.constant 0 : i32
              %eq3A_224 = vector.broadcast %eq3A_223 : i32 to vector<16xi32>
              %eq3A_225 = arith.cmpi eq, %iota3A, %eq3A_224 : vector<16xi32>
              tpu.vector_store_idx %arg11[%broadcast_in_dim3A_221], %broadcast_in_dim3A_222 masked %eq3A_225 : memref<4096xi32, #tpu.memory_space<vmem>>[vector<16xi32>], vector<16xi32>, vector<16xi1>
              %sub3A = arith.subi %squeeze3A_218, %select_n3A : i32
              %slice3A_226 = vector.extract_strided_slice %get3A_74 {offsets = [9], sizes = [1], strides = [1]} : vector<16xi32> to vector<1xi32>
              %squeeze3A_227 = vector.extract %slice3A_226[0] : i32 from vector<1xi32>
              %broadcast_in_dim3A_228 = vector.broadcast %sub3A : i32 to vector<16xi32>
              %broadcast_in_dim3A_229 = vector.broadcast %squeeze3A_227 : i32 to vector<16xi32>
              %iota3A_230 = tpu.iota {dimensions = array<i32: 0>} : vector<16xi32>
              %eq3A_231 = arith.constant 0 : i32
              %eq3A_232 = vector.broadcast %eq3A_231 : i32 to vector<16xi32>
              %eq3A_233 = arith.cmpi eq, %iota3A_230, %eq3A_232 : vector<16xi32>
              tpu.vector_store_idx %arg13[%broadcast_in_dim3A_228], %broadcast_in_dim3A_229 masked %eq3A_233 : memref<12320xi32, #tpu.memory_space<vmem>>[vector<16xi32>], vector<16xi32>, vector<16xi1>
            } else {
            }
            %slice3A_167 = vector.extract_strided_slice %shift_right_logical3A_76 {offsets = [10], sizes = [1], strides = [1]} : vector<16xi32> to vector<1xi32>
            %squeeze3A_168 = vector.extract %slice3A_167[0] : i32 from vector<1xi32>
            %ge3A_169 = arith.cmpi sge, %squeeze3A_168, %scan3A_29 : i32
            %lt3A_170 = arith.cmpi slt, %squeeze3A_168, %scan3A_39 : i32
            %and3A_171 = arith.andi %ge3A_169, %lt3A_170 : i1
            %convert_element_type3A_172 = arith.extui %and3A_171 : i1 to i32
            %cond3A_173 = arith.constant 0 : i32
            %cond3A_174 = arith.cmpi ne, %convert_element_type3A_172, %cond3A_173 : i32
            scf.if %cond3A_174 {
              %broadcast_in_dim3A_215 = vector.broadcast %squeeze3A_168 : i32 to vector<16xi32>
              %gather3A_216 = tpu.vector_load_idx %arg11[%broadcast_in_dim3A_215] : memref<4096xi32, #tpu.memory_space<vmem>>[vector<16xi32>], vector<16xi32>,
              %slice3A_217 = vector.extract_strided_slice %gather3A_216 {offsets = [0], sizes = [1], strides = [1]} : vector<16xi32> to vector<1xi32>
              %squeeze3A_218 = vector.extract %slice3A_217[0] : i32 from vector<1xi32>
              %add3A_219 = arith.constant 1 : i32
              %add3A_220 = arith.addi %squeeze3A_218, %add3A_219 : i32
              %broadcast_in_dim3A_221 = vector.broadcast %squeeze3A_168 : i32 to vector<16xi32>
              %broadcast_in_dim3A_222 = vector.broadcast %add3A_220 : i32 to vector<16xi32>
              %iota3A = tpu.iota {dimensions = array<i32: 0>} : vector<16xi32>
              %eq3A_223 = arith.constant 0 : i32
              %eq3A_224 = vector.broadcast %eq3A_223 : i32 to vector<16xi32>
              %eq3A_225 = arith.cmpi eq, %iota3A, %eq3A_224 : vector<16xi32>
              tpu.vector_store_idx %arg11[%broadcast_in_dim3A_221], %broadcast_in_dim3A_222 masked %eq3A_225 : memref<4096xi32, #tpu.memory_space<vmem>>[vector<16xi32>], vector<16xi32>, vector<16xi1>
              %sub3A = arith.subi %squeeze3A_218, %select_n3A : i32
              %slice3A_226 = vector.extract_strided_slice %get3A_74 {offsets = [10], sizes = [1], strides = [1]} : vector<16xi32> to vector<1xi32>
              %squeeze3A_227 = vector.extract %slice3A_226[0] : i32 from vector<1xi32>
              %broadcast_in_dim3A_228 = vector.broadcast %sub3A : i32 to vector<16xi32>
              %broadcast_in_dim3A_229 = vector.broadcast %squeeze3A_227 : i32 to vector<16xi32>
              %iota3A_230 = tpu.iota {dimensions = array<i32: 0>} : vector<16xi32>
              %eq3A_231 = arith.constant 0 : i32
              %eq3A_232 = vector.broadcast %eq3A_231 : i32 to vector<16xi32>
              %eq3A_233 = arith.cmpi eq, %iota3A_230, %eq3A_232 : vector<16xi32>
              tpu.vector_store_idx %arg13[%broadcast_in_dim3A_228], %broadcast_in_dim3A_229 masked %eq3A_233 : memref<12320xi32, #tpu.memory_space<vmem>>[vector<16xi32>], vector<16xi32>, vector<16xi1>
            } else {
            }
            %slice3A_175 = vector.extract_strided_slice %shift_right_logical3A_76 {offsets = [11], sizes = [1], strides = [1]} : vector<16xi32> to vector<1xi32>
            %squeeze3A_176 = vector.extract %slice3A_175[0] : i32 from vector<1xi32>
            %ge3A_177 = arith.cmpi sge, %squeeze3A_176, %scan3A_29 : i32
            %lt3A_178 = arith.cmpi slt, %squeeze3A_176, %scan3A_39 : i32
            %and3A_179 = arith.andi %ge3A_177, %lt3A_178 : i1
            %convert_element_type3A_180 = arith.extui %and3A_179 : i1 to i32
            %cond3A_181 = arith.constant 0 : i32
            %cond3A_182 = arith.cmpi ne, %convert_element_type3A_180, %cond3A_181 : i32
            scf.if %cond3A_182 {
              %broadcast_in_dim3A_215 = vector.broadcast %squeeze3A_176 : i32 to vector<16xi32>
              %gather3A_216 = tpu.vector_load_idx %arg11[%broadcast_in_dim3A_215] : memref<4096xi32, #tpu.memory_space<vmem>>[vector<16xi32>], vector<16xi32>,
              %slice3A_217 = vector.extract_strided_slice %gather3A_216 {offsets = [0], sizes = [1], strides = [1]} : vector<16xi32> to vector<1xi32>
              %squeeze3A_218 = vector.extract %slice3A_217[0] : i32 from vector<1xi32>
              %add3A_219 = arith.constant 1 : i32
              %add3A_220 = arith.addi %squeeze3A_218, %add3A_219 : i32
              %broadcast_in_dim3A_221 = vector.broadcast %squeeze3A_176 : i32 to vector<16xi32>
              %broadcast_in_dim3A_222 = vector.broadcast %add3A_220 : i32 to vector<16xi32>
              %iota3A = tpu.iota {dimensions = array<i32: 0>} : vector<16xi32>
              %eq3A_223 = arith.constant 0 : i32
              %eq3A_224 = vector.broadcast %eq3A_223 : i32 to vector<16xi32>
              %eq3A_225 = arith.cmpi eq, %iota3A, %eq3A_224 : vector<16xi32>
              tpu.vector_store_idx %arg11[%broadcast_in_dim3A_221], %broadcast_in_dim3A_222 masked %eq3A_225 : memref<4096xi32, #tpu.memory_space<vmem>>[vector<16xi32>], vector<16xi32>, vector<16xi1>
              %sub3A = arith.subi %squeeze3A_218, %select_n3A : i32
              %slice3A_226 = vector.extract_strided_slice %get3A_74 {offsets = [11], sizes = [1], strides = [1]} : vector<16xi32> to vector<1xi32>
              %squeeze3A_227 = vector.extract %slice3A_226[0] : i32 from vector<1xi32>
              %broadcast_in_dim3A_228 = vector.broadcast %sub3A : i32 to vector<16xi32>
              %broadcast_in_dim3A_229 = vector.broadcast %squeeze3A_227 : i32 to vector<16xi32>
              %iota3A_230 = tpu.iota {dimensions = array<i32: 0>} : vector<16xi32>
              %eq3A_231 = arith.constant 0 : i32
              %eq3A_232 = vector.broadcast %eq3A_231 : i32 to vector<16xi32>
              %eq3A_233 = arith.cmpi eq, %iota3A_230, %eq3A_232 : vector<16xi32>
              tpu.vector_store_idx %arg13[%broadcast_in_dim3A_228], %broadcast_in_dim3A_229 masked %eq3A_233 : memref<12320xi32, #tpu.memory_space<vmem>>[vector<16xi32>], vector<16xi32>, vector<16xi1>
            } else {
            }
            %slice3A_183 = vector.extract_strided_slice %shift_right_logical3A_76 {offsets = [12], sizes = [1], strides = [1]} : vector<16xi32> to vector<1xi32>
            %squeeze3A_184 = vector.extract %slice3A_183[0] : i32 from vector<1xi32>
            %ge3A_185 = arith.cmpi sge, %squeeze3A_184, %scan3A_29 : i32
            %lt3A_186 = arith.cmpi slt, %squeeze3A_184, %scan3A_39 : i32
            %and3A_187 = arith.andi %ge3A_185, %lt3A_186 : i1
            %convert_element_type3A_188 = arith.extui %and3A_187 : i1 to i32
            %cond3A_189 = arith.constant 0 : i32
            %cond3A_190 = arith.cmpi ne, %convert_element_type3A_188, %cond3A_189 : i32
            scf.if %cond3A_190 {
              %broadcast_in_dim3A_215 = vector.broadcast %squeeze3A_184 : i32 to vector<16xi32>
              %gather3A_216 = tpu.vector_load_idx %arg11[%broadcast_in_dim3A_215] : memref<4096xi32, #tpu.memory_space<vmem>>[vector<16xi32>], vector<16xi32>,
              %slice3A_217 = vector.extract_strided_slice %gather3A_216 {offsets = [0], sizes = [1], strides = [1]} : vector<16xi32> to vector<1xi32>
              %squeeze3A_218 = vector.extract %slice3A_217[0] : i32 from vector<1xi32>
              %add3A_219 = arith.constant 1 : i32
              %add3A_220 = arith.addi %squeeze3A_218, %add3A_219 : i32
              %broadcast_in_dim3A_221 = vector.broadcast %squeeze3A_184 : i32 to vector<16xi32>
              %broadcast_in_dim3A_222 = vector.broadcast %add3A_220 : i32 to vector<16xi32>
              %iota3A = tpu.iota {dimensions = array<i32: 0>} : vector<16xi32>
              %eq3A_223 = arith.constant 0 : i32
              %eq3A_224 = vector.broadcast %eq3A_223 : i32 to vector<16xi32>
              %eq3A_225 = arith.cmpi eq, %iota3A, %eq3A_224 : vector<16xi32>
              tpu.vector_store_idx %arg11[%broadcast_in_dim3A_221], %broadcast_in_dim3A_222 masked %eq3A_225 : memref<4096xi32, #tpu.memory_space<vmem>>[vector<16xi32>], vector<16xi32>, vector<16xi1>
              %sub3A = arith.subi %squeeze3A_218, %select_n3A : i32
              %slice3A_226 = vector.extract_strided_slice %get3A_74 {offsets = [12], sizes = [1], strides = [1]} : vector<16xi32> to vector<1xi32>
              %squeeze3A_227 = vector.extract %slice3A_226[0] : i32 from vector<1xi32>
              %broadcast_in_dim3A_228 = vector.broadcast %sub3A : i32 to vector<16xi32>
              %broadcast_in_dim3A_229 = vector.broadcast %squeeze3A_227 : i32 to vector<16xi32>
              %iota3A_230 = tpu.iota {dimensions = array<i32: 0>} : vector<16xi32>
              %eq3A_231 = arith.constant 0 : i32
              %eq3A_232 = vector.broadcast %eq3A_231 : i32 to vector<16xi32>
              %eq3A_233 = arith.cmpi eq, %iota3A_230, %eq3A_232 : vector<16xi32>
              tpu.vector_store_idx %arg13[%broadcast_in_dim3A_228], %broadcast_in_dim3A_229 masked %eq3A_233 : memref<12320xi32, #tpu.memory_space<vmem>>[vector<16xi32>], vector<16xi32>, vector<16xi1>
            } else {
            }
            %slice3A_191 = vector.extract_strided_slice %shift_right_logical3A_76 {offsets = [13], sizes = [1], strides = [1]} : vector<16xi32> to vector<1xi32>
            %squeeze3A_192 = vector.extract %slice3A_191[0] : i32 from vector<1xi32>
            %ge3A_193 = arith.cmpi sge, %squeeze3A_192, %scan3A_29 : i32
            %lt3A_194 = arith.cmpi slt, %squeeze3A_192, %scan3A_39 : i32
            %and3A_195 = arith.andi %ge3A_193, %lt3A_194 : i1
            %convert_element_type3A_196 = arith.extui %and3A_195 : i1 to i32
            %cond3A_197 = arith.constant 0 : i32
            %cond3A_198 = arith.cmpi ne, %convert_element_type3A_196, %cond3A_197 : i32
            scf.if %cond3A_198 {
              %broadcast_in_dim3A_215 = vector.broadcast %squeeze3A_192 : i32 to vector<16xi32>
              %gather3A_216 = tpu.vector_load_idx %arg11[%broadcast_in_dim3A_215] : memref<4096xi32, #tpu.memory_space<vmem>>[vector<16xi32>], vector<16xi32>,
              %slice3A_217 = vector.extract_strided_slice %gather3A_216 {offsets = [0], sizes = [1], strides = [1]} : vector<16xi32> to vector<1xi32>
              %squeeze3A_218 = vector.extract %slice3A_217[0] : i32 from vector<1xi32>
              %add3A_219 = arith.constant 1 : i32
              %add3A_220 = arith.addi %squeeze3A_218, %add3A_219 : i32
              %broadcast_in_dim3A_221 = vector.broadcast %squeeze3A_192 : i32 to vector<16xi32>
              %broadcast_in_dim3A_222 = vector.broadcast %add3A_220 : i32 to vector<16xi32>
              %iota3A = tpu.iota {dimensions = array<i32: 0>} : vector<16xi32>
              %eq3A_223 = arith.constant 0 : i32
              %eq3A_224 = vector.broadcast %eq3A_223 : i32 to vector<16xi32>
              %eq3A_225 = arith.cmpi eq, %iota3A, %eq3A_224 : vector<16xi32>
              tpu.vector_store_idx %arg11[%broadcast_in_dim3A_221], %broadcast_in_dim3A_222 masked %eq3A_225 : memref<4096xi32, #tpu.memory_space<vmem>>[vector<16xi32>], vector<16xi32>, vector<16xi1>
              %sub3A = arith.subi %squeeze3A_218, %select_n3A : i32
              %slice3A_226 = vector.extract_strided_slice %get3A_74 {offsets = [13], sizes = [1], strides = [1]} : vector<16xi32> to vector<1xi32>
              %squeeze3A_227 = vector.extract %slice3A_226[0] : i32 from vector<1xi32>
              %broadcast_in_dim3A_228 = vector.broadcast %sub3A : i32 to vector<16xi32>
              %broadcast_in_dim3A_229 = vector.broadcast %squeeze3A_227 : i32 to vector<16xi32>
              %iota3A_230 = tpu.iota {dimensions = array<i32: 0>} : vector<16xi32>
              %eq3A_231 = arith.constant 0 : i32
              %eq3A_232 = vector.broadcast %eq3A_231 : i32 to vector<16xi32>
              %eq3A_233 = arith.cmpi eq, %iota3A_230, %eq3A_232 : vector<16xi32>
              tpu.vector_store_idx %arg13[%broadcast_in_dim3A_228], %broadcast_in_dim3A_229 masked %eq3A_233 : memref<12320xi32, #tpu.memory_space<vmem>>[vector<16xi32>], vector<16xi32>, vector<16xi1>
            } else {
            }
            %slice3A_199 = vector.extract_strided_slice %shift_right_logical3A_76 {offsets = [14], sizes = [1], strides = [1]} : vector<16xi32> to vector<1xi32>
            %squeeze3A_200 = vector.extract %slice3A_199[0] : i32 from vector<1xi32>
            %ge3A_201 = arith.cmpi sge, %squeeze3A_200, %scan3A_29 : i32
            %lt3A_202 = arith.cmpi slt, %squeeze3A_200, %scan3A_39 : i32
            %and3A_203 = arith.andi %ge3A_201, %lt3A_202 : i1
            %convert_element_type3A_204 = arith.extui %and3A_203 : i1 to i32
            %cond3A_205 = arith.constant 0 : i32
            %cond3A_206 = arith.cmpi ne, %convert_element_type3A_204, %cond3A_205 : i32
            scf.if %cond3A_206 {
              %broadcast_in_dim3A_215 = vector.broadcast %squeeze3A_200 : i32 to vector<16xi32>
              %gather3A_216 = tpu.vector_load_idx %arg11[%broadcast_in_dim3A_215] : memref<4096xi32, #tpu.memory_space<vmem>>[vector<16xi32>], vector<16xi32>,
              %slice3A_217 = vector.extract_strided_slice %gather3A_216 {offsets = [0], sizes = [1], strides = [1]} : vector<16xi32> to vector<1xi32>
              %squeeze3A_218 = vector.extract %slice3A_217[0] : i32 from vector<1xi32>
              %add3A_219 = arith.constant 1 : i32
              %add3A_220 = arith.addi %squeeze3A_218, %add3A_219 : i32
              %broadcast_in_dim3A_221 = vector.broadcast %squeeze3A_200 : i32 to vector<16xi32>
              %broadcast_in_dim3A_222 = vector.broadcast %add3A_220 : i32 to vector<16xi32>
              %iota3A = tpu.iota {dimensions = array<i32: 0>} : vector<16xi32>
              %eq3A_223 = arith.constant 0 : i32
              %eq3A_224 = vector.broadcast %eq3A_223 : i32 to vector<16xi32>
              %eq3A_225 = arith.cmpi eq, %iota3A, %eq3A_224 : vector<16xi32>
              tpu.vector_store_idx %arg11[%broadcast_in_dim3A_221], %broadcast_in_dim3A_222 masked %eq3A_225 : memref<4096xi32, #tpu.memory_space<vmem>>[vector<16xi32>], vector<16xi32>, vector<16xi1>
              %sub3A = arith.subi %squeeze3A_218, %select_n3A : i32
              %slice3A_226 = vector.extract_strided_slice %get3A_74 {offsets = [14], sizes = [1], strides = [1]} : vector<16xi32> to vector<1xi32>
              %squeeze3A_227 = vector.extract %slice3A_226[0] : i32 from vector<1xi32>
              %broadcast_in_dim3A_228 = vector.broadcast %sub3A : i32 to vector<16xi32>
              %broadcast_in_dim3A_229 = vector.broadcast %squeeze3A_227 : i32 to vector<16xi32>
              %iota3A_230 = tpu.iota {dimensions = array<i32: 0>} : vector<16xi32>
              %eq3A_231 = arith.constant 0 : i32
              %eq3A_232 = vector.broadcast %eq3A_231 : i32 to vector<16xi32>
              %eq3A_233 = arith.cmpi eq, %iota3A_230, %eq3A_232 : vector<16xi32>
              tpu.vector_store_idx %arg13[%broadcast_in_dim3A_228], %broadcast_in_dim3A_229 masked %eq3A_233 : memref<12320xi32, #tpu.memory_space<vmem>>[vector<16xi32>], vector<16xi32>, vector<16xi1>
            } else {
            }
            %slice3A_207 = vector.extract_strided_slice %shift_right_logical3A_76 {offsets = [15], sizes = [1], strides = [1]} : vector<16xi32> to vector<1xi32>
            %squeeze3A_208 = vector.extract %slice3A_207[0] : i32 from vector<1xi32>
            %ge3A_209 = arith.cmpi sge, %squeeze3A_208, %scan3A_29 : i32
            %lt3A_210 = arith.cmpi slt, %squeeze3A_208, %scan3A_39 : i32
            %and3A_211 = arith.andi %ge3A_209, %lt3A_210 : i1
            %convert_element_type3A_212 = arith.extui %and3A_211 : i1 to i32
            %cond3A_213 = arith.constant 0 : i32
            %cond3A_214 = arith.cmpi ne, %convert_element_type3A_212, %cond3A_213 : i32
            scf.if %cond3A_214 {
              %broadcast_in_dim3A_215 = vector.broadcast %squeeze3A_208 : i32 to vector<16xi32>
              %gather3A_216 = tpu.vector_load_idx %arg11[%broadcast_in_dim3A_215] : memref<4096xi32, #tpu.memory_space<vmem>>[vector<16xi32>], vector<16xi32>,
              %slice3A_217 = vector.extract_strided_slice %gather3A_216 {offsets = [0], sizes = [1], strides = [1]} : vector<16xi32> to vector<1xi32>
              %squeeze3A_218 = vector.extract %slice3A_217[0] : i32 from vector<1xi32>
              %add3A_219 = arith.constant 1 : i32
              %add3A_220 = arith.addi %squeeze3A_218, %add3A_219 : i32
              %broadcast_in_dim3A_221 = vector.broadcast %squeeze3A_208 : i32 to vector<16xi32>
              %broadcast_in_dim3A_222 = vector.broadcast %add3A_220 : i32 to vector<16xi32>
              %iota3A = tpu.iota {dimensions = array<i32: 0>} : vector<16xi32>
              %eq3A_223 = arith.constant 0 : i32
              %eq3A_224 = vector.broadcast %eq3A_223 : i32 to vector<16xi32>
              %eq3A_225 = arith.cmpi eq, %iota3A, %eq3A_224 : vector<16xi32>
              tpu.vector_store_idx %arg11[%broadcast_in_dim3A_221], %broadcast_in_dim3A_222 masked %eq3A_225 : memref<4096xi32, #tpu.memory_space<vmem>>[vector<16xi32>], vector<16xi32>, vector<16xi1>
              %sub3A = arith.subi %squeeze3A_218, %select_n3A : i32
              %slice3A_226 = vector.extract_strided_slice %get3A_74 {offsets = [15], sizes = [1], strides = [1]} : vector<16xi32> to vector<1xi32>
              %squeeze3A_227 = vector.extract %slice3A_226[0] : i32 from vector<1xi32>
              %broadcast_in_dim3A_228 = vector.broadcast %sub3A : i32 to vector<16xi32>
              %broadcast_in_dim3A_229 = vector.broadcast %squeeze3A_227 : i32 to vector<16xi32>
              %iota3A_230 = tpu.iota {dimensions = array<i32: 0>} : vector<16xi32>
              %eq3A_231 = arith.constant 0 : i32
              %eq3A_232 = vector.broadcast %eq3A_231 : i32 to vector<16xi32>
              %eq3A_233 = arith.cmpi eq, %iota3A_230, %eq3A_232 : vector<16xi32>
              tpu.vector_store_idx %arg13[%broadcast_in_dim3A_228], %broadcast_in_dim3A_229 masked %eq3A_233 : memref<12320xi32, #tpu.memory_space<vmem>>[vector<16xi32>], vector<16xi32>, vector<16xi1>
            } else {
            }
          } else {
          }
          %scan3A_86 = arith.constant 0 : i32
          scf.yield %scan3A_86 : i32
        }
        %scan3A_68 = arith.constant 512 : i32
        %scan3A_69 = arith.constant 0 : i32
        scf.yield %scan3A_69 : i32
      }
      %scan3A_49 = arith.constant 16 : i32
      %mul3A_50 = arith.constant 12320 : i32
      %mul3A_51 = arith.muli %arg1, %mul3A_50 : i32
      "tpu.region"() ({
        %run_scoped3A = tpu.sem_alloc : memref<!tpu.dma_semaphore, #tpu.memory_space<semaphore_mem>>
        %dma_start3A = tpu.memref_slice %arg7[%mul3A_51] : memref<197120xi32, #tpu.memory_space<hbm>> -> memref<12320xi32, #tpu.memory_space<hbm>>
        %dma_start3A_58 = tpu.memref_slice %arg7[%mul3A_51] : memref<197120xi32, #tpu.memory_space<hbm>> -> memref<12320xi32, #tpu.memory_space<hbm>>
        tpu.enqueue_dma source(%arg13 : memref<12320xi32, #tpu.memory_space<vmem>>) target(%dma_start3A_58 : memref<12320xi32, #tpu.memory_space<hbm>>) target_semaphore(%run_scoped3A : memref<!tpu.dma_semaphore, #tpu.memory_space<semaphore_mem>>)
        %dma_wait3A = tpu.memref_slice %arg7[%mul3A_51] : memref<197120xi32, #tpu.memory_space<hbm>> -> memref<12320xi32, #tpu.memory_space<hbm>>
        %dma_wait3A_59 = tpu.memref_slice %arg7[%mul3A_51] : memref<197120xi32, #tpu.memory_space<hbm>> -> memref<12320xi32, #tpu.memory_space<hbm>>
        tpu.wait_dma2 semaphore(%run_scoped3A : memref<!tpu.dma_semaphore, #tpu.memory_space<semaphore_mem>>) src(%arg13 : memref<12320xi32, #tpu.memory_space<vmem>>) dst(%dma_wait3A_59 : memref<12320xi32, #tpu.memory_space<hbm>>)
        tpu.yield
      }) : () -> ()
      %barrier3A_52 = arith.constant 0 : index
      tpu.barrier barrier_id(%barrier3A_52)
      %eq3A_53 = arith.constant 0 : i32
      %eq3A_54 = arith.cmpi eq, %arg1, %eq3A_53 : i32
      %convert_element_type3A_55 = arith.extui %eq3A_54 : i1 to i32
      %cond3A_56 = arith.constant 0 : i32
      %cond3A_57 = arith.cmpi ne, %convert_element_type3A_55, %cond3A_56 : i32
      scf.if %cond3A_57 {
        "tpu.region"() ({
          %run_scoped3A = tpu.sem_alloc : memref<!tpu.dma_semaphore, #tpu.memory_space<semaphore_mem>>
          tpu.enqueue_dma source(%arg3 : memref<4096xf32, #tpu.memory_space<hbm>>) target(%arg8 : memref<4096xf32, #tpu.memory_space<vmem>>) target_semaphore(%run_scoped3A : memref<!tpu.dma_semaphore, #tpu.memory_space<semaphore_mem>>)
          tpu.wait_dma2 semaphore(%run_scoped3A : memref<!tpu.dma_semaphore, #tpu.memory_space<semaphore_mem>>) src(%arg3 : memref<4096xf32, #tpu.memory_space<hbm>>) dst(%arg8 : memref<4096xf32, #tpu.memory_space<vmem>>)
          tpu.yield
        }) : () -> ()
        "tpu.region"() ({
          %run_scoped3A = tpu.sem_alloc : memref<!tpu.dma_semaphore, #tpu.memory_space<semaphore_mem>>
          tpu.enqueue_dma source(%arg6 : memref<4096xi32, #tpu.memory_space<hbm>>) target(%arg11 : memref<4096xi32, #tpu.memory_space<vmem>>) target_semaphore(%run_scoped3A : memref<!tpu.dma_semaphore, #tpu.memory_space<semaphore_mem>>)
          tpu.wait_dma2 semaphore(%run_scoped3A : memref<!tpu.dma_semaphore, #tpu.memory_space<semaphore_mem>>) src(%arg6 : memref<4096xi32, #tpu.memory_space<hbm>>) dst(%arg11 : memref<4096xi32, #tpu.memory_space<vmem>>)
          tpu.yield
        }) : () -> ()
        %scan3A_58 = arith.constant 0 : i32
        %scan3A_59 = arith.constant 0 : i32
        %scan3A_60 = arith.constant 256 : i32
        %scan3A_61 = arith.addi %scan3A_59, %scan3A_60 : i32
        %scan3A_62 = arith.constant 1 : i32
        %scan3A_63 = scf.for %scan3A_104 = %scan3A_59 to %scan3A_61 step %scan3A_62 iter_args(%scan3A_105 = %scan3A_58) -> (i32)  : i32 {
          %iota3A = tpu.iota {dimensions = array<i32: 0>} : vector<16xi32>
          %mul3A_106 = arith.constant 16 : i32
          %mul3A_107 = arith.muli %scan3A_104, %mul3A_106 : i32
          %add3A_108 = vector.broadcast %mul3A_107 : i32 to vector<16xi32>
          %add3A_109 = arith.addi %iota3A, %add3A_108 : vector<16xi32>
          %mul3A_110 = arith.constant 16 : i32
          %mul3A_111 = arith.muli %scan3A_104, %mul3A_110 : i32
          %swap3A_112 = arith.index_cast %mul3A_111 : i32 to index
          %swap3A_113 = tpu.vector_load %arg9[%swap3A_112] {strides = array<i32>} : memref<4096xi32, #tpu.memory_space<vmem>>, vector<16xi32>,
          tpu.vector_store %arg9[%swap3A_112], %add3A_109 {strides = array<i32>} : memref<4096xi32, #tpu.memory_space<vmem>>, vector<16xi32>,
          %broadcast_in_dim3A_114 = arith.constant -1.000000e+00 : f32
          %broadcast_in_dim3A_115 = vector.broadcast %broadcast_in_dim3A_114 : f32 to vector<16xf32>
          %mul3A_116 = arith.constant 16 : i32
          %mul3A_117 = arith.muli %scan3A_104, %mul3A_116 : i32
          %swap3A_118 = arith.index_cast %mul3A_117 : i32 to index
          %swap3A_119 = tpu.vector_load %arg10[%swap3A_118] {strides = array<i32>} : memref<4096xf32, #tpu.memory_space<vmem>>, vector<16xf32>,
          tpu.vector_store %arg10[%swap3A_118], %broadcast_in_dim3A_115 {strides = array<i32>} : memref<4096xf32, #tpu.memory_space<vmem>>, vector<16xf32>,
          %scan3A_120 = arith.constant 0 : i32
          scf.yield %scan3A_120 : i32
        }
        %scan3A_64 = arith.constant 256 : i32
        %scan3A_65 = arith.constant 0 : i32
        %scan3A_66 = arith.constant 0 : i32
        %scan3A_67 = arith.constant 17 : i32
        %scan3A_68 = arith.addi %scan3A_66, %scan3A_67 : i32
        %scan3A_69 = arith.constant 1 : i32
        %scan3A_70 = scf.for %scan3A_104 = %scan3A_66 to %scan3A_68 step %scan3A_69 iter_args(%scan3A_105 = %scan3A_65) -> (i32)  : i32 {
          %mul3A_106 = arith.constant 8192 : i32
          %mul3A_107 = arith.muli %scan3A_104, %mul3A_106 : i32
          %scan3A_108 = arith.constant 0 : i32
          %scan3A_109 = arith.constant 0 : i32
          %scan3A_110 = arith.constant 256 : i32
          %scan3A_111 = arith.addi %scan3A_109, %scan3A_110 : i32
          %scan3A_112 = arith.constant 1 : i32
          %scan3A_113 = scf.for %scan3A_121 = %scan3A_109 to %scan3A_111 step %scan3A_112 iter_args(%scan3A_122 = %scan3A_108) -> (i32)  : i32 {
            %mul3A_123 = arith.constant 16 : i32
            %mul3A_124 = arith.muli %scan3A_121, %mul3A_123 : i32
            %get3A = arith.index_cast %mul3A_124 : i32 to index
            %get3A_125 = tpu.vector_load %arg11[%get3A] {strides = array<i32>} : memref<4096xi32, #tpu.memory_space<vmem>>, vector<16xi32>,
            %lt3A_126 = vector.broadcast %mul3A_107 : i32 to vector<16xi32>
            %lt3A_127 = arith.cmpi slt, %get3A_125, %lt3A_126 : vector<16xi32>
            %jit3A_128 = arith.constant 1 : i32
            %jit3A_129 = arith.constant 0 : i32
            %broadcast_in_dim3A_130 = vector.broadcast %jit3A_128 : i32 to vector<16xi32>
            %broadcast_in_dim3A_131 = vector.broadcast %jit3A_129 : i32 to vector<16xi32>
            %select_n3A_132 = arith.select %lt3A_127, %broadcast_in_dim3A_130, %broadcast_in_dim3A_131 : vector<16xi1>, vector<16xi32>
            %reduce_sum3A = arith.constant true
            %reduce_sum3A_133 = vector.broadcast %reduce_sum3A : i1 to vector<16xi1>
            %reduce_sum3A_134 = tpu.scan <sum>, %select_n3A_132 masked %reduce_sum3A_133 : vector<16xi32>, vector<16xi1> -> vector<16xi32>
            %reduce_sum3A_135 = vector.extract %reduce_sum3A_134[15] : i32 from vector<16xi32>
            %add3A_136 = arith.addi %scan3A_122, %reduce_sum3A_135 : i32
            scf.yield %add3A_136 : i32
          }
          %scan3A_114 = arith.constant 256 : i32
          %broadcast_in_dim3A_115 = vector.broadcast %scan3A_104 : i32 to vector<16xi32>
          %broadcast_in_dim3A_116 = vector.broadcast %scan3A_113 : i32 to vector<16xi32>
          %iota3A = tpu.iota {dimensions = array<i32: 0>} : vector<16xi32>
          %eq3A_117 = arith.constant 0 : i32
          %eq3A_118 = vector.broadcast %eq3A_117 : i32 to vector<16xi32>
          %eq3A_119 = arith.cmpi eq, %iota3A, %eq3A_118 : vector<16xi32>
          tpu.vector_store_idx %arg15[%broadcast_in_dim3A_115], %broadcast_in_dim3A_116 masked %eq3A_119 : memref<32xi32, #tpu.memory_space<vmem>>[vector<16xi32>], vector<16xi32>, vector<16xi1>
          %scan3A_120 = arith.constant 0 : i32
          scf.yield %scan3A_120 : i32
        }
        %scan3A_71 = arith.constant 17 : i32
        %scan3A_72 = arith.constant -1 : i32
        %scan3A_73 = arith.constant -1 : i32
        %scan3A_74 = arith.constant 0 : i32
        %scan3A_75 = arith.constant 16 : i32
        %scan3A_76 = arith.addi %scan3A_74, %scan3A_75 : i32
        %scan3A_77 = arith.constant 1 : i32
        %scan3A_78:2 = scf.for %scan3A_104 = %scan3A_74 to %scan3A_76 step %scan3A_77 iter_args(%scan3A_105 = %scan3A_72, %scan3A_106 = %scan3A_73) -> (i32, i32)  : i32 {
          %broadcast_in_dim3A_107 = vector.broadcast %scan3A_104 : i32 to vector<16xi32>
          %gather3A_108 = tpu.vector_load_idx %arg15[%broadcast_in_dim3A_107] : memref<32xi32, #tpu.memory_space<vmem>>[vector<16xi32>], vector<16xi32>,
          %slice3A_109 = vector.extract_strided_slice %gather3A_108 {offsets = [0], sizes = [1], strides = [1]} : vector<16xi32> to vector<1xi32>
          %squeeze3A_110 = vector.extract %slice3A_109[0] : i32 from vector<1xi32>
          %add3A_111 = arith.constant 1 : i32
          %add3A_112 = arith.addi %scan3A_104, %add3A_111 : i32
          %broadcast_in_dim3A_113 = vector.broadcast %add3A_112 : i32 to vector<16xi32>
          %gather3A_114 = tpu.vector_load_idx %arg15[%broadcast_in_dim3A_113] : memref<32xi32, #tpu.memory_space<vmem>>[vector<16xi32>], vector<16xi32>,
          %slice3A_115 = vector.extract_strided_slice %gather3A_114 {offsets = [0], sizes = [1], strides = [1]} : vector<16xi32> to vector<1xi32>
          %squeeze3A_116 = vector.extract %slice3A_115[0] : i32 from vector<1xi32>
          %lt3A_117 = arith.constant 4096 : i32
          %lt3A_118 = arith.cmpi slt, %squeeze3A_116, %lt3A_117 : i32
          %min3A_119 = arith.constant 4095 : i32
          %min3A_120 = arith.minsi %squeeze3A_116, %min3A_119 : i32
          %broadcast_in_dim3A_121 = vector.broadcast %min3A_120 : i32 to vector<16xi32>
          %gather3A_122 = tpu.vector_load_idx %arg11[%broadcast_in_dim3A_121] : memref<4096xi32, #tpu.memory_space<vmem>>[vector<16xi32>], vector<16xi32>,
          %slice3A_123 = vector.extract_strided_slice %gather3A_122 {offsets = [0], sizes = [1], strides = [1]} : vector<16xi32> to vector<1xi32>
          %squeeze3A_124 = vector.extract %slice3A_123[0] : i32 from vector<1xi32>
          %jit3A_125 = arith.constant 131072 : i32
          %select_n3A_126 = arith.select %lt3A_118, %squeeze3A_124, %jit3A_125 : i32
          %lt3A_127 = arith.constant 4096 : i32
          %lt3A_128 = arith.cmpi slt, %squeeze3A_110, %lt3A_127 : i32
          %min3A_129 = arith.constant 4095 : i32
          %min3A_130 = arith.minsi %squeeze3A_110, %min3A_129 : i32
          %broadcast_in_dim3A_131 = vector.broadcast %min3A_130 : i32 to vector<16xi32>
          %gather3A_132 = tpu.vector_load_idx %arg11[%broadcast_in_dim3A_131] : memref<4096xi32, #tpu.memory_space<vmem>>[vector<16xi32>], vector<16xi32>,
          %slice3A_133 = vector.extract_strided_slice %gather3A_132 {offsets = [0], sizes = [1], strides = [1]} : vector<16xi32> to vector<1xi32>
          %squeeze3A_134 = vector.extract %slice3A_133[0] : i32 from vector<1xi32>
          %jit3A_135 = arith.constant 131072 : i32
          %select_n3A_136 = arith.select %lt3A_128, %squeeze3A_134, %jit3A_135 : i32
          %sub3A = arith.subi %select_n3A_126, %select_n3A_136 : i32
          %mul3A_137 = arith.constant 12320 : i32
          %mul3A_138 = arith.muli %scan3A_104, %mul3A_137 : i32
          "tpu.region"() ({
            %run_scoped3A = tpu.sem_alloc : memref<!tpu.dma_semaphore, #tpu.memory_space<semaphore_mem>>
            %dma_start3A = tpu.memref_slice %arg7[%mul3A_138] : memref<197120xi32, #tpu.memory_space<hbm>> -> memref<12320xi32, #tpu.memory_space<hbm>>
            %dma_start3A_170 = tpu.memref_slice %arg7[%mul3A_138] : memref<197120xi32, #tpu.memory_space<hbm>> -> memref<12320xi32, #tpu.memory_space<hbm>>
            tpu.enqueue_dma source(%dma_start3A_170 : memref<12320xi32, #tpu.memory_space<hbm>>) target(%arg13 : memref<12320xi32, #tpu.memory_space<vmem>>) target_semaphore(%run_scoped3A : memref<!tpu.dma_semaphore, #tpu.memory_space<semaphore_mem>>)
            %dma_wait3A = tpu.memref_slice %arg7[%mul3A_138] : memref<197120xi32, #tpu.memory_space<hbm>> -> memref<12320xi32, #tpu.memory_space<hbm>>
            %dma_wait3A_171 = tpu.memref_slice %arg7[%mul3A_138] : memref<197120xi32, #tpu.memory_space<hbm>> -> memref<12320xi32, #tpu.memory_space<hbm>>
            tpu.wait_dma2 semaphore(%run_scoped3A : memref<!tpu.dma_semaphore, #tpu.memory_space<semaphore_mem>>) src(%dma_wait3A_171 : memref<12320xi32, #tpu.memory_space<hbm>>) dst(%arg13 : memref<12320xi32, #tpu.memory_space<vmem>>)
            tpu.yield
          }) : () -> ()
          %add3A_139 = arith.constant 15 : i32
          %add3A_140 = arith.addi %sub3A, %add3A_139 : i32
          %jit3A_141 = arith.constant 16 : i32
          %div3A = arith.divsi %add3A_140, %jit3A_141 : i32
          %sign3A = arith.constant 0 : i32
          %sign3A_142 = arith.cmpi sgt, %add3A_140, %sign3A : i32
          %sign3A_143 = arith.extui %sign3A_142 : i1 to i32
          %sign3A_144 = arith.constant 0 : i32
          %sign3A_145 = arith.cmpi slt, %add3A_140, %sign3A_144 : i32
          %sign3A_146 = arith.extui %sign3A_145 : i1 to i32
          %sign3A_147 = arith.subi %sign3A_143, %sign3A_146 : i32
          %sign3A_148 = arith.constant 0 : i32
          %sign3A_149 = arith.cmpi sgt, %jit3A_141, %sign3A_148 : i32
          %sign3A_150 = arith.extui %sign3A_149 : i1 to i32
          %sign3A_151 = arith.constant 0 : i32
          %sign3A_152 = arith.cmpi slt, %jit3A_141, %sign3A_151 : i32
          %sign3A_153 = arith.extui %sign3A_152 : i1 to i32
          %sign3A_154 = arith.subi %sign3A_150, %sign3A_153 : i32
          %ne3A = arith.cmpi ne, %sign3A_147, %sign3A_154 : i32
          %rem3A = arith.remsi %add3A_140, %jit3A_141 : i32
          %ne3A_155 = arith.constant 0 : i32
          %ne3A_156 = arith.cmpi ne, %rem3A, %ne3A_155 : i32
          %and3A = arith.andi %ne3A, %ne3A_156 : i1
          %sub3A_157 = arith.constant 1 : i32
          %sub3A_158 = arith.subi %div3A, %sub3A_157 : i32
          %select_n3A_159 = arith.select %and3A, %sub3A_158, %div3A : i32
          %while3A = arith.constant 0 : i32
          %while3A_160 = arith.subi %select_n3A_159, %while3A : i32
          %while3A_161 = arith.addi %while3A, %while3A_160 : i32
          %while3A_162 = arith.constant 1 : i32
          %while3A_163 = arith.divsi %while3A_160, %while3A_162 : i32
          %while3A_164 = arith.muli %while3A_163, %while3A_162 : i32
          %while3A_165 = arith.addi %while3A, %while3A_164 : i32
          %while3A_166 = arith.constant 1 : i32
          %while3A_167:2 = scf.for %while3A_170 = %while3A to %while3A_165 step %while3A_166 iter_args(%while3A_171 = %scan3A_105, %while3A_172 = %scan3A_106) -> (i32, i32)  : i32 {
            %mul3A_173 = arith.constant 16 : i32
            %mul3A_174 = arith.muli %while3A_170, %mul3A_173 : i32
            %get3A = arith.index_cast %mul3A_174 : i32 to index
            %get3A_175 = tpu.vector_load %arg13[%get3A] {strides = array<i32>} : memref<12320xi32, #tpu.memory_space<vmem>>, vector<16xi32>,
            %and3A_176 = arith.constant 4095 : i32
            %and3A_177 = vector.broadcast %and3A_176 : i32 to vector<16xi32>
            %and3A_178 = arith.andi %get3A_175, %and3A_177 : vector<16xi32>
            %shift_right_logical3A = arith.constant 12 : i32
            %shift_right_logical3A_179 = vector.broadcast %shift_right_logical3A : i32 to vector<16xi32>
            %shift_right_logical3A_180 = arith.shrui %get3A_175, %shift_right_logical3A_179 : vector<16xi32>
            %while3A_181 = arith.constant true
            %while3A_182:2 = scf.while (%while3A_614 = %and3A_178, %while3A_615 = %while3A_181) : (vector<16xi32>, i1) -> (vector<16xi32>, i1) {
              scf.condition(%while3A_615) %while3A_614, %while3A_615 : vector<16xi32>, i1
            } do {
            ^bb0(%while3A_614: vector<16xi32>, %while3A_615: i1):
              %gather3A_616 = tpu.vector_load_idx %arg9[%while3A_614] : memref<4096xi32, #tpu.memory_space<vmem>>[vector<16xi32>], vector<16xi32>,
              %ne3A_617 = arith.cmpi ne, %gather3A_616, %while3A_614 : vector<16xi32>
              %all_reduce_population_count3A = tpu.all_reduce %ne3A_617 {dim = 0 : i64, kind = #tpu.reduction_kind<sum>} : vector<16xi1> -> vector<16xi32>
              %slice3A_618 = vector.extract_strided_slice %all_reduce_population_count3A {offsets = [0], sizes = [1], strides = [1]} : vector<16xi32> to vector<1xi32>
              %squeeze3A_619 = vector.extract %slice3A_618[0] : i32 from vector<1xi32>
              %ne3A_620 = arith.constant 0 : i32
              %ne3A_621 = arith.cmpi ne, %squeeze3A_619, %ne3A_620 : i32
              scf.yield %gather3A_616, %ne3A_621 : vector<16xi32>, i1
            }
            %mul3A_183 = arith.constant 16 : i32
            %mul3A_184 = arith.muli %while3A_170, %mul3A_183 : i32
            %add3A_185 = arith.constant 0 : i32
            %add3A_186 = arith.addi %mul3A_184, %add3A_185 : i32
            %lt3A_187 = arith.cmpi slt, %add3A_186, %sub3A : i32
            %slice3A_188 = vector.extract_strided_slice %shift_right_logical3A_180 {offsets = [0], sizes = [1], strides = [1]} : vector<16xi32> to vector<1xi32>
            %squeeze3A_189 = vector.extract %slice3A_188[0] : i32 from vector<1xi32>
            %slice3A_190 = vector.extract_strided_slice %and3A_178 {offsets = [0], sizes = [1], strides = [1]} : vector<16xi32> to vector<1xi32>
            %squeeze3A_191 = vector.extract %slice3A_190[0] : i32 from vector<1xi32>
            %ne3A_192 = arith.cmpi ne, %squeeze3A_189, %while3A_171 : i32
            %and3A_193 = arith.andi %lt3A_187, %ne3A_192 : i1
            %select_n3A_194 = arith.select %and3A_193, %squeeze3A_189, %while3A_172 : i32
            %select_n3A_195 = arith.select %lt3A_187, %squeeze3A_189, %while3A_171 : i32
            %slice3A_196 = vector.extract_strided_slice %while3A_182#0 {offsets = [0], sizes = [1], strides = [1]} : vector<16xi32> to vector<1xi32>
            %squeeze3A_197 = vector.extract %slice3A_196[0] : i32 from vector<1xi32>
            %while3A_198 = scf.while (%while3A_614 = %squeeze3A_197) : (i32) -> i32 {
              %broadcast_in_dim3A_615 = vector.broadcast %while3A_614 : i32 to vector<16xi32>
              %gather3A_616 = tpu.vector_load_idx %arg9[%broadcast_in_dim3A_615] : memref<4096xi32, #tpu.memory_space<vmem>>[vector<16xi32>], vector<16xi32>,
              %slice3A_617 = vector.extract_strided_slice %gather3A_616 {offsets = [0], sizes = [1], strides = [1]} : vector<16xi32> to vector<1xi32>
              %squeeze3A_618 = vector.extract %slice3A_617[0] : i32 from vector<1xi32>
              %ne3A_619 = arith.cmpi ne, %squeeze3A_618, %while3A_614 : i32
              scf.condition(%ne3A_619) %while3A_614 : i32
            } do {
            ^bb0(%while3A_614: i32):
              %broadcast_in_dim3A_615 = vector.broadcast %while3A_614 : i32 to vector<16xi32>
              %gather3A_616 = tpu.vector_load_idx %arg9[%broadcast_in_dim3A_615] : memref<4096xi32, #tpu.memory_space<vmem>>[vector<16xi32>], vector<16xi32>,
              %slice3A_617 = vector.extract_strided_slice %gather3A_616 {offsets = [0], sizes = [1], strides = [1]} : vector<16xi32> to vector<1xi32>
              %squeeze3A_618 = vector.extract %slice3A_617[0] : i32 from vector<1xi32>
              scf.yield %squeeze3A_618 : i32
            }
            %max3A = arith.maxsi %select_n3A_194, %while3A_198 : i32
            %min3A_199 = arith.minsi %select_n3A_194, %while3A_198 : i32
            %ne3A_200 = arith.cmpi ne, %while3A_198, %select_n3A_194 : i32
            %and3A_201 = arith.andi %lt3A_187, %ne3A_200 : i1
            %convert_element_type3A_202 = arith.extui %lt3A_187 : i1 to i32
            %cond3A_203 = arith.constant 0 : i32
            %cond3A_204 = arith.cmpi ne, %convert_element_type3A_202, %cond3A_203 : i32
            scf.if %cond3A_204 {
              %broadcast_in_dim3A_614 = vector.broadcast %squeeze3A_191 : i32 to vector<16xi32>
              %broadcast_in_dim3A_615 = vector.broadcast %while3A_198 : i32 to vector<16xi32>
              %iota3A = tpu.iota {dimensions = array<i32: 0>} : vector<16xi32>
              %eq3A_616 = arith.constant 0 : i32
              %eq3A_617 = vector.broadcast %eq3A_616 : i32 to vector<16xi32>
              %eq3A_618 = arith.cmpi eq, %iota3A, %eq3A_617 : vector<16xi32>
              tpu.vector_store_idx %arg9[%broadcast_in_dim3A_614], %broadcast_in_dim3A_615 masked %eq3A_618 : memref<4096xi32, #tpu.memory_space<vmem>>[vector<16xi32>], vector<16xi32>, vector<16xi1>
            } else {
            }
            %convert_element_type3A_205 = arith.extui %and3A_201 : i1 to i32
            %cond3A_206 = arith.constant 0 : i32
            %cond3A_207 = arith.cmpi ne, %convert_element_type3A_205, %cond3A_206 : i32
            scf.if %cond3A_207 {
              %broadcast_in_dim3A_614 = vector.broadcast %max3A : i32 to vector<16xi32>
              %broadcast_in_dim3A_615 = vector.broadcast %min3A_199 : i32 to vector<16xi32>
              %iota3A = tpu.iota {dimensions = array<i32: 0>} : vector<16xi32>
              %eq3A_616 = arith.constant 0 : i32
              %eq3A_617 = vector.broadcast %eq3A_616 : i32 to vector<16xi32>
              %eq3A_618 = arith.cmpi eq, %iota3A, %eq3A_617 : vector<16xi32>
              tpu.vector_store_idx %arg9[%broadcast_in_dim3A_614], %broadcast_in_dim3A_615 masked %eq3A_618 : memref<4096xi32, #tpu.memory_space<vmem>>[vector<16xi32>], vector<16xi32>, vector<16xi1>
              %ne3A_619 = arith.cmpi ne, %max3A, %squeeze3A_189 : i32
              %convert_element_type3A_620 = arith.extui %ne3A_619 : i1 to i32
              %cond3A_621 = arith.constant 0 : i32
              %cond3A_622 = arith.cmpi ne, %convert_element_type3A_620, %cond3A_621 : i32
              scf.if %cond3A_622 {
                %broadcast_in_dim3A_623 = vector.broadcast %max3A : i32 to vector<16xi32>
                %gather3A_624 = tpu.vector_load_idx %arg8[%broadcast_in_dim3A_623] : memref<4096xf32, #tpu.memory_space<vmem>>[vector<16xi32>], vector<16xf32>,
                %slice3A_625 = vector.extract_strided_slice %gather3A_624 {offsets = [0], sizes = [1], strides = [1]} : vector<16xf32> to vector<1xf32>
                %squeeze3A_626 = vector.extract %slice3A_625[0] : f32 from vector<1xf32>
                %broadcast_in_dim3A_627 = vector.broadcast %squeeze3A_189 : i32 to vector<16xi32>
                %gather3A_628 = tpu.vector_load_idx %arg8[%broadcast_in_dim3A_627] : memref<4096xf32, #tpu.memory_space<vmem>>[vector<16xi32>], vector<16xf32>,
                %slice3A_629 = vector.extract_strided_slice %gather3A_628 {offsets = [0], sizes = [1], strides = [1]} : vector<16xf32> to vector<1xf32>
                %squeeze3A_630 = vector.extract %slice3A_629[0] : f32 from vector<1xf32>
                %sub3A_631 = arith.subf %squeeze3A_626, %squeeze3A_630 : f32
                %broadcast_in_dim3A_632 = vector.broadcast %max3A : i32 to vector<16xi32>
                %broadcast_in_dim3A_633 = vector.broadcast %sub3A_631 : f32 to vector<16xf32>
                %iota3A_634 = tpu.iota {dimensions = array<i32: 0>} : vector<16xi32>
                %eq3A_635 = arith.constant 0 : i32
                %eq3A_636 = vector.broadcast %eq3A_635 : i32 to vector<16xi32>
                %eq3A_637 = arith.cmpi eq, %iota3A_634, %eq3A_636 : vector<16xi32>
                tpu.vector_store_idx %arg10[%broadcast_in_dim3A_632], %broadcast_in_dim3A_633 masked %eq3A_637 : memref<4096xf32, #tpu.memory_space<vmem>>[vector<16xi32>], vector<16xf32>, vector<16xi1>
              } else {
              }
            } else {
            }
            %select_n3A_208 = arith.select %and3A_201, %min3A_199, %select_n3A_194 : i32
            %mul3A_209 = arith.constant 16 : i32
            %mul3A_210 = arith.muli %while3A_170, %mul3A_209 : i32
            %add3A_211 = arith.constant 1 : i32
            %add3A_212 = arith.addi %mul3A_210, %add3A_211 : i32
            %lt3A_213 = arith.cmpi slt, %add3A_212, %sub3A : i32
            %slice3A_214 = vector.extract_strided_slice %shift_right_logical3A_180 {offsets = [1], sizes = [1], strides = [1]} : vector<16xi32> to vector<1xi32>
            %squeeze3A_215 = vector.extract %slice3A_214[0] : i32 from vector<1xi32>
            %slice3A_216 = vector.extract_strided_slice %and3A_178 {offsets = [1], sizes = [1], strides = [1]} : vector<16xi32> to vector<1xi32>
            %squeeze3A_217 = vector.extract %slice3A_216[0] : i32 from vector<1xi32>
            %ne3A_218 = arith.cmpi ne, %squeeze3A_215, %select_n3A_195 : i32
            %and3A_219 = arith.andi %lt3A_213, %ne3A_218 : i1
            %select_n3A_220 = arith.select %and3A_219, %squeeze3A_215, %select_n3A_208 : i32
            %select_n3A_221 = arith.select %lt3A_213, %squeeze3A_215, %select_n3A_195 : i32
            %slice3A_222 = vector.extract_strided_slice %while3A_182#0 {offsets = [1], sizes = [1], strides = [1]} : vector<16xi32> to vector<1xi32>
            %squeeze3A_223 = vector.extract %slice3A_222[0] : i32 from vector<1xi32>
            %while3A_224 = scf.while (%while3A_614 = %squeeze3A_223) : (i32) -> i32 {
              %broadcast_in_dim3A_615 = vector.broadcast %while3A_614 : i32 to vector<16xi32>
              %gather3A_616 = tpu.vector_load_idx %arg9[%broadcast_in_dim3A_615] : memref<4096xi32, #tpu.memory_space<vmem>>[vector<16xi32>], vector<16xi32>,
              %slice3A_617 = vector.extract_strided_slice %gather3A_616 {offsets = [0], sizes = [1], strides = [1]} : vector<16xi32> to vector<1xi32>
              %squeeze3A_618 = vector.extract %slice3A_617[0] : i32 from vector<1xi32>
              %ne3A_619 = arith.cmpi ne, %squeeze3A_618, %while3A_614 : i32
              scf.condition(%ne3A_619) %while3A_614 : i32
            } do {
            ^bb0(%while3A_614: i32):
              %broadcast_in_dim3A_615 = vector.broadcast %while3A_614 : i32 to vector<16xi32>
              %gather3A_616 = tpu.vector_load_idx %arg9[%broadcast_in_dim3A_615] : memref<4096xi32, #tpu.memory_space<vmem>>[vector<16xi32>], vector<16xi32>,
              %slice3A_617 = vector.extract_strided_slice %gather3A_616 {offsets = [0], sizes = [1], strides = [1]} : vector<16xi32> to vector<1xi32>
              %squeeze3A_618 = vector.extract %slice3A_617[0] : i32 from vector<1xi32>
              scf.yield %squeeze3A_618 : i32
            }
            %max3A_225 = arith.maxsi %select_n3A_220, %while3A_224 : i32
            %min3A_226 = arith.minsi %select_n3A_220, %while3A_224 : i32
            %ne3A_227 = arith.cmpi ne, %while3A_224, %select_n3A_220 : i32
            %and3A_228 = arith.andi %lt3A_213, %ne3A_227 : i1
            %convert_element_type3A_229 = arith.extui %lt3A_213 : i1 to i32
            %cond3A_230 = arith.constant 0 : i32
            %cond3A_231 = arith.cmpi ne, %convert_element_type3A_229, %cond3A_230 : i32
            scf.if %cond3A_231 {
              %broadcast_in_dim3A_614 = vector.broadcast %squeeze3A_217 : i32 to vector<16xi32>
              %broadcast_in_dim3A_615 = vector.broadcast %while3A_224 : i32 to vector<16xi32>
              %iota3A = tpu.iota {dimensions = array<i32: 0>} : vector<16xi32>
              %eq3A_616 = arith.constant 0 : i32
              %eq3A_617 = vector.broadcast %eq3A_616 : i32 to vector<16xi32>
              %eq3A_618 = arith.cmpi eq, %iota3A, %eq3A_617 : vector<16xi32>
              tpu.vector_store_idx %arg9[%broadcast_in_dim3A_614], %broadcast_in_dim3A_615 masked %eq3A_618 : memref<4096xi32, #tpu.memory_space<vmem>>[vector<16xi32>], vector<16xi32>, vector<16xi1>
            } else {
            }
            %convert_element_type3A_232 = arith.extui %and3A_228 : i1 to i32
            %cond3A_233 = arith.constant 0 : i32
            %cond3A_234 = arith.cmpi ne, %convert_element_type3A_232, %cond3A_233 : i32
            scf.if %cond3A_234 {
              %broadcast_in_dim3A_614 = vector.broadcast %max3A_225 : i32 to vector<16xi32>
              %broadcast_in_dim3A_615 = vector.broadcast %min3A_226 : i32 to vector<16xi32>
              %iota3A = tpu.iota {dimensions = array<i32: 0>} : vector<16xi32>
              %eq3A_616 = arith.constant 0 : i32
              %eq3A_617 = vector.broadcast %eq3A_616 : i32 to vector<16xi32>
              %eq3A_618 = arith.cmpi eq, %iota3A, %eq3A_617 : vector<16xi32>
              tpu.vector_store_idx %arg9[%broadcast_in_dim3A_614], %broadcast_in_dim3A_615 masked %eq3A_618 : memref<4096xi32, #tpu.memory_space<vmem>>[vector<16xi32>], vector<16xi32>, vector<16xi1>
              %ne3A_619 = arith.cmpi ne, %max3A_225, %squeeze3A_215 : i32
              %convert_element_type3A_620 = arith.extui %ne3A_619 : i1 to i32
              %cond3A_621 = arith.constant 0 : i32
              %cond3A_622 = arith.cmpi ne, %convert_element_type3A_620, %cond3A_621 : i32
              scf.if %cond3A_622 {
                %broadcast_in_dim3A_623 = vector.broadcast %max3A_225 : i32 to vector<16xi32>
                %gather3A_624 = tpu.vector_load_idx %arg8[%broadcast_in_dim3A_623] : memref<4096xf32, #tpu.memory_space<vmem>>[vector<16xi32>], vector<16xf32>,
                %slice3A_625 = vector.extract_strided_slice %gather3A_624 {offsets = [0], sizes = [1], strides = [1]} : vector<16xf32> to vector<1xf32>
                %squeeze3A_626 = vector.extract %slice3A_625[0] : f32 from vector<1xf32>
                %broadcast_in_dim3A_627 = vector.broadcast %squeeze3A_215 : i32 to vector<16xi32>
                %gather3A_628 = tpu.vector_load_idx %arg8[%broadcast_in_dim3A_627] : memref<4096xf32, #tpu.memory_space<vmem>>[vector<16xi32>], vector<16xf32>,
                %slice3A_629 = vector.extract_strided_slice %gather3A_628 {offsets = [0], sizes = [1], strides = [1]} : vector<16xf32> to vector<1xf32>
                %squeeze3A_630 = vector.extract %slice3A_629[0] : f32 from vector<1xf32>
                %sub3A_631 = arith.subf %squeeze3A_626, %squeeze3A_630 : f32
                %broadcast_in_dim3A_632 = vector.broadcast %max3A_225 : i32 to vector<16xi32>
                %broadcast_in_dim3A_633 = vector.broadcast %sub3A_631 : f32 to vector<16xf32>
                %iota3A_634 = tpu.iota {dimensions = array<i32: 0>} : vector<16xi32>
                %eq3A_635 = arith.constant 0 : i32
                %eq3A_636 = vector.broadcast %eq3A_635 : i32 to vector<16xi32>
                %eq3A_637 = arith.cmpi eq, %iota3A_634, %eq3A_636 : vector<16xi32>
                tpu.vector_store_idx %arg10[%broadcast_in_dim3A_632], %broadcast_in_dim3A_633 masked %eq3A_637 : memref<4096xf32, #tpu.memory_space<vmem>>[vector<16xi32>], vector<16xf32>, vector<16xi1>
              } else {
              }
            } else {
            }
            %select_n3A_235 = arith.select %and3A_228, %min3A_226, %select_n3A_220 : i32
            %mul3A_236 = arith.constant 16 : i32
            %mul3A_237 = arith.muli %while3A_170, %mul3A_236 : i32
            %add3A_238 = arith.constant 2 : i32
            %add3A_239 = arith.addi %mul3A_237, %add3A_238 : i32
            %lt3A_240 = arith.cmpi slt, %add3A_239, %sub3A : i32
            %slice3A_241 = vector.extract_strided_slice %shift_right_logical3A_180 {offsets = [2], sizes = [1], strides = [1]} : vector<16xi32> to vector<1xi32>
            %squeeze3A_242 = vector.extract %slice3A_241[0] : i32 from vector<1xi32>
            %slice3A_243 = vector.extract_strided_slice %and3A_178 {offsets = [2], sizes = [1], strides = [1]} : vector<16xi32> to vector<1xi32>
            %squeeze3A_244 = vector.extract %slice3A_243[0] : i32 from vector<1xi32>
            %ne3A_245 = arith.cmpi ne, %squeeze3A_242, %select_n3A_221 : i32
            %and3A_246 = arith.andi %lt3A_240, %ne3A_245 : i1
            %select_n3A_247 = arith.select %and3A_246, %squeeze3A_242, %select_n3A_235 : i32
            %select_n3A_248 = arith.select %lt3A_240, %squeeze3A_242, %select_n3A_221 : i32
            %slice3A_249 = vector.extract_strided_slice %while3A_182#0 {offsets = [2], sizes = [1], strides = [1]} : vector<16xi32> to vector<1xi32>
            %squeeze3A_250 = vector.extract %slice3A_249[0] : i32 from vector<1xi32>
            %while3A_251 = scf.while (%while3A_614 = %squeeze3A_250) : (i32) -> i32 {
              %broadcast_in_dim3A_615 = vector.broadcast %while3A_614 : i32 to vector<16xi32>
              %gather3A_616 = tpu.vector_load_idx %arg9[%broadcast_in_dim3A_615] : memref<4096xi32, #tpu.memory_space<vmem>>[vector<16xi32>], vector<16xi32>,
              %slice3A_617 = vector.extract_strided_slice %gather3A_616 {offsets = [0], sizes = [1], strides = [1]} : vector<16xi32> to vector<1xi32>
              %squeeze3A_618 = vector.extract %slice3A_617[0] : i32 from vector<1xi32>
              %ne3A_619 = arith.cmpi ne, %squeeze3A_618, %while3A_614 : i32
              scf.condition(%ne3A_619) %while3A_614 : i32
            } do {
            ^bb0(%while3A_614: i32):
              %broadcast_in_dim3A_615 = vector.broadcast %while3A_614 : i32 to vector<16xi32>
              %gather3A_616 = tpu.vector_load_idx %arg9[%broadcast_in_dim3A_615] : memref<4096xi32, #tpu.memory_space<vmem>>[vector<16xi32>], vector<16xi32>,
              %slice3A_617 = vector.extract_strided_slice %gather3A_616 {offsets = [0], sizes = [1], strides = [1]} : vector<16xi32> to vector<1xi32>
              %squeeze3A_618 = vector.extract %slice3A_617[0] : i32 from vector<1xi32>
              scf.yield %squeeze3A_618 : i32
            }
            %max3A_252 = arith.maxsi %select_n3A_247, %while3A_251 : i32
            %min3A_253 = arith.minsi %select_n3A_247, %while3A_251 : i32
            %ne3A_254 = arith.cmpi ne, %while3A_251, %select_n3A_247 : i32
            %and3A_255 = arith.andi %lt3A_240, %ne3A_254 : i1
            %convert_element_type3A_256 = arith.extui %lt3A_240 : i1 to i32
            %cond3A_257 = arith.constant 0 : i32
            %cond3A_258 = arith.cmpi ne, %convert_element_type3A_256, %cond3A_257 : i32
            scf.if %cond3A_258 {
              %broadcast_in_dim3A_614 = vector.broadcast %squeeze3A_244 : i32 to vector<16xi32>
              %broadcast_in_dim3A_615 = vector.broadcast %while3A_251 : i32 to vector<16xi32>
              %iota3A = tpu.iota {dimensions = array<i32: 0>} : vector<16xi32>
              %eq3A_616 = arith.constant 0 : i32
              %eq3A_617 = vector.broadcast %eq3A_616 : i32 to vector<16xi32>
              %eq3A_618 = arith.cmpi eq, %iota3A, %eq3A_617 : vector<16xi32>
              tpu.vector_store_idx %arg9[%broadcast_in_dim3A_614], %broadcast_in_dim3A_615 masked %eq3A_618 : memref<4096xi32, #tpu.memory_space<vmem>>[vector<16xi32>], vector<16xi32>, vector<16xi1>
            } else {
            }
            %convert_element_type3A_259 = arith.extui %and3A_255 : i1 to i32
            %cond3A_260 = arith.constant 0 : i32
            %cond3A_261 = arith.cmpi ne, %convert_element_type3A_259, %cond3A_260 : i32
            scf.if %cond3A_261 {
              %broadcast_in_dim3A_614 = vector.broadcast %max3A_252 : i32 to vector<16xi32>
              %broadcast_in_dim3A_615 = vector.broadcast %min3A_253 : i32 to vector<16xi32>
              %iota3A = tpu.iota {dimensions = array<i32: 0>} : vector<16xi32>
              %eq3A_616 = arith.constant 0 : i32
              %eq3A_617 = vector.broadcast %eq3A_616 : i32 to vector<16xi32>
              %eq3A_618 = arith.cmpi eq, %iota3A, %eq3A_617 : vector<16xi32>
              tpu.vector_store_idx %arg9[%broadcast_in_dim3A_614], %broadcast_in_dim3A_615 masked %eq3A_618 : memref<4096xi32, #tpu.memory_space<vmem>>[vector<16xi32>], vector<16xi32>, vector<16xi1>
              %ne3A_619 = arith.cmpi ne, %max3A_252, %squeeze3A_242 : i32
              %convert_element_type3A_620 = arith.extui %ne3A_619 : i1 to i32
              %cond3A_621 = arith.constant 0 : i32
              %cond3A_622 = arith.cmpi ne, %convert_element_type3A_620, %cond3A_621 : i32
              scf.if %cond3A_622 {
                %broadcast_in_dim3A_623 = vector.broadcast %max3A_252 : i32 to vector<16xi32>
                %gather3A_624 = tpu.vector_load_idx %arg8[%broadcast_in_dim3A_623] : memref<4096xf32, #tpu.memory_space<vmem>>[vector<16xi32>], vector<16xf32>,
                %slice3A_625 = vector.extract_strided_slice %gather3A_624 {offsets = [0], sizes = [1], strides = [1]} : vector<16xf32> to vector<1xf32>
                %squeeze3A_626 = vector.extract %slice3A_625[0] : f32 from vector<1xf32>
                %broadcast_in_dim3A_627 = vector.broadcast %squeeze3A_242 : i32 to vector<16xi32>
                %gather3A_628 = tpu.vector_load_idx %arg8[%broadcast_in_dim3A_627] : memref<4096xf32, #tpu.memory_space<vmem>>[vector<16xi32>], vector<16xf32>,
                %slice3A_629 = vector.extract_strided_slice %gather3A_628 {offsets = [0], sizes = [1], strides = [1]} : vector<16xf32> to vector<1xf32>
                %squeeze3A_630 = vector.extract %slice3A_629[0] : f32 from vector<1xf32>
                %sub3A_631 = arith.subf %squeeze3A_626, %squeeze3A_630 : f32
                %broadcast_in_dim3A_632 = vector.broadcast %max3A_252 : i32 to vector<16xi32>
                %broadcast_in_dim3A_633 = vector.broadcast %sub3A_631 : f32 to vector<16xf32>
                %iota3A_634 = tpu.iota {dimensions = array<i32: 0>} : vector<16xi32>
                %eq3A_635 = arith.constant 0 : i32
                %eq3A_636 = vector.broadcast %eq3A_635 : i32 to vector<16xi32>
                %eq3A_637 = arith.cmpi eq, %iota3A_634, %eq3A_636 : vector<16xi32>
                tpu.vector_store_idx %arg10[%broadcast_in_dim3A_632], %broadcast_in_dim3A_633 masked %eq3A_637 : memref<4096xf32, #tpu.memory_space<vmem>>[vector<16xi32>], vector<16xf32>, vector<16xi1>
              } else {
              }
            } else {
            }
            %select_n3A_262 = arith.select %and3A_255, %min3A_253, %select_n3A_247 : i32
            %mul3A_263 = arith.constant 16 : i32
            %mul3A_264 = arith.muli %while3A_170, %mul3A_263 : i32
            %add3A_265 = arith.constant 3 : i32
            %add3A_266 = arith.addi %mul3A_264, %add3A_265 : i32
            %lt3A_267 = arith.cmpi slt, %add3A_266, %sub3A : i32
            %slice3A_268 = vector.extract_strided_slice %shift_right_logical3A_180 {offsets = [3], sizes = [1], strides = [1]} : vector<16xi32> to vector<1xi32>
            %squeeze3A_269 = vector.extract %slice3A_268[0] : i32 from vector<1xi32>
            %slice3A_270 = vector.extract_strided_slice %and3A_178 {offsets = [3], sizes = [1], strides = [1]} : vector<16xi32> to vector<1xi32>
            %squeeze3A_271 = vector.extract %slice3A_270[0] : i32 from vector<1xi32>
            %ne3A_272 = arith.cmpi ne, %squeeze3A_269, %select_n3A_248 : i32
            %and3A_273 = arith.andi %lt3A_267, %ne3A_272 : i1
            %select_n3A_274 = arith.select %and3A_273, %squeeze3A_269, %select_n3A_262 : i32
            %select_n3A_275 = arith.select %lt3A_267, %squeeze3A_269, %select_n3A_248 : i32
            %slice3A_276 = vector.extract_strided_slice %while3A_182#0 {offsets = [3], sizes = [1], strides = [1]} : vector<16xi32> to vector<1xi32>
            %squeeze3A_277 = vector.extract %slice3A_276[0] : i32 from vector<1xi32>
            %while3A_278 = scf.while (%while3A_614 = %squeeze3A_277) : (i32) -> i32 {
              %broadcast_in_dim3A_615 = vector.broadcast %while3A_614 : i32 to vector<16xi32>
              %gather3A_616 = tpu.vector_load_idx %arg9[%broadcast_in_dim3A_615] : memref<4096xi32, #tpu.memory_space<vmem>>[vector<16xi32>], vector<16xi32>,
              %slice3A_617 = vector.extract_strided_slice %gather3A_616 {offsets = [0], sizes = [1], strides = [1]} : vector<16xi32> to vector<1xi32>
              %squeeze3A_618 = vector.extract %slice3A_617[0] : i32 from vector<1xi32>
              %ne3A_619 = arith.cmpi ne, %squeeze3A_618, %while3A_614 : i32
              scf.condition(%ne3A_619) %while3A_614 : i32
            } do {
            ^bb0(%while3A_614: i32):
              %broadcast_in_dim3A_615 = vector.broadcast %while3A_614 : i32 to vector<16xi32>
              %gather3A_616 = tpu.vector_load_idx %arg9[%broadcast_in_dim3A_615] : memref<4096xi32, #tpu.memory_space<vmem>>[vector<16xi32>], vector<16xi32>,
              %slice3A_617 = vector.extract_strided_slice %gather3A_616 {offsets = [0], sizes = [1], strides = [1]} : vector<16xi32> to vector<1xi32>
              %squeeze3A_618 = vector.extract %slice3A_617[0] : i32 from vector<1xi32>
              scf.yield %squeeze3A_618 : i32
            }
            %max3A_279 = arith.maxsi %select_n3A_274, %while3A_278 : i32
            %min3A_280 = arith.minsi %select_n3A_274, %while3A_278 : i32
            %ne3A_281 = arith.cmpi ne, %while3A_278, %select_n3A_274 : i32
            %and3A_282 = arith.andi %lt3A_267, %ne3A_281 : i1
            %convert_element_type3A_283 = arith.extui %lt3A_267 : i1 to i32
            %cond3A_284 = arith.constant 0 : i32
            %cond3A_285 = arith.cmpi ne, %convert_element_type3A_283, %cond3A_284 : i32
            scf.if %cond3A_285 {
              %broadcast_in_dim3A_614 = vector.broadcast %squeeze3A_271 : i32 to vector<16xi32>
              %broadcast_in_dim3A_615 = vector.broadcast %while3A_278 : i32 to vector<16xi32>
              %iota3A = tpu.iota {dimensions = array<i32: 0>} : vector<16xi32>
              %eq3A_616 = arith.constant 0 : i32
              %eq3A_617 = vector.broadcast %eq3A_616 : i32 to vector<16xi32>
              %eq3A_618 = arith.cmpi eq, %iota3A, %eq3A_617 : vector<16xi32>
              tpu.vector_store_idx %arg9[%broadcast_in_dim3A_614], %broadcast_in_dim3A_615 masked %eq3A_618 : memref<4096xi32, #tpu.memory_space<vmem>>[vector<16xi32>], vector<16xi32>, vector<16xi1>
            } else {
            }
            %convert_element_type3A_286 = arith.extui %and3A_282 : i1 to i32
            %cond3A_287 = arith.constant 0 : i32
            %cond3A_288 = arith.cmpi ne, %convert_element_type3A_286, %cond3A_287 : i32
            scf.if %cond3A_288 {
              %broadcast_in_dim3A_614 = vector.broadcast %max3A_279 : i32 to vector<16xi32>
              %broadcast_in_dim3A_615 = vector.broadcast %min3A_280 : i32 to vector<16xi32>
              %iota3A = tpu.iota {dimensions = array<i32: 0>} : vector<16xi32>
              %eq3A_616 = arith.constant 0 : i32
              %eq3A_617 = vector.broadcast %eq3A_616 : i32 to vector<16xi32>
              %eq3A_618 = arith.cmpi eq, %iota3A, %eq3A_617 : vector<16xi32>
              tpu.vector_store_idx %arg9[%broadcast_in_dim3A_614], %broadcast_in_dim3A_615 masked %eq3A_618 : memref<4096xi32, #tpu.memory_space<vmem>>[vector<16xi32>], vector<16xi32>, vector<16xi1>
              %ne3A_619 = arith.cmpi ne, %max3A_279, %squeeze3A_269 : i32
              %convert_element_type3A_620 = arith.extui %ne3A_619 : i1 to i32
              %cond3A_621 = arith.constant 0 : i32
              %cond3A_622 = arith.cmpi ne, %convert_element_type3A_620, %cond3A_621 : i32
              scf.if %cond3A_622 {
                %broadcast_in_dim3A_623 = vector.broadcast %max3A_279 : i32 to vector<16xi32>
                %gather3A_624 = tpu.vector_load_idx %arg8[%broadcast_in_dim3A_623] : memref<4096xf32, #tpu.memory_space<vmem>>[vector<16xi32>], vector<16xf32>,
                %slice3A_625 = vector.extract_strided_slice %gather3A_624 {offsets = [0], sizes = [1], strides = [1]} : vector<16xf32> to vector<1xf32>
                %squeeze3A_626 = vector.extract %slice3A_625[0] : f32 from vector<1xf32>
                %broadcast_in_dim3A_627 = vector.broadcast %squeeze3A_269 : i32 to vector<16xi32>
                %gather3A_628 = tpu.vector_load_idx %arg8[%broadcast_in_dim3A_627] : memref<4096xf32, #tpu.memory_space<vmem>>[vector<16xi32>], vector<16xf32>,
                %slice3A_629 = vector.extract_strided_slice %gather3A_628 {offsets = [0], sizes = [1], strides = [1]} : vector<16xf32> to vector<1xf32>
                %squeeze3A_630 = vector.extract %slice3A_629[0] : f32 from vector<1xf32>
                %sub3A_631 = arith.subf %squeeze3A_626, %squeeze3A_630 : f32
                %broadcast_in_dim3A_632 = vector.broadcast %max3A_279 : i32 to vector<16xi32>
                %broadcast_in_dim3A_633 = vector.broadcast %sub3A_631 : f32 to vector<16xf32>
                %iota3A_634 = tpu.iota {dimensions = array<i32: 0>} : vector<16xi32>
                %eq3A_635 = arith.constant 0 : i32
                %eq3A_636 = vector.broadcast %eq3A_635 : i32 to vector<16xi32>
                %eq3A_637 = arith.cmpi eq, %iota3A_634, %eq3A_636 : vector<16xi32>
                tpu.vector_store_idx %arg10[%broadcast_in_dim3A_632], %broadcast_in_dim3A_633 masked %eq3A_637 : memref<4096xf32, #tpu.memory_space<vmem>>[vector<16xi32>], vector<16xf32>, vector<16xi1>
              } else {
              }
            } else {
            }
            %select_n3A_289 = arith.select %and3A_282, %min3A_280, %select_n3A_274 : i32
            %mul3A_290 = arith.constant 16 : i32
            %mul3A_291 = arith.muli %while3A_170, %mul3A_290 : i32
            %add3A_292 = arith.constant 4 : i32
            %add3A_293 = arith.addi %mul3A_291, %add3A_292 : i32
            %lt3A_294 = arith.cmpi slt, %add3A_293, %sub3A : i32
            %slice3A_295 = vector.extract_strided_slice %shift_right_logical3A_180 {offsets = [4], sizes = [1], strides = [1]} : vector<16xi32> to vector<1xi32>
            %squeeze3A_296 = vector.extract %slice3A_295[0] : i32 from vector<1xi32>
            %slice3A_297 = vector.extract_strided_slice %and3A_178 {offsets = [4], sizes = [1], strides = [1]} : vector<16xi32> to vector<1xi32>
            %squeeze3A_298 = vector.extract %slice3A_297[0] : i32 from vector<1xi32>
            %ne3A_299 = arith.cmpi ne, %squeeze3A_296, %select_n3A_275 : i32
            %and3A_300 = arith.andi %lt3A_294, %ne3A_299 : i1
            %select_n3A_301 = arith.select %and3A_300, %squeeze3A_296, %select_n3A_289 : i32
            %select_n3A_302 = arith.select %lt3A_294, %squeeze3A_296, %select_n3A_275 : i32
            %slice3A_303 = vector.extract_strided_slice %while3A_182#0 {offsets = [4], sizes = [1], strides = [1]} : vector<16xi32> to vector<1xi32>
            %squeeze3A_304 = vector.extract %slice3A_303[0] : i32 from vector<1xi32>
            %while3A_305 = scf.while (%while3A_614 = %squeeze3A_304) : (i32) -> i32 {
              %broadcast_in_dim3A_615 = vector.broadcast %while3A_614 : i32 to vector<16xi32>
              %gather3A_616 = tpu.vector_load_idx %arg9[%broadcast_in_dim3A_615] : memref<4096xi32, #tpu.memory_space<vmem>>[vector<16xi32>], vector<16xi32>,
              %slice3A_617 = vector.extract_strided_slice %gather3A_616 {offsets = [0], sizes = [1], strides = [1]} : vector<16xi32> to vector<1xi32>
              %squeeze3A_618 = vector.extract %slice3A_617[0] : i32 from vector<1xi32>
              %ne3A_619 = arith.cmpi ne, %squeeze3A_618, %while3A_614 : i32
              scf.condition(%ne3A_619) %while3A_614 : i32
            } do {
            ^bb0(%while3A_614: i32):
              %broadcast_in_dim3A_615 = vector.broadcast %while3A_614 : i32 to vector<16xi32>
              %gather3A_616 = tpu.vector_load_idx %arg9[%broadcast_in_dim3A_615] : memref<4096xi32, #tpu.memory_space<vmem>>[vector<16xi32>], vector<16xi32>,
              %slice3A_617 = vector.extract_strided_slice %gather3A_616 {offsets = [0], sizes = [1], strides = [1]} : vector<16xi32> to vector<1xi32>
              %squeeze3A_618 = vector.extract %slice3A_617[0] : i32 from vector<1xi32>
              scf.yield %squeeze3A_618 : i32
            }
            %max3A_306 = arith.maxsi %select_n3A_301, %while3A_305 : i32
            %min3A_307 = arith.minsi %select_n3A_301, %while3A_305 : i32
            %ne3A_308 = arith.cmpi ne, %while3A_305, %select_n3A_301 : i32
            %and3A_309 = arith.andi %lt3A_294, %ne3A_308 : i1
            %convert_element_type3A_310 = arith.extui %lt3A_294 : i1 to i32
            %cond3A_311 = arith.constant 0 : i32
            %cond3A_312 = arith.cmpi ne, %convert_element_type3A_310, %cond3A_311 : i32
            scf.if %cond3A_312 {
              %broadcast_in_dim3A_614 = vector.broadcast %squeeze3A_298 : i32 to vector<16xi32>
              %broadcast_in_dim3A_615 = vector.broadcast %while3A_305 : i32 to vector<16xi32>
              %iota3A = tpu.iota {dimensions = array<i32: 0>} : vector<16xi32>
              %eq3A_616 = arith.constant 0 : i32
              %eq3A_617 = vector.broadcast %eq3A_616 : i32 to vector<16xi32>
              %eq3A_618 = arith.cmpi eq, %iota3A, %eq3A_617 : vector<16xi32>
              tpu.vector_store_idx %arg9[%broadcast_in_dim3A_614], %broadcast_in_dim3A_615 masked %eq3A_618 : memref<4096xi32, #tpu.memory_space<vmem>>[vector<16xi32>], vector<16xi32>, vector<16xi1>
            } else {
            }
            %convert_element_type3A_313 = arith.extui %and3A_309 : i1 to i32
            %cond3A_314 = arith.constant 0 : i32
            %cond3A_315 = arith.cmpi ne, %convert_element_type3A_313, %cond3A_314 : i32
            scf.if %cond3A_315 {
              %broadcast_in_dim3A_614 = vector.broadcast %max3A_306 : i32 to vector<16xi32>
              %broadcast_in_dim3A_615 = vector.broadcast %min3A_307 : i32 to vector<16xi32>
              %iota3A = tpu.iota {dimensions = array<i32: 0>} : vector<16xi32>
              %eq3A_616 = arith.constant 0 : i32
              %eq3A_617 = vector.broadcast %eq3A_616 : i32 to vector<16xi32>
              %eq3A_618 = arith.cmpi eq, %iota3A, %eq3A_617 : vector<16xi32>
              tpu.vector_store_idx %arg9[%broadcast_in_dim3A_614], %broadcast_in_dim3A_615 masked %eq3A_618 : memref<4096xi32, #tpu.memory_space<vmem>>[vector<16xi32>], vector<16xi32>, vector<16xi1>
              %ne3A_619 = arith.cmpi ne, %max3A_306, %squeeze3A_296 : i32
              %convert_element_type3A_620 = arith.extui %ne3A_619 : i1 to i32
              %cond3A_621 = arith.constant 0 : i32
              %cond3A_622 = arith.cmpi ne, %convert_element_type3A_620, %cond3A_621 : i32
              scf.if %cond3A_622 {
                %broadcast_in_dim3A_623 = vector.broadcast %max3A_306 : i32 to vector<16xi32>
                %gather3A_624 = tpu.vector_load_idx %arg8[%broadcast_in_dim3A_623] : memref<4096xf32, #tpu.memory_space<vmem>>[vector<16xi32>], vector<16xf32>,
                %slice3A_625 = vector.extract_strided_slice %gather3A_624 {offsets = [0], sizes = [1], strides = [1]} : vector<16xf32> to vector<1xf32>
                %squeeze3A_626 = vector.extract %slice3A_625[0] : f32 from vector<1xf32>
                %broadcast_in_dim3A_627 = vector.broadcast %squeeze3A_296 : i32 to vector<16xi32>
                %gather3A_628 = tpu.vector_load_idx %arg8[%broadcast_in_dim3A_627] : memref<4096xf32, #tpu.memory_space<vmem>>[vector<16xi32>], vector<16xf32>,
                %slice3A_629 = vector.extract_strided_slice %gather3A_628 {offsets = [0], sizes = [1], strides = [1]} : vector<16xf32> to vector<1xf32>
                %squeeze3A_630 = vector.extract %slice3A_629[0] : f32 from vector<1xf32>
                %sub3A_631 = arith.subf %squeeze3A_626, %squeeze3A_630 : f32
                %broadcast_in_dim3A_632 = vector.broadcast %max3A_306 : i32 to vector<16xi32>
                %broadcast_in_dim3A_633 = vector.broadcast %sub3A_631 : f32 to vector<16xf32>
                %iota3A_634 = tpu.iota {dimensions = array<i32: 0>} : vector<16xi32>
                %eq3A_635 = arith.constant 0 : i32
                %eq3A_636 = vector.broadcast %eq3A_635 : i32 to vector<16xi32>
                %eq3A_637 = arith.cmpi eq, %iota3A_634, %eq3A_636 : vector<16xi32>
                tpu.vector_store_idx %arg10[%broadcast_in_dim3A_632], %broadcast_in_dim3A_633 masked %eq3A_637 : memref<4096xf32, #tpu.memory_space<vmem>>[vector<16xi32>], vector<16xf32>, vector<16xi1>
              } else {
              }
            } else {
            }
            %select_n3A_316 = arith.select %and3A_309, %min3A_307, %select_n3A_301 : i32
            %mul3A_317 = arith.constant 16 : i32
            %mul3A_318 = arith.muli %while3A_170, %mul3A_317 : i32
            %add3A_319 = arith.constant 5 : i32
            %add3A_320 = arith.addi %mul3A_318, %add3A_319 : i32
            %lt3A_321 = arith.cmpi slt, %add3A_320, %sub3A : i32
            %slice3A_322 = vector.extract_strided_slice %shift_right_logical3A_180 {offsets = [5], sizes = [1], strides = [1]} : vector<16xi32> to vector<1xi32>
            %squeeze3A_323 = vector.extract %slice3A_322[0] : i32 from vector<1xi32>
            %slice3A_324 = vector.extract_strided_slice %and3A_178 {offsets = [5], sizes = [1], strides = [1]} : vector<16xi32> to vector<1xi32>
            %squeeze3A_325 = vector.extract %slice3A_324[0] : i32 from vector<1xi32>
            %ne3A_326 = arith.cmpi ne, %squeeze3A_323, %select_n3A_302 : i32
            %and3A_327 = arith.andi %lt3A_321, %ne3A_326 : i1
            %select_n3A_328 = arith.select %and3A_327, %squeeze3A_323, %select_n3A_316 : i32
            %select_n3A_329 = arith.select %lt3A_321, %squeeze3A_323, %select_n3A_302 : i32
            %slice3A_330 = vector.extract_strided_slice %while3A_182#0 {offsets = [5], sizes = [1], strides = [1]} : vector<16xi32> to vector<1xi32>
            %squeeze3A_331 = vector.extract %slice3A_330[0] : i32 from vector<1xi32>
            %while3A_332 = scf.while (%while3A_614 = %squeeze3A_331) : (i32) -> i32 {
              %broadcast_in_dim3A_615 = vector.broadcast %while3A_614 : i32 to vector<16xi32>
              %gather3A_616 = tpu.vector_load_idx %arg9[%broadcast_in_dim3A_615] : memref<4096xi32, #tpu.memory_space<vmem>>[vector<16xi32>], vector<16xi32>,
              %slice3A_617 = vector.extract_strided_slice %gather3A_616 {offsets = [0], sizes = [1], strides = [1]} : vector<16xi32> to vector<1xi32>
              %squeeze3A_618 = vector.extract %slice3A_617[0] : i32 from vector<1xi32>
              %ne3A_619 = arith.cmpi ne, %squeeze3A_618, %while3A_614 : i32
              scf.condition(%ne3A_619) %while3A_614 : i32
            } do {
            ^bb0(%while3A_614: i32):
              %broadcast_in_dim3A_615 = vector.broadcast %while3A_614 : i32 to vector<16xi32>
              %gather3A_616 = tpu.vector_load_idx %arg9[%broadcast_in_dim3A_615] : memref<4096xi32, #tpu.memory_space<vmem>>[vector<16xi32>], vector<16xi32>,
              %slice3A_617 = vector.extract_strided_slice %gather3A_616 {offsets = [0], sizes = [1], strides = [1]} : vector<16xi32> to vector<1xi32>
              %squeeze3A_618 = vector.extract %slice3A_617[0] : i32 from vector<1xi32>
              scf.yield %squeeze3A_618 : i32
            }
            %max3A_333 = arith.maxsi %select_n3A_328, %while3A_332 : i32
            %min3A_334 = arith.minsi %select_n3A_328, %while3A_332 : i32
            %ne3A_335 = arith.cmpi ne, %while3A_332, %select_n3A_328 : i32
            %and3A_336 = arith.andi %lt3A_321, %ne3A_335 : i1
            %convert_element_type3A_337 = arith.extui %lt3A_321 : i1 to i32
            %cond3A_338 = arith.constant 0 : i32
            %cond3A_339 = arith.cmpi ne, %convert_element_type3A_337, %cond3A_338 : i32
            scf.if %cond3A_339 {
              %broadcast_in_dim3A_614 = vector.broadcast %squeeze3A_325 : i32 to vector<16xi32>
              %broadcast_in_dim3A_615 = vector.broadcast %while3A_332 : i32 to vector<16xi32>
              %iota3A = tpu.iota {dimensions = array<i32: 0>} : vector<16xi32>
              %eq3A_616 = arith.constant 0 : i32
              %eq3A_617 = vector.broadcast %eq3A_616 : i32 to vector<16xi32>
              %eq3A_618 = arith.cmpi eq, %iota3A, %eq3A_617 : vector<16xi32>
              tpu.vector_store_idx %arg9[%broadcast_in_dim3A_614], %broadcast_in_dim3A_615 masked %eq3A_618 : memref<4096xi32, #tpu.memory_space<vmem>>[vector<16xi32>], vector<16xi32>, vector<16xi1>
            } else {
            }
            %convert_element_type3A_340 = arith.extui %and3A_336 : i1 to i32
            %cond3A_341 = arith.constant 0 : i32
            %cond3A_342 = arith.cmpi ne, %convert_element_type3A_340, %cond3A_341 : i32
            scf.if %cond3A_342 {
              %broadcast_in_dim3A_614 = vector.broadcast %max3A_333 : i32 to vector<16xi32>
              %broadcast_in_dim3A_615 = vector.broadcast %min3A_334 : i32 to vector<16xi32>
              %iota3A = tpu.iota {dimensions = array<i32: 0>} : vector<16xi32>
              %eq3A_616 = arith.constant 0 : i32
              %eq3A_617 = vector.broadcast %eq3A_616 : i32 to vector<16xi32>
              %eq3A_618 = arith.cmpi eq, %iota3A, %eq3A_617 : vector<16xi32>
              tpu.vector_store_idx %arg9[%broadcast_in_dim3A_614], %broadcast_in_dim3A_615 masked %eq3A_618 : memref<4096xi32, #tpu.memory_space<vmem>>[vector<16xi32>], vector<16xi32>, vector<16xi1>
              %ne3A_619 = arith.cmpi ne, %max3A_333, %squeeze3A_323 : i32
              %convert_element_type3A_620 = arith.extui %ne3A_619 : i1 to i32
              %cond3A_621 = arith.constant 0 : i32
              %cond3A_622 = arith.cmpi ne, %convert_element_type3A_620, %cond3A_621 : i32
              scf.if %cond3A_622 {
                %broadcast_in_dim3A_623 = vector.broadcast %max3A_333 : i32 to vector<16xi32>
                %gather3A_624 = tpu.vector_load_idx %arg8[%broadcast_in_dim3A_623] : memref<4096xf32, #tpu.memory_space<vmem>>[vector<16xi32>], vector<16xf32>,
                %slice3A_625 = vector.extract_strided_slice %gather3A_624 {offsets = [0], sizes = [1], strides = [1]} : vector<16xf32> to vector<1xf32>
                %squeeze3A_626 = vector.extract %slice3A_625[0] : f32 from vector<1xf32>
                %broadcast_in_dim3A_627 = vector.broadcast %squeeze3A_323 : i32 to vector<16xi32>
                %gather3A_628 = tpu.vector_load_idx %arg8[%broadcast_in_dim3A_627] : memref<4096xf32, #tpu.memory_space<vmem>>[vector<16xi32>], vector<16xf32>,
                %slice3A_629 = vector.extract_strided_slice %gather3A_628 {offsets = [0], sizes = [1], strides = [1]} : vector<16xf32> to vector<1xf32>
                %squeeze3A_630 = vector.extract %slice3A_629[0] : f32 from vector<1xf32>
                %sub3A_631 = arith.subf %squeeze3A_626, %squeeze3A_630 : f32
                %broadcast_in_dim3A_632 = vector.broadcast %max3A_333 : i32 to vector<16xi32>
                %broadcast_in_dim3A_633 = vector.broadcast %sub3A_631 : f32 to vector<16xf32>
                %iota3A_634 = tpu.iota {dimensions = array<i32: 0>} : vector<16xi32>
                %eq3A_635 = arith.constant 0 : i32
                %eq3A_636 = vector.broadcast %eq3A_635 : i32 to vector<16xi32>
                %eq3A_637 = arith.cmpi eq, %iota3A_634, %eq3A_636 : vector<16xi32>
                tpu.vector_store_idx %arg10[%broadcast_in_dim3A_632], %broadcast_in_dim3A_633 masked %eq3A_637 : memref<4096xf32, #tpu.memory_space<vmem>>[vector<16xi32>], vector<16xf32>, vector<16xi1>
              } else {
              }
            } else {
            }
            %select_n3A_343 = arith.select %and3A_336, %min3A_334, %select_n3A_328 : i32
            %mul3A_344 = arith.constant 16 : i32
            %mul3A_345 = arith.muli %while3A_170, %mul3A_344 : i32
            %add3A_346 = arith.constant 6 : i32
            %add3A_347 = arith.addi %mul3A_345, %add3A_346 : i32
            %lt3A_348 = arith.cmpi slt, %add3A_347, %sub3A : i32
            %slice3A_349 = vector.extract_strided_slice %shift_right_logical3A_180 {offsets = [6], sizes = [1], strides = [1]} : vector<16xi32> to vector<1xi32>
            %squeeze3A_350 = vector.extract %slice3A_349[0] : i32 from vector<1xi32>
            %slice3A_351 = vector.extract_strided_slice %and3A_178 {offsets = [6], sizes = [1], strides = [1]} : vector<16xi32> to vector<1xi32>
            %squeeze3A_352 = vector.extract %slice3A_351[0] : i32 from vector<1xi32>
            %ne3A_353 = arith.cmpi ne, %squeeze3A_350, %select_n3A_329 : i32
            %and3A_354 = arith.andi %lt3A_348, %ne3A_353 : i1
            %select_n3A_355 = arith.select %and3A_354, %squeeze3A_350, %select_n3A_343 : i32
            %select_n3A_356 = arith.select %lt3A_348, %squeeze3A_350, %select_n3A_329 : i32
            %slice3A_357 = vector.extract_strided_slice %while3A_182#0 {offsets = [6], sizes = [1], strides = [1]} : vector<16xi32> to vector<1xi32>
            %squeeze3A_358 = vector.extract %slice3A_357[0] : i32 from vector<1xi32>
            %while3A_359 = scf.while (%while3A_614 = %squeeze3A_358) : (i32) -> i32 {
              %broadcast_in_dim3A_615 = vector.broadcast %while3A_614 : i32 to vector<16xi32>
              %gather3A_616 = tpu.vector_load_idx %arg9[%broadcast_in_dim3A_615] : memref<4096xi32, #tpu.memory_space<vmem>>[vector<16xi32>], vector<16xi32>,
              %slice3A_617 = vector.extract_strided_slice %gather3A_616 {offsets = [0], sizes = [1], strides = [1]} : vector<16xi32> to vector<1xi32>
              %squeeze3A_618 = vector.extract %slice3A_617[0] : i32 from vector<1xi32>
              %ne3A_619 = arith.cmpi ne, %squeeze3A_618, %while3A_614 : i32
              scf.condition(%ne3A_619) %while3A_614 : i32
            } do {
            ^bb0(%while3A_614: i32):
              %broadcast_in_dim3A_615 = vector.broadcast %while3A_614 : i32 to vector<16xi32>
              %gather3A_616 = tpu.vector_load_idx %arg9[%broadcast_in_dim3A_615] : memref<4096xi32, #tpu.memory_space<vmem>>[vector<16xi32>], vector<16xi32>,
              %slice3A_617 = vector.extract_strided_slice %gather3A_616 {offsets = [0], sizes = [1], strides = [1]} : vector<16xi32> to vector<1xi32>
              %squeeze3A_618 = vector.extract %slice3A_617[0] : i32 from vector<1xi32>
              scf.yield %squeeze3A_618 : i32
            }
            %max3A_360 = arith.maxsi %select_n3A_355, %while3A_359 : i32
            %min3A_361 = arith.minsi %select_n3A_355, %while3A_359 : i32
            %ne3A_362 = arith.cmpi ne, %while3A_359, %select_n3A_355 : i32
            %and3A_363 = arith.andi %lt3A_348, %ne3A_362 : i1
            %convert_element_type3A_364 = arith.extui %lt3A_348 : i1 to i32
            %cond3A_365 = arith.constant 0 : i32
            %cond3A_366 = arith.cmpi ne, %convert_element_type3A_364, %cond3A_365 : i32
            scf.if %cond3A_366 {
              %broadcast_in_dim3A_614 = vector.broadcast %squeeze3A_352 : i32 to vector<16xi32>
              %broadcast_in_dim3A_615 = vector.broadcast %while3A_359 : i32 to vector<16xi32>
              %iota3A = tpu.iota {dimensions = array<i32: 0>} : vector<16xi32>
              %eq3A_616 = arith.constant 0 : i32
              %eq3A_617 = vector.broadcast %eq3A_616 : i32 to vector<16xi32>
              %eq3A_618 = arith.cmpi eq, %iota3A, %eq3A_617 : vector<16xi32>
              tpu.vector_store_idx %arg9[%broadcast_in_dim3A_614], %broadcast_in_dim3A_615 masked %eq3A_618 : memref<4096xi32, #tpu.memory_space<vmem>>[vector<16xi32>], vector<16xi32>, vector<16xi1>
            } else {
            }
            %convert_element_type3A_367 = arith.extui %and3A_363 : i1 to i32
            %cond3A_368 = arith.constant 0 : i32
            %cond3A_369 = arith.cmpi ne, %convert_element_type3A_367, %cond3A_368 : i32
            scf.if %cond3A_369 {
              %broadcast_in_dim3A_614 = vector.broadcast %max3A_360 : i32 to vector<16xi32>
              %broadcast_in_dim3A_615 = vector.broadcast %min3A_361 : i32 to vector<16xi32>
              %iota3A = tpu.iota {dimensions = array<i32: 0>} : vector<16xi32>
              %eq3A_616 = arith.constant 0 : i32
              %eq3A_617 = vector.broadcast %eq3A_616 : i32 to vector<16xi32>
              %eq3A_618 = arith.cmpi eq, %iota3A, %eq3A_617 : vector<16xi32>
              tpu.vector_store_idx %arg9[%broadcast_in_dim3A_614], %broadcast_in_dim3A_615 masked %eq3A_618 : memref<4096xi32, #tpu.memory_space<vmem>>[vector<16xi32>], vector<16xi32>, vector<16xi1>
              %ne3A_619 = arith.cmpi ne, %max3A_360, %squeeze3A_350 : i32
              %convert_element_type3A_620 = arith.extui %ne3A_619 : i1 to i32
              %cond3A_621 = arith.constant 0 : i32
              %cond3A_622 = arith.cmpi ne, %convert_element_type3A_620, %cond3A_621 : i32
              scf.if %cond3A_622 {
                %broadcast_in_dim3A_623 = vector.broadcast %max3A_360 : i32 to vector<16xi32>
                %gather3A_624 = tpu.vector_load_idx %arg8[%broadcast_in_dim3A_623] : memref<4096xf32, #tpu.memory_space<vmem>>[vector<16xi32>], vector<16xf32>,
                %slice3A_625 = vector.extract_strided_slice %gather3A_624 {offsets = [0], sizes = [1], strides = [1]} : vector<16xf32> to vector<1xf32>
                %squeeze3A_626 = vector.extract %slice3A_625[0] : f32 from vector<1xf32>
                %broadcast_in_dim3A_627 = vector.broadcast %squeeze3A_350 : i32 to vector<16xi32>
                %gather3A_628 = tpu.vector_load_idx %arg8[%broadcast_in_dim3A_627] : memref<4096xf32, #tpu.memory_space<vmem>>[vector<16xi32>], vector<16xf32>,
                %slice3A_629 = vector.extract_strided_slice %gather3A_628 {offsets = [0], sizes = [1], strides = [1]} : vector<16xf32> to vector<1xf32>
                %squeeze3A_630 = vector.extract %slice3A_629[0] : f32 from vector<1xf32>
                %sub3A_631 = arith.subf %squeeze3A_626, %squeeze3A_630 : f32
                %broadcast_in_dim3A_632 = vector.broadcast %max3A_360 : i32 to vector<16xi32>
                %broadcast_in_dim3A_633 = vector.broadcast %sub3A_631 : f32 to vector<16xf32>
                %iota3A_634 = tpu.iota {dimensions = array<i32: 0>} : vector<16xi32>
                %eq3A_635 = arith.constant 0 : i32
                %eq3A_636 = vector.broadcast %eq3A_635 : i32 to vector<16xi32>
                %eq3A_637 = arith.cmpi eq, %iota3A_634, %eq3A_636 : vector<16xi32>
                tpu.vector_store_idx %arg10[%broadcast_in_dim3A_632], %broadcast_in_dim3A_633 masked %eq3A_637 : memref<4096xf32, #tpu.memory_space<vmem>>[vector<16xi32>], vector<16xf32>, vector<16xi1>
              } else {
              }
            } else {
            }
            %select_n3A_370 = arith.select %and3A_363, %min3A_361, %select_n3A_355 : i32
            %mul3A_371 = arith.constant 16 : i32
            %mul3A_372 = arith.muli %while3A_170, %mul3A_371 : i32
            %add3A_373 = arith.constant 7 : i32
            %add3A_374 = arith.addi %mul3A_372, %add3A_373 : i32
            %lt3A_375 = arith.cmpi slt, %add3A_374, %sub3A : i32
            %slice3A_376 = vector.extract_strided_slice %shift_right_logical3A_180 {offsets = [7], sizes = [1], strides = [1]} : vector<16xi32> to vector<1xi32>
            %squeeze3A_377 = vector.extract %slice3A_376[0] : i32 from vector<1xi32>
            %slice3A_378 = vector.extract_strided_slice %and3A_178 {offsets = [7], sizes = [1], strides = [1]} : vector<16xi32> to vector<1xi32>
            %squeeze3A_379 = vector.extract %slice3A_378[0] : i32 from vector<1xi32>
            %ne3A_380 = arith.cmpi ne, %squeeze3A_377, %select_n3A_356 : i32
            %and3A_381 = arith.andi %lt3A_375, %ne3A_380 : i1
            %select_n3A_382 = arith.select %and3A_381, %squeeze3A_377, %select_n3A_370 : i32
            %select_n3A_383 = arith.select %lt3A_375, %squeeze3A_377, %select_n3A_356 : i32
            %slice3A_384 = vector.extract_strided_slice %while3A_182#0 {offsets = [7], sizes = [1], strides = [1]} : vector<16xi32> to vector<1xi32>
            %squeeze3A_385 = vector.extract %slice3A_384[0] : i32 from vector<1xi32>
            %while3A_386 = scf.while (%while3A_614 = %squeeze3A_385) : (i32) -> i32 {
              %broadcast_in_dim3A_615 = vector.broadcast %while3A_614 : i32 to vector<16xi32>
              %gather3A_616 = tpu.vector_load_idx %arg9[%broadcast_in_dim3A_615] : memref<4096xi32, #tpu.memory_space<vmem>>[vector<16xi32>], vector<16xi32>,
              %slice3A_617 = vector.extract_strided_slice %gather3A_616 {offsets = [0], sizes = [1], strides = [1]} : vector<16xi32> to vector<1xi32>
              %squeeze3A_618 = vector.extract %slice3A_617[0] : i32 from vector<1xi32>
              %ne3A_619 = arith.cmpi ne, %squeeze3A_618, %while3A_614 : i32
              scf.condition(%ne3A_619) %while3A_614 : i32
            } do {
            ^bb0(%while3A_614: i32):
              %broadcast_in_dim3A_615 = vector.broadcast %while3A_614 : i32 to vector<16xi32>
              %gather3A_616 = tpu.vector_load_idx %arg9[%broadcast_in_dim3A_615] : memref<4096xi32, #tpu.memory_space<vmem>>[vector<16xi32>], vector<16xi32>,
              %slice3A_617 = vector.extract_strided_slice %gather3A_616 {offsets = [0], sizes = [1], strides = [1]} : vector<16xi32> to vector<1xi32>
              %squeeze3A_618 = vector.extract %slice3A_617[0] : i32 from vector<1xi32>
              scf.yield %squeeze3A_618 : i32
            }
            %max3A_387 = arith.maxsi %select_n3A_382, %while3A_386 : i32
            %min3A_388 = arith.minsi %select_n3A_382, %while3A_386 : i32
            %ne3A_389 = arith.cmpi ne, %while3A_386, %select_n3A_382 : i32
            %and3A_390 = arith.andi %lt3A_375, %ne3A_389 : i1
            %convert_element_type3A_391 = arith.extui %lt3A_375 : i1 to i32
            %cond3A_392 = arith.constant 0 : i32
            %cond3A_393 = arith.cmpi ne, %convert_element_type3A_391, %cond3A_392 : i32
            scf.if %cond3A_393 {
              %broadcast_in_dim3A_614 = vector.broadcast %squeeze3A_379 : i32 to vector<16xi32>
              %broadcast_in_dim3A_615 = vector.broadcast %while3A_386 : i32 to vector<16xi32>
              %iota3A = tpu.iota {dimensions = array<i32: 0>} : vector<16xi32>
              %eq3A_616 = arith.constant 0 : i32
              %eq3A_617 = vector.broadcast %eq3A_616 : i32 to vector<16xi32>
              %eq3A_618 = arith.cmpi eq, %iota3A, %eq3A_617 : vector<16xi32>
              tpu.vector_store_idx %arg9[%broadcast_in_dim3A_614], %broadcast_in_dim3A_615 masked %eq3A_618 : memref<4096xi32, #tpu.memory_space<vmem>>[vector<16xi32>], vector<16xi32>, vector<16xi1>
            } else {
            }
            %convert_element_type3A_394 = arith.extui %and3A_390 : i1 to i32
            %cond3A_395 = arith.constant 0 : i32
            %cond3A_396 = arith.cmpi ne, %convert_element_type3A_394, %cond3A_395 : i32
            scf.if %cond3A_396 {
              %broadcast_in_dim3A_614 = vector.broadcast %max3A_387 : i32 to vector<16xi32>
              %broadcast_in_dim3A_615 = vector.broadcast %min3A_388 : i32 to vector<16xi32>
              %iota3A = tpu.iota {dimensions = array<i32: 0>} : vector<16xi32>
              %eq3A_616 = arith.constant 0 : i32
              %eq3A_617 = vector.broadcast %eq3A_616 : i32 to vector<16xi32>
              %eq3A_618 = arith.cmpi eq, %iota3A, %eq3A_617 : vector<16xi32>
              tpu.vector_store_idx %arg9[%broadcast_in_dim3A_614], %broadcast_in_dim3A_615 masked %eq3A_618 : memref<4096xi32, #tpu.memory_space<vmem>>[vector<16xi32>], vector<16xi32>, vector<16xi1>
              %ne3A_619 = arith.cmpi ne, %max3A_387, %squeeze3A_377 : i32
              %convert_element_type3A_620 = arith.extui %ne3A_619 : i1 to i32
              %cond3A_621 = arith.constant 0 : i32
              %cond3A_622 = arith.cmpi ne, %convert_element_type3A_620, %cond3A_621 : i32
              scf.if %cond3A_622 {
                %broadcast_in_dim3A_623 = vector.broadcast %max3A_387 : i32 to vector<16xi32>
                %gather3A_624 = tpu.vector_load_idx %arg8[%broadcast_in_dim3A_623] : memref<4096xf32, #tpu.memory_space<vmem>>[vector<16xi32>], vector<16xf32>,
                %slice3A_625 = vector.extract_strided_slice %gather3A_624 {offsets = [0], sizes = [1], strides = [1]} : vector<16xf32> to vector<1xf32>
                %squeeze3A_626 = vector.extract %slice3A_625[0] : f32 from vector<1xf32>
                %broadcast_in_dim3A_627 = vector.broadcast %squeeze3A_377 : i32 to vector<16xi32>
                %gather3A_628 = tpu.vector_load_idx %arg8[%broadcast_in_dim3A_627] : memref<4096xf32, #tpu.memory_space<vmem>>[vector<16xi32>], vector<16xf32>,
                %slice3A_629 = vector.extract_strided_slice %gather3A_628 {offsets = [0], sizes = [1], strides = [1]} : vector<16xf32> to vector<1xf32>
                %squeeze3A_630 = vector.extract %slice3A_629[0] : f32 from vector<1xf32>
                %sub3A_631 = arith.subf %squeeze3A_626, %squeeze3A_630 : f32
                %broadcast_in_dim3A_632 = vector.broadcast %max3A_387 : i32 to vector<16xi32>
                %broadcast_in_dim3A_633 = vector.broadcast %sub3A_631 : f32 to vector<16xf32>
                %iota3A_634 = tpu.iota {dimensions = array<i32: 0>} : vector<16xi32>
                %eq3A_635 = arith.constant 0 : i32
                %eq3A_636 = vector.broadcast %eq3A_635 : i32 to vector<16xi32>
                %eq3A_637 = arith.cmpi eq, %iota3A_634, %eq3A_636 : vector<16xi32>
                tpu.vector_store_idx %arg10[%broadcast_in_dim3A_632], %broadcast_in_dim3A_633 masked %eq3A_637 : memref<4096xf32, #tpu.memory_space<vmem>>[vector<16xi32>], vector<16xf32>, vector<16xi1>
              } else {
              }
            } else {
            }
            %select_n3A_397 = arith.select %and3A_390, %min3A_388, %select_n3A_382 : i32
            %mul3A_398 = arith.constant 16 : i32
            %mul3A_399 = arith.muli %while3A_170, %mul3A_398 : i32
            %add3A_400 = arith.constant 8 : i32
            %add3A_401 = arith.addi %mul3A_399, %add3A_400 : i32
            %lt3A_402 = arith.cmpi slt, %add3A_401, %sub3A : i32
            %slice3A_403 = vector.extract_strided_slice %shift_right_logical3A_180 {offsets = [8], sizes = [1], strides = [1]} : vector<16xi32> to vector<1xi32>
            %squeeze3A_404 = vector.extract %slice3A_403[0] : i32 from vector<1xi32>
            %slice3A_405 = vector.extract_strided_slice %and3A_178 {offsets = [8], sizes = [1], strides = [1]} : vector<16xi32> to vector<1xi32>
            %squeeze3A_406 = vector.extract %slice3A_405[0] : i32 from vector<1xi32>
            %ne3A_407 = arith.cmpi ne, %squeeze3A_404, %select_n3A_383 : i32
            %and3A_408 = arith.andi %lt3A_402, %ne3A_407 : i1
            %select_n3A_409 = arith.select %and3A_408, %squeeze3A_404, %select_n3A_397 : i32
            %select_n3A_410 = arith.select %lt3A_402, %squeeze3A_404, %select_n3A_383 : i32
            %slice3A_411 = vector.extract_strided_slice %while3A_182#0 {offsets = [8], sizes = [1], strides = [1]} : vector<16xi32> to vector<1xi32>
            %squeeze3A_412 = vector.extract %slice3A_411[0] : i32 from vector<1xi32>
            %while3A_413 = scf.while (%while3A_614 = %squeeze3A_412) : (i32) -> i32 {
              %broadcast_in_dim3A_615 = vector.broadcast %while3A_614 : i32 to vector<16xi32>
              %gather3A_616 = tpu.vector_load_idx %arg9[%broadcast_in_dim3A_615] : memref<4096xi32, #tpu.memory_space<vmem>>[vector<16xi32>], vector<16xi32>,
              %slice3A_617 = vector.extract_strided_slice %gather3A_616 {offsets = [0], sizes = [1], strides = [1]} : vector<16xi32> to vector<1xi32>
              %squeeze3A_618 = vector.extract %slice3A_617[0] : i32 from vector<1xi32>
              %ne3A_619 = arith.cmpi ne, %squeeze3A_618, %while3A_614 : i32
              scf.condition(%ne3A_619) %while3A_614 : i32
            } do {
            ^bb0(%while3A_614: i32):
              %broadcast_in_dim3A_615 = vector.broadcast %while3A_614 : i32 to vector<16xi32>
              %gather3A_616 = tpu.vector_load_idx %arg9[%broadcast_in_dim3A_615] : memref<4096xi32, #tpu.memory_space<vmem>>[vector<16xi32>], vector<16xi32>,
              %slice3A_617 = vector.extract_strided_slice %gather3A_616 {offsets = [0], sizes = [1], strides = [1]} : vector<16xi32> to vector<1xi32>
              %squeeze3A_618 = vector.extract %slice3A_617[0] : i32 from vector<1xi32>
              scf.yield %squeeze3A_618 : i32
            }
            %max3A_414 = arith.maxsi %select_n3A_409, %while3A_413 : i32
            %min3A_415 = arith.minsi %select_n3A_409, %while3A_413 : i32
            %ne3A_416 = arith.cmpi ne, %while3A_413, %select_n3A_409 : i32
            %and3A_417 = arith.andi %lt3A_402, %ne3A_416 : i1
            %convert_element_type3A_418 = arith.extui %lt3A_402 : i1 to i32
            %cond3A_419 = arith.constant 0 : i32
            %cond3A_420 = arith.cmpi ne, %convert_element_type3A_418, %cond3A_419 : i32
            scf.if %cond3A_420 {
              %broadcast_in_dim3A_614 = vector.broadcast %squeeze3A_406 : i32 to vector<16xi32>
              %broadcast_in_dim3A_615 = vector.broadcast %while3A_413 : i32 to vector<16xi32>
              %iota3A = tpu.iota {dimensions = array<i32: 0>} : vector<16xi32>
              %eq3A_616 = arith.constant 0 : i32
              %eq3A_617 = vector.broadcast %eq3A_616 : i32 to vector<16xi32>
              %eq3A_618 = arith.cmpi eq, %iota3A, %eq3A_617 : vector<16xi32>
              tpu.vector_store_idx %arg9[%broadcast_in_dim3A_614], %broadcast_in_dim3A_615 masked %eq3A_618 : memref<4096xi32, #tpu.memory_space<vmem>>[vector<16xi32>], vector<16xi32>, vector<16xi1>
            } else {
            }
            %convert_element_type3A_421 = arith.extui %and3A_417 : i1 to i32
            %cond3A_422 = arith.constant 0 : i32
            %cond3A_423 = arith.cmpi ne, %convert_element_type3A_421, %cond3A_422 : i32
            scf.if %cond3A_423 {
              %broadcast_in_dim3A_614 = vector.broadcast %max3A_414 : i32 to vector<16xi32>
              %broadcast_in_dim3A_615 = vector.broadcast %min3A_415 : i32 to vector<16xi32>
              %iota3A = tpu.iota {dimensions = array<i32: 0>} : vector<16xi32>
              %eq3A_616 = arith.constant 0 : i32
              %eq3A_617 = vector.broadcast %eq3A_616 : i32 to vector<16xi32>
              %eq3A_618 = arith.cmpi eq, %iota3A, %eq3A_617 : vector<16xi32>
              tpu.vector_store_idx %arg9[%broadcast_in_dim3A_614], %broadcast_in_dim3A_615 masked %eq3A_618 : memref<4096xi32, #tpu.memory_space<vmem>>[vector<16xi32>], vector<16xi32>, vector<16xi1>
              %ne3A_619 = arith.cmpi ne, %max3A_414, %squeeze3A_404 : i32
              %convert_element_type3A_620 = arith.extui %ne3A_619 : i1 to i32
              %cond3A_621 = arith.constant 0 : i32
              %cond3A_622 = arith.cmpi ne, %convert_element_type3A_620, %cond3A_621 : i32
              scf.if %cond3A_622 {
                %broadcast_in_dim3A_623 = vector.broadcast %max3A_414 : i32 to vector<16xi32>
                %gather3A_624 = tpu.vector_load_idx %arg8[%broadcast_in_dim3A_623] : memref<4096xf32, #tpu.memory_space<vmem>>[vector<16xi32>], vector<16xf32>,
                %slice3A_625 = vector.extract_strided_slice %gather3A_624 {offsets = [0], sizes = [1], strides = [1]} : vector<16xf32> to vector<1xf32>
                %squeeze3A_626 = vector.extract %slice3A_625[0] : f32 from vector<1xf32>
                %broadcast_in_dim3A_627 = vector.broadcast %squeeze3A_404 : i32 to vector<16xi32>
                %gather3A_628 = tpu.vector_load_idx %arg8[%broadcast_in_dim3A_627] : memref<4096xf32, #tpu.memory_space<vmem>>[vector<16xi32>], vector<16xf32>,
                %slice3A_629 = vector.extract_strided_slice %gather3A_628 {offsets = [0], sizes = [1], strides = [1]} : vector<16xf32> to vector<1xf32>
                %squeeze3A_630 = vector.extract %slice3A_629[0] : f32 from vector<1xf32>
                %sub3A_631 = arith.subf %squeeze3A_626, %squeeze3A_630 : f32
                %broadcast_in_dim3A_632 = vector.broadcast %max3A_414 : i32 to vector<16xi32>
                %broadcast_in_dim3A_633 = vector.broadcast %sub3A_631 : f32 to vector<16xf32>
                %iota3A_634 = tpu.iota {dimensions = array<i32: 0>} : vector<16xi32>
                %eq3A_635 = arith.constant 0 : i32
                %eq3A_636 = vector.broadcast %eq3A_635 : i32 to vector<16xi32>
                %eq3A_637 = arith.cmpi eq, %iota3A_634, %eq3A_636 : vector<16xi32>
                tpu.vector_store_idx %arg10[%broadcast_in_dim3A_632], %broadcast_in_dim3A_633 masked %eq3A_637 : memref<4096xf32, #tpu.memory_space<vmem>>[vector<16xi32>], vector<16xf32>, vector<16xi1>
              } else {
              }
            } else {
            }
            %select_n3A_424 = arith.select %and3A_417, %min3A_415, %select_n3A_409 : i32
            %mul3A_425 = arith.constant 16 : i32
            %mul3A_426 = arith.muli %while3A_170, %mul3A_425 : i32
            %add3A_427 = arith.constant 9 : i32
            %add3A_428 = arith.addi %mul3A_426, %add3A_427 : i32
            %lt3A_429 = arith.cmpi slt, %add3A_428, %sub3A : i32
            %slice3A_430 = vector.extract_strided_slice %shift_right_logical3A_180 {offsets = [9], sizes = [1], strides = [1]} : vector<16xi32> to vector<1xi32>
            %squeeze3A_431 = vector.extract %slice3A_430[0] : i32 from vector<1xi32>
            %slice3A_432 = vector.extract_strided_slice %and3A_178 {offsets = [9], sizes = [1], strides = [1]} : vector<16xi32> to vector<1xi32>
            %squeeze3A_433 = vector.extract %slice3A_432[0] : i32 from vector<1xi32>
            %ne3A_434 = arith.cmpi ne, %squeeze3A_431, %select_n3A_410 : i32
            %and3A_435 = arith.andi %lt3A_429, %ne3A_434 : i1
            %select_n3A_436 = arith.select %and3A_435, %squeeze3A_431, %select_n3A_424 : i32
            %select_n3A_437 = arith.select %lt3A_429, %squeeze3A_431, %select_n3A_410 : i32
            %slice3A_438 = vector.extract_strided_slice %while3A_182#0 {offsets = [9], sizes = [1], strides = [1]} : vector<16xi32> to vector<1xi32>
            %squeeze3A_439 = vector.extract %slice3A_438[0] : i32 from vector<1xi32>
            %while3A_440 = scf.while (%while3A_614 = %squeeze3A_439) : (i32) -> i32 {
              %broadcast_in_dim3A_615 = vector.broadcast %while3A_614 : i32 to vector<16xi32>
              %gather3A_616 = tpu.vector_load_idx %arg9[%broadcast_in_dim3A_615] : memref<4096xi32, #tpu.memory_space<vmem>>[vector<16xi32>], vector<16xi32>,
              %slice3A_617 = vector.extract_strided_slice %gather3A_616 {offsets = [0], sizes = [1], strides = [1]} : vector<16xi32> to vector<1xi32>
              %squeeze3A_618 = vector.extract %slice3A_617[0] : i32 from vector<1xi32>
              %ne3A_619 = arith.cmpi ne, %squeeze3A_618, %while3A_614 : i32
              scf.condition(%ne3A_619) %while3A_614 : i32
            } do {
            ^bb0(%while3A_614: i32):
              %broadcast_in_dim3A_615 = vector.broadcast %while3A_614 : i32 to vector<16xi32>
              %gather3A_616 = tpu.vector_load_idx %arg9[%broadcast_in_dim3A_615] : memref<4096xi32, #tpu.memory_space<vmem>>[vector<16xi32>], vector<16xi32>,
              %slice3A_617 = vector.extract_strided_slice %gather3A_616 {offsets = [0], sizes = [1], strides = [1]} : vector<16xi32> to vector<1xi32>
              %squeeze3A_618 = vector.extract %slice3A_617[0] : i32 from vector<1xi32>
              scf.yield %squeeze3A_618 : i32
            }
            %max3A_441 = arith.maxsi %select_n3A_436, %while3A_440 : i32
            %min3A_442 = arith.minsi %select_n3A_436, %while3A_440 : i32
            %ne3A_443 = arith.cmpi ne, %while3A_440, %select_n3A_436 : i32
            %and3A_444 = arith.andi %lt3A_429, %ne3A_443 : i1
            %convert_element_type3A_445 = arith.extui %lt3A_429 : i1 to i32
            %cond3A_446 = arith.constant 0 : i32
            %cond3A_447 = arith.cmpi ne, %convert_element_type3A_445, %cond3A_446 : i32
            scf.if %cond3A_447 {
              %broadcast_in_dim3A_614 = vector.broadcast %squeeze3A_433 : i32 to vector<16xi32>
              %broadcast_in_dim3A_615 = vector.broadcast %while3A_440 : i32 to vector<16xi32>
              %iota3A = tpu.iota {dimensions = array<i32: 0>} : vector<16xi32>
              %eq3A_616 = arith.constant 0 : i32
              %eq3A_617 = vector.broadcast %eq3A_616 : i32 to vector<16xi32>
              %eq3A_618 = arith.cmpi eq, %iota3A, %eq3A_617 : vector<16xi32>
              tpu.vector_store_idx %arg9[%broadcast_in_dim3A_614], %broadcast_in_dim3A_615 masked %eq3A_618 : memref<4096xi32, #tpu.memory_space<vmem>>[vector<16xi32>], vector<16xi32>, vector<16xi1>
            } else {
            }
            %convert_element_type3A_448 = arith.extui %and3A_444 : i1 to i32
            %cond3A_449 = arith.constant 0 : i32
            %cond3A_450 = arith.cmpi ne, %convert_element_type3A_448, %cond3A_449 : i32
            scf.if %cond3A_450 {
              %broadcast_in_dim3A_614 = vector.broadcast %max3A_441 : i32 to vector<16xi32>
              %broadcast_in_dim3A_615 = vector.broadcast %min3A_442 : i32 to vector<16xi32>
              %iota3A = tpu.iota {dimensions = array<i32: 0>} : vector<16xi32>
              %eq3A_616 = arith.constant 0 : i32
              %eq3A_617 = vector.broadcast %eq3A_616 : i32 to vector<16xi32>
              %eq3A_618 = arith.cmpi eq, %iota3A, %eq3A_617 : vector<16xi32>
              tpu.vector_store_idx %arg9[%broadcast_in_dim3A_614], %broadcast_in_dim3A_615 masked %eq3A_618 : memref<4096xi32, #tpu.memory_space<vmem>>[vector<16xi32>], vector<16xi32>, vector<16xi1>
              %ne3A_619 = arith.cmpi ne, %max3A_441, %squeeze3A_431 : i32
              %convert_element_type3A_620 = arith.extui %ne3A_619 : i1 to i32
              %cond3A_621 = arith.constant 0 : i32
              %cond3A_622 = arith.cmpi ne, %convert_element_type3A_620, %cond3A_621 : i32
              scf.if %cond3A_622 {
                %broadcast_in_dim3A_623 = vector.broadcast %max3A_441 : i32 to vector<16xi32>
                %gather3A_624 = tpu.vector_load_idx %arg8[%broadcast_in_dim3A_623] : memref<4096xf32, #tpu.memory_space<vmem>>[vector<16xi32>], vector<16xf32>,
                %slice3A_625 = vector.extract_strided_slice %gather3A_624 {offsets = [0], sizes = [1], strides = [1]} : vector<16xf32> to vector<1xf32>
                %squeeze3A_626 = vector.extract %slice3A_625[0] : f32 from vector<1xf32>
                %broadcast_in_dim3A_627 = vector.broadcast %squeeze3A_431 : i32 to vector<16xi32>
                %gather3A_628 = tpu.vector_load_idx %arg8[%broadcast_in_dim3A_627] : memref<4096xf32, #tpu.memory_space<vmem>>[vector<16xi32>], vector<16xf32>,
                %slice3A_629 = vector.extract_strided_slice %gather3A_628 {offsets = [0], sizes = [1], strides = [1]} : vector<16xf32> to vector<1xf32>
                %squeeze3A_630 = vector.extract %slice3A_629[0] : f32 from vector<1xf32>
                %sub3A_631 = arith.subf %squeeze3A_626, %squeeze3A_630 : f32
                %broadcast_in_dim3A_632 = vector.broadcast %max3A_441 : i32 to vector<16xi32>
                %broadcast_in_dim3A_633 = vector.broadcast %sub3A_631 : f32 to vector<16xf32>
                %iota3A_634 = tpu.iota {dimensions = array<i32: 0>} : vector<16xi32>
                %eq3A_635 = arith.constant 0 : i32
                %eq3A_636 = vector.broadcast %eq3A_635 : i32 to vector<16xi32>
                %eq3A_637 = arith.cmpi eq, %iota3A_634, %eq3A_636 : vector<16xi32>
                tpu.vector_store_idx %arg10[%broadcast_in_dim3A_632], %broadcast_in_dim3A_633 masked %eq3A_637 : memref<4096xf32, #tpu.memory_space<vmem>>[vector<16xi32>], vector<16xf32>, vector<16xi1>
              } else {
              }
            } else {
            }
            %select_n3A_451 = arith.select %and3A_444, %min3A_442, %select_n3A_436 : i32
            %mul3A_452 = arith.constant 16 : i32
            %mul3A_453 = arith.muli %while3A_170, %mul3A_452 : i32
            %add3A_454 = arith.constant 10 : i32
            %add3A_455 = arith.addi %mul3A_453, %add3A_454 : i32
            %lt3A_456 = arith.cmpi slt, %add3A_455, %sub3A : i32
            %slice3A_457 = vector.extract_strided_slice %shift_right_logical3A_180 {offsets = [10], sizes = [1], strides = [1]} : vector<16xi32> to vector<1xi32>
            %squeeze3A_458 = vector.extract %slice3A_457[0] : i32 from vector<1xi32>
            %slice3A_459 = vector.extract_strided_slice %and3A_178 {offsets = [10], sizes = [1], strides = [1]} : vector<16xi32> to vector<1xi32>
            %squeeze3A_460 = vector.extract %slice3A_459[0] : i32 from vector<1xi32>
            %ne3A_461 = arith.cmpi ne, %squeeze3A_458, %select_n3A_437 : i32
            %and3A_462 = arith.andi %lt3A_456, %ne3A_461 : i1
            %select_n3A_463 = arith.select %and3A_462, %squeeze3A_458, %select_n3A_451 : i32
            %select_n3A_464 = arith.select %lt3A_456, %squeeze3A_458, %select_n3A_437 : i32
            %slice3A_465 = vector.extract_strided_slice %while3A_182#0 {offsets = [10], sizes = [1], strides = [1]} : vector<16xi32> to vector<1xi32>
            %squeeze3A_466 = vector.extract %slice3A_465[0] : i32 from vector<1xi32>
            %while3A_467 = scf.while (%while3A_614 = %squeeze3A_466) : (i32) -> i32 {
              %broadcast_in_dim3A_615 = vector.broadcast %while3A_614 : i32 to vector<16xi32>
              %gather3A_616 = tpu.vector_load_idx %arg9[%broadcast_in_dim3A_615] : memref<4096xi32, #tpu.memory_space<vmem>>[vector<16xi32>], vector<16xi32>,
              %slice3A_617 = vector.extract_strided_slice %gather3A_616 {offsets = [0], sizes = [1], strides = [1]} : vector<16xi32> to vector<1xi32>
              %squeeze3A_618 = vector.extract %slice3A_617[0] : i32 from vector<1xi32>
              %ne3A_619 = arith.cmpi ne, %squeeze3A_618, %while3A_614 : i32
              scf.condition(%ne3A_619) %while3A_614 : i32
            } do {
            ^bb0(%while3A_614: i32):
              %broadcast_in_dim3A_615 = vector.broadcast %while3A_614 : i32 to vector<16xi32>
              %gather3A_616 = tpu.vector_load_idx %arg9[%broadcast_in_dim3A_615] : memref<4096xi32, #tpu.memory_space<vmem>>[vector<16xi32>], vector<16xi32>,
              %slice3A_617 = vector.extract_strided_slice %gather3A_616 {offsets = [0], sizes = [1], strides = [1]} : vector<16xi32> to vector<1xi32>
              %squeeze3A_618 = vector.extract %slice3A_617[0] : i32 from vector<1xi32>
              scf.yield %squeeze3A_618 : i32
            }
            %max3A_468 = arith.maxsi %select_n3A_463, %while3A_467 : i32
            %min3A_469 = arith.minsi %select_n3A_463, %while3A_467 : i32
            %ne3A_470 = arith.cmpi ne, %while3A_467, %select_n3A_463 : i32
            %and3A_471 = arith.andi %lt3A_456, %ne3A_470 : i1
            %convert_element_type3A_472 = arith.extui %lt3A_456 : i1 to i32
            %cond3A_473 = arith.constant 0 : i32
            %cond3A_474 = arith.cmpi ne, %convert_element_type3A_472, %cond3A_473 : i32
            scf.if %cond3A_474 {
              %broadcast_in_dim3A_614 = vector.broadcast %squeeze3A_460 : i32 to vector<16xi32>
              %broadcast_in_dim3A_615 = vector.broadcast %while3A_467 : i32 to vector<16xi32>
              %iota3A = tpu.iota {dimensions = array<i32: 0>} : vector<16xi32>
              %eq3A_616 = arith.constant 0 : i32
              %eq3A_617 = vector.broadcast %eq3A_616 : i32 to vector<16xi32>
              %eq3A_618 = arith.cmpi eq, %iota3A, %eq3A_617 : vector<16xi32>
              tpu.vector_store_idx %arg9[%broadcast_in_dim3A_614], %broadcast_in_dim3A_615 masked %eq3A_618 : memref<4096xi32, #tpu.memory_space<vmem>>[vector<16xi32>], vector<16xi32>, vector<16xi1>
            } else {
            }
            %convert_element_type3A_475 = arith.extui %and3A_471 : i1 to i32
            %cond3A_476 = arith.constant 0 : i32
            %cond3A_477 = arith.cmpi ne, %convert_element_type3A_475, %cond3A_476 : i32
            scf.if %cond3A_477 {
              %broadcast_in_dim3A_614 = vector.broadcast %max3A_468 : i32 to vector<16xi32>
              %broadcast_in_dim3A_615 = vector.broadcast %min3A_469 : i32 to vector<16xi32>
              %iota3A = tpu.iota {dimensions = array<i32: 0>} : vector<16xi32>
              %eq3A_616 = arith.constant 0 : i32
              %eq3A_617 = vector.broadcast %eq3A_616 : i32 to vector<16xi32>
              %eq3A_618 = arith.cmpi eq, %iota3A, %eq3A_617 : vector<16xi32>
              tpu.vector_store_idx %arg9[%broadcast_in_dim3A_614], %broadcast_in_dim3A_615 masked %eq3A_618 : memref<4096xi32, #tpu.memory_space<vmem>>[vector<16xi32>], vector<16xi32>, vector<16xi1>
              %ne3A_619 = arith.cmpi ne, %max3A_468, %squeeze3A_458 : i32
              %convert_element_type3A_620 = arith.extui %ne3A_619 : i1 to i32
              %cond3A_621 = arith.constant 0 : i32
              %cond3A_622 = arith.cmpi ne, %convert_element_type3A_620, %cond3A_621 : i32
              scf.if %cond3A_622 {
                %broadcast_in_dim3A_623 = vector.broadcast %max3A_468 : i32 to vector<16xi32>
                %gather3A_624 = tpu.vector_load_idx %arg8[%broadcast_in_dim3A_623] : memref<4096xf32, #tpu.memory_space<vmem>>[vector<16xi32>], vector<16xf32>,
                %slice3A_625 = vector.extract_strided_slice %gather3A_624 {offsets = [0], sizes = [1], strides = [1]} : vector<16xf32> to vector<1xf32>
                %squeeze3A_626 = vector.extract %slice3A_625[0] : f32 from vector<1xf32>
                %broadcast_in_dim3A_627 = vector.broadcast %squeeze3A_458 : i32 to vector<16xi32>
                %gather3A_628 = tpu.vector_load_idx %arg8[%broadcast_in_dim3A_627] : memref<4096xf32, #tpu.memory_space<vmem>>[vector<16xi32>], vector<16xf32>,
                %slice3A_629 = vector.extract_strided_slice %gather3A_628 {offsets = [0], sizes = [1], strides = [1]} : vector<16xf32> to vector<1xf32>
                %squeeze3A_630 = vector.extract %slice3A_629[0] : f32 from vector<1xf32>
                %sub3A_631 = arith.subf %squeeze3A_626, %squeeze3A_630 : f32
                %broadcast_in_dim3A_632 = vector.broadcast %max3A_468 : i32 to vector<16xi32>
                %broadcast_in_dim3A_633 = vector.broadcast %sub3A_631 : f32 to vector<16xf32>
                %iota3A_634 = tpu.iota {dimensions = array<i32: 0>} : vector<16xi32>
                %eq3A_635 = arith.constant 0 : i32
                %eq3A_636 = vector.broadcast %eq3A_635 : i32 to vector<16xi32>
                %eq3A_637 = arith.cmpi eq, %iota3A_634, %eq3A_636 : vector<16xi32>
                tpu.vector_store_idx %arg10[%broadcast_in_dim3A_632], %broadcast_in_dim3A_633 masked %eq3A_637 : memref<4096xf32, #tpu.memory_space<vmem>>[vector<16xi32>], vector<16xf32>, vector<16xi1>
              } else {
              }
            } else {
            }
            %select_n3A_478 = arith.select %and3A_471, %min3A_469, %select_n3A_463 : i32
            %mul3A_479 = arith.constant 16 : i32
            %mul3A_480 = arith.muli %while3A_170, %mul3A_479 : i32
            %add3A_481 = arith.constant 11 : i32
            %add3A_482 = arith.addi %mul3A_480, %add3A_481 : i32
            %lt3A_483 = arith.cmpi slt, %add3A_482, %sub3A : i32
            %slice3A_484 = vector.extract_strided_slice %shift_right_logical3A_180 {offsets = [11], sizes = [1], strides = [1]} : vector<16xi32> to vector<1xi32>
            %squeeze3A_485 = vector.extract %slice3A_484[0] : i32 from vector<1xi32>
            %slice3A_486 = vector.extract_strided_slice %and3A_178 {offsets = [11], sizes = [1], strides = [1]} : vector<16xi32> to vector<1xi32>
            %squeeze3A_487 = vector.extract %slice3A_486[0] : i32 from vector<1xi32>
            %ne3A_488 = arith.cmpi ne, %squeeze3A_485, %select_n3A_464 : i32
            %and3A_489 = arith.andi %lt3A_483, %ne3A_488 : i1
            %select_n3A_490 = arith.select %and3A_489, %squeeze3A_485, %select_n3A_478 : i32
            %select_n3A_491 = arith.select %lt3A_483, %squeeze3A_485, %select_n3A_464 : i32
            %slice3A_492 = vector.extract_strided_slice %while3A_182#0 {offsets = [11], sizes = [1], strides = [1]} : vector<16xi32> to vector<1xi32>
            %squeeze3A_493 = vector.extract %slice3A_492[0] : i32 from vector<1xi32>
            %while3A_494 = scf.while (%while3A_614 = %squeeze3A_493) : (i32) -> i32 {
              %broadcast_in_dim3A_615 = vector.broadcast %while3A_614 : i32 to vector<16xi32>
              %gather3A_616 = tpu.vector_load_idx %arg9[%broadcast_in_dim3A_615] : memref<4096xi32, #tpu.memory_space<vmem>>[vector<16xi32>], vector<16xi32>,
              %slice3A_617 = vector.extract_strided_slice %gather3A_616 {offsets = [0], sizes = [1], strides = [1]} : vector<16xi32> to vector<1xi32>
              %squeeze3A_618 = vector.extract %slice3A_617[0] : i32 from vector<1xi32>
              %ne3A_619 = arith.cmpi ne, %squeeze3A_618, %while3A_614 : i32
              scf.condition(%ne3A_619) %while3A_614 : i32
            } do {
            ^bb0(%while3A_614: i32):
              %broadcast_in_dim3A_615 = vector.broadcast %while3A_614 : i32 to vector<16xi32>
              %gather3A_616 = tpu.vector_load_idx %arg9[%broadcast_in_dim3A_615] : memref<4096xi32, #tpu.memory_space<vmem>>[vector<16xi32>], vector<16xi32>,
              %slice3A_617 = vector.extract_strided_slice %gather3A_616 {offsets = [0], sizes = [1], strides = [1]} : vector<16xi32> to vector<1xi32>
              %squeeze3A_618 = vector.extract %slice3A_617[0] : i32 from vector<1xi32>
              scf.yield %squeeze3A_618 : i32
            }
            %max3A_495 = arith.maxsi %select_n3A_490, %while3A_494 : i32
            %min3A_496 = arith.minsi %select_n3A_490, %while3A_494 : i32
            %ne3A_497 = arith.cmpi ne, %while3A_494, %select_n3A_490 : i32
            %and3A_498 = arith.andi %lt3A_483, %ne3A_497 : i1
            %convert_element_type3A_499 = arith.extui %lt3A_483 : i1 to i32
            %cond3A_500 = arith.constant 0 : i32
            %cond3A_501 = arith.cmpi ne, %convert_element_type3A_499, %cond3A_500 : i32
            scf.if %cond3A_501 {
              %broadcast_in_dim3A_614 = vector.broadcast %squeeze3A_487 : i32 to vector<16xi32>
              %broadcast_in_dim3A_615 = vector.broadcast %while3A_494 : i32 to vector<16xi32>
              %iota3A = tpu.iota {dimensions = array<i32: 0>} : vector<16xi32>
              %eq3A_616 = arith.constant 0 : i32
              %eq3A_617 = vector.broadcast %eq3A_616 : i32 to vector<16xi32>
              %eq3A_618 = arith.cmpi eq, %iota3A, %eq3A_617 : vector<16xi32>
              tpu.vector_store_idx %arg9[%broadcast_in_dim3A_614], %broadcast_in_dim3A_615 masked %eq3A_618 : memref<4096xi32, #tpu.memory_space<vmem>>[vector<16xi32>], vector<16xi32>, vector<16xi1>
            } else {
            }
            %convert_element_type3A_502 = arith.extui %and3A_498 : i1 to i32
            %cond3A_503 = arith.constant 0 : i32
            %cond3A_504 = arith.cmpi ne, %convert_element_type3A_502, %cond3A_503 : i32
            scf.if %cond3A_504 {
              %broadcast_in_dim3A_614 = vector.broadcast %max3A_495 : i32 to vector<16xi32>
              %broadcast_in_dim3A_615 = vector.broadcast %min3A_496 : i32 to vector<16xi32>
              %iota3A = tpu.iota {dimensions = array<i32: 0>} : vector<16xi32>
              %eq3A_616 = arith.constant 0 : i32
              %eq3A_617 = vector.broadcast %eq3A_616 : i32 to vector<16xi32>
              %eq3A_618 = arith.cmpi eq, %iota3A, %eq3A_617 : vector<16xi32>
              tpu.vector_store_idx %arg9[%broadcast_in_dim3A_614], %broadcast_in_dim3A_615 masked %eq3A_618 : memref<4096xi32, #tpu.memory_space<vmem>>[vector<16xi32>], vector<16xi32>, vector<16xi1>
              %ne3A_619 = arith.cmpi ne, %max3A_495, %squeeze3A_485 : i32
              %convert_element_type3A_620 = arith.extui %ne3A_619 : i1 to i32
              %cond3A_621 = arith.constant 0 : i32
              %cond3A_622 = arith.cmpi ne, %convert_element_type3A_620, %cond3A_621 : i32
              scf.if %cond3A_622 {
                %broadcast_in_dim3A_623 = vector.broadcast %max3A_495 : i32 to vector<16xi32>
                %gather3A_624 = tpu.vector_load_idx %arg8[%broadcast_in_dim3A_623] : memref<4096xf32, #tpu.memory_space<vmem>>[vector<16xi32>], vector<16xf32>,
                %slice3A_625 = vector.extract_strided_slice %gather3A_624 {offsets = [0], sizes = [1], strides = [1]} : vector<16xf32> to vector<1xf32>
                %squeeze3A_626 = vector.extract %slice3A_625[0] : f32 from vector<1xf32>
                %broadcast_in_dim3A_627 = vector.broadcast %squeeze3A_485 : i32 to vector<16xi32>
                %gather3A_628 = tpu.vector_load_idx %arg8[%broadcast_in_dim3A_627] : memref<4096xf32, #tpu.memory_space<vmem>>[vector<16xi32>], vector<16xf32>,
                %slice3A_629 = vector.extract_strided_slice %gather3A_628 {offsets = [0], sizes = [1], strides = [1]} : vector<16xf32> to vector<1xf32>
                %squeeze3A_630 = vector.extract %slice3A_629[0] : f32 from vector<1xf32>
                %sub3A_631 = arith.subf %squeeze3A_626, %squeeze3A_630 : f32
                %broadcast_in_dim3A_632 = vector.broadcast %max3A_495 : i32 to vector<16xi32>
                %broadcast_in_dim3A_633 = vector.broadcast %sub3A_631 : f32 to vector<16xf32>
                %iota3A_634 = tpu.iota {dimensions = array<i32: 0>} : vector<16xi32>
                %eq3A_635 = arith.constant 0 : i32
                %eq3A_636 = vector.broadcast %eq3A_635 : i32 to vector<16xi32>
                %eq3A_637 = arith.cmpi eq, %iota3A_634, %eq3A_636 : vector<16xi32>
                tpu.vector_store_idx %arg10[%broadcast_in_dim3A_632], %broadcast_in_dim3A_633 masked %eq3A_637 : memref<4096xf32, #tpu.memory_space<vmem>>[vector<16xi32>], vector<16xf32>, vector<16xi1>
              } else {
              }
            } else {
            }
            %select_n3A_505 = arith.select %and3A_498, %min3A_496, %select_n3A_490 : i32
            %mul3A_506 = arith.constant 16 : i32
            %mul3A_507 = arith.muli %while3A_170, %mul3A_506 : i32
            %add3A_508 = arith.constant 12 : i32
            %add3A_509 = arith.addi %mul3A_507, %add3A_508 : i32
            %lt3A_510 = arith.cmpi slt, %add3A_509, %sub3A : i32
            %slice3A_511 = vector.extract_strided_slice %shift_right_logical3A_180 {offsets = [12], sizes = [1], strides = [1]} : vector<16xi32> to vector<1xi32>
            %squeeze3A_512 = vector.extract %slice3A_511[0] : i32 from vector<1xi32>
            %slice3A_513 = vector.extract_strided_slice %and3A_178 {offsets = [12], sizes = [1], strides = [1]} : vector<16xi32> to vector<1xi32>
            %squeeze3A_514 = vector.extract %slice3A_513[0] : i32 from vector<1xi32>
            %ne3A_515 = arith.cmpi ne, %squeeze3A_512, %select_n3A_491 : i32
            %and3A_516 = arith.andi %lt3A_510, %ne3A_515 : i1
            %select_n3A_517 = arith.select %and3A_516, %squeeze3A_512, %select_n3A_505 : i32
            %select_n3A_518 = arith.select %lt3A_510, %squeeze3A_512, %select_n3A_491 : i32
            %slice3A_519 = vector.extract_strided_slice %while3A_182#0 {offsets = [12], sizes = [1], strides = [1]} : vector<16xi32> to vector<1xi32>
            %squeeze3A_520 = vector.extract %slice3A_519[0] : i32 from vector<1xi32>
            %while3A_521 = scf.while (%while3A_614 = %squeeze3A_520) : (i32) -> i32 {
              %broadcast_in_dim3A_615 = vector.broadcast %while3A_614 : i32 to vector<16xi32>
              %gather3A_616 = tpu.vector_load_idx %arg9[%broadcast_in_dim3A_615] : memref<4096xi32, #tpu.memory_space<vmem>>[vector<16xi32>], vector<16xi32>,
              %slice3A_617 = vector.extract_strided_slice %gather3A_616 {offsets = [0], sizes = [1], strides = [1]} : vector<16xi32> to vector<1xi32>
              %squeeze3A_618 = vector.extract %slice3A_617[0] : i32 from vector<1xi32>
              %ne3A_619 = arith.cmpi ne, %squeeze3A_618, %while3A_614 : i32
              scf.condition(%ne3A_619) %while3A_614 : i32
            } do {
            ^bb0(%while3A_614: i32):
              %broadcast_in_dim3A_615 = vector.broadcast %while3A_614 : i32 to vector<16xi32>
              %gather3A_616 = tpu.vector_load_idx %arg9[%broadcast_in_dim3A_615] : memref<4096xi32, #tpu.memory_space<vmem>>[vector<16xi32>], vector<16xi32>,
              %slice3A_617 = vector.extract_strided_slice %gather3A_616 {offsets = [0], sizes = [1], strides = [1]} : vector<16xi32> to vector<1xi32>
              %squeeze3A_618 = vector.extract %slice3A_617[0] : i32 from vector<1xi32>
              scf.yield %squeeze3A_618 : i32
            }
            %max3A_522 = arith.maxsi %select_n3A_517, %while3A_521 : i32
            %min3A_523 = arith.minsi %select_n3A_517, %while3A_521 : i32
            %ne3A_524 = arith.cmpi ne, %while3A_521, %select_n3A_517 : i32
            %and3A_525 = arith.andi %lt3A_510, %ne3A_524 : i1
            %convert_element_type3A_526 = arith.extui %lt3A_510 : i1 to i32
            %cond3A_527 = arith.constant 0 : i32
            %cond3A_528 = arith.cmpi ne, %convert_element_type3A_526, %cond3A_527 : i32
            scf.if %cond3A_528 {
              %broadcast_in_dim3A_614 = vector.broadcast %squeeze3A_514 : i32 to vector<16xi32>
              %broadcast_in_dim3A_615 = vector.broadcast %while3A_521 : i32 to vector<16xi32>
              %iota3A = tpu.iota {dimensions = array<i32: 0>} : vector<16xi32>
              %eq3A_616 = arith.constant 0 : i32
              %eq3A_617 = vector.broadcast %eq3A_616 : i32 to vector<16xi32>
              %eq3A_618 = arith.cmpi eq, %iota3A, %eq3A_617 : vector<16xi32>
              tpu.vector_store_idx %arg9[%broadcast_in_dim3A_614], %broadcast_in_dim3A_615 masked %eq3A_618 : memref<4096xi32, #tpu.memory_space<vmem>>[vector<16xi32>], vector<16xi32>, vector<16xi1>
            } else {
            }
            %convert_element_type3A_529 = arith.extui %and3A_525 : i1 to i32
            %cond3A_530 = arith.constant 0 : i32
            %cond3A_531 = arith.cmpi ne, %convert_element_type3A_529, %cond3A_530 : i32
            scf.if %cond3A_531 {
              %broadcast_in_dim3A_614 = vector.broadcast %max3A_522 : i32 to vector<16xi32>
              %broadcast_in_dim3A_615 = vector.broadcast %min3A_523 : i32 to vector<16xi32>
              %iota3A = tpu.iota {dimensions = array<i32: 0>} : vector<16xi32>
              %eq3A_616 = arith.constant 0 : i32
              %eq3A_617 = vector.broadcast %eq3A_616 : i32 to vector<16xi32>
              %eq3A_618 = arith.cmpi eq, %iota3A, %eq3A_617 : vector<16xi32>
              tpu.vector_store_idx %arg9[%broadcast_in_dim3A_614], %broadcast_in_dim3A_615 masked %eq3A_618 : memref<4096xi32, #tpu.memory_space<vmem>>[vector<16xi32>], vector<16xi32>, vector<16xi1>
              %ne3A_619 = arith.cmpi ne, %max3A_522, %squeeze3A_512 : i32
              %convert_element_type3A_620 = arith.extui %ne3A_619 : i1 to i32
              %cond3A_621 = arith.constant 0 : i32
              %cond3A_622 = arith.cmpi ne, %convert_element_type3A_620, %cond3A_621 : i32
              scf.if %cond3A_622 {
                %broadcast_in_dim3A_623 = vector.broadcast %max3A_522 : i32 to vector<16xi32>
                %gather3A_624 = tpu.vector_load_idx %arg8[%broadcast_in_dim3A_623] : memref<4096xf32, #tpu.memory_space<vmem>>[vector<16xi32>], vector<16xf32>,
                %slice3A_625 = vector.extract_strided_slice %gather3A_624 {offsets = [0], sizes = [1], strides = [1]} : vector<16xf32> to vector<1xf32>
                %squeeze3A_626 = vector.extract %slice3A_625[0] : f32 from vector<1xf32>
                %broadcast_in_dim3A_627 = vector.broadcast %squeeze3A_512 : i32 to vector<16xi32>
                %gather3A_628 = tpu.vector_load_idx %arg8[%broadcast_in_dim3A_627] : memref<4096xf32, #tpu.memory_space<vmem>>[vector<16xi32>], vector<16xf32>,
                %slice3A_629 = vector.extract_strided_slice %gather3A_628 {offsets = [0], sizes = [1], strides = [1]} : vector<16xf32> to vector<1xf32>
                %squeeze3A_630 = vector.extract %slice3A_629[0] : f32 from vector<1xf32>
                %sub3A_631 = arith.subf %squeeze3A_626, %squeeze3A_630 : f32
                %broadcast_in_dim3A_632 = vector.broadcast %max3A_522 : i32 to vector<16xi32>
                %broadcast_in_dim3A_633 = vector.broadcast %sub3A_631 : f32 to vector<16xf32>
                %iota3A_634 = tpu.iota {dimensions = array<i32: 0>} : vector<16xi32>
                %eq3A_635 = arith.constant 0 : i32
                %eq3A_636 = vector.broadcast %eq3A_635 : i32 to vector<16xi32>
                %eq3A_637 = arith.cmpi eq, %iota3A_634, %eq3A_636 : vector<16xi32>
                tpu.vector_store_idx %arg10[%broadcast_in_dim3A_632], %broadcast_in_dim3A_633 masked %eq3A_637 : memref<4096xf32, #tpu.memory_space<vmem>>[vector<16xi32>], vector<16xf32>, vector<16xi1>
              } else {
              }
            } else {
            }
            %select_n3A_532 = arith.select %and3A_525, %min3A_523, %select_n3A_517 : i32
            %mul3A_533 = arith.constant 16 : i32
            %mul3A_534 = arith.muli %while3A_170, %mul3A_533 : i32
            %add3A_535 = arith.constant 13 : i32
            %add3A_536 = arith.addi %mul3A_534, %add3A_535 : i32
            %lt3A_537 = arith.cmpi slt, %add3A_536, %sub3A : i32
            %slice3A_538 = vector.extract_strided_slice %shift_right_logical3A_180 {offsets = [13], sizes = [1], strides = [1]} : vector<16xi32> to vector<1xi32>
            %squeeze3A_539 = vector.extract %slice3A_538[0] : i32 from vector<1xi32>
            %slice3A_540 = vector.extract_strided_slice %and3A_178 {offsets = [13], sizes = [1], strides = [1]} : vector<16xi32> to vector<1xi32>
            %squeeze3A_541 = vector.extract %slice3A_540[0] : i32 from vector<1xi32>
            %ne3A_542 = arith.cmpi ne, %squeeze3A_539, %select_n3A_518 : i32
            %and3A_543 = arith.andi %lt3A_537, %ne3A_542 : i1
            %select_n3A_544 = arith.select %and3A_543, %squeeze3A_539, %select_n3A_532 : i32
            %select_n3A_545 = arith.select %lt3A_537, %squeeze3A_539, %select_n3A_518 : i32
            %slice3A_546 = vector.extract_strided_slice %while3A_182#0 {offsets = [13], sizes = [1], strides = [1]} : vector<16xi32> to vector<1xi32>
            %squeeze3A_547 = vector.extract %slice3A_546[0] : i32 from vector<1xi32>
            %while3A_548 = scf.while (%while3A_614 = %squeeze3A_547) : (i32) -> i32 {
              %broadcast_in_dim3A_615 = vector.broadcast %while3A_614 : i32 to vector<16xi32>
              %gather3A_616 = tpu.vector_load_idx %arg9[%broadcast_in_dim3A_615] : memref<4096xi32, #tpu.memory_space<vmem>>[vector<16xi32>], vector<16xi32>,
              %slice3A_617 = vector.extract_strided_slice %gather3A_616 {offsets = [0], sizes = [1], strides = [1]} : vector<16xi32> to vector<1xi32>
              %squeeze3A_618 = vector.extract %slice3A_617[0] : i32 from vector<1xi32>
              %ne3A_619 = arith.cmpi ne, %squeeze3A_618, %while3A_614 : i32
              scf.condition(%ne3A_619) %while3A_614 : i32
            } do {
            ^bb0(%while3A_614: i32):
              %broadcast_in_dim3A_615 = vector.broadcast %while3A_614 : i32 to vector<16xi32>
              %gather3A_616 = tpu.vector_load_idx %arg9[%broadcast_in_dim3A_615] : memref<4096xi32, #tpu.memory_space<vmem>>[vector<16xi32>], vector<16xi32>,
              %slice3A_617 = vector.extract_strided_slice %gather3A_616 {offsets = [0], sizes = [1], strides = [1]} : vector<16xi32> to vector<1xi32>
              %squeeze3A_618 = vector.extract %slice3A_617[0] : i32 from vector<1xi32>
              scf.yield %squeeze3A_618 : i32
            }
            %max3A_549 = arith.maxsi %select_n3A_544, %while3A_548 : i32
            %min3A_550 = arith.minsi %select_n3A_544, %while3A_548 : i32
            %ne3A_551 = arith.cmpi ne, %while3A_548, %select_n3A_544 : i32
            %and3A_552 = arith.andi %lt3A_537, %ne3A_551 : i1
            %convert_element_type3A_553 = arith.extui %lt3A_537 : i1 to i32
            %cond3A_554 = arith.constant 0 : i32
            %cond3A_555 = arith.cmpi ne, %convert_element_type3A_553, %cond3A_554 : i32
            scf.if %cond3A_555 {
              %broadcast_in_dim3A_614 = vector.broadcast %squeeze3A_541 : i32 to vector<16xi32>
              %broadcast_in_dim3A_615 = vector.broadcast %while3A_548 : i32 to vector<16xi32>
              %iota3A = tpu.iota {dimensions = array<i32: 0>} : vector<16xi32>
              %eq3A_616 = arith.constant 0 : i32
              %eq3A_617 = vector.broadcast %eq3A_616 : i32 to vector<16xi32>
              %eq3A_618 = arith.cmpi eq, %iota3A, %eq3A_617 : vector<16xi32>
              tpu.vector_store_idx %arg9[%broadcast_in_dim3A_614], %broadcast_in_dim3A_615 masked %eq3A_618 : memref<4096xi32, #tpu.memory_space<vmem>>[vector<16xi32>], vector<16xi32>, vector<16xi1>
            } else {
            }
            %convert_element_type3A_556 = arith.extui %and3A_552 : i1 to i32
            %cond3A_557 = arith.constant 0 : i32
            %cond3A_558 = arith.cmpi ne, %convert_element_type3A_556, %cond3A_557 : i32
            scf.if %cond3A_558 {
              %broadcast_in_dim3A_614 = vector.broadcast %max3A_549 : i32 to vector<16xi32>
              %broadcast_in_dim3A_615 = vector.broadcast %min3A_550 : i32 to vector<16xi32>
              %iota3A = tpu.iota {dimensions = array<i32: 0>} : vector<16xi32>
              %eq3A_616 = arith.constant 0 : i32
              %eq3A_617 = vector.broadcast %eq3A_616 : i32 to vector<16xi32>
              %eq3A_618 = arith.cmpi eq, %iota3A, %eq3A_617 : vector<16xi32>
              tpu.vector_store_idx %arg9[%broadcast_in_dim3A_614], %broadcast_in_dim3A_615 masked %eq3A_618 : memref<4096xi32, #tpu.memory_space<vmem>>[vector<16xi32>], vector<16xi32>, vector<16xi1>
              %ne3A_619 = arith.cmpi ne, %max3A_549, %squeeze3A_539 : i32
              %convert_element_type3A_620 = arith.extui %ne3A_619 : i1 to i32
              %cond3A_621 = arith.constant 0 : i32
              %cond3A_622 = arith.cmpi ne, %convert_element_type3A_620, %cond3A_621 : i32
              scf.if %cond3A_622 {
                %broadcast_in_dim3A_623 = vector.broadcast %max3A_549 : i32 to vector<16xi32>
                %gather3A_624 = tpu.vector_load_idx %arg8[%broadcast_in_dim3A_623] : memref<4096xf32, #tpu.memory_space<vmem>>[vector<16xi32>], vector<16xf32>,
                %slice3A_625 = vector.extract_strided_slice %gather3A_624 {offsets = [0], sizes = [1], strides = [1]} : vector<16xf32> to vector<1xf32>
                %squeeze3A_626 = vector.extract %slice3A_625[0] : f32 from vector<1xf32>
                %broadcast_in_dim3A_627 = vector.broadcast %squeeze3A_539 : i32 to vector<16xi32>
                %gather3A_628 = tpu.vector_load_idx %arg8[%broadcast_in_dim3A_627] : memref<4096xf32, #tpu.memory_space<vmem>>[vector<16xi32>], vector<16xf32>,
                %slice3A_629 = vector.extract_strided_slice %gather3A_628 {offsets = [0], sizes = [1], strides = [1]} : vector<16xf32> to vector<1xf32>
                %squeeze3A_630 = vector.extract %slice3A_629[0] : f32 from vector<1xf32>
                %sub3A_631 = arith.subf %squeeze3A_626, %squeeze3A_630 : f32
                %broadcast_in_dim3A_632 = vector.broadcast %max3A_549 : i32 to vector<16xi32>
                %broadcast_in_dim3A_633 = vector.broadcast %sub3A_631 : f32 to vector<16xf32>
                %iota3A_634 = tpu.iota {dimensions = array<i32: 0>} : vector<16xi32>
                %eq3A_635 = arith.constant 0 : i32
                %eq3A_636 = vector.broadcast %eq3A_635 : i32 to vector<16xi32>
                %eq3A_637 = arith.cmpi eq, %iota3A_634, %eq3A_636 : vector<16xi32>
                tpu.vector_store_idx %arg10[%broadcast_in_dim3A_632], %broadcast_in_dim3A_633 masked %eq3A_637 : memref<4096xf32, #tpu.memory_space<vmem>>[vector<16xi32>], vector<16xf32>, vector<16xi1>
              } else {
              }
            } else {
            }
            %select_n3A_559 = arith.select %and3A_552, %min3A_550, %select_n3A_544 : i32
            %mul3A_560 = arith.constant 16 : i32
            %mul3A_561 = arith.muli %while3A_170, %mul3A_560 : i32
            %add3A_562 = arith.constant 14 : i32
            %add3A_563 = arith.addi %mul3A_561, %add3A_562 : i32
            %lt3A_564 = arith.cmpi slt, %add3A_563, %sub3A : i32
            %slice3A_565 = vector.extract_strided_slice %shift_right_logical3A_180 {offsets = [14], sizes = [1], strides = [1]} : vector<16xi32> to vector<1xi32>
            %squeeze3A_566 = vector.extract %slice3A_565[0] : i32 from vector<1xi32>
            %slice3A_567 = vector.extract_strided_slice %and3A_178 {offsets = [14], sizes = [1], strides = [1]} : vector<16xi32> to vector<1xi32>
            %squeeze3A_568 = vector.extract %slice3A_567[0] : i32 from vector<1xi32>
            %ne3A_569 = arith.cmpi ne, %squeeze3A_566, %select_n3A_545 : i32
            %and3A_570 = arith.andi %lt3A_564, %ne3A_569 : i1
            %select_n3A_571 = arith.select %and3A_570, %squeeze3A_566, %select_n3A_559 : i32
            %select_n3A_572 = arith.select %lt3A_564, %squeeze3A_566, %select_n3A_545 : i32
            %slice3A_573 = vector.extract_strided_slice %while3A_182#0 {offsets = [14], sizes = [1], strides = [1]} : vector<16xi32> to vector<1xi32>
            %squeeze3A_574 = vector.extract %slice3A_573[0] : i32 from vector<1xi32>
            %while3A_575 = scf.while (%while3A_614 = %squeeze3A_574) : (i32) -> i32 {
              %broadcast_in_dim3A_615 = vector.broadcast %while3A_614 : i32 to vector<16xi32>
              %gather3A_616 = tpu.vector_load_idx %arg9[%broadcast_in_dim3A_615] : memref<4096xi32, #tpu.memory_space<vmem>>[vector<16xi32>], vector<16xi32>,
              %slice3A_617 = vector.extract_strided_slice %gather3A_616 {offsets = [0], sizes = [1], strides = [1]} : vector<16xi32> to vector<1xi32>
              %squeeze3A_618 = vector.extract %slice3A_617[0] : i32 from vector<1xi32>
              %ne3A_619 = arith.cmpi ne, %squeeze3A_618, %while3A_614 : i32
              scf.condition(%ne3A_619) %while3A_614 : i32
            } do {
            ^bb0(%while3A_614: i32):
              %broadcast_in_dim3A_615 = vector.broadcast %while3A_614 : i32 to vector<16xi32>
              %gather3A_616 = tpu.vector_load_idx %arg9[%broadcast_in_dim3A_615] : memref<4096xi32, #tpu.memory_space<vmem>>[vector<16xi32>], vector<16xi32>,
              %slice3A_617 = vector.extract_strided_slice %gather3A_616 {offsets = [0], sizes = [1], strides = [1]} : vector<16xi32> to vector<1xi32>
              %squeeze3A_618 = vector.extract %slice3A_617[0] : i32 from vector<1xi32>
              scf.yield %squeeze3A_618 : i32
            }
            %max3A_576 = arith.maxsi %select_n3A_571, %while3A_575 : i32
            %min3A_577 = arith.minsi %select_n3A_571, %while3A_575 : i32
            %ne3A_578 = arith.cmpi ne, %while3A_575, %select_n3A_571 : i32
            %and3A_579 = arith.andi %lt3A_564, %ne3A_578 : i1
            %convert_element_type3A_580 = arith.extui %lt3A_564 : i1 to i32
            %cond3A_581 = arith.constant 0 : i32
            %cond3A_582 = arith.cmpi ne, %convert_element_type3A_580, %cond3A_581 : i32
            scf.if %cond3A_582 {
              %broadcast_in_dim3A_614 = vector.broadcast %squeeze3A_568 : i32 to vector<16xi32>
              %broadcast_in_dim3A_615 = vector.broadcast %while3A_575 : i32 to vector<16xi32>
              %iota3A = tpu.iota {dimensions = array<i32: 0>} : vector<16xi32>
              %eq3A_616 = arith.constant 0 : i32
              %eq3A_617 = vector.broadcast %eq3A_616 : i32 to vector<16xi32>
              %eq3A_618 = arith.cmpi eq, %iota3A, %eq3A_617 : vector<16xi32>
              tpu.vector_store_idx %arg9[%broadcast_in_dim3A_614], %broadcast_in_dim3A_615 masked %eq3A_618 : memref<4096xi32, #tpu.memory_space<vmem>>[vector<16xi32>], vector<16xi32>, vector<16xi1>
            } else {
            }
            %convert_element_type3A_583 = arith.extui %and3A_579 : i1 to i32
            %cond3A_584 = arith.constant 0 : i32
            %cond3A_585 = arith.cmpi ne, %convert_element_type3A_583, %cond3A_584 : i32
            scf.if %cond3A_585 {
              %broadcast_in_dim3A_614 = vector.broadcast %max3A_576 : i32 to vector<16xi32>
              %broadcast_in_dim3A_615 = vector.broadcast %min3A_577 : i32 to vector<16xi32>
              %iota3A = tpu.iota {dimensions = array<i32: 0>} : vector<16xi32>
              %eq3A_616 = arith.constant 0 : i32
              %eq3A_617 = vector.broadcast %eq3A_616 : i32 to vector<16xi32>
              %eq3A_618 = arith.cmpi eq, %iota3A, %eq3A_617 : vector<16xi32>
              tpu.vector_store_idx %arg9[%broadcast_in_dim3A_614], %broadcast_in_dim3A_615 masked %eq3A_618 : memref<4096xi32, #tpu.memory_space<vmem>>[vector<16xi32>], vector<16xi32>, vector<16xi1>
              %ne3A_619 = arith.cmpi ne, %max3A_576, %squeeze3A_566 : i32
              %convert_element_type3A_620 = arith.extui %ne3A_619 : i1 to i32
              %cond3A_621 = arith.constant 0 : i32
              %cond3A_622 = arith.cmpi ne, %convert_element_type3A_620, %cond3A_621 : i32
              scf.if %cond3A_622 {
                %broadcast_in_dim3A_623 = vector.broadcast %max3A_576 : i32 to vector<16xi32>
                %gather3A_624 = tpu.vector_load_idx %arg8[%broadcast_in_dim3A_623] : memref<4096xf32, #tpu.memory_space<vmem>>[vector<16xi32>], vector<16xf32>,
                %slice3A_625 = vector.extract_strided_slice %gather3A_624 {offsets = [0], sizes = [1], strides = [1]} : vector<16xf32> to vector<1xf32>
                %squeeze3A_626 = vector.extract %slice3A_625[0] : f32 from vector<1xf32>
                %broadcast_in_dim3A_627 = vector.broadcast %squeeze3A_566 : i32 to vector<16xi32>
                %gather3A_628 = tpu.vector_load_idx %arg8[%broadcast_in_dim3A_627] : memref<4096xf32, #tpu.memory_space<vmem>>[vector<16xi32>], vector<16xf32>,
                %slice3A_629 = vector.extract_strided_slice %gather3A_628 {offsets = [0], sizes = [1], strides = [1]} : vector<16xf32> to vector<1xf32>
                %squeeze3A_630 = vector.extract %slice3A_629[0] : f32 from vector<1xf32>
                %sub3A_631 = arith.subf %squeeze3A_626, %squeeze3A_630 : f32
                %broadcast_in_dim3A_632 = vector.broadcast %max3A_576 : i32 to vector<16xi32>
                %broadcast_in_dim3A_633 = vector.broadcast %sub3A_631 : f32 to vector<16xf32>
                %iota3A_634 = tpu.iota {dimensions = array<i32: 0>} : vector<16xi32>
                %eq3A_635 = arith.constant 0 : i32
                %eq3A_636 = vector.broadcast %eq3A_635 : i32 to vector<16xi32>
                %eq3A_637 = arith.cmpi eq, %iota3A_634, %eq3A_636 : vector<16xi32>
                tpu.vector_store_idx %arg10[%broadcast_in_dim3A_632], %broadcast_in_dim3A_633 masked %eq3A_637 : memref<4096xf32, #tpu.memory_space<vmem>>[vector<16xi32>], vector<16xf32>, vector<16xi1>
              } else {
              }
            } else {
            }
            %select_n3A_586 = arith.select %and3A_579, %min3A_577, %select_n3A_571 : i32
            %mul3A_587 = arith.constant 16 : i32
            %mul3A_588 = arith.muli %while3A_170, %mul3A_587 : i32
            %add3A_589 = arith.constant 15 : i32
            %add3A_590 = arith.addi %mul3A_588, %add3A_589 : i32
            %lt3A_591 = arith.cmpi slt, %add3A_590, %sub3A : i32
            %slice3A_592 = vector.extract_strided_slice %shift_right_logical3A_180 {offsets = [15], sizes = [1], strides = [1]} : vector<16xi32> to vector<1xi32>
            %squeeze3A_593 = vector.extract %slice3A_592[0] : i32 from vector<1xi32>
            %slice3A_594 = vector.extract_strided_slice %and3A_178 {offsets = [15], sizes = [1], strides = [1]} : vector<16xi32> to vector<1xi32>
            %squeeze3A_595 = vector.extract %slice3A_594[0] : i32 from vector<1xi32>
            %ne3A_596 = arith.cmpi ne, %squeeze3A_593, %select_n3A_572 : i32
            %and3A_597 = arith.andi %lt3A_591, %ne3A_596 : i1
            %select_n3A_598 = arith.select %and3A_597, %squeeze3A_593, %select_n3A_586 : i32
            %select_n3A_599 = arith.select %lt3A_591, %squeeze3A_593, %select_n3A_572 : i32
            %slice3A_600 = vector.extract_strided_slice %while3A_182#0 {offsets = [15], sizes = [1], strides = [1]} : vector<16xi32> to vector<1xi32>
            %squeeze3A_601 = vector.extract %slice3A_600[0] : i32 from vector<1xi32>
            %while3A_602 = scf.while (%while3A_614 = %squeeze3A_601) : (i32) -> i32 {
              %broadcast_in_dim3A_615 = vector.broadcast %while3A_614 : i32 to vector<16xi32>
              %gather3A_616 = tpu.vector_load_idx %arg9[%broadcast_in_dim3A_615] : memref<4096xi32, #tpu.memory_space<vmem>>[vector<16xi32>], vector<16xi32>,
              %slice3A_617 = vector.extract_strided_slice %gather3A_616 {offsets = [0], sizes = [1], strides = [1]} : vector<16xi32> to vector<1xi32>
              %squeeze3A_618 = vector.extract %slice3A_617[0] : i32 from vector<1xi32>
              %ne3A_619 = arith.cmpi ne, %squeeze3A_618, %while3A_614 : i32
              scf.condition(%ne3A_619) %while3A_614 : i32
            } do {
            ^bb0(%while3A_614: i32):
              %broadcast_in_dim3A_615 = vector.broadcast %while3A_614 : i32 to vector<16xi32>
              %gather3A_616 = tpu.vector_load_idx %arg9[%broadcast_in_dim3A_615] : memref<4096xi32, #tpu.memory_space<vmem>>[vector<16xi32>], vector<16xi32>,
              %slice3A_617 = vector.extract_strided_slice %gather3A_616 {offsets = [0], sizes = [1], strides = [1]} : vector<16xi32> to vector<1xi32>
              %squeeze3A_618 = vector.extract %slice3A_617[0] : i32 from vector<1xi32>
              scf.yield %squeeze3A_618 : i32
            }
            %max3A_603 = arith.maxsi %select_n3A_598, %while3A_602 : i32
            %min3A_604 = arith.minsi %select_n3A_598, %while3A_602 : i32
            %ne3A_605 = arith.cmpi ne, %while3A_602, %select_n3A_598 : i32
            %and3A_606 = arith.andi %lt3A_591, %ne3A_605 : i1
            %convert_element_type3A_607 = arith.extui %lt3A_591 : i1 to i32
            %cond3A_608 = arith.constant 0 : i32
            %cond3A_609 = arith.cmpi ne, %convert_element_type3A_607, %cond3A_608 : i32
            scf.if %cond3A_609 {
              %broadcast_in_dim3A_614 = vector.broadcast %squeeze3A_595 : i32 to vector<16xi32>
              %broadcast_in_dim3A_615 = vector.broadcast %while3A_602 : i32 to vector<16xi32>
              %iota3A = tpu.iota {dimensions = array<i32: 0>} : vector<16xi32>
              %eq3A_616 = arith.constant 0 : i32
              %eq3A_617 = vector.broadcast %eq3A_616 : i32 to vector<16xi32>
              %eq3A_618 = arith.cmpi eq, %iota3A, %eq3A_617 : vector<16xi32>
              tpu.vector_store_idx %arg9[%broadcast_in_dim3A_614], %broadcast_in_dim3A_615 masked %eq3A_618 : memref<4096xi32, #tpu.memory_space<vmem>>[vector<16xi32>], vector<16xi32>, vector<16xi1>
            } else {
            }
            %convert_element_type3A_610 = arith.extui %and3A_606 : i1 to i32
            %cond3A_611 = arith.constant 0 : i32
            %cond3A_612 = arith.cmpi ne, %convert_element_type3A_610, %cond3A_611 : i32
            scf.if %cond3A_612 {
              %broadcast_in_dim3A_614 = vector.broadcast %max3A_603 : i32 to vector<16xi32>
              %broadcast_in_dim3A_615 = vector.broadcast %min3A_604 : i32 to vector<16xi32>
              %iota3A = tpu.iota {dimensions = array<i32: 0>} : vector<16xi32>
              %eq3A_616 = arith.constant 0 : i32
              %eq3A_617 = vector.broadcast %eq3A_616 : i32 to vector<16xi32>
              %eq3A_618 = arith.cmpi eq, %iota3A, %eq3A_617 : vector<16xi32>
              tpu.vector_store_idx %arg9[%broadcast_in_dim3A_614], %broadcast_in_dim3A_615 masked %eq3A_618 : memref<4096xi32, #tpu.memory_space<vmem>>[vector<16xi32>], vector<16xi32>, vector<16xi1>
              %ne3A_619 = arith.cmpi ne, %max3A_603, %squeeze3A_593 : i32
              %convert_element_type3A_620 = arith.extui %ne3A_619 : i1 to i32
              %cond3A_621 = arith.constant 0 : i32
              %cond3A_622 = arith.cmpi ne, %convert_element_type3A_620, %cond3A_621 : i32
              scf.if %cond3A_622 {
                %broadcast_in_dim3A_623 = vector.broadcast %max3A_603 : i32 to vector<16xi32>
                %gather3A_624 = tpu.vector_load_idx %arg8[%broadcast_in_dim3A_623] : memref<4096xf32, #tpu.memory_space<vmem>>[vector<16xi32>], vector<16xf32>,
                %slice3A_625 = vector.extract_strided_slice %gather3A_624 {offsets = [0], sizes = [1], strides = [1]} : vector<16xf32> to vector<1xf32>
                %squeeze3A_626 = vector.extract %slice3A_625[0] : f32 from vector<1xf32>
                %broadcast_in_dim3A_627 = vector.broadcast %squeeze3A_593 : i32 to vector<16xi32>
                %gather3A_628 = tpu.vector_load_idx %arg8[%broadcast_in_dim3A_627] : memref<4096xf32, #tpu.memory_space<vmem>>[vector<16xi32>], vector<16xf32>,
                %slice3A_629 = vector.extract_strided_slice %gather3A_628 {offsets = [0], sizes = [1], strides = [1]} : vector<16xf32> to vector<1xf32>
                %squeeze3A_630 = vector.extract %slice3A_629[0] : f32 from vector<1xf32>
                %sub3A_631 = arith.subf %squeeze3A_626, %squeeze3A_630 : f32
                %broadcast_in_dim3A_632 = vector.broadcast %max3A_603 : i32 to vector<16xi32>
                %broadcast_in_dim3A_633 = vector.broadcast %sub3A_631 : f32 to vector<16xf32>
                %iota3A_634 = tpu.iota {dimensions = array<i32: 0>} : vector<16xi32>
                %eq3A_635 = arith.constant 0 : i32
                %eq3A_636 = vector.broadcast %eq3A_635 : i32 to vector<16xi32>
                %eq3A_637 = arith.cmpi eq, %iota3A_634, %eq3A_636 : vector<16xi32>
                tpu.vector_store_idx %arg10[%broadcast_in_dim3A_632], %broadcast_in_dim3A_633 masked %eq3A_637 : memref<4096xf32, #tpu.memory_space<vmem>>[vector<16xi32>], vector<16xf32>, vector<16xi1>
              } else {
              }
            } else {
            }
            %select_n3A_613 = arith.select %and3A_606, %min3A_604, %select_n3A_598 : i32
            scf.yield %select_n3A_599, %select_n3A_613 : i32, i32
          }
          %while3A_168 = arith.constant 1 : i32
          %while3A_169:2 = scf.for %while3A_170 = %while3A_165 to %while3A_161 step %while3A_168 iter_args(%while3A_171 = %while3A_167#0, %while3A_172 = %while3A_167#1) -> (i32, i32)  : i32 {
            %mul3A_173 = arith.constant 16 : i32
            %mul3A_174 = arith.muli %while3A_170, %mul3A_173 : i32
            %get3A = arith.index_cast %mul3A_174 : i32 to index
            %get3A_175 = tpu.vector_load %arg13[%get3A] {strides = array<i32>} : memref<12320xi32, #tpu.memory_space<vmem>>, vector<16xi32>,
            %and3A_176 = arith.constant 4095 : i32
            %and3A_177 = vector.broadcast %and3A_176 : i32 to vector<16xi32>
            %and3A_178 = arith.andi %get3A_175, %and3A_177 : vector<16xi32>
            %shift_right_logical3A = arith.constant 12 : i32
            %shift_right_logical3A_179 = vector.broadcast %shift_right_logical3A : i32 to vector<16xi32>
            %shift_right_logical3A_180 = arith.shrui %get3A_175, %shift_right_logical3A_179 : vector<16xi32>
            %while3A_181 = arith.constant true
            %while3A_182:2 = scf.while (%while3A_614 = %and3A_178, %while3A_615 = %while3A_181) : (vector<16xi32>, i1) -> (vector<16xi32>, i1) {
              scf.condition(%while3A_615) %while3A_614, %while3A_615 : vector<16xi32>, i1
            } do {
            ^bb0(%while3A_614: vector<16xi32>, %while3A_615: i1):
              %gather3A_616 = tpu.vector_load_idx %arg9[%while3A_614] : memref<4096xi32, #tpu.memory_space<vmem>>[vector<16xi32>], vector<16xi32>,
              %ne3A_617 = arith.cmpi ne, %gather3A_616, %while3A_614 : vector<16xi32>
              %all_reduce_population_count3A = tpu.all_reduce %ne3A_617 {dim = 0 : i64, kind = #tpu.reduction_kind<sum>} : vector<16xi1> -> vector<16xi32>
              %slice3A_618 = vector.extract_strided_slice %all_reduce_population_count3A {offsets = [0], sizes = [1], strides = [1]} : vector<16xi32> to vector<1xi32>
              %squeeze3A_619 = vector.extract %slice3A_618[0] : i32 from vector<1xi32>
              %ne3A_620 = arith.constant 0 : i32
              %ne3A_621 = arith.cmpi ne, %squeeze3A_619, %ne3A_620 : i32
              scf.yield %gather3A_616, %ne3A_621 : vector<16xi32>, i1
            }
            %mul3A_183 = arith.constant 16 : i32
            %mul3A_184 = arith.muli %while3A_170, %mul3A_183 : i32
            %add3A_185 = arith.constant 0 : i32
            %add3A_186 = arith.addi %mul3A_184, %add3A_185 : i32
            %lt3A_187 = arith.cmpi slt, %add3A_186, %sub3A : i32
            %slice3A_188 = vector.extract_strided_slice %shift_right_logical3A_180 {offsets = [0], sizes = [1], strides = [1]} : vector<16xi32> to vector<1xi32>
            %squeeze3A_189 = vector.extract %slice3A_188[0] : i32 from vector<1xi32>
            %slice3A_190 = vector.extract_strided_slice %and3A_178 {offsets = [0], sizes = [1], strides = [1]} : vector<16xi32> to vector<1xi32>
            %squeeze3A_191 = vector.extract %slice3A_190[0] : i32 from vector<1xi32>
            %ne3A_192 = arith.cmpi ne, %squeeze3A_189, %while3A_171 : i32
            %and3A_193 = arith.andi %lt3A_187, %ne3A_192 : i1
            %select_n3A_194 = arith.select %and3A_193, %squeeze3A_189, %while3A_172 : i32
            %select_n3A_195 = arith.select %lt3A_187, %squeeze3A_189, %while3A_171 : i32
            %slice3A_196 = vector.extract_strided_slice %while3A_182#0 {offsets = [0], sizes = [1], strides = [1]} : vector<16xi32> to vector<1xi32>
            %squeeze3A_197 = vector.extract %slice3A_196[0] : i32 from vector<1xi32>
            %while3A_198 = scf.while (%while3A_614 = %squeeze3A_197) : (i32) -> i32 {
              %broadcast_in_dim3A_615 = vector.broadcast %while3A_614 : i32 to vector<16xi32>
              %gather3A_616 = tpu.vector_load_idx %arg9[%broadcast_in_dim3A_615] : memref<4096xi32, #tpu.memory_space<vmem>>[vector<16xi32>], vector<16xi32>,
              %slice3A_617 = vector.extract_strided_slice %gather3A_616 {offsets = [0], sizes = [1], strides = [1]} : vector<16xi32> to vector<1xi32>
              %squeeze3A_618 = vector.extract %slice3A_617[0] : i32 from vector<1xi32>
              %ne3A_619 = arith.cmpi ne, %squeeze3A_618, %while3A_614 : i32
              scf.condition(%ne3A_619) %while3A_614 : i32
            } do {
            ^bb0(%while3A_614: i32):
              %broadcast_in_dim3A_615 = vector.broadcast %while3A_614 : i32 to vector<16xi32>
              %gather3A_616 = tpu.vector_load_idx %arg9[%broadcast_in_dim3A_615] : memref<4096xi32, #tpu.memory_space<vmem>>[vector<16xi32>], vector<16xi32>,
              %slice3A_617 = vector.extract_strided_slice %gather3A_616 {offsets = [0], sizes = [1], strides = [1]} : vector<16xi32> to vector<1xi32>
              %squeeze3A_618 = vector.extract %slice3A_617[0] : i32 from vector<1xi32>
              scf.yield %squeeze3A_618 : i32
            }
            %max3A = arith.maxsi %select_n3A_194, %while3A_198 : i32
            %min3A_199 = arith.minsi %select_n3A_194, %while3A_198 : i32
            %ne3A_200 = arith.cmpi ne, %while3A_198, %select_n3A_194 : i32
            %and3A_201 = arith.andi %lt3A_187, %ne3A_200 : i1
            %convert_element_type3A_202 = arith.extui %lt3A_187 : i1 to i32
            %cond3A_203 = arith.constant 0 : i32
            %cond3A_204 = arith.cmpi ne, %convert_element_type3A_202, %cond3A_203 : i32
            scf.if %cond3A_204 {
              %broadcast_in_dim3A_614 = vector.broadcast %squeeze3A_191 : i32 to vector<16xi32>
              %broadcast_in_dim3A_615 = vector.broadcast %while3A_198 : i32 to vector<16xi32>
              %iota3A = tpu.iota {dimensions = array<i32: 0>} : vector<16xi32>
              %eq3A_616 = arith.constant 0 : i32
              %eq3A_617 = vector.broadcast %eq3A_616 : i32 to vector<16xi32>
              %eq3A_618 = arith.cmpi eq, %iota3A, %eq3A_617 : vector<16xi32>
              tpu.vector_store_idx %arg9[%broadcast_in_dim3A_614], %broadcast_in_dim3A_615 masked %eq3A_618 : memref<4096xi32, #tpu.memory_space<vmem>>[vector<16xi32>], vector<16xi32>, vector<16xi1>
            } else {
            }
            %convert_element_type3A_205 = arith.extui %and3A_201 : i1 to i32
            %cond3A_206 = arith.constant 0 : i32
            %cond3A_207 = arith.cmpi ne, %convert_element_type3A_205, %cond3A_206 : i32
            scf.if %cond3A_207 {
              %broadcast_in_dim3A_614 = vector.broadcast %max3A : i32 to vector<16xi32>
              %broadcast_in_dim3A_615 = vector.broadcast %min3A_199 : i32 to vector<16xi32>
              %iota3A = tpu.iota {dimensions = array<i32: 0>} : vector<16xi32>
              %eq3A_616 = arith.constant 0 : i32
              %eq3A_617 = vector.broadcast %eq3A_616 : i32 to vector<16xi32>
              %eq3A_618 = arith.cmpi eq, %iota3A, %eq3A_617 : vector<16xi32>
              tpu.vector_store_idx %arg9[%broadcast_in_dim3A_614], %broadcast_in_dim3A_615 masked %eq3A_618 : memref<4096xi32, #tpu.memory_space<vmem>>[vector<16xi32>], vector<16xi32>, vector<16xi1>
              %ne3A_619 = arith.cmpi ne, %max3A, %squeeze3A_189 : i32
              %convert_element_type3A_620 = arith.extui %ne3A_619 : i1 to i32
              %cond3A_621 = arith.constant 0 : i32
              %cond3A_622 = arith.cmpi ne, %convert_element_type3A_620, %cond3A_621 : i32
              scf.if %cond3A_622 {
                %broadcast_in_dim3A_623 = vector.broadcast %max3A : i32 to vector<16xi32>
                %gather3A_624 = tpu.vector_load_idx %arg8[%broadcast_in_dim3A_623] : memref<4096xf32, #tpu.memory_space<vmem>>[vector<16xi32>], vector<16xf32>,
                %slice3A_625 = vector.extract_strided_slice %gather3A_624 {offsets = [0], sizes = [1], strides = [1]} : vector<16xf32> to vector<1xf32>
                %squeeze3A_626 = vector.extract %slice3A_625[0] : f32 from vector<1xf32>
                %broadcast_in_dim3A_627 = vector.broadcast %squeeze3A_189 : i32 to vector<16xi32>
                %gather3A_628 = tpu.vector_load_idx %arg8[%broadcast_in_dim3A_627] : memref<4096xf32, #tpu.memory_space<vmem>>[vector<16xi32>], vector<16xf32>,
                %slice3A_629 = vector.extract_strided_slice %gather3A_628 {offsets = [0], sizes = [1], strides = [1]} : vector<16xf32> to vector<1xf32>
                %squeeze3A_630 = vector.extract %slice3A_629[0] : f32 from vector<1xf32>
                %sub3A_631 = arith.subf %squeeze3A_626, %squeeze3A_630 : f32
                %broadcast_in_dim3A_632 = vector.broadcast %max3A : i32 to vector<16xi32>
                %broadcast_in_dim3A_633 = vector.broadcast %sub3A_631 : f32 to vector<16xf32>
                %iota3A_634 = tpu.iota {dimensions = array<i32: 0>} : vector<16xi32>
                %eq3A_635 = arith.constant 0 : i32
                %eq3A_636 = vector.broadcast %eq3A_635 : i32 to vector<16xi32>
                %eq3A_637 = arith.cmpi eq, %iota3A_634, %eq3A_636 : vector<16xi32>
                tpu.vector_store_idx %arg10[%broadcast_in_dim3A_632], %broadcast_in_dim3A_633 masked %eq3A_637 : memref<4096xf32, #tpu.memory_space<vmem>>[vector<16xi32>], vector<16xf32>, vector<16xi1>
              } else {
              }
            } else {
            }
            %select_n3A_208 = arith.select %and3A_201, %min3A_199, %select_n3A_194 : i32
            %mul3A_209 = arith.constant 16 : i32
            %mul3A_210 = arith.muli %while3A_170, %mul3A_209 : i32
            %add3A_211 = arith.constant 1 : i32
            %add3A_212 = arith.addi %mul3A_210, %add3A_211 : i32
            %lt3A_213 = arith.cmpi slt, %add3A_212, %sub3A : i32
            %slice3A_214 = vector.extract_strided_slice %shift_right_logical3A_180 {offsets = [1], sizes = [1], strides = [1]} : vector<16xi32> to vector<1xi32>
            %squeeze3A_215 = vector.extract %slice3A_214[0] : i32 from vector<1xi32>
            %slice3A_216 = vector.extract_strided_slice %and3A_178 {offsets = [1], sizes = [1], strides = [1]} : vector<16xi32> to vector<1xi32>
            %squeeze3A_217 = vector.extract %slice3A_216[0] : i32 from vector<1xi32>
            %ne3A_218 = arith.cmpi ne, %squeeze3A_215, %select_n3A_195 : i32
            %and3A_219 = arith.andi %lt3A_213, %ne3A_218 : i1
            %select_n3A_220 = arith.select %and3A_219, %squeeze3A_215, %select_n3A_208 : i32
            %select_n3A_221 = arith.select %lt3A_213, %squeeze3A_215, %select_n3A_195 : i32
            %slice3A_222 = vector.extract_strided_slice %while3A_182#0 {offsets = [1], sizes = [1], strides = [1]} : vector<16xi32> to vector<1xi32>
            %squeeze3A_223 = vector.extract %slice3A_222[0] : i32 from vector<1xi32>
            %while3A_224 = scf.while (%while3A_614 = %squeeze3A_223) : (i32) -> i32 {
              %broadcast_in_dim3A_615 = vector.broadcast %while3A_614 : i32 to vector<16xi32>
              %gather3A_616 = tpu.vector_load_idx %arg9[%broadcast_in_dim3A_615] : memref<4096xi32, #tpu.memory_space<vmem>>[vector<16xi32>], vector<16xi32>,
              %slice3A_617 = vector.extract_strided_slice %gather3A_616 {offsets = [0], sizes = [1], strides = [1]} : vector<16xi32> to vector<1xi32>
              %squeeze3A_618 = vector.extract %slice3A_617[0] : i32 from vector<1xi32>
              %ne3A_619 = arith.cmpi ne, %squeeze3A_618, %while3A_614 : i32
              scf.condition(%ne3A_619) %while3A_614 : i32
            } do {
            ^bb0(%while3A_614: i32):
              %broadcast_in_dim3A_615 = vector.broadcast %while3A_614 : i32 to vector<16xi32>
              %gather3A_616 = tpu.vector_load_idx %arg9[%broadcast_in_dim3A_615] : memref<4096xi32, #tpu.memory_space<vmem>>[vector<16xi32>], vector<16xi32>,
              %slice3A_617 = vector.extract_strided_slice %gather3A_616 {offsets = [0], sizes = [1], strides = [1]} : vector<16xi32> to vector<1xi32>
              %squeeze3A_618 = vector.extract %slice3A_617[0] : i32 from vector<1xi32>
              scf.yield %squeeze3A_618 : i32
            }
            %max3A_225 = arith.maxsi %select_n3A_220, %while3A_224 : i32
            %min3A_226 = arith.minsi %select_n3A_220, %while3A_224 : i32
            %ne3A_227 = arith.cmpi ne, %while3A_224, %select_n3A_220 : i32
            %and3A_228 = arith.andi %lt3A_213, %ne3A_227 : i1
            %convert_element_type3A_229 = arith.extui %lt3A_213 : i1 to i32
            %cond3A_230 = arith.constant 0 : i32
            %cond3A_231 = arith.cmpi ne, %convert_element_type3A_229, %cond3A_230 : i32
            scf.if %cond3A_231 {
              %broadcast_in_dim3A_614 = vector.broadcast %squeeze3A_217 : i32 to vector<16xi32>
              %broadcast_in_dim3A_615 = vector.broadcast %while3A_224 : i32 to vector<16xi32>
              %iota3A = tpu.iota {dimensions = array<i32: 0>} : vector<16xi32>
              %eq3A_616 = arith.constant 0 : i32
              %eq3A_617 = vector.broadcast %eq3A_616 : i32 to vector<16xi32>
              %eq3A_618 = arith.cmpi eq, %iota3A, %eq3A_617 : vector<16xi32>
              tpu.vector_store_idx %arg9[%broadcast_in_dim3A_614], %broadcast_in_dim3A_615 masked %eq3A_618 : memref<4096xi32, #tpu.memory_space<vmem>>[vector<16xi32>], vector<16xi32>, vector<16xi1>
            } else {
            }
            %convert_element_type3A_232 = arith.extui %and3A_228 : i1 to i32
            %cond3A_233 = arith.constant 0 : i32
            %cond3A_234 = arith.cmpi ne, %convert_element_type3A_232, %cond3A_233 : i32
            scf.if %cond3A_234 {
              %broadcast_in_dim3A_614 = vector.broadcast %max3A_225 : i32 to vector<16xi32>
              %broadcast_in_dim3A_615 = vector.broadcast %min3A_226 : i32 to vector<16xi32>
              %iota3A = tpu.iota {dimensions = array<i32: 0>} : vector<16xi32>
              %eq3A_616 = arith.constant 0 : i32
              %eq3A_617 = vector.broadcast %eq3A_616 : i32 to vector<16xi32>
              %eq3A_618 = arith.cmpi eq, %iota3A, %eq3A_617 : vector<16xi32>
              tpu.vector_store_idx %arg9[%broadcast_in_dim3A_614], %broadcast_in_dim3A_615 masked %eq3A_618 : memref<4096xi32, #tpu.memory_space<vmem>>[vector<16xi32>], vector<16xi32>, vector<16xi1>
              %ne3A_619 = arith.cmpi ne, %max3A_225, %squeeze3A_215 : i32
              %convert_element_type3A_620 = arith.extui %ne3A_619 : i1 to i32
              %cond3A_621 = arith.constant 0 : i32
              %cond3A_622 = arith.cmpi ne, %convert_element_type3A_620, %cond3A_621 : i32
              scf.if %cond3A_622 {
                %broadcast_in_dim3A_623 = vector.broadcast %max3A_225 : i32 to vector<16xi32>
                %gather3A_624 = tpu.vector_load_idx %arg8[%broadcast_in_dim3A_623] : memref<4096xf32, #tpu.memory_space<vmem>>[vector<16xi32>], vector<16xf32>,
                %slice3A_625 = vector.extract_strided_slice %gather3A_624 {offsets = [0], sizes = [1], strides = [1]} : vector<16xf32> to vector<1xf32>
                %squeeze3A_626 = vector.extract %slice3A_625[0] : f32 from vector<1xf32>
                %broadcast_in_dim3A_627 = vector.broadcast %squeeze3A_215 : i32 to vector<16xi32>
                %gather3A_628 = tpu.vector_load_idx %arg8[%broadcast_in_dim3A_627] : memref<4096xf32, #tpu.memory_space<vmem>>[vector<16xi32>], vector<16xf32>,
                %slice3A_629 = vector.extract_strided_slice %gather3A_628 {offsets = [0], sizes = [1], strides = [1]} : vector<16xf32> to vector<1xf32>
                %squeeze3A_630 = vector.extract %slice3A_629[0] : f32 from vector<1xf32>
                %sub3A_631 = arith.subf %squeeze3A_626, %squeeze3A_630 : f32
                %broadcast_in_dim3A_632 = vector.broadcast %max3A_225 : i32 to vector<16xi32>
                %broadcast_in_dim3A_633 = vector.broadcast %sub3A_631 : f32 to vector<16xf32>
                %iota3A_634 = tpu.iota {dimensions = array<i32: 0>} : vector<16xi32>
                %eq3A_635 = arith.constant 0 : i32
                %eq3A_636 = vector.broadcast %eq3A_635 : i32 to vector<16xi32>
                %eq3A_637 = arith.cmpi eq, %iota3A_634, %eq3A_636 : vector<16xi32>
                tpu.vector_store_idx %arg10[%broadcast_in_dim3A_632], %broadcast_in_dim3A_633 masked %eq3A_637 : memref<4096xf32, #tpu.memory_space<vmem>>[vector<16xi32>], vector<16xf32>, vector<16xi1>
              } else {
              }
            } else {
            }
            %select_n3A_235 = arith.select %and3A_228, %min3A_226, %select_n3A_220 : i32
            %mul3A_236 = arith.constant 16 : i32
            %mul3A_237 = arith.muli %while3A_170, %mul3A_236 : i32
            %add3A_238 = arith.constant 2 : i32
            %add3A_239 = arith.addi %mul3A_237, %add3A_238 : i32
            %lt3A_240 = arith.cmpi slt, %add3A_239, %sub3A : i32
            %slice3A_241 = vector.extract_strided_slice %shift_right_logical3A_180 {offsets = [2], sizes = [1], strides = [1]} : vector<16xi32> to vector<1xi32>
            %squeeze3A_242 = vector.extract %slice3A_241[0] : i32 from vector<1xi32>
            %slice3A_243 = vector.extract_strided_slice %and3A_178 {offsets = [2], sizes = [1], strides = [1]} : vector<16xi32> to vector<1xi32>
            %squeeze3A_244 = vector.extract %slice3A_243[0] : i32 from vector<1xi32>
            %ne3A_245 = arith.cmpi ne, %squeeze3A_242, %select_n3A_221 : i32
            %and3A_246 = arith.andi %lt3A_240, %ne3A_245 : i1
            %select_n3A_247 = arith.select %and3A_246, %squeeze3A_242, %select_n3A_235 : i32
            %select_n3A_248 = arith.select %lt3A_240, %squeeze3A_242, %select_n3A_221 : i32
            %slice3A_249 = vector.extract_strided_slice %while3A_182#0 {offsets = [2], sizes = [1], strides = [1]} : vector<16xi32> to vector<1xi32>
            %squeeze3A_250 = vector.extract %slice3A_249[0] : i32 from vector<1xi32>
            %while3A_251 = scf.while (%while3A_614 = %squeeze3A_250) : (i32) -> i32 {
              %broadcast_in_dim3A_615 = vector.broadcast %while3A_614 : i32 to vector<16xi32>
              %gather3A_616 = tpu.vector_load_idx %arg9[%broadcast_in_dim3A_615] : memref<4096xi32, #tpu.memory_space<vmem>>[vector<16xi32>], vector<16xi32>,
              %slice3A_617 = vector.extract_strided_slice %gather3A_616 {offsets = [0], sizes = [1], strides = [1]} : vector<16xi32> to vector<1xi32>
              %squeeze3A_618 = vector.extract %slice3A_617[0] : i32 from vector<1xi32>
              %ne3A_619 = arith.cmpi ne, %squeeze3A_618, %while3A_614 : i32
              scf.condition(%ne3A_619) %while3A_614 : i32
            } do {
            ^bb0(%while3A_614: i32):
              %broadcast_in_dim3A_615 = vector.broadcast %while3A_614 : i32 to vector<16xi32>
              %gather3A_616 = tpu.vector_load_idx %arg9[%broadcast_in_dim3A_615] : memref<4096xi32, #tpu.memory_space<vmem>>[vector<16xi32>], vector<16xi32>,
              %slice3A_617 = vector.extract_strided_slice %gather3A_616 {offsets = [0], sizes = [1], strides = [1]} : vector<16xi32> to vector<1xi32>
              %squeeze3A_618 = vector.extract %slice3A_617[0] : i32 from vector<1xi32>
              scf.yield %squeeze3A_618 : i32
            }
            %max3A_252 = arith.maxsi %select_n3A_247, %while3A_251 : i32
            %min3A_253 = arith.minsi %select_n3A_247, %while3A_251 : i32
            %ne3A_254 = arith.cmpi ne, %while3A_251, %select_n3A_247 : i32
            %and3A_255 = arith.andi %lt3A_240, %ne3A_254 : i1
            %convert_element_type3A_256 = arith.extui %lt3A_240 : i1 to i32
            %cond3A_257 = arith.constant 0 : i32
            %cond3A_258 = arith.cmpi ne, %convert_element_type3A_256, %cond3A_257 : i32
            scf.if %cond3A_258 {
              %broadcast_in_dim3A_614 = vector.broadcast %squeeze3A_244 : i32 to vector<16xi32>
              %broadcast_in_dim3A_615 = vector.broadcast %while3A_251 : i32 to vector<16xi32>
              %iota3A = tpu.iota {dimensions = array<i32: 0>} : vector<16xi32>
              %eq3A_616 = arith.constant 0 : i32
              %eq3A_617 = vector.broadcast %eq3A_616 : i32 to vector<16xi32>
              %eq3A_618 = arith.cmpi eq, %iota3A, %eq3A_617 : vector<16xi32>
              tpu.vector_store_idx %arg9[%broadcast_in_dim3A_614], %broadcast_in_dim3A_615 masked %eq3A_618 : memref<4096xi32, #tpu.memory_space<vmem>>[vector<16xi32>], vector<16xi32>, vector<16xi1>
            } else {
            }
            %convert_element_type3A_259 = arith.extui %and3A_255 : i1 to i32
            %cond3A_260 = arith.constant 0 : i32
            %cond3A_261 = arith.cmpi ne, %convert_element_type3A_259, %cond3A_260 : i32
            scf.if %cond3A_261 {
              %broadcast_in_dim3A_614 = vector.broadcast %max3A_252 : i32 to vector<16xi32>
              %broadcast_in_dim3A_615 = vector.broadcast %min3A_253 : i32 to vector<16xi32>
              %iota3A = tpu.iota {dimensions = array<i32: 0>} : vector<16xi32>
              %eq3A_616 = arith.constant 0 : i32
              %eq3A_617 = vector.broadcast %eq3A_616 : i32 to vector<16xi32>
              %eq3A_618 = arith.cmpi eq, %iota3A, %eq3A_617 : vector<16xi32>
              tpu.vector_store_idx %arg9[%broadcast_in_dim3A_614], %broadcast_in_dim3A_615 masked %eq3A_618 : memref<4096xi32, #tpu.memory_space<vmem>>[vector<16xi32>], vector<16xi32>, vector<16xi1>
              %ne3A_619 = arith.cmpi ne, %max3A_252, %squeeze3A_242 : i32
              %convert_element_type3A_620 = arith.extui %ne3A_619 : i1 to i32
              %cond3A_621 = arith.constant 0 : i32
              %cond3A_622 = arith.cmpi ne, %convert_element_type3A_620, %cond3A_621 : i32
              scf.if %cond3A_622 {
                %broadcast_in_dim3A_623 = vector.broadcast %max3A_252 : i32 to vector<16xi32>
                %gather3A_624 = tpu.vector_load_idx %arg8[%broadcast_in_dim3A_623] : memref<4096xf32, #tpu.memory_space<vmem>>[vector<16xi32>], vector<16xf32>,
                %slice3A_625 = vector.extract_strided_slice %gather3A_624 {offsets = [0], sizes = [1], strides = [1]} : vector<16xf32> to vector<1xf32>
                %squeeze3A_626 = vector.extract %slice3A_625[0] : f32 from vector<1xf32>
                %broadcast_in_dim3A_627 = vector.broadcast %squeeze3A_242 : i32 to vector<16xi32>
                %gather3A_628 = tpu.vector_load_idx %arg8[%broadcast_in_dim3A_627] : memref<4096xf32, #tpu.memory_space<vmem>>[vector<16xi32>], vector<16xf32>,
                %slice3A_629 = vector.extract_strided_slice %gather3A_628 {offsets = [0], sizes = [1], strides = [1]} : vector<16xf32> to vector<1xf32>
                %squeeze3A_630 = vector.extract %slice3A_629[0] : f32 from vector<1xf32>
                %sub3A_631 = arith.subf %squeeze3A_626, %squeeze3A_630 : f32
                %broadcast_in_dim3A_632 = vector.broadcast %max3A_252 : i32 to vector<16xi32>
                %broadcast_in_dim3A_633 = vector.broadcast %sub3A_631 : f32 to vector<16xf32>
                %iota3A_634 = tpu.iota {dimensions = array<i32: 0>} : vector<16xi32>
                %eq3A_635 = arith.constant 0 : i32
                %eq3A_636 = vector.broadcast %eq3A_635 : i32 to vector<16xi32>
                %eq3A_637 = arith.cmpi eq, %iota3A_634, %eq3A_636 : vector<16xi32>
                tpu.vector_store_idx %arg10[%broadcast_in_dim3A_632], %broadcast_in_dim3A_633 masked %eq3A_637 : memref<4096xf32, #tpu.memory_space<vmem>>[vector<16xi32>], vector<16xf32>, vector<16xi1>
              } else {
              }
            } else {
            }
            %select_n3A_262 = arith.select %and3A_255, %min3A_253, %select_n3A_247 : i32
            %mul3A_263 = arith.constant 16 : i32
            %mul3A_264 = arith.muli %while3A_170, %mul3A_263 : i32
            %add3A_265 = arith.constant 3 : i32
            %add3A_266 = arith.addi %mul3A_264, %add3A_265 : i32
            %lt3A_267 = arith.cmpi slt, %add3A_266, %sub3A : i32
            %slice3A_268 = vector.extract_strided_slice %shift_right_logical3A_180 {offsets = [3], sizes = [1], strides = [1]} : vector<16xi32> to vector<1xi32>
            %squeeze3A_269 = vector.extract %slice3A_268[0] : i32 from vector<1xi32>
            %slice3A_270 = vector.extract_strided_slice %and3A_178 {offsets = [3], sizes = [1], strides = [1]} : vector<16xi32> to vector<1xi32>
            %squeeze3A_271 = vector.extract %slice3A_270[0] : i32 from vector<1xi32>
            %ne3A_272 = arith.cmpi ne, %squeeze3A_269, %select_n3A_248 : i32
            %and3A_273 = arith.andi %lt3A_267, %ne3A_272 : i1
            %select_n3A_274 = arith.select %and3A_273, %squeeze3A_269, %select_n3A_262 : i32
            %select_n3A_275 = arith.select %lt3A_267, %squeeze3A_269, %select_n3A_248 : i32
            %slice3A_276 = vector.extract_strided_slice %while3A_182#0 {offsets = [3], sizes = [1], strides = [1]} : vector<16xi32> to vector<1xi32>
            %squeeze3A_277 = vector.extract %slice3A_276[0] : i32 from vector<1xi32>
            %while3A_278 = scf.while (%while3A_614 = %squeeze3A_277) : (i32) -> i32 {
              %broadcast_in_dim3A_615 = vector.broadcast %while3A_614 : i32 to vector<16xi32>
              %gather3A_616 = tpu.vector_load_idx %arg9[%broadcast_in_dim3A_615] : memref<4096xi32, #tpu.memory_space<vmem>>[vector<16xi32>], vector<16xi32>,
              %slice3A_617 = vector.extract_strided_slice %gather3A_616 {offsets = [0], sizes = [1], strides = [1]} : vector<16xi32> to vector<1xi32>
              %squeeze3A_618 = vector.extract %slice3A_617[0] : i32 from vector<1xi32>
              %ne3A_619 = arith.cmpi ne, %squeeze3A_618, %while3A_614 : i32
              scf.condition(%ne3A_619) %while3A_614 : i32
            } do {
            ^bb0(%while3A_614: i32):
              %broadcast_in_dim3A_615 = vector.broadcast %while3A_614 : i32 to vector<16xi32>
              %gather3A_616 = tpu.vector_load_idx %arg9[%broadcast_in_dim3A_615] : memref<4096xi32, #tpu.memory_space<vmem>>[vector<16xi32>], vector<16xi32>,
              %slice3A_617 = vector.extract_strided_slice %gather3A_616 {offsets = [0], sizes = [1], strides = [1]} : vector<16xi32> to vector<1xi32>
              %squeeze3A_618 = vector.extract %slice3A_617[0] : i32 from vector<1xi32>
              scf.yield %squeeze3A_618 : i32
            }
            %max3A_279 = arith.maxsi %select_n3A_274, %while3A_278 : i32
            %min3A_280 = arith.minsi %select_n3A_274, %while3A_278 : i32
            %ne3A_281 = arith.cmpi ne, %while3A_278, %select_n3A_274 : i32
            %and3A_282 = arith.andi %lt3A_267, %ne3A_281 : i1
            %convert_element_type3A_283 = arith.extui %lt3A_267 : i1 to i32
            %cond3A_284 = arith.constant 0 : i32
            %cond3A_285 = arith.cmpi ne, %convert_element_type3A_283, %cond3A_284 : i32
            scf.if %cond3A_285 {
              %broadcast_in_dim3A_614 = vector.broadcast %squeeze3A_271 : i32 to vector<16xi32>
              %broadcast_in_dim3A_615 = vector.broadcast %while3A_278 : i32 to vector<16xi32>
              %iota3A = tpu.iota {dimensions = array<i32: 0>} : vector<16xi32>
              %eq3A_616 = arith.constant 0 : i32
              %eq3A_617 = vector.broadcast %eq3A_616 : i32 to vector<16xi32>
              %eq3A_618 = arith.cmpi eq, %iota3A, %eq3A_617 : vector<16xi32>
              tpu.vector_store_idx %arg9[%broadcast_in_dim3A_614], %broadcast_in_dim3A_615 masked %eq3A_618 : memref<4096xi32, #tpu.memory_space<vmem>>[vector<16xi32>], vector<16xi32>, vector<16xi1>
            } else {
            }
            %convert_element_type3A_286 = arith.extui %and3A_282 : i1 to i32
            %cond3A_287 = arith.constant 0 : i32
            %cond3A_288 = arith.cmpi ne, %convert_element_type3A_286, %cond3A_287 : i32
            scf.if %cond3A_288 {
              %broadcast_in_dim3A_614 = vector.broadcast %max3A_279 : i32 to vector<16xi32>
              %broadcast_in_dim3A_615 = vector.broadcast %min3A_280 : i32 to vector<16xi32>
              %iota3A = tpu.iota {dimensions = array<i32: 0>} : vector<16xi32>
              %eq3A_616 = arith.constant 0 : i32
              %eq3A_617 = vector.broadcast %eq3A_616 : i32 to vector<16xi32>
              %eq3A_618 = arith.cmpi eq, %iota3A, %eq3A_617 : vector<16xi32>
              tpu.vector_store_idx %arg9[%broadcast_in_dim3A_614], %broadcast_in_dim3A_615 masked %eq3A_618 : memref<4096xi32, #tpu.memory_space<vmem>>[vector<16xi32>], vector<16xi32>, vector<16xi1>
              %ne3A_619 = arith.cmpi ne, %max3A_279, %squeeze3A_269 : i32
              %convert_element_type3A_620 = arith.extui %ne3A_619 : i1 to i32
              %cond3A_621 = arith.constant 0 : i32
              %cond3A_622 = arith.cmpi ne, %convert_element_type3A_620, %cond3A_621 : i32
              scf.if %cond3A_622 {
                %broadcast_in_dim3A_623 = vector.broadcast %max3A_279 : i32 to vector<16xi32>
                %gather3A_624 = tpu.vector_load_idx %arg8[%broadcast_in_dim3A_623] : memref<4096xf32, #tpu.memory_space<vmem>>[vector<16xi32>], vector<16xf32>,
                %slice3A_625 = vector.extract_strided_slice %gather3A_624 {offsets = [0], sizes = [1], strides = [1]} : vector<16xf32> to vector<1xf32>
                %squeeze3A_626 = vector.extract %slice3A_625[0] : f32 from vector<1xf32>
                %broadcast_in_dim3A_627 = vector.broadcast %squeeze3A_269 : i32 to vector<16xi32>
                %gather3A_628 = tpu.vector_load_idx %arg8[%broadcast_in_dim3A_627] : memref<4096xf32, #tpu.memory_space<vmem>>[vector<16xi32>], vector<16xf32>,
                %slice3A_629 = vector.extract_strided_slice %gather3A_628 {offsets = [0], sizes = [1], strides = [1]} : vector<16xf32> to vector<1xf32>
                %squeeze3A_630 = vector.extract %slice3A_629[0] : f32 from vector<1xf32>
                %sub3A_631 = arith.subf %squeeze3A_626, %squeeze3A_630 : f32
                %broadcast_in_dim3A_632 = vector.broadcast %max3A_279 : i32 to vector<16xi32>
                %broadcast_in_dim3A_633 = vector.broadcast %sub3A_631 : f32 to vector<16xf32>
                %iota3A_634 = tpu.iota {dimensions = array<i32: 0>} : vector<16xi32>
                %eq3A_635 = arith.constant 0 : i32
                %eq3A_636 = vector.broadcast %eq3A_635 : i32 to vector<16xi32>
                %eq3A_637 = arith.cmpi eq, %iota3A_634, %eq3A_636 : vector<16xi32>
                tpu.vector_store_idx %arg10[%broadcast_in_dim3A_632], %broadcast_in_dim3A_633 masked %eq3A_637 : memref<4096xf32, #tpu.memory_space<vmem>>[vector<16xi32>], vector<16xf32>, vector<16xi1>
              } else {
              }
            } else {
            }
            %select_n3A_289 = arith.select %and3A_282, %min3A_280, %select_n3A_274 : i32
            %mul3A_290 = arith.constant 16 : i32
            %mul3A_291 = arith.muli %while3A_170, %mul3A_290 : i32
            %add3A_292 = arith.constant 4 : i32
            %add3A_293 = arith.addi %mul3A_291, %add3A_292 : i32
            %lt3A_294 = arith.cmpi slt, %add3A_293, %sub3A : i32
            %slice3A_295 = vector.extract_strided_slice %shift_right_logical3A_180 {offsets = [4], sizes = [1], strides = [1]} : vector<16xi32> to vector<1xi32>
            %squeeze3A_296 = vector.extract %slice3A_295[0] : i32 from vector<1xi32>
            %slice3A_297 = vector.extract_strided_slice %and3A_178 {offsets = [4], sizes = [1], strides = [1]} : vector<16xi32> to vector<1xi32>
            %squeeze3A_298 = vector.extract %slice3A_297[0] : i32 from vector<1xi32>
            %ne3A_299 = arith.cmpi ne, %squeeze3A_296, %select_n3A_275 : i32
            %and3A_300 = arith.andi %lt3A_294, %ne3A_299 : i1
            %select_n3A_301 = arith.select %and3A_300, %squeeze3A_296, %select_n3A_289 : i32
            %select_n3A_302 = arith.select %lt3A_294, %squeeze3A_296, %select_n3A_275 : i32
            %slice3A_303 = vector.extract_strided_slice %while3A_182#0 {offsets = [4], sizes = [1], strides = [1]} : vector<16xi32> to vector<1xi32>
            %squeeze3A_304 = vector.extract %slice3A_303[0] : i32 from vector<1xi32>
            %while3A_305 = scf.while (%while3A_614 = %squeeze3A_304) : (i32) -> i32 {
              %broadcast_in_dim3A_615 = vector.broadcast %while3A_614 : i32 to vector<16xi32>
              %gather3A_616 = tpu.vector_load_idx %arg9[%broadcast_in_dim3A_615] : memref<4096xi32, #tpu.memory_space<vmem>>[vector<16xi32>], vector<16xi32>,
              %slice3A_617 = vector.extract_strided_slice %gather3A_616 {offsets = [0], sizes = [1], strides = [1]} : vector<16xi32> to vector<1xi32>
              %squeeze3A_618 = vector.extract %slice3A_617[0] : i32 from vector<1xi32>
              %ne3A_619 = arith.cmpi ne, %squeeze3A_618, %while3A_614 : i32
              scf.condition(%ne3A_619) %while3A_614 : i32
            } do {
            ^bb0(%while3A_614: i32):
              %broadcast_in_dim3A_615 = vector.broadcast %while3A_614 : i32 to vector<16xi32>
              %gather3A_616 = tpu.vector_load_idx %arg9[%broadcast_in_dim3A_615] : memref<4096xi32, #tpu.memory_space<vmem>>[vector<16xi32>], vector<16xi32>,
              %slice3A_617 = vector.extract_strided_slice %gather3A_616 {offsets = [0], sizes = [1], strides = [1]} : vector<16xi32> to vector<1xi32>
              %squeeze3A_618 = vector.extract %slice3A_617[0] : i32 from vector<1xi32>
              scf.yield %squeeze3A_618 : i32
            }
            %max3A_306 = arith.maxsi %select_n3A_301, %while3A_305 : i32
            %min3A_307 = arith.minsi %select_n3A_301, %while3A_305 : i32
            %ne3A_308 = arith.cmpi ne, %while3A_305, %select_n3A_301 : i32
            %and3A_309 = arith.andi %lt3A_294, %ne3A_308 : i1
            %convert_element_type3A_310 = arith.extui %lt3A_294 : i1 to i32
            %cond3A_311 = arith.constant 0 : i32
            %cond3A_312 = arith.cmpi ne, %convert_element_type3A_310, %cond3A_311 : i32
            scf.if %cond3A_312 {
              %broadcast_in_dim3A_614 = vector.broadcast %squeeze3A_298 : i32 to vector<16xi32>
              %broadcast_in_dim3A_615 = vector.broadcast %while3A_305 : i32 to vector<16xi32>
              %iota3A = tpu.iota {dimensions = array<i32: 0>} : vector<16xi32>
              %eq3A_616 = arith.constant 0 : i32
              %eq3A_617 = vector.broadcast %eq3A_616 : i32 to vector<16xi32>
              %eq3A_618 = arith.cmpi eq, %iota3A, %eq3A_617 : vector<16xi32>
              tpu.vector_store_idx %arg9[%broadcast_in_dim3A_614], %broadcast_in_dim3A_615 masked %eq3A_618 : memref<4096xi32, #tpu.memory_space<vmem>>[vector<16xi32>], vector<16xi32>, vector<16xi1>
            } else {
            }
            %convert_element_type3A_313 = arith.extui %and3A_309 : i1 to i32
            %cond3A_314 = arith.constant 0 : i32
            %cond3A_315 = arith.cmpi ne, %convert_element_type3A_313, %cond3A_314 : i32
            scf.if %cond3A_315 {
              %broadcast_in_dim3A_614 = vector.broadcast %max3A_306 : i32 to vector<16xi32>
              %broadcast_in_dim3A_615 = vector.broadcast %min3A_307 : i32 to vector<16xi32>
              %iota3A = tpu.iota {dimensions = array<i32: 0>} : vector<16xi32>
              %eq3A_616 = arith.constant 0 : i32
              %eq3A_617 = vector.broadcast %eq3A_616 : i32 to vector<16xi32>
              %eq3A_618 = arith.cmpi eq, %iota3A, %eq3A_617 : vector<16xi32>
              tpu.vector_store_idx %arg9[%broadcast_in_dim3A_614], %broadcast_in_dim3A_615 masked %eq3A_618 : memref<4096xi32, #tpu.memory_space<vmem>>[vector<16xi32>], vector<16xi32>, vector<16xi1>
              %ne3A_619 = arith.cmpi ne, %max3A_306, %squeeze3A_296 : i32
              %convert_element_type3A_620 = arith.extui %ne3A_619 : i1 to i32
              %cond3A_621 = arith.constant 0 : i32
              %cond3A_622 = arith.cmpi ne, %convert_element_type3A_620, %cond3A_621 : i32
              scf.if %cond3A_622 {
                %broadcast_in_dim3A_623 = vector.broadcast %max3A_306 : i32 to vector<16xi32>
                %gather3A_624 = tpu.vector_load_idx %arg8[%broadcast_in_dim3A_623] : memref<4096xf32, #tpu.memory_space<vmem>>[vector<16xi32>], vector<16xf32>,
                %slice3A_625 = vector.extract_strided_slice %gather3A_624 {offsets = [0], sizes = [1], strides = [1]} : vector<16xf32> to vector<1xf32>
                %squeeze3A_626 = vector.extract %slice3A_625[0] : f32 from vector<1xf32>
                %broadcast_in_dim3A_627 = vector.broadcast %squeeze3A_296 : i32 to vector<16xi32>
                %gather3A_628 = tpu.vector_load_idx %arg8[%broadcast_in_dim3A_627] : memref<4096xf32, #tpu.memory_space<vmem>>[vector<16xi32>], vector<16xf32>,
                %slice3A_629 = vector.extract_strided_slice %gather3A_628 {offsets = [0], sizes = [1], strides = [1]} : vector<16xf32> to vector<1xf32>
                %squeeze3A_630 = vector.extract %slice3A_629[0] : f32 from vector<1xf32>
                %sub3A_631 = arith.subf %squeeze3A_626, %squeeze3A_630 : f32
                %broadcast_in_dim3A_632 = vector.broadcast %max3A_306 : i32 to vector<16xi32>
                %broadcast_in_dim3A_633 = vector.broadcast %sub3A_631 : f32 to vector<16xf32>
                %iota3A_634 = tpu.iota {dimensions = array<i32: 0>} : vector<16xi32>
                %eq3A_635 = arith.constant 0 : i32
                %eq3A_636 = vector.broadcast %eq3A_635 : i32 to vector<16xi32>
                %eq3A_637 = arith.cmpi eq, %iota3A_634, %eq3A_636 : vector<16xi32>
                tpu.vector_store_idx %arg10[%broadcast_in_dim3A_632], %broadcast_in_dim3A_633 masked %eq3A_637 : memref<4096xf32, #tpu.memory_space<vmem>>[vector<16xi32>], vector<16xf32>, vector<16xi1>
              } else {
              }
            } else {
            }
            %select_n3A_316 = arith.select %and3A_309, %min3A_307, %select_n3A_301 : i32
            %mul3A_317 = arith.constant 16 : i32
            %mul3A_318 = arith.muli %while3A_170, %mul3A_317 : i32
            %add3A_319 = arith.constant 5 : i32
            %add3A_320 = arith.addi %mul3A_318, %add3A_319 : i32
            %lt3A_321 = arith.cmpi slt, %add3A_320, %sub3A : i32
            %slice3A_322 = vector.extract_strided_slice %shift_right_logical3A_180 {offsets = [5], sizes = [1], strides = [1]} : vector<16xi32> to vector<1xi32>
            %squeeze3A_323 = vector.extract %slice3A_322[0] : i32 from vector<1xi32>
            %slice3A_324 = vector.extract_strided_slice %and3A_178 {offsets = [5], sizes = [1], strides = [1]} : vector<16xi32> to vector<1xi32>
            %squeeze3A_325 = vector.extract %slice3A_324[0] : i32 from vector<1xi32>
            %ne3A_326 = arith.cmpi ne, %squeeze3A_323, %select_n3A_302 : i32
            %and3A_327 = arith.andi %lt3A_321, %ne3A_326 : i1
            %select_n3A_328 = arith.select %and3A_327, %squeeze3A_323, %select_n3A_316 : i32
            %select_n3A_329 = arith.select %lt3A_321, %squeeze3A_323, %select_n3A_302 : i32
            %slice3A_330 = vector.extract_strided_slice %while3A_182#0 {offsets = [5], sizes = [1], strides = [1]} : vector<16xi32> to vector<1xi32>
            %squeeze3A_331 = vector.extract %slice3A_330[0] : i32 from vector<1xi32>
            %while3A_332 = scf.while (%while3A_614 = %squeeze3A_331) : (i32) -> i32 {
              %broadcast_in_dim3A_615 = vector.broadcast %while3A_614 : i32 to vector<16xi32>
              %gather3A_616 = tpu.vector_load_idx %arg9[%broadcast_in_dim3A_615] : memref<4096xi32, #tpu.memory_space<vmem>>[vector<16xi32>], vector<16xi32>,
              %slice3A_617 = vector.extract_strided_slice %gather3A_616 {offsets = [0], sizes = [1], strides = [1]} : vector<16xi32> to vector<1xi32>
              %squeeze3A_618 = vector.extract %slice3A_617[0] : i32 from vector<1xi32>
              %ne3A_619 = arith.cmpi ne, %squeeze3A_618, %while3A_614 : i32
              scf.condition(%ne3A_619) %while3A_614 : i32
            } do {
            ^bb0(%while3A_614: i32):
              %broadcast_in_dim3A_615 = vector.broadcast %while3A_614 : i32 to vector<16xi32>
              %gather3A_616 = tpu.vector_load_idx %arg9[%broadcast_in_dim3A_615] : memref<4096xi32, #tpu.memory_space<vmem>>[vector<16xi32>], vector<16xi32>,
              %slice3A_617 = vector.extract_strided_slice %gather3A_616 {offsets = [0], sizes = [1], strides = [1]} : vector<16xi32> to vector<1xi32>
              %squeeze3A_618 = vector.extract %slice3A_617[0] : i32 from vector<1xi32>
              scf.yield %squeeze3A_618 : i32
            }
            %max3A_333 = arith.maxsi %select_n3A_328, %while3A_332 : i32
            %min3A_334 = arith.minsi %select_n3A_328, %while3A_332 : i32
            %ne3A_335 = arith.cmpi ne, %while3A_332, %select_n3A_328 : i32
            %and3A_336 = arith.andi %lt3A_321, %ne3A_335 : i1
            %convert_element_type3A_337 = arith.extui %lt3A_321 : i1 to i32
            %cond3A_338 = arith.constant 0 : i32
            %cond3A_339 = arith.cmpi ne, %convert_element_type3A_337, %cond3A_338 : i32
            scf.if %cond3A_339 {
              %broadcast_in_dim3A_614 = vector.broadcast %squeeze3A_325 : i32 to vector<16xi32>
              %broadcast_in_dim3A_615 = vector.broadcast %while3A_332 : i32 to vector<16xi32>
              %iota3A = tpu.iota {dimensions = array<i32: 0>} : vector<16xi32>
              %eq3A_616 = arith.constant 0 : i32
              %eq3A_617 = vector.broadcast %eq3A_616 : i32 to vector<16xi32>
              %eq3A_618 = arith.cmpi eq, %iota3A, %eq3A_617 : vector<16xi32>
              tpu.vector_store_idx %arg9[%broadcast_in_dim3A_614], %broadcast_in_dim3A_615 masked %eq3A_618 : memref<4096xi32, #tpu.memory_space<vmem>>[vector<16xi32>], vector<16xi32>, vector<16xi1>
            } else {
            }
            %convert_element_type3A_340 = arith.extui %and3A_336 : i1 to i32
            %cond3A_341 = arith.constant 0 : i32
            %cond3A_342 = arith.cmpi ne, %convert_element_type3A_340, %cond3A_341 : i32
            scf.if %cond3A_342 {
              %broadcast_in_dim3A_614 = vector.broadcast %max3A_333 : i32 to vector<16xi32>
              %broadcast_in_dim3A_615 = vector.broadcast %min3A_334 : i32 to vector<16xi32>
              %iota3A = tpu.iota {dimensions = array<i32: 0>} : vector<16xi32>
              %eq3A_616 = arith.constant 0 : i32
              %eq3A_617 = vector.broadcast %eq3A_616 : i32 to vector<16xi32>
              %eq3A_618 = arith.cmpi eq, %iota3A, %eq3A_617 : vector<16xi32>
              tpu.vector_store_idx %arg9[%broadcast_in_dim3A_614], %broadcast_in_dim3A_615 masked %eq3A_618 : memref<4096xi32, #tpu.memory_space<vmem>>[vector<16xi32>], vector<16xi32>, vector<16xi1>
              %ne3A_619 = arith.cmpi ne, %max3A_333, %squeeze3A_323 : i32
              %convert_element_type3A_620 = arith.extui %ne3A_619 : i1 to i32
              %cond3A_621 = arith.constant 0 : i32
              %cond3A_622 = arith.cmpi ne, %convert_element_type3A_620, %cond3A_621 : i32
              scf.if %cond3A_622 {
                %broadcast_in_dim3A_623 = vector.broadcast %max3A_333 : i32 to vector<16xi32>
                %gather3A_624 = tpu.vector_load_idx %arg8[%broadcast_in_dim3A_623] : memref<4096xf32, #tpu.memory_space<vmem>>[vector<16xi32>], vector<16xf32>,
                %slice3A_625 = vector.extract_strided_slice %gather3A_624 {offsets = [0], sizes = [1], strides = [1]} : vector<16xf32> to vector<1xf32>
                %squeeze3A_626 = vector.extract %slice3A_625[0] : f32 from vector<1xf32>
                %broadcast_in_dim3A_627 = vector.broadcast %squeeze3A_323 : i32 to vector<16xi32>
                %gather3A_628 = tpu.vector_load_idx %arg8[%broadcast_in_dim3A_627] : memref<4096xf32, #tpu.memory_space<vmem>>[vector<16xi32>], vector<16xf32>,
                %slice3A_629 = vector.extract_strided_slice %gather3A_628 {offsets = [0], sizes = [1], strides = [1]} : vector<16xf32> to vector<1xf32>
                %squeeze3A_630 = vector.extract %slice3A_629[0] : f32 from vector<1xf32>
                %sub3A_631 = arith.subf %squeeze3A_626, %squeeze3A_630 : f32
                %broadcast_in_dim3A_632 = vector.broadcast %max3A_333 : i32 to vector<16xi32>
                %broadcast_in_dim3A_633 = vector.broadcast %sub3A_631 : f32 to vector<16xf32>
                %iota3A_634 = tpu.iota {dimensions = array<i32: 0>} : vector<16xi32>
                %eq3A_635 = arith.constant 0 : i32
                %eq3A_636 = vector.broadcast %eq3A_635 : i32 to vector<16xi32>
                %eq3A_637 = arith.cmpi eq, %iota3A_634, %eq3A_636 : vector<16xi32>
                tpu.vector_store_idx %arg10[%broadcast_in_dim3A_632], %broadcast_in_dim3A_633 masked %eq3A_637 : memref<4096xf32, #tpu.memory_space<vmem>>[vector<16xi32>], vector<16xf32>, vector<16xi1>
              } else {
              }
            } else {
            }
            %select_n3A_343 = arith.select %and3A_336, %min3A_334, %select_n3A_328 : i32
            %mul3A_344 = arith.constant 16 : i32
            %mul3A_345 = arith.muli %while3A_170, %mul3A_344 : i32
            %add3A_346 = arith.constant 6 : i32
            %add3A_347 = arith.addi %mul3A_345, %add3A_346 : i32
            %lt3A_348 = arith.cmpi slt, %add3A_347, %sub3A : i32
            %slice3A_349 = vector.extract_strided_slice %shift_right_logical3A_180 {offsets = [6], sizes = [1], strides = [1]} : vector<16xi32> to vector<1xi32>
            %squeeze3A_350 = vector.extract %slice3A_349[0] : i32 from vector<1xi32>
            %slice3A_351 = vector.extract_strided_slice %and3A_178 {offsets = [6], sizes = [1], strides = [1]} : vector<16xi32> to vector<1xi32>
            %squeeze3A_352 = vector.extract %slice3A_351[0] : i32 from vector<1xi32>
            %ne3A_353 = arith.cmpi ne, %squeeze3A_350, %select_n3A_329 : i32
            %and3A_354 = arith.andi %lt3A_348, %ne3A_353 : i1
            %select_n3A_355 = arith.select %and3A_354, %squeeze3A_350, %select_n3A_343 : i32
            %select_n3A_356 = arith.select %lt3A_348, %squeeze3A_350, %select_n3A_329 : i32
            %slice3A_357 = vector.extract_strided_slice %while3A_182#0 {offsets = [6], sizes = [1], strides = [1]} : vector<16xi32> to vector<1xi32>
            %squeeze3A_358 = vector.extract %slice3A_357[0] : i32 from vector<1xi32>
            %while3A_359 = scf.while (%while3A_614 = %squeeze3A_358) : (i32) -> i32 {
              %broadcast_in_dim3A_615 = vector.broadcast %while3A_614 : i32 to vector<16xi32>
              %gather3A_616 = tpu.vector_load_idx %arg9[%broadcast_in_dim3A_615] : memref<4096xi32, #tpu.memory_space<vmem>>[vector<16xi32>], vector<16xi32>,
              %slice3A_617 = vector.extract_strided_slice %gather3A_616 {offsets = [0], sizes = [1], strides = [1]} : vector<16xi32> to vector<1xi32>
              %squeeze3A_618 = vector.extract %slice3A_617[0] : i32 from vector<1xi32>
              %ne3A_619 = arith.cmpi ne, %squeeze3A_618, %while3A_614 : i32
              scf.condition(%ne3A_619) %while3A_614 : i32
            } do {
            ^bb0(%while3A_614: i32):
              %broadcast_in_dim3A_615 = vector.broadcast %while3A_614 : i32 to vector<16xi32>
              %gather3A_616 = tpu.vector_load_idx %arg9[%broadcast_in_dim3A_615] : memref<4096xi32, #tpu.memory_space<vmem>>[vector<16xi32>], vector<16xi32>,
              %slice3A_617 = vector.extract_strided_slice %gather3A_616 {offsets = [0], sizes = [1], strides = [1]} : vector<16xi32> to vector<1xi32>
              %squeeze3A_618 = vector.extract %slice3A_617[0] : i32 from vector<1xi32>
              scf.yield %squeeze3A_618 : i32
            }
            %max3A_360 = arith.maxsi %select_n3A_355, %while3A_359 : i32
            %min3A_361 = arith.minsi %select_n3A_355, %while3A_359 : i32
            %ne3A_362 = arith.cmpi ne, %while3A_359, %select_n3A_355 : i32
            %and3A_363 = arith.andi %lt3A_348, %ne3A_362 : i1
            %convert_element_type3A_364 = arith.extui %lt3A_348 : i1 to i32
            %cond3A_365 = arith.constant 0 : i32
            %cond3A_366 = arith.cmpi ne, %convert_element_type3A_364, %cond3A_365 : i32
            scf.if %cond3A_366 {
              %broadcast_in_dim3A_614 = vector.broadcast %squeeze3A_352 : i32 to vector<16xi32>
              %broadcast_in_dim3A_615 = vector.broadcast %while3A_359 : i32 to vector<16xi32>
              %iota3A = tpu.iota {dimensions = array<i32: 0>} : vector<16xi32>
              %eq3A_616 = arith.constant 0 : i32
              %eq3A_617 = vector.broadcast %eq3A_616 : i32 to vector<16xi32>
              %eq3A_618 = arith.cmpi eq, %iota3A, %eq3A_617 : vector<16xi32>
              tpu.vector_store_idx %arg9[%broadcast_in_dim3A_614], %broadcast_in_dim3A_615 masked %eq3A_618 : memref<4096xi32, #tpu.memory_space<vmem>>[vector<16xi32>], vector<16xi32>, vector<16xi1>
            } else {
            }
            %convert_element_type3A_367 = arith.extui %and3A_363 : i1 to i32
            %cond3A_368 = arith.constant 0 : i32
            %cond3A_369 = arith.cmpi ne, %convert_element_type3A_367, %cond3A_368 : i32
            scf.if %cond3A_369 {
              %broadcast_in_dim3A_614 = vector.broadcast %max3A_360 : i32 to vector<16xi32>
              %broadcast_in_dim3A_615 = vector.broadcast %min3A_361 : i32 to vector<16xi32>
              %iota3A = tpu.iota {dimensions = array<i32: 0>} : vector<16xi32>
              %eq3A_616 = arith.constant 0 : i32
              %eq3A_617 = vector.broadcast %eq3A_616 : i32 to vector<16xi32>
              %eq3A_618 = arith.cmpi eq, %iota3A, %eq3A_617 : vector<16xi32>
              tpu.vector_store_idx %arg9[%broadcast_in_dim3A_614], %broadcast_in_dim3A_615 masked %eq3A_618 : memref<4096xi32, #tpu.memory_space<vmem>>[vector<16xi32>], vector<16xi32>, vector<16xi1>
              %ne3A_619 = arith.cmpi ne, %max3A_360, %squeeze3A_350 : i32
              %convert_element_type3A_620 = arith.extui %ne3A_619 : i1 to i32
              %cond3A_621 = arith.constant 0 : i32
              %cond3A_622 = arith.cmpi ne, %convert_element_type3A_620, %cond3A_621 : i32
              scf.if %cond3A_622 {
                %broadcast_in_dim3A_623 = vector.broadcast %max3A_360 : i32 to vector<16xi32>
                %gather3A_624 = tpu.vector_load_idx %arg8[%broadcast_in_dim3A_623] : memref<4096xf32, #tpu.memory_space<vmem>>[vector<16xi32>], vector<16xf32>,
                %slice3A_625 = vector.extract_strided_slice %gather3A_624 {offsets = [0], sizes = [1], strides = [1]} : vector<16xf32> to vector<1xf32>
                %squeeze3A_626 = vector.extract %slice3A_625[0] : f32 from vector<1xf32>
                %broadcast_in_dim3A_627 = vector.broadcast %squeeze3A_350 : i32 to vector<16xi32>
                %gather3A_628 = tpu.vector_load_idx %arg8[%broadcast_in_dim3A_627] : memref<4096xf32, #tpu.memory_space<vmem>>[vector<16xi32>], vector<16xf32>,
                %slice3A_629 = vector.extract_strided_slice %gather3A_628 {offsets = [0], sizes = [1], strides = [1]} : vector<16xf32> to vector<1xf32>
                %squeeze3A_630 = vector.extract %slice3A_629[0] : f32 from vector<1xf32>
                %sub3A_631 = arith.subf %squeeze3A_626, %squeeze3A_630 : f32
                %broadcast_in_dim3A_632 = vector.broadcast %max3A_360 : i32 to vector<16xi32>
                %broadcast_in_dim3A_633 = vector.broadcast %sub3A_631 : f32 to vector<16xf32>
                %iota3A_634 = tpu.iota {dimensions = array<i32: 0>} : vector<16xi32>
                %eq3A_635 = arith.constant 0 : i32
                %eq3A_636 = vector.broadcast %eq3A_635 : i32 to vector<16xi32>
                %eq3A_637 = arith.cmpi eq, %iota3A_634, %eq3A_636 : vector<16xi32>
                tpu.vector_store_idx %arg10[%broadcast_in_dim3A_632], %broadcast_in_dim3A_633 masked %eq3A_637 : memref<4096xf32, #tpu.memory_space<vmem>>[vector<16xi32>], vector<16xf32>, vector<16xi1>
              } else {
              }
            } else {
            }
            %select_n3A_370 = arith.select %and3A_363, %min3A_361, %select_n3A_355 : i32
            %mul3A_371 = arith.constant 16 : i32
            %mul3A_372 = arith.muli %while3A_170, %mul3A_371 : i32
            %add3A_373 = arith.constant 7 : i32
            %add3A_374 = arith.addi %mul3A_372, %add3A_373 : i32
            %lt3A_375 = arith.cmpi slt, %add3A_374, %sub3A : i32
            %slice3A_376 = vector.extract_strided_slice %shift_right_logical3A_180 {offsets = [7], sizes = [1], strides = [1]} : vector<16xi32> to vector<1xi32>
            %squeeze3A_377 = vector.extract %slice3A_376[0] : i32 from vector<1xi32>
            %slice3A_378 = vector.extract_strided_slice %and3A_178 {offsets = [7], sizes = [1], strides = [1]} : vector<16xi32> to vector<1xi32>
            %squeeze3A_379 = vector.extract %slice3A_378[0] : i32 from vector<1xi32>
            %ne3A_380 = arith.cmpi ne, %squeeze3A_377, %select_n3A_356 : i32
            %and3A_381 = arith.andi %lt3A_375, %ne3A_380 : i1
            %select_n3A_382 = arith.select %and3A_381, %squeeze3A_377, %select_n3A_370 : i32
            %select_n3A_383 = arith.select %lt3A_375, %squeeze3A_377, %select_n3A_356 : i32
            %slice3A_384 = vector.extract_strided_slice %while3A_182#0 {offsets = [7], sizes = [1], strides = [1]} : vector<16xi32> to vector<1xi32>
            %squeeze3A_385 = vector.extract %slice3A_384[0] : i32 from vector<1xi32>
            %while3A_386 = scf.while (%while3A_614 = %squeeze3A_385) : (i32) -> i32 {
              %broadcast_in_dim3A_615 = vector.broadcast %while3A_614 : i32 to vector<16xi32>
              %gather3A_616 = tpu.vector_load_idx %arg9[%broadcast_in_dim3A_615] : memref<4096xi32, #tpu.memory_space<vmem>>[vector<16xi32>], vector<16xi32>,
              %slice3A_617 = vector.extract_strided_slice %gather3A_616 {offsets = [0], sizes = [1], strides = [1]} : vector<16xi32> to vector<1xi32>
              %squeeze3A_618 = vector.extract %slice3A_617[0] : i32 from vector<1xi32>
              %ne3A_619 = arith.cmpi ne, %squeeze3A_618, %while3A_614 : i32
              scf.condition(%ne3A_619) %while3A_614 : i32
            } do {
            ^bb0(%while3A_614: i32):
              %broadcast_in_dim3A_615 = vector.broadcast %while3A_614 : i32 to vector<16xi32>
              %gather3A_616 = tpu.vector_load_idx %arg9[%broadcast_in_dim3A_615] : memref<4096xi32, #tpu.memory_space<vmem>>[vector<16xi32>], vector<16xi32>,
              %slice3A_617 = vector.extract_strided_slice %gather3A_616 {offsets = [0], sizes = [1], strides = [1]} : vector<16xi32> to vector<1xi32>
              %squeeze3A_618 = vector.extract %slice3A_617[0] : i32 from vector<1xi32>
              scf.yield %squeeze3A_618 : i32
            }
            %max3A_387 = arith.maxsi %select_n3A_382, %while3A_386 : i32
            %min3A_388 = arith.minsi %select_n3A_382, %while3A_386 : i32
            %ne3A_389 = arith.cmpi ne, %while3A_386, %select_n3A_382 : i32
            %and3A_390 = arith.andi %lt3A_375, %ne3A_389 : i1
            %convert_element_type3A_391 = arith.extui %lt3A_375 : i1 to i32
            %cond3A_392 = arith.constant 0 : i32
            %cond3A_393 = arith.cmpi ne, %convert_element_type3A_391, %cond3A_392 : i32
            scf.if %cond3A_393 {
              %broadcast_in_dim3A_614 = vector.broadcast %squeeze3A_379 : i32 to vector<16xi32>
              %broadcast_in_dim3A_615 = vector.broadcast %while3A_386 : i32 to vector<16xi32>
              %iota3A = tpu.iota {dimensions = array<i32: 0>} : vector<16xi32>
              %eq3A_616 = arith.constant 0 : i32
              %eq3A_617 = vector.broadcast %eq3A_616 : i32 to vector<16xi32>
              %eq3A_618 = arith.cmpi eq, %iota3A, %eq3A_617 : vector<16xi32>
              tpu.vector_store_idx %arg9[%broadcast_in_dim3A_614], %broadcast_in_dim3A_615 masked %eq3A_618 : memref<4096xi32, #tpu.memory_space<vmem>>[vector<16xi32>], vector<16xi32>, vector<16xi1>
            } else {
            }
            %convert_element_type3A_394 = arith.extui %and3A_390 : i1 to i32
            %cond3A_395 = arith.constant 0 : i32
            %cond3A_396 = arith.cmpi ne, %convert_element_type3A_394, %cond3A_395 : i32
            scf.if %cond3A_396 {
              %broadcast_in_dim3A_614 = vector.broadcast %max3A_387 : i32 to vector<16xi32>
              %broadcast_in_dim3A_615 = vector.broadcast %min3A_388 : i32 to vector<16xi32>
              %iota3A = tpu.iota {dimensions = array<i32: 0>} : vector<16xi32>
              %eq3A_616 = arith.constant 0 : i32
              %eq3A_617 = vector.broadcast %eq3A_616 : i32 to vector<16xi32>
              %eq3A_618 = arith.cmpi eq, %iota3A, %eq3A_617 : vector<16xi32>
              tpu.vector_store_idx %arg9[%broadcast_in_dim3A_614], %broadcast_in_dim3A_615 masked %eq3A_618 : memref<4096xi32, #tpu.memory_space<vmem>>[vector<16xi32>], vector<16xi32>, vector<16xi1>
              %ne3A_619 = arith.cmpi ne, %max3A_387, %squeeze3A_377 : i32
              %convert_element_type3A_620 = arith.extui %ne3A_619 : i1 to i32
              %cond3A_621 = arith.constant 0 : i32
              %cond3A_622 = arith.cmpi ne, %convert_element_type3A_620, %cond3A_621 : i32
              scf.if %cond3A_622 {
                %broadcast_in_dim3A_623 = vector.broadcast %max3A_387 : i32 to vector<16xi32>
                %gather3A_624 = tpu.vector_load_idx %arg8[%broadcast_in_dim3A_623] : memref<4096xf32, #tpu.memory_space<vmem>>[vector<16xi32>], vector<16xf32>,
                %slice3A_625 = vector.extract_strided_slice %gather3A_624 {offsets = [0], sizes = [1], strides = [1]} : vector<16xf32> to vector<1xf32>
                %squeeze3A_626 = vector.extract %slice3A_625[0] : f32 from vector<1xf32>
                %broadcast_in_dim3A_627 = vector.broadcast %squeeze3A_377 : i32 to vector<16xi32>
                %gather3A_628 = tpu.vector_load_idx %arg8[%broadcast_in_dim3A_627] : memref<4096xf32, #tpu.memory_space<vmem>>[vector<16xi32>], vector<16xf32>,
                %slice3A_629 = vector.extract_strided_slice %gather3A_628 {offsets = [0], sizes = [1], strides = [1]} : vector<16xf32> to vector<1xf32>
                %squeeze3A_630 = vector.extract %slice3A_629[0] : f32 from vector<1xf32>
                %sub3A_631 = arith.subf %squeeze3A_626, %squeeze3A_630 : f32
                %broadcast_in_dim3A_632 = vector.broadcast %max3A_387 : i32 to vector<16xi32>
                %broadcast_in_dim3A_633 = vector.broadcast %sub3A_631 : f32 to vector<16xf32>
                %iota3A_634 = tpu.iota {dimensions = array<i32: 0>} : vector<16xi32>
                %eq3A_635 = arith.constant 0 : i32
                %eq3A_636 = vector.broadcast %eq3A_635 : i32 to vector<16xi32>
                %eq3A_637 = arith.cmpi eq, %iota3A_634, %eq3A_636 : vector<16xi32>
                tpu.vector_store_idx %arg10[%broadcast_in_dim3A_632], %broadcast_in_dim3A_633 masked %eq3A_637 : memref<4096xf32, #tpu.memory_space<vmem>>[vector<16xi32>], vector<16xf32>, vector<16xi1>
              } else {
              }
            } else {
            }
            %select_n3A_397 = arith.select %and3A_390, %min3A_388, %select_n3A_382 : i32
            %mul3A_398 = arith.constant 16 : i32
            %mul3A_399 = arith.muli %while3A_170, %mul3A_398 : i32
            %add3A_400 = arith.constant 8 : i32
            %add3A_401 = arith.addi %mul3A_399, %add3A_400 : i32
            %lt3A_402 = arith.cmpi slt, %add3A_401, %sub3A : i32
            %slice3A_403 = vector.extract_strided_slice %shift_right_logical3A_180 {offsets = [8], sizes = [1], strides = [1]} : vector<16xi32> to vector<1xi32>
            %squeeze3A_404 = vector.extract %slice3A_403[0] : i32 from vector<1xi32>
            %slice3A_405 = vector.extract_strided_slice %and3A_178 {offsets = [8], sizes = [1], strides = [1]} : vector<16xi32> to vector<1xi32>
            %squeeze3A_406 = vector.extract %slice3A_405[0] : i32 from vector<1xi32>
            %ne3A_407 = arith.cmpi ne, %squeeze3A_404, %select_n3A_383 : i32
            %and3A_408 = arith.andi %lt3A_402, %ne3A_407 : i1
            %select_n3A_409 = arith.select %and3A_408, %squeeze3A_404, %select_n3A_397 : i32
            %select_n3A_410 = arith.select %lt3A_402, %squeeze3A_404, %select_n3A_383 : i32
            %slice3A_411 = vector.extract_strided_slice %while3A_182#0 {offsets = [8], sizes = [1], strides = [1]} : vector<16xi32> to vector<1xi32>
            %squeeze3A_412 = vector.extract %slice3A_411[0] : i32 from vector<1xi32>
            %while3A_413 = scf.while (%while3A_614 = %squeeze3A_412) : (i32) -> i32 {
              %broadcast_in_dim3A_615 = vector.broadcast %while3A_614 : i32 to vector<16xi32>
              %gather3A_616 = tpu.vector_load_idx %arg9[%broadcast_in_dim3A_615] : memref<4096xi32, #tpu.memory_space<vmem>>[vector<16xi32>], vector<16xi32>,
              %slice3A_617 = vector.extract_strided_slice %gather3A_616 {offsets = [0], sizes = [1], strides = [1]} : vector<16xi32> to vector<1xi32>
              %squeeze3A_618 = vector.extract %slice3A_617[0] : i32 from vector<1xi32>
              %ne3A_619 = arith.cmpi ne, %squeeze3A_618, %while3A_614 : i32
              scf.condition(%ne3A_619) %while3A_614 : i32
            } do {
            ^bb0(%while3A_614: i32):
              %broadcast_in_dim3A_615 = vector.broadcast %while3A_614 : i32 to vector<16xi32>
              %gather3A_616 = tpu.vector_load_idx %arg9[%broadcast_in_dim3A_615] : memref<4096xi32, #tpu.memory_space<vmem>>[vector<16xi32>], vector<16xi32>,
              %slice3A_617 = vector.extract_strided_slice %gather3A_616 {offsets = [0], sizes = [1], strides = [1]} : vector<16xi32> to vector<1xi32>
              %squeeze3A_618 = vector.extract %slice3A_617[0] : i32 from vector<1xi32>
              scf.yield %squeeze3A_618 : i32
            }
            %max3A_414 = arith.maxsi %select_n3A_409, %while3A_413 : i32
            %min3A_415 = arith.minsi %select_n3A_409, %while3A_413 : i32
            %ne3A_416 = arith.cmpi ne, %while3A_413, %select_n3A_409 : i32
            %and3A_417 = arith.andi %lt3A_402, %ne3A_416 : i1
            %convert_element_type3A_418 = arith.extui %lt3A_402 : i1 to i32
            %cond3A_419 = arith.constant 0 : i32
            %cond3A_420 = arith.cmpi ne, %convert_element_type3A_418, %cond3A_419 : i32
            scf.if %cond3A_420 {
              %broadcast_in_dim3A_614 = vector.broadcast %squeeze3A_406 : i32 to vector<16xi32>
              %broadcast_in_dim3A_615 = vector.broadcast %while3A_413 : i32 to vector<16xi32>
              %iota3A = tpu.iota {dimensions = array<i32: 0>} : vector<16xi32>
              %eq3A_616 = arith.constant 0 : i32
              %eq3A_617 = vector.broadcast %eq3A_616 : i32 to vector<16xi32>
              %eq3A_618 = arith.cmpi eq, %iota3A, %eq3A_617 : vector<16xi32>
              tpu.vector_store_idx %arg9[%broadcast_in_dim3A_614], %broadcast_in_dim3A_615 masked %eq3A_618 : memref<4096xi32, #tpu.memory_space<vmem>>[vector<16xi32>], vector<16xi32>, vector<16xi1>
            } else {
            }
            %convert_element_type3A_421 = arith.extui %and3A_417 : i1 to i32
            %cond3A_422 = arith.constant 0 : i32
            %cond3A_423 = arith.cmpi ne, %convert_element_type3A_421, %cond3A_422 : i32
            scf.if %cond3A_423 {
              %broadcast_in_dim3A_614 = vector.broadcast %max3A_414 : i32 to vector<16xi32>
              %broadcast_in_dim3A_615 = vector.broadcast %min3A_415 : i32 to vector<16xi32>
              %iota3A = tpu.iota {dimensions = array<i32: 0>} : vector<16xi32>
              %eq3A_616 = arith.constant 0 : i32
              %eq3A_617 = vector.broadcast %eq3A_616 : i32 to vector<16xi32>
              %eq3A_618 = arith.cmpi eq, %iota3A, %eq3A_617 : vector<16xi32>
              tpu.vector_store_idx %arg9[%broadcast_in_dim3A_614], %broadcast_in_dim3A_615 masked %eq3A_618 : memref<4096xi32, #tpu.memory_space<vmem>>[vector<16xi32>], vector<16xi32>, vector<16xi1>
              %ne3A_619 = arith.cmpi ne, %max3A_414, %squeeze3A_404 : i32
              %convert_element_type3A_620 = arith.extui %ne3A_619 : i1 to i32
              %cond3A_621 = arith.constant 0 : i32
              %cond3A_622 = arith.cmpi ne, %convert_element_type3A_620, %cond3A_621 : i32
              scf.if %cond3A_622 {
                %broadcast_in_dim3A_623 = vector.broadcast %max3A_414 : i32 to vector<16xi32>
                %gather3A_624 = tpu.vector_load_idx %arg8[%broadcast_in_dim3A_623] : memref<4096xf32, #tpu.memory_space<vmem>>[vector<16xi32>], vector<16xf32>,
                %slice3A_625 = vector.extract_strided_slice %gather3A_624 {offsets = [0], sizes = [1], strides = [1]} : vector<16xf32> to vector<1xf32>
                %squeeze3A_626 = vector.extract %slice3A_625[0] : f32 from vector<1xf32>
                %broadcast_in_dim3A_627 = vector.broadcast %squeeze3A_404 : i32 to vector<16xi32>
                %gather3A_628 = tpu.vector_load_idx %arg8[%broadcast_in_dim3A_627] : memref<4096xf32, #tpu.memory_space<vmem>>[vector<16xi32>], vector<16xf32>,
                %slice3A_629 = vector.extract_strided_slice %gather3A_628 {offsets = [0], sizes = [1], strides = [1]} : vector<16xf32> to vector<1xf32>
                %squeeze3A_630 = vector.extract %slice3A_629[0] : f32 from vector<1xf32>
                %sub3A_631 = arith.subf %squeeze3A_626, %squeeze3A_630 : f32
                %broadcast_in_dim3A_632 = vector.broadcast %max3A_414 : i32 to vector<16xi32>
                %broadcast_in_dim3A_633 = vector.broadcast %sub3A_631 : f32 to vector<16xf32>
                %iota3A_634 = tpu.iota {dimensions = array<i32: 0>} : vector<16xi32>
                %eq3A_635 = arith.constant 0 : i32
                %eq3A_636 = vector.broadcast %eq3A_635 : i32 to vector<16xi32>
                %eq3A_637 = arith.cmpi eq, %iota3A_634, %eq3A_636 : vector<16xi32>
                tpu.vector_store_idx %arg10[%broadcast_in_dim3A_632], %broadcast_in_dim3A_633 masked %eq3A_637 : memref<4096xf32, #tpu.memory_space<vmem>>[vector<16xi32>], vector<16xf32>, vector<16xi1>
              } else {
              }
            } else {
            }
            %select_n3A_424 = arith.select %and3A_417, %min3A_415, %select_n3A_409 : i32
            %mul3A_425 = arith.constant 16 : i32
            %mul3A_426 = arith.muli %while3A_170, %mul3A_425 : i32
            %add3A_427 = arith.constant 9 : i32
            %add3A_428 = arith.addi %mul3A_426, %add3A_427 : i32
            %lt3A_429 = arith.cmpi slt, %add3A_428, %sub3A : i32
            %slice3A_430 = vector.extract_strided_slice %shift_right_logical3A_180 {offsets = [9], sizes = [1], strides = [1]} : vector<16xi32> to vector<1xi32>
            %squeeze3A_431 = vector.extract %slice3A_430[0] : i32 from vector<1xi32>
            %slice3A_432 = vector.extract_strided_slice %and3A_178 {offsets = [9], sizes = [1], strides = [1]} : vector<16xi32> to vector<1xi32>
            %squeeze3A_433 = vector.extract %slice3A_432[0] : i32 from vector<1xi32>
            %ne3A_434 = arith.cmpi ne, %squeeze3A_431, %select_n3A_410 : i32
            %and3A_435 = arith.andi %lt3A_429, %ne3A_434 : i1
            %select_n3A_436 = arith.select %and3A_435, %squeeze3A_431, %select_n3A_424 : i32
            %select_n3A_437 = arith.select %lt3A_429, %squeeze3A_431, %select_n3A_410 : i32
            %slice3A_438 = vector.extract_strided_slice %while3A_182#0 {offsets = [9], sizes = [1], strides = [1]} : vector<16xi32> to vector<1xi32>
            %squeeze3A_439 = vector.extract %slice3A_438[0] : i32 from vector<1xi32>
            %while3A_440 = scf.while (%while3A_614 = %squeeze3A_439) : (i32) -> i32 {
              %broadcast_in_dim3A_615 = vector.broadcast %while3A_614 : i32 to vector<16xi32>
              %gather3A_616 = tpu.vector_load_idx %arg9[%broadcast_in_dim3A_615] : memref<4096xi32, #tpu.memory_space<vmem>>[vector<16xi32>], vector<16xi32>,
              %slice3A_617 = vector.extract_strided_slice %gather3A_616 {offsets = [0], sizes = [1], strides = [1]} : vector<16xi32> to vector<1xi32>
              %squeeze3A_618 = vector.extract %slice3A_617[0] : i32 from vector<1xi32>
              %ne3A_619 = arith.cmpi ne, %squeeze3A_618, %while3A_614 : i32
              scf.condition(%ne3A_619) %while3A_614 : i32
            } do {
            ^bb0(%while3A_614: i32):
              %broadcast_in_dim3A_615 = vector.broadcast %while3A_614 : i32 to vector<16xi32>
              %gather3A_616 = tpu.vector_load_idx %arg9[%broadcast_in_dim3A_615] : memref<4096xi32, #tpu.memory_space<vmem>>[vector<16xi32>], vector<16xi32>,
              %slice3A_617 = vector.extract_strided_slice %gather3A_616 {offsets = [0], sizes = [1], strides = [1]} : vector<16xi32> to vector<1xi32>
              %squeeze3A_618 = vector.extract %slice3A_617[0] : i32 from vector<1xi32>
              scf.yield %squeeze3A_618 : i32
            }
            %max3A_441 = arith.maxsi %select_n3A_436, %while3A_440 : i32
            %min3A_442 = arith.minsi %select_n3A_436, %while3A_440 : i32
            %ne3A_443 = arith.cmpi ne, %while3A_440, %select_n3A_436 : i32
            %and3A_444 = arith.andi %lt3A_429, %ne3A_443 : i1
            %convert_element_type3A_445 = arith.extui %lt3A_429 : i1 to i32
            %cond3A_446 = arith.constant 0 : i32
            %cond3A_447 = arith.cmpi ne, %convert_element_type3A_445, %cond3A_446 : i32
            scf.if %cond3A_447 {
              %broadcast_in_dim3A_614 = vector.broadcast %squeeze3A_433 : i32 to vector<16xi32>
              %broadcast_in_dim3A_615 = vector.broadcast %while3A_440 : i32 to vector<16xi32>
              %iota3A = tpu.iota {dimensions = array<i32: 0>} : vector<16xi32>
              %eq3A_616 = arith.constant 0 : i32
              %eq3A_617 = vector.broadcast %eq3A_616 : i32 to vector<16xi32>
              %eq3A_618 = arith.cmpi eq, %iota3A, %eq3A_617 : vector<16xi32>
              tpu.vector_store_idx %arg9[%broadcast_in_dim3A_614], %broadcast_in_dim3A_615 masked %eq3A_618 : memref<4096xi32, #tpu.memory_space<vmem>>[vector<16xi32>], vector<16xi32>, vector<16xi1>
            } else {
            }
            %convert_element_type3A_448 = arith.extui %and3A_444 : i1 to i32
            %cond3A_449 = arith.constant 0 : i32
            %cond3A_450 = arith.cmpi ne, %convert_element_type3A_448, %cond3A_449 : i32
            scf.if %cond3A_450 {
              %broadcast_in_dim3A_614 = vector.broadcast %max3A_441 : i32 to vector<16xi32>
              %broadcast_in_dim3A_615 = vector.broadcast %min3A_442 : i32 to vector<16xi32>
              %iota3A = tpu.iota {dimensions = array<i32: 0>} : vector<16xi32>
              %eq3A_616 = arith.constant 0 : i32
              %eq3A_617 = vector.broadcast %eq3A_616 : i32 to vector<16xi32>
              %eq3A_618 = arith.cmpi eq, %iota3A, %eq3A_617 : vector<16xi32>
              tpu.vector_store_idx %arg9[%broadcast_in_dim3A_614], %broadcast_in_dim3A_615 masked %eq3A_618 : memref<4096xi32, #tpu.memory_space<vmem>>[vector<16xi32>], vector<16xi32>, vector<16xi1>
              %ne3A_619 = arith.cmpi ne, %max3A_441, %squeeze3A_431 : i32
              %convert_element_type3A_620 = arith.extui %ne3A_619 : i1 to i32
              %cond3A_621 = arith.constant 0 : i32
              %cond3A_622 = arith.cmpi ne, %convert_element_type3A_620, %cond3A_621 : i32
              scf.if %cond3A_622 {
                %broadcast_in_dim3A_623 = vector.broadcast %max3A_441 : i32 to vector<16xi32>
                %gather3A_624 = tpu.vector_load_idx %arg8[%broadcast_in_dim3A_623] : memref<4096xf32, #tpu.memory_space<vmem>>[vector<16xi32>], vector<16xf32>,
                %slice3A_625 = vector.extract_strided_slice %gather3A_624 {offsets = [0], sizes = [1], strides = [1]} : vector<16xf32> to vector<1xf32>
                %squeeze3A_626 = vector.extract %slice3A_625[0] : f32 from vector<1xf32>
                %broadcast_in_dim3A_627 = vector.broadcast %squeeze3A_431 : i32 to vector<16xi32>
                %gather3A_628 = tpu.vector_load_idx %arg8[%broadcast_in_dim3A_627] : memref<4096xf32, #tpu.memory_space<vmem>>[vector<16xi32>], vector<16xf32>,
                %slice3A_629 = vector.extract_strided_slice %gather3A_628 {offsets = [0], sizes = [1], strides = [1]} : vector<16xf32> to vector<1xf32>
                %squeeze3A_630 = vector.extract %slice3A_629[0] : f32 from vector<1xf32>
                %sub3A_631 = arith.subf %squeeze3A_626, %squeeze3A_630 : f32
                %broadcast_in_dim3A_632 = vector.broadcast %max3A_441 : i32 to vector<16xi32>
                %broadcast_in_dim3A_633 = vector.broadcast %sub3A_631 : f32 to vector<16xf32>
                %iota3A_634 = tpu.iota {dimensions = array<i32: 0>} : vector<16xi32>
                %eq3A_635 = arith.constant 0 : i32
                %eq3A_636 = vector.broadcast %eq3A_635 : i32 to vector<16xi32>
                %eq3A_637 = arith.cmpi eq, %iota3A_634, %eq3A_636 : vector<16xi32>
                tpu.vector_store_idx %arg10[%broadcast_in_dim3A_632], %broadcast_in_dim3A_633 masked %eq3A_637 : memref<4096xf32, #tpu.memory_space<vmem>>[vector<16xi32>], vector<16xf32>, vector<16xi1>
              } else {
              }
            } else {
            }
            %select_n3A_451 = arith.select %and3A_444, %min3A_442, %select_n3A_436 : i32
            %mul3A_452 = arith.constant 16 : i32
            %mul3A_453 = arith.muli %while3A_170, %mul3A_452 : i32
            %add3A_454 = arith.constant 10 : i32
            %add3A_455 = arith.addi %mul3A_453, %add3A_454 : i32
            %lt3A_456 = arith.cmpi slt, %add3A_455, %sub3A : i32
            %slice3A_457 = vector.extract_strided_slice %shift_right_logical3A_180 {offsets = [10], sizes = [1], strides = [1]} : vector<16xi32> to vector<1xi32>
            %squeeze3A_458 = vector.extract %slice3A_457[0] : i32 from vector<1xi32>
            %slice3A_459 = vector.extract_strided_slice %and3A_178 {offsets = [10], sizes = [1], strides = [1]} : vector<16xi32> to vector<1xi32>
            %squeeze3A_460 = vector.extract %slice3A_459[0] : i32 from vector<1xi32>
            %ne3A_461 = arith.cmpi ne, %squeeze3A_458, %select_n3A_437 : i32
            %and3A_462 = arith.andi %lt3A_456, %ne3A_461 : i1
            %select_n3A_463 = arith.select %and3A_462, %squeeze3A_458, %select_n3A_451 : i32
            %select_n3A_464 = arith.select %lt3A_456, %squeeze3A_458, %select_n3A_437 : i32
            %slice3A_465 = vector.extract_strided_slice %while3A_182#0 {offsets = [10], sizes = [1], strides = [1]} : vector<16xi32> to vector<1xi32>
            %squeeze3A_466 = vector.extract %slice3A_465[0] : i32 from vector<1xi32>
            %while3A_467 = scf.while (%while3A_614 = %squeeze3A_466) : (i32) -> i32 {
              %broadcast_in_dim3A_615 = vector.broadcast %while3A_614 : i32 to vector<16xi32>
              %gather3A_616 = tpu.vector_load_idx %arg9[%broadcast_in_dim3A_615] : memref<4096xi32, #tpu.memory_space<vmem>>[vector<16xi32>], vector<16xi32>,
              %slice3A_617 = vector.extract_strided_slice %gather3A_616 {offsets = [0], sizes = [1], strides = [1]} : vector<16xi32> to vector<1xi32>
              %squeeze3A_618 = vector.extract %slice3A_617[0] : i32 from vector<1xi32>
              %ne3A_619 = arith.cmpi ne, %squeeze3A_618, %while3A_614 : i32
              scf.condition(%ne3A_619) %while3A_614 : i32
            } do {
            ^bb0(%while3A_614: i32):
              %broadcast_in_dim3A_615 = vector.broadcast %while3A_614 : i32 to vector<16xi32>
              %gather3A_616 = tpu.vector_load_idx %arg9[%broadcast_in_dim3A_615] : memref<4096xi32, #tpu.memory_space<vmem>>[vector<16xi32>], vector<16xi32>,
              %slice3A_617 = vector.extract_strided_slice %gather3A_616 {offsets = [0], sizes = [1], strides = [1]} : vector<16xi32> to vector<1xi32>
              %squeeze3A_618 = vector.extract %slice3A_617[0] : i32 from vector<1xi32>
              scf.yield %squeeze3A_618 : i32
            }
            %max3A_468 = arith.maxsi %select_n3A_463, %while3A_467 : i32
            %min3A_469 = arith.minsi %select_n3A_463, %while3A_467 : i32
            %ne3A_470 = arith.cmpi ne, %while3A_467, %select_n3A_463 : i32
            %and3A_471 = arith.andi %lt3A_456, %ne3A_470 : i1
            %convert_element_type3A_472 = arith.extui %lt3A_456 : i1 to i32
            %cond3A_473 = arith.constant 0 : i32
            %cond3A_474 = arith.cmpi ne, %convert_element_type3A_472, %cond3A_473 : i32
            scf.if %cond3A_474 {
              %broadcast_in_dim3A_614 = vector.broadcast %squeeze3A_460 : i32 to vector<16xi32>
              %broadcast_in_dim3A_615 = vector.broadcast %while3A_467 : i32 to vector<16xi32>
              %iota3A = tpu.iota {dimensions = array<i32: 0>} : vector<16xi32>
              %eq3A_616 = arith.constant 0 : i32
              %eq3A_617 = vector.broadcast %eq3A_616 : i32 to vector<16xi32>
              %eq3A_618 = arith.cmpi eq, %iota3A, %eq3A_617 : vector<16xi32>
              tpu.vector_store_idx %arg9[%broadcast_in_dim3A_614], %broadcast_in_dim3A_615 masked %eq3A_618 : memref<4096xi32, #tpu.memory_space<vmem>>[vector<16xi32>], vector<16xi32>, vector<16xi1>
            } else {
            }
            %convert_element_type3A_475 = arith.extui %and3A_471 : i1 to i32
            %cond3A_476 = arith.constant 0 : i32
            %cond3A_477 = arith.cmpi ne, %convert_element_type3A_475, %cond3A_476 : i32
            scf.if %cond3A_477 {
              %broadcast_in_dim3A_614 = vector.broadcast %max3A_468 : i32 to vector<16xi32>
              %broadcast_in_dim3A_615 = vector.broadcast %min3A_469 : i32 to vector<16xi32>
              %iota3A = tpu.iota {dimensions = array<i32: 0>} : vector<16xi32>
              %eq3A_616 = arith.constant 0 : i32
              %eq3A_617 = vector.broadcast %eq3A_616 : i32 to vector<16xi32>
              %eq3A_618 = arith.cmpi eq, %iota3A, %eq3A_617 : vector<16xi32>
              tpu.vector_store_idx %arg9[%broadcast_in_dim3A_614], %broadcast_in_dim3A_615 masked %eq3A_618 : memref<4096xi32, #tpu.memory_space<vmem>>[vector<16xi32>], vector<16xi32>, vector<16xi1>
              %ne3A_619 = arith.cmpi ne, %max3A_468, %squeeze3A_458 : i32
              %convert_element_type3A_620 = arith.extui %ne3A_619 : i1 to i32
              %cond3A_621 = arith.constant 0 : i32
              %cond3A_622 = arith.cmpi ne, %convert_element_type3A_620, %cond3A_621 : i32
              scf.if %cond3A_622 {
                %broadcast_in_dim3A_623 = vector.broadcast %max3A_468 : i32 to vector<16xi32>
                %gather3A_624 = tpu.vector_load_idx %arg8[%broadcast_in_dim3A_623] : memref<4096xf32, #tpu.memory_space<vmem>>[vector<16xi32>], vector<16xf32>,
                %slice3A_625 = vector.extract_strided_slice %gather3A_624 {offsets = [0], sizes = [1], strides = [1]} : vector<16xf32> to vector<1xf32>
                %squeeze3A_626 = vector.extract %slice3A_625[0] : f32 from vector<1xf32>
                %broadcast_in_dim3A_627 = vector.broadcast %squeeze3A_458 : i32 to vector<16xi32>
                %gather3A_628 = tpu.vector_load_idx %arg8[%broadcast_in_dim3A_627] : memref<4096xf32, #tpu.memory_space<vmem>>[vector<16xi32>], vector<16xf32>,
                %slice3A_629 = vector.extract_strided_slice %gather3A_628 {offsets = [0], sizes = [1], strides = [1]} : vector<16xf32> to vector<1xf32>
                %squeeze3A_630 = vector.extract %slice3A_629[0] : f32 from vector<1xf32>
                %sub3A_631 = arith.subf %squeeze3A_626, %squeeze3A_630 : f32
                %broadcast_in_dim3A_632 = vector.broadcast %max3A_468 : i32 to vector<16xi32>
                %broadcast_in_dim3A_633 = vector.broadcast %sub3A_631 : f32 to vector<16xf32>
                %iota3A_634 = tpu.iota {dimensions = array<i32: 0>} : vector<16xi32>
                %eq3A_635 = arith.constant 0 : i32
                %eq3A_636 = vector.broadcast %eq3A_635 : i32 to vector<16xi32>
                %eq3A_637 = arith.cmpi eq, %iota3A_634, %eq3A_636 : vector<16xi32>
                tpu.vector_store_idx %arg10[%broadcast_in_dim3A_632], %broadcast_in_dim3A_633 masked %eq3A_637 : memref<4096xf32, #tpu.memory_space<vmem>>[vector<16xi32>], vector<16xf32>, vector<16xi1>
              } else {
              }
            } else {
            }
            %select_n3A_478 = arith.select %and3A_471, %min3A_469, %select_n3A_463 : i32
            %mul3A_479 = arith.constant 16 : i32
            %mul3A_480 = arith.muli %while3A_170, %mul3A_479 : i32
            %add3A_481 = arith.constant 11 : i32
            %add3A_482 = arith.addi %mul3A_480, %add3A_481 : i32
            %lt3A_483 = arith.cmpi slt, %add3A_482, %sub3A : i32
            %slice3A_484 = vector.extract_strided_slice %shift_right_logical3A_180 {offsets = [11], sizes = [1], strides = [1]} : vector<16xi32> to vector<1xi32>
            %squeeze3A_485 = vector.extract %slice3A_484[0] : i32 from vector<1xi32>
            %slice3A_486 = vector.extract_strided_slice %and3A_178 {offsets = [11], sizes = [1], strides = [1]} : vector<16xi32> to vector<1xi32>
            %squeeze3A_487 = vector.extract %slice3A_486[0] : i32 from vector<1xi32>
            %ne3A_488 = arith.cmpi ne, %squeeze3A_485, %select_n3A_464 : i32
            %and3A_489 = arith.andi %lt3A_483, %ne3A_488 : i1
            %select_n3A_490 = arith.select %and3A_489, %squeeze3A_485, %select_n3A_478 : i32
            %select_n3A_491 = arith.select %lt3A_483, %squeeze3A_485, %select_n3A_464 : i32
            %slice3A_492 = vector.extract_strided_slice %while3A_182#0 {offsets = [11], sizes = [1], strides = [1]} : vector<16xi32> to vector<1xi32>
            %squeeze3A_493 = vector.extract %slice3A_492[0] : i32 from vector<1xi32>
            %while3A_494 = scf.while (%while3A_614 = %squeeze3A_493) : (i32) -> i32 {
              %broadcast_in_dim3A_615 = vector.broadcast %while3A_614 : i32 to vector<16xi32>
              %gather3A_616 = tpu.vector_load_idx %arg9[%broadcast_in_dim3A_615] : memref<4096xi32, #tpu.memory_space<vmem>>[vector<16xi32>], vector<16xi32>,
              %slice3A_617 = vector.extract_strided_slice %gather3A_616 {offsets = [0], sizes = [1], strides = [1]} : vector<16xi32> to vector<1xi32>
              %squeeze3A_618 = vector.extract %slice3A_617[0] : i32 from vector<1xi32>
              %ne3A_619 = arith.cmpi ne, %squeeze3A_618, %while3A_614 : i32
              scf.condition(%ne3A_619) %while3A_614 : i32
            } do {
            ^bb0(%while3A_614: i32):
              %broadcast_in_dim3A_615 = vector.broadcast %while3A_614 : i32 to vector<16xi32>
              %gather3A_616 = tpu.vector_load_idx %arg9[%broadcast_in_dim3A_615] : memref<4096xi32, #tpu.memory_space<vmem>>[vector<16xi32>], vector<16xi32>,
              %slice3A_617 = vector.extract_strided_slice %gather3A_616 {offsets = [0], sizes = [1], strides = [1]} : vector<16xi32> to vector<1xi32>
              %squeeze3A_618 = vector.extract %slice3A_617[0] : i32 from vector<1xi32>
              scf.yield %squeeze3A_618 : i32
            }
            %max3A_495 = arith.maxsi %select_n3A_490, %while3A_494 : i32
            %min3A_496 = arith.minsi %select_n3A_490, %while3A_494 : i32
            %ne3A_497 = arith.cmpi ne, %while3A_494, %select_n3A_490 : i32
            %and3A_498 = arith.andi %lt3A_483, %ne3A_497 : i1
            %convert_element_type3A_499 = arith.extui %lt3A_483 : i1 to i32
            %cond3A_500 = arith.constant 0 : i32
            %cond3A_501 = arith.cmpi ne, %convert_element_type3A_499, %cond3A_500 : i32
            scf.if %cond3A_501 {
              %broadcast_in_dim3A_614 = vector.broadcast %squeeze3A_487 : i32 to vector<16xi32>
              %broadcast_in_dim3A_615 = vector.broadcast %while3A_494 : i32 to vector<16xi32>
              %iota3A = tpu.iota {dimensions = array<i32: 0>} : vector<16xi32>
              %eq3A_616 = arith.constant 0 : i32
              %eq3A_617 = vector.broadcast %eq3A_616 : i32 to vector<16xi32>
              %eq3A_618 = arith.cmpi eq, %iota3A, %eq3A_617 : vector<16xi32>
              tpu.vector_store_idx %arg9[%broadcast_in_dim3A_614], %broadcast_in_dim3A_615 masked %eq3A_618 : memref<4096xi32, #tpu.memory_space<vmem>>[vector<16xi32>], vector<16xi32>, vector<16xi1>
            } else {
            }
            %convert_element_type3A_502 = arith.extui %and3A_498 : i1 to i32
            %cond3A_503 = arith.constant 0 : i32
            %cond3A_504 = arith.cmpi ne, %convert_element_type3A_502, %cond3A_503 : i32
            scf.if %cond3A_504 {
              %broadcast_in_dim3A_614 = vector.broadcast %max3A_495 : i32 to vector<16xi32>
              %broadcast_in_dim3A_615 = vector.broadcast %min3A_496 : i32 to vector<16xi32>
              %iota3A = tpu.iota {dimensions = array<i32: 0>} : vector<16xi32>
              %eq3A_616 = arith.constant 0 : i32
              %eq3A_617 = vector.broadcast %eq3A_616 : i32 to vector<16xi32>
              %eq3A_618 = arith.cmpi eq, %iota3A, %eq3A_617 : vector<16xi32>
              tpu.vector_store_idx %arg9[%broadcast_in_dim3A_614], %broadcast_in_dim3A_615 masked %eq3A_618 : memref<4096xi32, #tpu.memory_space<vmem>>[vector<16xi32>], vector<16xi32>, vector<16xi1>
              %ne3A_619 = arith.cmpi ne, %max3A_495, %squeeze3A_485 : i32
              %convert_element_type3A_620 = arith.extui %ne3A_619 : i1 to i32
              %cond3A_621 = arith.constant 0 : i32
              %cond3A_622 = arith.cmpi ne, %convert_element_type3A_620, %cond3A_621 : i32
              scf.if %cond3A_622 {
                %broadcast_in_dim3A_623 = vector.broadcast %max3A_495 : i32 to vector<16xi32>
                %gather3A_624 = tpu.vector_load_idx %arg8[%broadcast_in_dim3A_623] : memref<4096xf32, #tpu.memory_space<vmem>>[vector<16xi32>], vector<16xf32>,
                %slice3A_625 = vector.extract_strided_slice %gather3A_624 {offsets = [0], sizes = [1], strides = [1]} : vector<16xf32> to vector<1xf32>
                %squeeze3A_626 = vector.extract %slice3A_625[0] : f32 from vector<1xf32>
                %broadcast_in_dim3A_627 = vector.broadcast %squeeze3A_485 : i32 to vector<16xi32>
                %gather3A_628 = tpu.vector_load_idx %arg8[%broadcast_in_dim3A_627] : memref<4096xf32, #tpu.memory_space<vmem>>[vector<16xi32>], vector<16xf32>,
                %slice3A_629 = vector.extract_strided_slice %gather3A_628 {offsets = [0], sizes = [1], strides = [1]} : vector<16xf32> to vector<1xf32>
                %squeeze3A_630 = vector.extract %slice3A_629[0] : f32 from vector<1xf32>
                %sub3A_631 = arith.subf %squeeze3A_626, %squeeze3A_630 : f32
                %broadcast_in_dim3A_632 = vector.broadcast %max3A_495 : i32 to vector<16xi32>
                %broadcast_in_dim3A_633 = vector.broadcast %sub3A_631 : f32 to vector<16xf32>
                %iota3A_634 = tpu.iota {dimensions = array<i32: 0>} : vector<16xi32>
                %eq3A_635 = arith.constant 0 : i32
                %eq3A_636 = vector.broadcast %eq3A_635 : i32 to vector<16xi32>
                %eq3A_637 = arith.cmpi eq, %iota3A_634, %eq3A_636 : vector<16xi32>
                tpu.vector_store_idx %arg10[%broadcast_in_dim3A_632], %broadcast_in_dim3A_633 masked %eq3A_637 : memref<4096xf32, #tpu.memory_space<vmem>>[vector<16xi32>], vector<16xf32>, vector<16xi1>
              } else {
              }
            } else {
            }
            %select_n3A_505 = arith.select %and3A_498, %min3A_496, %select_n3A_490 : i32
            %mul3A_506 = arith.constant 16 : i32
            %mul3A_507 = arith.muli %while3A_170, %mul3A_506 : i32
            %add3A_508 = arith.constant 12 : i32
            %add3A_509 = arith.addi %mul3A_507, %add3A_508 : i32
            %lt3A_510 = arith.cmpi slt, %add3A_509, %sub3A : i32
            %slice3A_511 = vector.extract_strided_slice %shift_right_logical3A_180 {offsets = [12], sizes = [1], strides = [1]} : vector<16xi32> to vector<1xi32>
            %squeeze3A_512 = vector.extract %slice3A_511[0] : i32 from vector<1xi32>
            %slice3A_513 = vector.extract_strided_slice %and3A_178 {offsets = [12], sizes = [1], strides = [1]} : vector<16xi32> to vector<1xi32>
            %squeeze3A_514 = vector.extract %slice3A_513[0] : i32 from vector<1xi32>
            %ne3A_515 = arith.cmpi ne, %squeeze3A_512, %select_n3A_491 : i32
            %and3A_516 = arith.andi %lt3A_510, %ne3A_515 : i1
            %select_n3A_517 = arith.select %and3A_516, %squeeze3A_512, %select_n3A_505 : i32
            %select_n3A_518 = arith.select %lt3A_510, %squeeze3A_512, %select_n3A_491 : i32
            %slice3A_519 = vector.extract_strided_slice %while3A_182#0 {offsets = [12], sizes = [1], strides = [1]} : vector<16xi32> to vector<1xi32>
            %squeeze3A_520 = vector.extract %slice3A_519[0] : i32 from vector<1xi32>
            %while3A_521 = scf.while (%while3A_614 = %squeeze3A_520) : (i32) -> i32 {
              %broadcast_in_dim3A_615 = vector.broadcast %while3A_614 : i32 to vector<16xi32>
              %gather3A_616 = tpu.vector_load_idx %arg9[%broadcast_in_dim3A_615] : memref<4096xi32, #tpu.memory_space<vmem>>[vector<16xi32>], vector<16xi32>,
              %slice3A_617 = vector.extract_strided_slice %gather3A_616 {offsets = [0], sizes = [1], strides = [1]} : vector<16xi32> to vector<1xi32>
              %squeeze3A_618 = vector.extract %slice3A_617[0] : i32 from vector<1xi32>
              %ne3A_619 = arith.cmpi ne, %squeeze3A_618, %while3A_614 : i32
              scf.condition(%ne3A_619) %while3A_614 : i32
            } do {
            ^bb0(%while3A_614: i32):
              %broadcast_in_dim3A_615 = vector.broadcast %while3A_614 : i32 to vector<16xi32>
              %gather3A_616 = tpu.vector_load_idx %arg9[%broadcast_in_dim3A_615] : memref<4096xi32, #tpu.memory_space<vmem>>[vector<16xi32>], vector<16xi32>,
              %slice3A_617 = vector.extract_strided_slice %gather3A_616 {offsets = [0], sizes = [1], strides = [1]} : vector<16xi32> to vector<1xi32>
              %squeeze3A_618 = vector.extract %slice3A_617[0] : i32 from vector<1xi32>
              scf.yield %squeeze3A_618 : i32
            }
            %max3A_522 = arith.maxsi %select_n3A_517, %while3A_521 : i32
            %min3A_523 = arith.minsi %select_n3A_517, %while3A_521 : i32
            %ne3A_524 = arith.cmpi ne, %while3A_521, %select_n3A_517 : i32
            %and3A_525 = arith.andi %lt3A_510, %ne3A_524 : i1
            %convert_element_type3A_526 = arith.extui %lt3A_510 : i1 to i32
            %cond3A_527 = arith.constant 0 : i32
            %cond3A_528 = arith.cmpi ne, %convert_element_type3A_526, %cond3A_527 : i32
            scf.if %cond3A_528 {
              %broadcast_in_dim3A_614 = vector.broadcast %squeeze3A_514 : i32 to vector<16xi32>
              %broadcast_in_dim3A_615 = vector.broadcast %while3A_521 : i32 to vector<16xi32>
              %iota3A = tpu.iota {dimensions = array<i32: 0>} : vector<16xi32>
              %eq3A_616 = arith.constant 0 : i32
              %eq3A_617 = vector.broadcast %eq3A_616 : i32 to vector<16xi32>
              %eq3A_618 = arith.cmpi eq, %iota3A, %eq3A_617 : vector<16xi32>
              tpu.vector_store_idx %arg9[%broadcast_in_dim3A_614], %broadcast_in_dim3A_615 masked %eq3A_618 : memref<4096xi32, #tpu.memory_space<vmem>>[vector<16xi32>], vector<16xi32>, vector<16xi1>
            } else {
            }
            %convert_element_type3A_529 = arith.extui %and3A_525 : i1 to i32
            %cond3A_530 = arith.constant 0 : i32
            %cond3A_531 = arith.cmpi ne, %convert_element_type3A_529, %cond3A_530 : i32
            scf.if %cond3A_531 {
              %broadcast_in_dim3A_614 = vector.broadcast %max3A_522 : i32 to vector<16xi32>
              %broadcast_in_dim3A_615 = vector.broadcast %min3A_523 : i32 to vector<16xi32>
              %iota3A = tpu.iota {dimensions = array<i32: 0>} : vector<16xi32>
              %eq3A_616 = arith.constant 0 : i32
              %eq3A_617 = vector.broadcast %eq3A_616 : i32 to vector<16xi32>
              %eq3A_618 = arith.cmpi eq, %iota3A, %eq3A_617 : vector<16xi32>
              tpu.vector_store_idx %arg9[%broadcast_in_dim3A_614], %broadcast_in_dim3A_615 masked %eq3A_618 : memref<4096xi32, #tpu.memory_space<vmem>>[vector<16xi32>], vector<16xi32>, vector<16xi1>
              %ne3A_619 = arith.cmpi ne, %max3A_522, %squeeze3A_512 : i32
              %convert_element_type3A_620 = arith.extui %ne3A_619 : i1 to i32
              %cond3A_621 = arith.constant 0 : i32
              %cond3A_622 = arith.cmpi ne, %convert_element_type3A_620, %cond3A_621 : i32
              scf.if %cond3A_622 {
                %broadcast_in_dim3A_623 = vector.broadcast %max3A_522 : i32 to vector<16xi32>
                %gather3A_624 = tpu.vector_load_idx %arg8[%broadcast_in_dim3A_623] : memref<4096xf32, #tpu.memory_space<vmem>>[vector<16xi32>], vector<16xf32>,
                %slice3A_625 = vector.extract_strided_slice %gather3A_624 {offsets = [0], sizes = [1], strides = [1]} : vector<16xf32> to vector<1xf32>
                %squeeze3A_626 = vector.extract %slice3A_625[0] : f32 from vector<1xf32>
                %broadcast_in_dim3A_627 = vector.broadcast %squeeze3A_512 : i32 to vector<16xi32>
                %gather3A_628 = tpu.vector_load_idx %arg8[%broadcast_in_dim3A_627] : memref<4096xf32, #tpu.memory_space<vmem>>[vector<16xi32>], vector<16xf32>,
                %slice3A_629 = vector.extract_strided_slice %gather3A_628 {offsets = [0], sizes = [1], strides = [1]} : vector<16xf32> to vector<1xf32>
                %squeeze3A_630 = vector.extract %slice3A_629[0] : f32 from vector<1xf32>
                %sub3A_631 = arith.subf %squeeze3A_626, %squeeze3A_630 : f32
                %broadcast_in_dim3A_632 = vector.broadcast %max3A_522 : i32 to vector<16xi32>
                %broadcast_in_dim3A_633 = vector.broadcast %sub3A_631 : f32 to vector<16xf32>
                %iota3A_634 = tpu.iota {dimensions = array<i32: 0>} : vector<16xi32>
                %eq3A_635 = arith.constant 0 : i32
                %eq3A_636 = vector.broadcast %eq3A_635 : i32 to vector<16xi32>
                %eq3A_637 = arith.cmpi eq, %iota3A_634, %eq3A_636 : vector<16xi32>
                tpu.vector_store_idx %arg10[%broadcast_in_dim3A_632], %broadcast_in_dim3A_633 masked %eq3A_637 : memref<4096xf32, #tpu.memory_space<vmem>>[vector<16xi32>], vector<16xf32>, vector<16xi1>
              } else {
              }
            } else {
            }
            %select_n3A_532 = arith.select %and3A_525, %min3A_523, %select_n3A_517 : i32
            %mul3A_533 = arith.constant 16 : i32
            %mul3A_534 = arith.muli %while3A_170, %mul3A_533 : i32
            %add3A_535 = arith.constant 13 : i32
            %add3A_536 = arith.addi %mul3A_534, %add3A_535 : i32
            %lt3A_537 = arith.cmpi slt, %add3A_536, %sub3A : i32
            %slice3A_538 = vector.extract_strided_slice %shift_right_logical3A_180 {offsets = [13], sizes = [1], strides = [1]} : vector<16xi32> to vector<1xi32>
            %squeeze3A_539 = vector.extract %slice3A_538[0] : i32 from vector<1xi32>
            %slice3A_540 = vector.extract_strided_slice %and3A_178 {offsets = [13], sizes = [1], strides = [1]} : vector<16xi32> to vector<1xi32>
            %squeeze3A_541 = vector.extract %slice3A_540[0] : i32 from vector<1xi32>
            %ne3A_542 = arith.cmpi ne, %squeeze3A_539, %select_n3A_518 : i32
            %and3A_543 = arith.andi %lt3A_537, %ne3A_542 : i1
            %select_n3A_544 = arith.select %and3A_543, %squeeze3A_539, %select_n3A_532 : i32
            %select_n3A_545 = arith.select %lt3A_537, %squeeze3A_539, %select_n3A_518 : i32
            %slice3A_546 = vector.extract_strided_slice %while3A_182#0 {offsets = [13], sizes = [1], strides = [1]} : vector<16xi32> to vector<1xi32>
            %squeeze3A_547 = vector.extract %slice3A_546[0] : i32 from vector<1xi32>
            %while3A_548 = scf.while (%while3A_614 = %squeeze3A_547) : (i32) -> i32 {
              %broadcast_in_dim3A_615 = vector.broadcast %while3A_614 : i32 to vector<16xi32>
              %gather3A_616 = tpu.vector_load_idx %arg9[%broadcast_in_dim3A_615] : memref<4096xi32, #tpu.memory_space<vmem>>[vector<16xi32>], vector<16xi32>,
              %slice3A_617 = vector.extract_strided_slice %gather3A_616 {offsets = [0], sizes = [1], strides = [1]} : vector<16xi32> to vector<1xi32>
              %squeeze3A_618 = vector.extract %slice3A_617[0] : i32 from vector<1xi32>
              %ne3A_619 = arith.cmpi ne, %squeeze3A_618, %while3A_614 : i32
              scf.condition(%ne3A_619) %while3A_614 : i32
            } do {
            ^bb0(%while3A_614: i32):
              %broadcast_in_dim3A_615 = vector.broadcast %while3A_614 : i32 to vector<16xi32>
              %gather3A_616 = tpu.vector_load_idx %arg9[%broadcast_in_dim3A_615] : memref<4096xi32, #tpu.memory_space<vmem>>[vector<16xi32>], vector<16xi32>,
              %slice3A_617 = vector.extract_strided_slice %gather3A_616 {offsets = [0], sizes = [1], strides = [1]} : vector<16xi32> to vector<1xi32>
              %squeeze3A_618 = vector.extract %slice3A_617[0] : i32 from vector<1xi32>
              scf.yield %squeeze3A_618 : i32
            }
            %max3A_549 = arith.maxsi %select_n3A_544, %while3A_548 : i32
            %min3A_550 = arith.minsi %select_n3A_544, %while3A_548 : i32
            %ne3A_551 = arith.cmpi ne, %while3A_548, %select_n3A_544 : i32
            %and3A_552 = arith.andi %lt3A_537, %ne3A_551 : i1
            %convert_element_type3A_553 = arith.extui %lt3A_537 : i1 to i32
            %cond3A_554 = arith.constant 0 : i32
            %cond3A_555 = arith.cmpi ne, %convert_element_type3A_553, %cond3A_554 : i32
            scf.if %cond3A_555 {
              %broadcast_in_dim3A_614 = vector.broadcast %squeeze3A_541 : i32 to vector<16xi32>
              %broadcast_in_dim3A_615 = vector.broadcast %while3A_548 : i32 to vector<16xi32>
              %iota3A = tpu.iota {dimensions = array<i32: 0>} : vector<16xi32>
              %eq3A_616 = arith.constant 0 : i32
              %eq3A_617 = vector.broadcast %eq3A_616 : i32 to vector<16xi32>
              %eq3A_618 = arith.cmpi eq, %iota3A, %eq3A_617 : vector<16xi32>
              tpu.vector_store_idx %arg9[%broadcast_in_dim3A_614], %broadcast_in_dim3A_615 masked %eq3A_618 : memref<4096xi32, #tpu.memory_space<vmem>>[vector<16xi32>], vector<16xi32>, vector<16xi1>
            } else {
            }
            %convert_element_type3A_556 = arith.extui %and3A_552 : i1 to i32
            %cond3A_557 = arith.constant 0 : i32
            %cond3A_558 = arith.cmpi ne, %convert_element_type3A_556, %cond3A_557 : i32
            scf.if %cond3A_558 {
              %broadcast_in_dim3A_614 = vector.broadcast %max3A_549 : i32 to vector<16xi32>
              %broadcast_in_dim3A_615 = vector.broadcast %min3A_550 : i32 to vector<16xi32>
              %iota3A = tpu.iota {dimensions = array<i32: 0>} : vector<16xi32>
              %eq3A_616 = arith.constant 0 : i32
              %eq3A_617 = vector.broadcast %eq3A_616 : i32 to vector<16xi32>
              %eq3A_618 = arith.cmpi eq, %iota3A, %eq3A_617 : vector<16xi32>
              tpu.vector_store_idx %arg9[%broadcast_in_dim3A_614], %broadcast_in_dim3A_615 masked %eq3A_618 : memref<4096xi32, #tpu.memory_space<vmem>>[vector<16xi32>], vector<16xi32>, vector<16xi1>
              %ne3A_619 = arith.cmpi ne, %max3A_549, %squeeze3A_539 : i32
              %convert_element_type3A_620 = arith.extui %ne3A_619 : i1 to i32
              %cond3A_621 = arith.constant 0 : i32
              %cond3A_622 = arith.cmpi ne, %convert_element_type3A_620, %cond3A_621 : i32
              scf.if %cond3A_622 {
                %broadcast_in_dim3A_623 = vector.broadcast %max3A_549 : i32 to vector<16xi32>
                %gather3A_624 = tpu.vector_load_idx %arg8[%broadcast_in_dim3A_623] : memref<4096xf32, #tpu.memory_space<vmem>>[vector<16xi32>], vector<16xf32>,
                %slice3A_625 = vector.extract_strided_slice %gather3A_624 {offsets = [0], sizes = [1], strides = [1]} : vector<16xf32> to vector<1xf32>
                %squeeze3A_626 = vector.extract %slice3A_625[0] : f32 from vector<1xf32>
                %broadcast_in_dim3A_627 = vector.broadcast %squeeze3A_539 : i32 to vector<16xi32>
                %gather3A_628 = tpu.vector_load_idx %arg8[%broadcast_in_dim3A_627] : memref<4096xf32, #tpu.memory_space<vmem>>[vector<16xi32>], vector<16xf32>,
                %slice3A_629 = vector.extract_strided_slice %gather3A_628 {offsets = [0], sizes = [1], strides = [1]} : vector<16xf32> to vector<1xf32>
                %squeeze3A_630 = vector.extract %slice3A_629[0] : f32 from vector<1xf32>
                %sub3A_631 = arith.subf %squeeze3A_626, %squeeze3A_630 : f32
                %broadcast_in_dim3A_632 = vector.broadcast %max3A_549 : i32 to vector<16xi32>
                %broadcast_in_dim3A_633 = vector.broadcast %sub3A_631 : f32 to vector<16xf32>
                %iota3A_634 = tpu.iota {dimensions = array<i32: 0>} : vector<16xi32>
                %eq3A_635 = arith.constant 0 : i32
                %eq3A_636 = vector.broadcast %eq3A_635 : i32 to vector<16xi32>
                %eq3A_637 = arith.cmpi eq, %iota3A_634, %eq3A_636 : vector<16xi32>
                tpu.vector_store_idx %arg10[%broadcast_in_dim3A_632], %broadcast_in_dim3A_633 masked %eq3A_637 : memref<4096xf32, #tpu.memory_space<vmem>>[vector<16xi32>], vector<16xf32>, vector<16xi1>
              } else {
              }
            } else {
            }
            %select_n3A_559 = arith.select %and3A_552, %min3A_550, %select_n3A_544 : i32
            %mul3A_560 = arith.constant 16 : i32
            %mul3A_561 = arith.muli %while3A_170, %mul3A_560 : i32
            %add3A_562 = arith.constant 14 : i32
            %add3A_563 = arith.addi %mul3A_561, %add3A_562 : i32
            %lt3A_564 = arith.cmpi slt, %add3A_563, %sub3A : i32
            %slice3A_565 = vector.extract_strided_slice %shift_right_logical3A_180 {offsets = [14], sizes = [1], strides = [1]} : vector<16xi32> to vector<1xi32>
            %squeeze3A_566 = vector.extract %slice3A_565[0] : i32 from vector<1xi32>
            %slice3A_567 = vector.extract_strided_slice %and3A_178 {offsets = [14], sizes = [1], strides = [1]} : vector<16xi32> to vector<1xi32>
            %squeeze3A_568 = vector.extract %slice3A_567[0] : i32 from vector<1xi32>
            %ne3A_569 = arith.cmpi ne, %squeeze3A_566, %select_n3A_545 : i32
            %and3A_570 = arith.andi %lt3A_564, %ne3A_569 : i1
            %select_n3A_571 = arith.select %and3A_570, %squeeze3A_566, %select_n3A_559 : i32
            %select_n3A_572 = arith.select %lt3A_564, %squeeze3A_566, %select_n3A_545 : i32
            %slice3A_573 = vector.extract_strided_slice %while3A_182#0 {offsets = [14], sizes = [1], strides = [1]} : vector<16xi32> to vector<1xi32>
            %squeeze3A_574 = vector.extract %slice3A_573[0] : i32 from vector<1xi32>
            %while3A_575 = scf.while (%while3A_614 = %squeeze3A_574) : (i32) -> i32 {
              %broadcast_in_dim3A_615 = vector.broadcast %while3A_614 : i32 to vector<16xi32>
              %gather3A_616 = tpu.vector_load_idx %arg9[%broadcast_in_dim3A_615] : memref<4096xi32, #tpu.memory_space<vmem>>[vector<16xi32>], vector<16xi32>,
              %slice3A_617 = vector.extract_strided_slice %gather3A_616 {offsets = [0], sizes = [1], strides = [1]} : vector<16xi32> to vector<1xi32>
              %squeeze3A_618 = vector.extract %slice3A_617[0] : i32 from vector<1xi32>
              %ne3A_619 = arith.cmpi ne, %squeeze3A_618, %while3A_614 : i32
              scf.condition(%ne3A_619) %while3A_614 : i32
            } do {
            ^bb0(%while3A_614: i32):
              %broadcast_in_dim3A_615 = vector.broadcast %while3A_614 : i32 to vector<16xi32>
              %gather3A_616 = tpu.vector_load_idx %arg9[%broadcast_in_dim3A_615] : memref<4096xi32, #tpu.memory_space<vmem>>[vector<16xi32>], vector<16xi32>,
              %slice3A_617 = vector.extract_strided_slice %gather3A_616 {offsets = [0], sizes = [1], strides = [1]} : vector<16xi32> to vector<1xi32>
              %squeeze3A_618 = vector.extract %slice3A_617[0] : i32 from vector<1xi32>
              scf.yield %squeeze3A_618 : i32
            }
            %max3A_576 = arith.maxsi %select_n3A_571, %while3A_575 : i32
            %min3A_577 = arith.minsi %select_n3A_571, %while3A_575 : i32
            %ne3A_578 = arith.cmpi ne, %while3A_575, %select_n3A_571 : i32
            %and3A_579 = arith.andi %lt3A_564, %ne3A_578 : i1
            %convert_element_type3A_580 = arith.extui %lt3A_564 : i1 to i32
            %cond3A_581 = arith.constant 0 : i32
            %cond3A_582 = arith.cmpi ne, %convert_element_type3A_580, %cond3A_581 : i32
            scf.if %cond3A_582 {
              %broadcast_in_dim3A_614 = vector.broadcast %squeeze3A_568 : i32 to vector<16xi32>
              %broadcast_in_dim3A_615 = vector.broadcast %while3A_575 : i32 to vector<16xi32>
              %iota3A = tpu.iota {dimensions = array<i32: 0>} : vector<16xi32>
              %eq3A_616 = arith.constant 0 : i32
              %eq3A_617 = vector.broadcast %eq3A_616 : i32 to vector<16xi32>
              %eq3A_618 = arith.cmpi eq, %iota3A, %eq3A_617 : vector<16xi32>
              tpu.vector_store_idx %arg9[%broadcast_in_dim3A_614], %broadcast_in_dim3A_615 masked %eq3A_618 : memref<4096xi32, #tpu.memory_space<vmem>>[vector<16xi32>], vector<16xi32>, vector<16xi1>
            } else {
            }
            %convert_element_type3A_583 = arith.extui %and3A_579 : i1 to i32
            %cond3A_584 = arith.constant 0 : i32
            %cond3A_585 = arith.cmpi ne, %convert_element_type3A_583, %cond3A_584 : i32
            scf.if %cond3A_585 {
              %broadcast_in_dim3A_614 = vector.broadcast %max3A_576 : i32 to vector<16xi32>
              %broadcast_in_dim3A_615 = vector.broadcast %min3A_577 : i32 to vector<16xi32>
              %iota3A = tpu.iota {dimensions = array<i32: 0>} : vector<16xi32>
              %eq3A_616 = arith.constant 0 : i32
              %eq3A_617 = vector.broadcast %eq3A_616 : i32 to vector<16xi32>
              %eq3A_618 = arith.cmpi eq, %iota3A, %eq3A_617 : vector<16xi32>
              tpu.vector_store_idx %arg9[%broadcast_in_dim3A_614], %broadcast_in_dim3A_615 masked %eq3A_618 : memref<4096xi32, #tpu.memory_space<vmem>>[vector<16xi32>], vector<16xi32>, vector<16xi1>
              %ne3A_619 = arith.cmpi ne, %max3A_576, %squeeze3A_566 : i32
              %convert_element_type3A_620 = arith.extui %ne3A_619 : i1 to i32
              %cond3A_621 = arith.constant 0 : i32
              %cond3A_622 = arith.cmpi ne, %convert_element_type3A_620, %cond3A_621 : i32
              scf.if %cond3A_622 {
                %broadcast_in_dim3A_623 = vector.broadcast %max3A_576 : i32 to vector<16xi32>
                %gather3A_624 = tpu.vector_load_idx %arg8[%broadcast_in_dim3A_623] : memref<4096xf32, #tpu.memory_space<vmem>>[vector<16xi32>], vector<16xf32>,
                %slice3A_625 = vector.extract_strided_slice %gather3A_624 {offsets = [0], sizes = [1], strides = [1]} : vector<16xf32> to vector<1xf32>
                %squeeze3A_626 = vector.extract %slice3A_625[0] : f32 from vector<1xf32>
                %broadcast_in_dim3A_627 = vector.broadcast %squeeze3A_566 : i32 to vector<16xi32>
                %gather3A_628 = tpu.vector_load_idx %arg8[%broadcast_in_dim3A_627] : memref<4096xf32, #tpu.memory_space<vmem>>[vector<16xi32>], vector<16xf32>,
                %slice3A_629 = vector.extract_strided_slice %gather3A_628 {offsets = [0], sizes = [1], strides = [1]} : vector<16xf32> to vector<1xf32>
                %squeeze3A_630 = vector.extract %slice3A_629[0] : f32 from vector<1xf32>
                %sub3A_631 = arith.subf %squeeze3A_626, %squeeze3A_630 : f32
                %broadcast_in_dim3A_632 = vector.broadcast %max3A_576 : i32 to vector<16xi32>
                %broadcast_in_dim3A_633 = vector.broadcast %sub3A_631 : f32 to vector<16xf32>
                %iota3A_634 = tpu.iota {dimensions = array<i32: 0>} : vector<16xi32>
                %eq3A_635 = arith.constant 0 : i32
                %eq3A_636 = vector.broadcast %eq3A_635 : i32 to vector<16xi32>
                %eq3A_637 = arith.cmpi eq, %iota3A_634, %eq3A_636 : vector<16xi32>
                tpu.vector_store_idx %arg10[%broadcast_in_dim3A_632], %broadcast_in_dim3A_633 masked %eq3A_637 : memref<4096xf32, #tpu.memory_space<vmem>>[vector<16xi32>], vector<16xf32>, vector<16xi1>
              } else {
              }
            } else {
            }
            %select_n3A_586 = arith.select %and3A_579, %min3A_577, %select_n3A_571 : i32
            %mul3A_587 = arith.constant 16 : i32
            %mul3A_588 = arith.muli %while3A_170, %mul3A_587 : i32
            %add3A_589 = arith.constant 15 : i32
            %add3A_590 = arith.addi %mul3A_588, %add3A_589 : i32
            %lt3A_591 = arith.cmpi slt, %add3A_590, %sub3A : i32
            %slice3A_592 = vector.extract_strided_slice %shift_right_logical3A_180 {offsets = [15], sizes = [1], strides = [1]} : vector<16xi32> to vector<1xi32>
            %squeeze3A_593 = vector.extract %slice3A_592[0] : i32 from vector<1xi32>
            %slice3A_594 = vector.extract_strided_slice %and3A_178 {offsets = [15], sizes = [1], strides = [1]} : vector<16xi32> to vector<1xi32>
            %squeeze3A_595 = vector.extract %slice3A_594[0] : i32 from vector<1xi32>
            %ne3A_596 = arith.cmpi ne, %squeeze3A_593, %select_n3A_572 : i32
            %and3A_597 = arith.andi %lt3A_591, %ne3A_596 : i1
            %select_n3A_598 = arith.select %and3A_597, %squeeze3A_593, %select_n3A_586 : i32
            %select_n3A_599 = arith.select %lt3A_591, %squeeze3A_593, %select_n3A_572 : i32
            %slice3A_600 = vector.extract_strided_slice %while3A_182#0 {offsets = [15], sizes = [1], strides = [1]} : vector<16xi32> to vector<1xi32>
            %squeeze3A_601 = vector.extract %slice3A_600[0] : i32 from vector<1xi32>
            %while3A_602 = scf.while (%while3A_614 = %squeeze3A_601) : (i32) -> i32 {
              %broadcast_in_dim3A_615 = vector.broadcast %while3A_614 : i32 to vector<16xi32>
              %gather3A_616 = tpu.vector_load_idx %arg9[%broadcast_in_dim3A_615] : memref<4096xi32, #tpu.memory_space<vmem>>[vector<16xi32>], vector<16xi32>,
              %slice3A_617 = vector.extract_strided_slice %gather3A_616 {offsets = [0], sizes = [1], strides = [1]} : vector<16xi32> to vector<1xi32>
              %squeeze3A_618 = vector.extract %slice3A_617[0] : i32 from vector<1xi32>
              %ne3A_619 = arith.cmpi ne, %squeeze3A_618, %while3A_614 : i32
              scf.condition(%ne3A_619) %while3A_614 : i32
            } do {
            ^bb0(%while3A_614: i32):
              %broadcast_in_dim3A_615 = vector.broadcast %while3A_614 : i32 to vector<16xi32>
              %gather3A_616 = tpu.vector_load_idx %arg9[%broadcast_in_dim3A_615] : memref<4096xi32, #tpu.memory_space<vmem>>[vector<16xi32>], vector<16xi32>,
              %slice3A_617 = vector.extract_strided_slice %gather3A_616 {offsets = [0], sizes = [1], strides = [1]} : vector<16xi32> to vector<1xi32>
              %squeeze3A_618 = vector.extract %slice3A_617[0] : i32 from vector<1xi32>
              scf.yield %squeeze3A_618 : i32
            }
            %max3A_603 = arith.maxsi %select_n3A_598, %while3A_602 : i32
            %min3A_604 = arith.minsi %select_n3A_598, %while3A_602 : i32
            %ne3A_605 = arith.cmpi ne, %while3A_602, %select_n3A_598 : i32
            %and3A_606 = arith.andi %lt3A_591, %ne3A_605 : i1
            %convert_element_type3A_607 = arith.extui %lt3A_591 : i1 to i32
            %cond3A_608 = arith.constant 0 : i32
            %cond3A_609 = arith.cmpi ne, %convert_element_type3A_607, %cond3A_608 : i32
            scf.if %cond3A_609 {
              %broadcast_in_dim3A_614 = vector.broadcast %squeeze3A_595 : i32 to vector<16xi32>
              %broadcast_in_dim3A_615 = vector.broadcast %while3A_602 : i32 to vector<16xi32>
              %iota3A = tpu.iota {dimensions = array<i32: 0>} : vector<16xi32>
              %eq3A_616 = arith.constant 0 : i32
              %eq3A_617 = vector.broadcast %eq3A_616 : i32 to vector<16xi32>
              %eq3A_618 = arith.cmpi eq, %iota3A, %eq3A_617 : vector<16xi32>
              tpu.vector_store_idx %arg9[%broadcast_in_dim3A_614], %broadcast_in_dim3A_615 masked %eq3A_618 : memref<4096xi32, #tpu.memory_space<vmem>>[vector<16xi32>], vector<16xi32>, vector<16xi1>
            } else {
            }
            %convert_element_type3A_610 = arith.extui %and3A_606 : i1 to i32
            %cond3A_611 = arith.constant 0 : i32
            %cond3A_612 = arith.cmpi ne, %convert_element_type3A_610, %cond3A_611 : i32
            scf.if %cond3A_612 {
              %broadcast_in_dim3A_614 = vector.broadcast %max3A_603 : i32 to vector<16xi32>
              %broadcast_in_dim3A_615 = vector.broadcast %min3A_604 : i32 to vector<16xi32>
              %iota3A = tpu.iota {dimensions = array<i32: 0>} : vector<16xi32>
              %eq3A_616 = arith.constant 0 : i32
              %eq3A_617 = vector.broadcast %eq3A_616 : i32 to vector<16xi32>
              %eq3A_618 = arith.cmpi eq, %iota3A, %eq3A_617 : vector<16xi32>
              tpu.vector_store_idx %arg9[%broadcast_in_dim3A_614], %broadcast_in_dim3A_615 masked %eq3A_618 : memref<4096xi32, #tpu.memory_space<vmem>>[vector<16xi32>], vector<16xi32>, vector<16xi1>
              %ne3A_619 = arith.cmpi ne, %max3A_603, %squeeze3A_593 : i32
              %convert_element_type3A_620 = arith.extui %ne3A_619 : i1 to i32
              %cond3A_621 = arith.constant 0 : i32
              %cond3A_622 = arith.cmpi ne, %convert_element_type3A_620, %cond3A_621 : i32
              scf.if %cond3A_622 {
                %broadcast_in_dim3A_623 = vector.broadcast %max3A_603 : i32 to vector<16xi32>
                %gather3A_624 = tpu.vector_load_idx %arg8[%broadcast_in_dim3A_623] : memref<4096xf32, #tpu.memory_space<vmem>>[vector<16xi32>], vector<16xf32>,
                %slice3A_625 = vector.extract_strided_slice %gather3A_624 {offsets = [0], sizes = [1], strides = [1]} : vector<16xf32> to vector<1xf32>
                %squeeze3A_626 = vector.extract %slice3A_625[0] : f32 from vector<1xf32>
                %broadcast_in_dim3A_627 = vector.broadcast %squeeze3A_593 : i32 to vector<16xi32>
                %gather3A_628 = tpu.vector_load_idx %arg8[%broadcast_in_dim3A_627] : memref<4096xf32, #tpu.memory_space<vmem>>[vector<16xi32>], vector<16xf32>,
                %slice3A_629 = vector.extract_strided_slice %gather3A_628 {offsets = [0], sizes = [1], strides = [1]} : vector<16xf32> to vector<1xf32>
                %squeeze3A_630 = vector.extract %slice3A_629[0] : f32 from vector<1xf32>
                %sub3A_631 = arith.subf %squeeze3A_626, %squeeze3A_630 : f32
                %broadcast_in_dim3A_632 = vector.broadcast %max3A_603 : i32 to vector<16xi32>
                %broadcast_in_dim3A_633 = vector.broadcast %sub3A_631 : f32 to vector<16xf32>
                %iota3A_634 = tpu.iota {dimensions = array<i32: 0>} : vector<16xi32>
                %eq3A_635 = arith.constant 0 : i32
                %eq3A_636 = vector.broadcast %eq3A_635 : i32 to vector<16xi32>
                %eq3A_637 = arith.cmpi eq, %iota3A_634, %eq3A_636 : vector<16xi32>
                tpu.vector_store_idx %arg10[%broadcast_in_dim3A_632], %broadcast_in_dim3A_633 masked %eq3A_637 : memref<4096xf32, #tpu.memory_space<vmem>>[vector<16xi32>], vector<16xf32>, vector<16xi1>
              } else {
              }
            } else {
            }
            %select_n3A_613 = arith.select %and3A_606, %min3A_604, %select_n3A_598 : i32
            scf.yield %select_n3A_599, %select_n3A_613 : i32, i32
          }
          scf.yield %while3A_169#0, %while3A_169#1 : i32, i32
        }
        %scan3A_79 = arith.constant 16 : i32
        %broadcast_in_dim3A_80 = arith.constant 4095 : i32
        %broadcast_in_dim3A_81 = vector.broadcast %broadcast_in_dim3A_80 : i32 to vector<16xi32>
        %gather3A_82 = tpu.vector_load_idx %arg8[%broadcast_in_dim3A_81] : memref<4096xf32, #tpu.memory_space<vmem>>[vector<16xi32>], vector<16xf32>,
        %slice3A_83 = vector.extract_strided_slice %gather3A_82 {offsets = [0], sizes = [1], strides = [1]} : vector<16xf32> to vector<1xf32>
        %squeeze3A_84 = vector.extract %slice3A_83[0] : f32 from vector<1xf32>
        %scan3A_85 = arith.constant 0.000000e+00 : f32
        %scan3A_86 = arith.constant 0 : i32
        %scan3A_87 = arith.constant 0 : i32
        %scan3A_88 = arith.constant 256 : i32
        %scan3A_89 = arith.addi %scan3A_87, %scan3A_88 : i32
        %scan3A_90 = arith.constant 1 : i32
        %scan3A_91:2 = scf.for %scan3A_104 = %scan3A_87 to %scan3A_89 step %scan3A_90 iter_args(%scan3A_105 = %scan3A_85, %scan3A_106 = %scan3A_86) -> (f32, i32)  : i32 {
          %mul3A_107 = arith.constant 16 : i32
          %mul3A_108 = arith.muli %scan3A_104, %mul3A_107 : i32
          %iota3A = tpu.iota {dimensions = array<i32: 0>} : vector<16xi32>
          %add3A_109 = vector.broadcast %mul3A_108 : i32 to vector<16xi32>
          %add3A_110 = arith.addi %iota3A, %add3A_109 : vector<16xi32>
          %get3A = arith.index_cast %mul3A_108 : i32 to index
          %get3A_111 = tpu.vector_load %arg9[%get3A] {strides = array<i32>} : memref<4096xi32, #tpu.memory_space<vmem>>, vector<16xi32>,
          %get3A_112 = arith.index_cast %mul3A_108 : i32 to index
          %get3A_113 = tpu.vector_load %arg10[%get3A_112] {strides = array<i32>} : memref<4096xf32, #tpu.memory_space<vmem>>, vector<16xf32>,
          %get3A_114 = arith.index_cast %mul3A_108 : i32 to index
          %get3A_115 = tpu.vector_load %arg8[%get3A_114] {strides = array<i32>} : memref<4096xf32, #tpu.memory_space<vmem>>, vector<16xf32>,
          %eq3A_116 = arith.cmpi eq, %get3A_111, %add3A_110 : vector<16xi32>
          %ge3A = arith.constant 0.000000e+00 : f32
          %ge3A_117 = vector.broadcast %ge3A : f32 to vector<16xf32>
          %ge3A_118 = arith.cmpf oge, %get3A_113, %ge3A_117 : vector<16xf32>
          %or3A = arith.ori %eq3A_116, %ge3A_118 : vector<16xi1>
          %sub3A = vector.broadcast %squeeze3A_84 : f32 to vector<16xf32>
          %sub3A_119 = arith.subf %get3A_115, %sub3A : vector<16xf32>
          %select_n3A_120 = arith.select %eq3A_116, %sub3A_119, %get3A_113 : vector<16xi1>, vector<16xf32>
          %jit3A_121 = arith.constant -1.000000e+00 : f32
          %broadcast_in_dim3A_122 = vector.broadcast %jit3A_121 : f32 to vector<16xf32>
          %select_n3A_123 = arith.select %or3A, %select_n3A_120, %broadcast_in_dim3A_122 : vector<16xi1>, vector<16xf32>
          %swap3A_124 = arith.index_cast %mul3A_108 : i32 to index
          %swap3A_125 = tpu.vector_load %arg10[%swap3A_124] {strides = array<i32>} : memref<4096xf32, #tpu.memory_space<vmem>>, vector<16xf32>,
          tpu.vector_store %arg10[%swap3A_124], %select_n3A_123 {strides = array<i32>} : memref<4096xf32, #tpu.memory_space<vmem>>, vector<16xf32>,
          %mul3A_126 = arith.mulf %select_n3A_123, %select_n3A_123 : vector<16xf32>
          %jit3A_127 = arith.constant 0.000000e+00 : f32
          %broadcast_in_dim3A_128 = vector.broadcast %jit3A_127 : f32 to vector<16xf32>
          %select_n3A_129 = arith.select %or3A, %mul3A_126, %broadcast_in_dim3A_128 : vector<16xi1>, vector<16xf32>
          %reduce_sum3A = arith.constant true
          %reduce_sum3A_130 = vector.broadcast %reduce_sum3A : i1 to vector<16xi1>
          %reduce_sum3A_131 = tpu.scan <sum>, %select_n3A_129 masked %reduce_sum3A_130 : vector<16xf32>, vector<16xi1> -> vector<16xf32>
          %reduce_sum3A_132 = vector.extract %reduce_sum3A_131[15] : f32 from vector<16xf32>
          %add3A_133 = arith.addf %scan3A_105, %reduce_sum3A_132 : f32
          %jit3A_134 = arith.constant 1 : i32
          %jit3A_135 = arith.constant 0 : i32
          %broadcast_in_dim3A_136 = vector.broadcast %jit3A_134 : i32 to vector<16xi32>
          %broadcast_in_dim3A_137 = vector.broadcast %jit3A_135 : i32 to vector<16xi32>
          %select_n3A_138 = arith.select %or3A, %broadcast_in_dim3A_136, %broadcast_in_dim3A_137 : vector<16xi1>, vector<16xi32>
          %reduce_sum3A_139 = arith.constant true
          %reduce_sum3A_140 = vector.broadcast %reduce_sum3A_139 : i1 to vector<16xi1>
          %reduce_sum3A_141 = tpu.scan <sum>, %select_n3A_138 masked %reduce_sum3A_140 : vector<16xi32>, vector<16xi1> -> vector<16xi32>
          %reduce_sum3A_142 = vector.extract %reduce_sum3A_141[15] : i32 from vector<16xi32>
          %add3A_143 = arith.addi %scan3A_106, %reduce_sum3A_142 : i32
          scf.yield %add3A_133, %add3A_143 : f32, i32
        }
        %scan3A_92 = arith.constant 256 : i32
        %scan3A_93 = arith.constant 0 : i32
        %scan3A_94 = arith.constant 10 : i32
        %scan3A_95 = arith.addi %scan3A_93, %scan3A_94 : i32
        %scan3A_96 = arith.constant 1 : i32
        %scan3A_97 = scf.for %scan3A_104 = %scan3A_93 to %scan3A_95 step %scan3A_96 iter_args(%scan3A_105 = %scan3A_91#0) -> (f32)  : i32 {
          %scan3A_106 = arith.constant -3.000000e+00 : f32
          %scan3A_107 = arith.constant 0 : i32
          %scan3A_108 = arith.constant 256 : i32
          %scan3A_109 = arith.addi %scan3A_107, %scan3A_108 : i32
          %scan3A_110 = arith.constant 1 : i32
          %scan3A_111 = scf.for %scan3A_136 = %scan3A_107 to %scan3A_109 step %scan3A_110 iter_args(%scan3A_137 = %scan3A_106) -> (f32)  : i32 {
            %mul3A_138 = arith.constant 16 : i32
            %mul3A_139 = arith.muli %scan3A_136, %mul3A_138 : i32
            %get3A = arith.index_cast %mul3A_139 : i32 to index
            %get3A_140 = tpu.vector_load %arg10[%get3A] {strides = array<i32>} : memref<4096xf32, #tpu.memory_space<vmem>>, vector<16xf32>,
            %reduce_max3A = arith.constant true
            %reduce_max3A_141 = vector.broadcast %reduce_max3A : i1 to vector<16xi1>
            %reduce_max3A_142 = tpu.scan <max>, %get3A_140 masked %reduce_max3A_141 : vector<16xf32>, vector<16xi1> -> vector<16xf32>
            %reduce_max3A_143 = vector.extract %reduce_max3A_142[15] : f32 from vector<16xf32>
            %max3A = arith.maximumf %scan3A_137, %reduce_max3A_143 : f32
            scf.yield %max3A : f32
          }
          %scan3A_112 = arith.constant 256 : i32
          %scan3A_113 = arith.constant false
          %scan3A_114 = arith.constant 0 : i32
          %scan3A_115 = arith.constant 0 : i32
          %scan3A_116 = arith.constant 256 : i32
          %scan3A_117 = arith.addi %scan3A_115, %scan3A_116 : i32
          %scan3A_118 = arith.constant 1 : i32
          %scan3A_119:2 = scf.for %scan3A_136 = %scan3A_115 to %scan3A_117 step %scan3A_118 iter_args(%scan3A_137 = %scan3A_113, %scan3A_138 = %scan3A_114) -> (i1, i32)  : i32 {
            %mul3A_139 = arith.constant 16 : i32
            %mul3A_140 = arith.muli %scan3A_136, %mul3A_139 : i32
            %get3A = arith.index_cast %mul3A_140 : i32 to index
            %get3A_141 = tpu.vector_load %arg10[%get3A] {strides = array<i32>} : memref<4096xf32, #tpu.memory_space<vmem>>, vector<16xf32>,
            %not3A = arith.constant true
            %not3A_142 = arith.xori %scan3A_137, %not3A : i1
            %reduce_max3A = arith.constant true
            %reduce_max3A_143 = vector.broadcast %reduce_max3A : i1 to vector<16xi1>
            %reduce_max3A_144 = tpu.scan <max>, %get3A_141 masked %reduce_max3A_143 : vector<16xf32>, vector<16xi1> -> vector<16xf32>
            %reduce_max3A_145 = vector.extract %reduce_max3A_144[15] : f32 from vector<16xf32>
            %ge3A = arith.cmpf oge, %reduce_max3A_145, %scan3A_111 : f32
            %and3A = arith.andi %not3A_142, %ge3A : i1
            %eq3A_146 = vector.broadcast %scan3A_111 : f32 to vector<16xf32>
            %eq3A_147 = arith.cmpf oeq, %get3A_141, %eq3A_146 : vector<16xf32>
            %all_reduce_ffs3A = tpu.all_reduce %eq3A_147 {dim = 0 : i64, kind = #tpu.reduction_kind<find_first_set>} : vector<16xi1> -> vector<16xi32>
            %reduce_max3A_148 = arith.constant true
            %reduce_max3A_149 = vector.broadcast %reduce_max3A_148 : i1 to vector<16xi1>
            %reduce_max3A_150 = arith.constant -2147483648 : i32
            %reduce_max3A_151 = vector.broadcast %reduce_max3A_150 : i32 to vector<16xi32>
            %reduce_max3A_152 = arith.xori %all_reduce_ffs3A, %reduce_max3A_151 : vector<16xi32>
            %reduce_max3A_153 = tpu.scan <max>, %reduce_max3A_152 masked %reduce_max3A_149 : vector<16xi32>, vector<16xi1> -> vector<16xi32>
            %reduce_max3A_154 = arith.xori %reduce_max3A_153, %reduce_max3A_151 : vector<16xi32>
            %reduce_max3A_155 = vector.extract %reduce_max3A_154[15] : i32 from vector<16xi32>
            %or3A = arith.ori %scan3A_137, %and3A : i1
            %mul3A_156 = arith.constant 16 : i32
            %mul3A_157 = arith.muli %scan3A_136, %mul3A_156 : i32
            %add3A_158 = arith.addi %mul3A_157, %reduce_max3A_155 : i32
            %select_n3A_159 = arith.select %and3A, %add3A_158, %scan3A_138 : i32
            scf.yield %or3A, %select_n3A_159 : i1, i32
          }
          %scan3A_120 = arith.constant 256 : i32
          %broadcast_in_dim3A_121 = vector.broadcast %scan3A_119#1 : i32 to vector<16xi32>
          %broadcast_in_dim3A_122 = arith.constant -3.000000e+00 : f32
          %broadcast_in_dim3A_123 = vector.broadcast %broadcast_in_dim3A_122 : f32 to vector<16xf32>
          %iota3A = tpu.iota {dimensions = array<i32: 0>} : vector<16xi32>
          %eq3A_124 = arith.constant 0 : i32
          %eq3A_125 = vector.broadcast %eq3A_124 : i32 to vector<16xi32>
          %eq3A_126 = arith.cmpi eq, %iota3A, %eq3A_125 : vector<16xi32>
          tpu.vector_store_idx %arg10[%broadcast_in_dim3A_121], %broadcast_in_dim3A_123 masked %eq3A_126 : memref<4096xf32, #tpu.memory_space<vmem>>[vector<16xi32>], vector<16xf32>, vector<16xi1>
          %min3A_127 = arith.constant 10 : i32
          %min3A_128 = arith.minsi %scan3A_91#1, %min3A_127 : i32
          %lt3A_129 = arith.cmpi slt, %scan3A_104, %min3A_128 : i32
          %mul3A_130 = arith.constant 2.000000e+00 : f32
          %mul3A_131 = arith.mulf %mul3A_130, %scan3A_111 : f32
          %sub3A = arith.constant 1.000000e+00 : f32
          %sub3A_132 = arith.subf %sub3A, %mul3A_131 : f32
          %jit3A_133 = arith.constant 0.000000e+00 : f32
          %select_n3A_134 = arith.select %lt3A_129, %sub3A_132, %jit3A_133 : f32
          %add3A_135 = arith.addf %scan3A_105, %select_n3A_134 : f32
          scf.yield %add3A_135 : f32
        }
        %scan3A_98 = arith.constant 10 : i32
        %broadcast_in_dim3A_99 = arith.constant 0.000000e+00 : f32
        %broadcast_in_dim3A_100 = vector.broadcast %broadcast_in_dim3A_99 : f32 to vector<16xf32>
        %add3A_101 = vector.broadcast %scan3A_97 : f32 to vector<16xf32>
        %add3A_102 = arith.addf %broadcast_in_dim3A_100, %add3A_101 : vector<16xf32>
        %swap3A = arith.constant 0 : index
        %swap3A_103 = tpu.vector_load %arg16[%swap3A] {strides = array<i32>} : memref<16xf32, #tpu.memory_space<vmem>>, vector<16xf32>,
        tpu.vector_store %arg16[%swap3A], %add3A_102 {strides = array<i32>} : memref<16xf32, #tpu.memory_space<vmem>>, vector<16xf32>,
        "tpu.region"() ({
          %run_scoped3A = tpu.sem_alloc : memref<!tpu.dma_semaphore, #tpu.memory_space<semaphore_mem>>
          tpu.enqueue_dma source(%arg16 : memref<16xf32, #tpu.memory_space<vmem>>) target(%arg4 : memref<16xf32, #tpu.memory_space<hbm>>) target_semaphore(%run_scoped3A : memref<!tpu.dma_semaphore, #tpu.memory_space<semaphore_mem>>)
          tpu.wait_dma2 semaphore(%run_scoped3A : memref<!tpu.dma_semaphore, #tpu.memory_space<semaphore_mem>>) src(%arg16 : memref<16xf32, #tpu.memory_space<vmem>>) dst(%arg4 : memref<16xf32, #tpu.memory_space<hbm>>)
          tpu.yield
        }) : () -> ()
      } else {
      }
    } else {
    }
    return
  }
}

module attributes {stable_mosaic.version = 14 : i64} {
  func.func @_k2_body(%arg0: memref<4096xf32, #tpu.memory_space<vmem>>, %arg1: memref<4096xi32, #tpu.memory_space<vmem>>) attributes {dimension_semantics = [], scalar_prefetch = 0 : i64, scratch_operands = 0 : i64, tpu.core_type = #tpu.core_type<tc>} {
    %get3A = arith.constant 0 : index
    %get3A_0 = vector.load %arg0[%get3A] : memref<4096xf32, #tpu.memory_space<vmem>>, vector<4096xf32>
    %iota3A = tpu.iota {dimensions = array<i32: 1>} : vector<256x4096xi32>
    %iota3A_1 = tpu.iota {dimensions = array<i32: 0>} : vector<256x4096xi32>
    %scan3A = arith.constant 0 : i32
    %scan3A_2 = arith.constant 16 : i32
    %scan3A_3 = arith.addi %scan3A, %scan3A_2 : i32
    %scan3A_4 = arith.constant 1 : i32
    scf.for %scan3A_6 = %scan3A to %scan3A_3 step %scan3A_4  : i32 {
      %mul3A = arith.constant 256 : i32
      %mul3A_7 = arith.muli %scan3A_6, %mul3A : i32
      %get3A_8 = arith.index_cast %mul3A_7 : i32 to index
      %get3A_9 = vector.load %arg0[%get3A_8] : memref<4096xf32, #tpu.memory_space<vmem>>, vector<256xf32>
      %mul3A_10 = arith.constant 256 : i32
      %mul3A_11 = arith.muli %scan3A_6, %mul3A_10 : i32
      %add3A = vector.broadcast %mul3A_11 : i32 to vector<256x4096xi32>
      %add3A_12 = arith.addi %iota3A_1, %add3A : vector<256x4096xi32>
      %broadcast_in_dim3A = vector.shape_cast %get3A_0 : vector<4096xf32> to vector<1x4096xf32>
      %broadcast_in_dim3A_13 = vector.shape_cast %get3A_9 : vector<256xf32> to vector<256x1xf32>
      %gt3A = vector.broadcast %broadcast_in_dim3A : vector<1x4096xf32> to vector<256x4096xf32>
      %gt3A_14 = vector.broadcast %broadcast_in_dim3A_13 : vector<256x1xf32> to vector<256x4096xf32>
      %gt3A_15 = arith.cmpf ogt, %gt3A, %gt3A_14 : vector<256x4096xf32>
      %broadcast_in_dim3A_16 = vector.shape_cast %get3A_0 : vector<4096xf32> to vector<1x4096xf32>
      %broadcast_in_dim3A_17 = vector.shape_cast %get3A_9 : vector<256xf32> to vector<256x1xf32>
      %eq3A = vector.broadcast %broadcast_in_dim3A_16 : vector<1x4096xf32> to vector<256x4096xf32>
      %eq3A_18 = vector.broadcast %broadcast_in_dim3A_17 : vector<256x1xf32> to vector<256x4096xf32>
      %eq3A_19 = arith.cmpf oeq, %eq3A, %eq3A_18 : vector<256x4096xf32>
      %lt3A = arith.cmpi slt, %iota3A, %add3A_12 : vector<256x4096xi32>
      %and3A = arith.andi %eq3A_19, %lt3A : vector<256x4096xi1>
      %or3A = arith.ori %gt3A_15, %and3A : vector<256x4096xi1>
      %jit3A = arith.constant 1 : i32
      %jit3A_20 = arith.constant 0 : i32
      %broadcast_in_dim3A_21 = vector.broadcast %jit3A : i32 to vector<256x4096xi32>
      %broadcast_in_dim3A_22 = vector.broadcast %jit3A_20 : i32 to vector<256x4096xi32>
      %select_n3A = arith.select %or3A, %broadcast_in_dim3A_21, %broadcast_in_dim3A_22 : vector<256x4096xi1>, vector<256x4096xi32>
      %reduce_sum3A = arith.constant dense<0> : vector<256xi32>
      %reduce_sum3A_23 = vector.multi_reduction <add>, %select_n3A, %reduce_sum3A [1] : vector<256x4096xi32> to vector<256xi32>
      %mul3A_24 = arith.constant 256 : i32
      %mul3A_25 = arith.muli %scan3A_6, %mul3A_24 : i32
      %swap3A = arith.index_cast %mul3A_25 : i32 to index
      %swap3A_26 = vector.load %arg1[%swap3A] : memref<4096xi32, #tpu.memory_space<vmem>>, vector<256xi32>
      tpu.vector_store %arg1[%swap3A], %reduce_sum3A_23 {strides = array<i32>} : memref<4096xi32, #tpu.memory_space<vmem>>, vector<256xi32>,
    }
    %scan3A_5 = arith.constant 16 : i32
    return
  }
}

module attributes {stable_mosaic.version = 14 : i64} {
  func.func @_k1_body(%arg0: i32, %arg1: memref<256x128xf32, #tpu.memory_space<vmem>>, %arg2: memref<4096x128xf32, #tpu.memory_space<vmem>>, %arg3: memref<256xf32, #tpu.memory_space<vmem>>, %arg4: memref<256x32xi32, #tpu.memory_space<vmem>>) attributes {dimension_semantics = [#tpu.dimension_semantics<arbitrary>], iteration_bounds = array<i64: 16>, scalar_prefetch = 0 : i64, scratch_operands = 0 : i64, tpu.core_type = #tpu.core_type<tc>, window_params = [{transform_indices = @transform_0, window_bounds = array<i64: 256, 128>}, {pipeline_mode = #tpu.pipeline_mode<synchronous>, transform_indices = @transform_1, window_bounds = array<i64: 4096, 128>}, {transform_indices = @transform_2, window_bounds = array<i64: 256>}, {transform_indices = @transform_3, window_bounds = array<i64: 256, 32>}]} {
    %get3A = arith.constant 0 : index
    %get3A_0 = arith.constant 0 : index
    %get3A_1 = vector.load %arg1[%get3A, %get3A_0] : memref<256x128xf32, #tpu.memory_space<vmem>>, vector<256x128xf32>
    %get3A_2 = arith.constant 0 : index
    %get3A_3 = arith.constant 0 : index
    %get3A_4 = vector.load %arg2[%get3A_2, %get3A_3] : memref<4096x128xf32, #tpu.memory_space<vmem>>, vector<4096x128xf32>
    %mul3A = arith.mulf %get3A_1, %get3A_1 : vector<256x128xf32>
    %reduce_sum3A = arith.constant dense<0.000000e+00> : vector<256xf32>
    %reduce_sum3A_5 = vector.multi_reduction <add>, %mul3A, %reduce_sum3A [1] : vector<256x128xf32> to vector<256xf32>
    %mul3A_6 = arith.mulf %get3A_4, %get3A_4 : vector<4096x128xf32>
    %reduce_sum3A_7 = arith.constant dense<0.000000e+00> : vector<4096xf32>
    %reduce_sum3A_8 = vector.multi_reduction <add>, %mul3A_6, %reduce_sum3A_7 [1] : vector<4096x128xf32> to vector<4096xf32>
    %dot_general3A = arith.constant dense<0.000000e+00> : vector<256x4096xf32>
    %dot_general3A_9 = tpu.matmul %get3A_1, %get3A_4, %dot_general3A {dimension_numbers = #tpu.dot_dimension_numbers<[1], [1], [0], [0], [0, 0, 1, 0], [], []>, transpose_lhs_hint = false} : vector<256x128xf32>, vector<4096x128xf32>, vector<256x4096xf32> -> vector<256x4096xf32>
    %broadcast_in_dim3A = vector.shape_cast %reduce_sum3A_5 : vector<256xf32> to vector<256x1xf32>
    %broadcast_in_dim3A_10 = vector.shape_cast %reduce_sum3A_8 : vector<4096xf32> to vector<1x4096xf32>
    %add3A = vector.broadcast %broadcast_in_dim3A : vector<256x1xf32> to vector<256x4096xf32>
    %add3A_11 = vector.broadcast %broadcast_in_dim3A_10 : vector<1x4096xf32> to vector<256x4096xf32>
    %add3A_12 = arith.addf %add3A, %add3A_11 : vector<256x4096xf32>
    %mul3A_13 = arith.constant 2.000000e+00 : f32
    %mul3A_14 = vector.broadcast %mul3A_13 : f32 to vector<256x4096xf32>
    %mul3A_15 = arith.mulf %mul3A_14, %dot_general3A_9 : vector<256x4096xf32>
    %sub3A = arith.subf %add3A_12, %mul3A_15 : vector<256x4096xf32>
    %max3A = arith.constant 0.000000e+00 : f32
    %max3A_16 = vector.broadcast %max3A : f32 to vector<256x4096xf32>
    %max3A_17 = arith.maximumf %sub3A, %max3A_16 : vector<256x4096xf32>
    %iota3A = tpu.iota {dimensions = array<i32: 1>} : vector<256x4096xi32>
    %iota3A_18 = tpu.iota {dimensions = array<i32: 0>} : vector<256x4096xi32>
    %mul3A_19 = arith.constant 256 : i32
    %mul3A_20 = arith.muli %arg0, %mul3A_19 : i32
    %add3A_21 = vector.broadcast %mul3A_20 : i32 to vector<256x4096xi32>
    %add3A_22 = arith.addi %iota3A_18, %add3A_21 : vector<256x4096xi32>
    %neg3A = arith.constant 0.000000e+00 : f32
    %neg3A_23 = vector.broadcast %neg3A : f32 to vector<256x4096xf32>
    %neg3A_24 = arith.subf %neg3A_23, %max3A_17 : vector<256x4096xf32>
    %eq3A = arith.cmpi eq, %iota3A, %add3A_22 : vector<256x4096xi32>
    %jit3A = arith.constant 1.000000e+09 : f32
    %jit3A_25 = arith.constant 0.000000e+00 : f32
    %broadcast_in_dim3A_26 = vector.broadcast %jit3A : f32 to vector<256x4096xf32>
    %broadcast_in_dim3A_27 = vector.broadcast %jit3A_25 : f32 to vector<256x4096xf32>
    %select_n3A = arith.select %eq3A, %broadcast_in_dim3A_26, %broadcast_in_dim3A_27 : vector<256x4096xi1>, vector<256x4096xf32>
    %sub3A_28 = arith.subf %neg3A_24, %select_n3A : vector<256x4096xf32>
    %iota3A_29 = tpu.iota {dimensions = array<i32: 1>} : vector<256x32xi32>
    %broadcast_in_dim3A_30 = arith.constant 0.000000e+00 : f32
    %broadcast_in_dim3A_31 = vector.broadcast %broadcast_in_dim3A_30 : f32 to vector<256xf32>
    %broadcast_in_dim3A_32 = arith.constant 0 : i32
    %broadcast_in_dim3A_33 = vector.broadcast %broadcast_in_dim3A_32 : i32 to vector<256x32xi32>
    %scan3A = arith.constant 0 : i32
    %scan3A_34 = arith.constant 32 : i32
    %scan3A_35 = arith.addi %scan3A, %scan3A_34 : i32
    %scan3A_36 = arith.constant 1 : i32
    %scan3A_37:3 = scf.for %scan3A_46 = %scan3A to %scan3A_35 step %scan3A_36 iter_args(%scan3A_47 = %sub3A_28, %scan3A_48 = %broadcast_in_dim3A_31, %scan3A_49 = %broadcast_in_dim3A_33) -> (vector<256x4096xf32>, vector<256xf32>, vector<256x32xi32>)  : i32 {
      %reduce_max3A = arith.constant dense<0xFF800000> : vector<256xf32>
      %reduce_max3A_50 = vector.multi_reduction <maximumf>, %scan3A_47, %reduce_max3A [1] : vector<256x4096xf32> to vector<256xf32>
      %broadcast_in_dim3A_51 = vector.shape_cast %reduce_max3A_50 : vector<256xf32> to vector<256x1xf32>
      %eq3A_52 = vector.broadcast %broadcast_in_dim3A_51 : vector<256x1xf32> to vector<256x4096xf32>
      %eq3A_53 = arith.cmpf oeq, %scan3A_47, %eq3A_52 : vector<256x4096xf32>
      %jit3A_54 = arith.constant 4096 : i32
      %broadcast_in_dim3A_55 = vector.broadcast %jit3A_54 : i32 to vector<256x4096xi32>
      %select_n3A_56 = arith.select %eq3A_53, %iota3A, %broadcast_in_dim3A_55 : vector<256x4096xi1>, vector<256x4096xi32>
      %reduce_min3A = arith.constant dense<2147483647> : vector<256xi32>
      %reduce_min3A_57 = vector.multi_reduction <minsi>, %select_n3A_56, %reduce_min3A [1] : vector<256x4096xi32> to vector<256xi32>
      %lt3A = arith.constant 16 : i32
      %lt3A_58 = arith.cmpi slt, %scan3A_46, %lt3A : i32
      %exp3A = math.exp %reduce_max3A_50 : vector<256xf32>
      %jit3A_59 = arith.constant 0.000000e+00 : f32
      %broadcast_in_dim3A_60 = vector.broadcast %jit3A_59 : f32 to vector<256xf32>
      %select_n3A_61 = arith.select %lt3A_58, %exp3A, %broadcast_in_dim3A_60 : vector<256xf32>
      %add3A_62 = arith.addf %scan3A_48, %select_n3A_61 : vector<256xf32>
      %eq3A_63 = vector.broadcast %scan3A_46 : i32 to vector<256x32xi32>
      %eq3A_64 = arith.cmpi eq, %iota3A_29, %eq3A_63 : vector<256x32xi32>
      %broadcast_in_dim3A_65 = vector.shape_cast %reduce_min3A_57 : vector<256xi32> to vector<256x1xi32>
      %broadcast_in_dim3A_66 = vector.shape_cast %broadcast_in_dim3A_65 : vector<256x1xi32> to vector<256x1xi32>
      %broadcast_in_dim3A_67 = vector.broadcast %broadcast_in_dim3A_66 : vector<256x1xi32> to vector<256x32xi32>
      %select_n3A_68 = arith.select %eq3A_64, %broadcast_in_dim3A_67, %scan3A_49 : vector<256x32xi1>, vector<256x32xi32>
      %broadcast_in_dim3A_69 = vector.shape_cast %reduce_min3A_57 : vector<256xi32> to vector<256x1xi32>
      %eq3A_70 = vector.broadcast %broadcast_in_dim3A_69 : vector<256x1xi32> to vector<256x4096xi32>
      %eq3A_71 = arith.cmpi eq, %iota3A, %eq3A_70 : vector<256x4096xi32>
      %jit3A_72 = arith.constant 0xFF800000 : f32
      %broadcast_in_dim3A_73 = vector.broadcast %jit3A_72 : f32 to vector<256x4096xf32>
      %select_n3A_74 = arith.select %eq3A_71, %broadcast_in_dim3A_73, %scan3A_47 : vector<256x4096xi1>, vector<256x4096xf32>
      scf.yield %select_n3A_74, %add3A_62, %select_n3A_68 : vector<256x4096xf32>, vector<256xf32>, vector<256x32xi32>
    }
    %scan3A_38 = arith.constant 32 : i32
    %mul3A_39 = arith.constant 6.250000e-02 : f32
    %mul3A_40 = vector.broadcast %mul3A_39 : f32 to vector<256xf32>
    %mul3A_41 = arith.mulf %scan3A_37#1, %mul3A_40 : vector<256xf32>
    %swap3A = arith.constant 0 : index
    %swap3A_42 = vector.load %arg3[%swap3A] : memref<256xf32, #tpu.memory_space<vmem>>, vector<256xf32>
    tpu.vector_store %arg3[%swap3A], %mul3A_41 {strides = array<i32>} : memref<256xf32, #tpu.memory_space<vmem>>, vector<256xf32>,
    %swap3A_43 = arith.constant 0 : index
    %swap3A_44 = arith.constant 0 : index
    %swap3A_45 = vector.load %arg4[%swap3A_43, %swap3A_44] : memref<256x32xi32, #tpu.memory_space<vmem>>, vector<256x32xi32>
    tpu.vector_store %arg4[%swap3A_43, %swap3A_44], %scan3A_37#2 {strides = array<i32>} : memref<256x32xi32, #tpu.memory_space<vmem>>, vector<256x32xi32>,
    return
  }
  func.func @transform_0(%arg0: i32) -> (i32, i32) {
    %c0_i32 = arith.constant 0 : i32
    %c0_i32_0 = arith.constant 0 : i32
    return %arg0, %c0_i32 : i32, i32
  }
  func.func @transform_1(%arg0: i32) -> (i32, i32) {
    %c0_i32 = arith.constant 0 : i32
    %c0_i32_0 = arith.constant 0 : i32
    %c0_i32_1 = arith.constant 0 : i32
    return %c0_i32, %c0_i32_0 : i32, i32
  }
  func.func @transform_2(%arg0: i32) -> i32 {
    %c0_i32 = arith.constant 0 : i32
    return %arg0 : i32
  }
  func.func @transform_3(%arg0: i32) -> (i32, i32) {
    %c0_i32 = arith.constant 0 : i32
    %c0_i32_0 = arith.constant 0 : i32
    return %arg0, %c0_i32 : i32, i32
  }
}

</mosaic_0001>

<sc_bundles>
// kernel: kernel.6.cloned.1.call-start
scs
__scs_entry_jumppad:
0x0: {  	(pc) =	sbr.rel $0x88, $3  }
0x1: {  	(tag) =	ssettag $0x0;
	lr =	simm.s32 $0x1  }
0x2: {  	[smem:$0x3FA0] =	sst lr;
	_ =	strace $0xD0000000  }
0x3: {  	_ = 	snop  }
0x4: {  	_ = 	snop  }
0x5: {  	_ = 	snop  }
0x6: {  	_ = 	snop  }
0x7: {  	_ = 	snop  }
__scs_overlays_trampoline_lowered:
0x8: {  	[smem:$0x3FAF] =	sst s0  }
0x9: {  	[smem:$0x3FB0] =	sst s1  }
0xa: {  	[smem:$0x3FB1] =	sst s2  }
0xb: {  	[smem:$0x3FB2] =	sst s3  }
0xc: {  	[smem:$0x3FB3] =	sst s4  }
0xd: {  	[smem:$0x3FB4] =	sst s5  }
0xe: {  	[smem:$0x3FB5] =	sst s6  }
0xf: {  	[smem:$0x3FB6] =	sst s7  }
0x10: {  	[smem:$0x3FB7] =	sst s8  }
0x11: {  	[smem:$0x3FB8] =	sst s9;
	s0 =	simm.s32 @!p0 $0x0  }
0x12: {  	s1 =	sld [smem:$0x3F9E];
	s0 =	simm.s32 @p0 $0x1  }
0x13: {  	[smem:$0x3FB9] =	sst s0;
	s0 =	simm.s32 @!p1 $0x0  }
0x14: {  	s2 =	sld [smem:$0x3F9D];
	s0 =	simm.s32 @p1 $0x1  }
0x15: {  	[smem:$0x3FBA] =	sst s0;
	s0 =	simm.s32 @!p2 $0x0  }
0x16: {  	s3 =	sld [smem:$0x3FDB];
	s0 =	simm.s32 @p2 $0x1  }
0x17: {  	s4 =	simm.s32 $0x1BF5;
	[smem:$0x3FBC] =	sst s0  }
0x18: {  	s0 =	sld [smem:$0x3F9F];
	_ =	swait.ge [sflag:s4], $0x0  }
0x19: {  	s7 =	sld [smem:$0x3FA0]  }
0x1a: {  	s8 =	sadd.s32 $0xFFFFE003, lr  }
0x1b: {  	s9 =	sadd.s32 $0xFFFFFEF7, lr;
	s5 =	simm.s32 $0xFFFFFFFF;
	p2 =	slt.u32 s8, $0xFFFFF086  }
0x1c: {  	p1 =	slt.u32 s9, $0xF7A;
	s5 =	simm.s32 @!p2 $0x0  }
0x1d: {  	s5 =	simm.s32 @p1 $0x1;
	p0 =	seq.s32 s7, s2  }
0x1e: {  	s7 =	smul.u32 @!p0 $0xF7A, s2;
	p2 =	seq.s32 @!p0 s5, $0x0  }
0x1f: {  	s9 =	smul.u32 $0xF7A, s1;
	s8 =	simm.s32 @!p0 $0x1BF5;
	p2 =	por !p2, p0  }
0x20: {  	[sflag:s8] =	ssyncset.s32 @!p0 $0xFFFFF086;
	s6 =	sadd.s32 @!p0 s3, s7;
	s7 =	simm.s32 @!p0 $0x108  }
0x21: {  	s3 =	sadd.s32 s3, s9;
	s6 =	sadd.s32 @!p0 $0x88, s6;
	s7 =	simm.s32 @p2 $0x1082  }
0x22: {  	[simem:s7], [sflag:s8] =	dma.local @!p0 [hbm:s6], $0xF7A  }
0x23: {  	s9 =	sor.u32 $0xD0000000, s2;
	s6 =	simm.s32 $0x108;
	_ =	swait.ge @!p0 [sflag:s8], $0x0  }
0x24: {  	s3 =	sadd.s32 $0x88, s3;
	s6 =	simm.s32 @!p1 $0x1082;
	[sflag:s4] =	ssyncset.s32 $0xFFFFF086  }
0x25: {  	[simem:s6], [sflag:s4] =	dma.local [hbm:s3], $0xF7A  }
0x26: {  	[smem:$0x3FA0] =	sst s1;
	(tag) =	ssettag s2;
	_ =	strace s9  }
0x27: {  	s1 =	sld [smem:$0x3FB0]  }
0x28: {  	s2 =	sld [smem:$0x3FB1]  }
0x29: {  	s4 =	sld [smem:$0x3FB3]  }
0x2a: {  	p0 =	seq.s32 s5, $0x0;
	s5 =	sld [smem:$0x3FB4]  }
0x2b: {  	s6 =	sld [smem:$0x3FB5]  }
0x2c: {  	s7 =	sld [smem:$0x3FB6]  }
0x2d: {  	s3 =	simm.s32 $0x108;
	s8 =	sld [smem:$0x3FB7]  }
0x2e: {  	s3 =	simm.s32 @!p0 $0x1082;
	s9 =	sld [smem:$0x3FB8]  }
0x2f: {  	lr =	sadd.s32 s0, s3;
	s0 =	sld [smem:$0x3FAF]  }
0x30: {  	s3 =	sld [smem:$0x3FB2]  }
0x31: {  	[smem:$0x3FBB] =	sst s10  }
0x32: {  	s10 =	sld [smem:$0x3FB9];
	_ =	sdelay $0x3  }
0x33: {  	p0 =	seq.s32 s10, $0x1;
	s10 =	sld [smem:$0x3FBB];
	_ =	sdelay $0x3  }
0x34: {  	[smem:$0x3FBB] =	sst s10  }
0x35: {  	s10 =	sld [smem:$0x3FBA];
	_ =	sdelay $0x3  }
0x36: {  	p1 =	seq.s32 s10, $0x1;
	s10 =	sld [smem:$0x3FBB];
	_ =	sdelay $0x3  }
0x37: {  	[smem:$0x3FBB] =	sst s10  }
0x38: {  	s10 =	sld [smem:$0x3FBC]  }
0x39: {  	_ = 	snop;
	(pc) =	sbr.ind lr, $3  }
0x3a: {  	_ = 	snop  }
0x3b: {  	_ = 	snop  }
0x3c: {  	p2 =	seq.s32 s10, $0x1;
	s10 =	sld [smem:$0x3FBB]  }
0x3d: {  	_ =	shalt  }
0x3e: {  	_ =	shalt  }
0x3f: {  	_ =	shalt  }
0x40: {  	_ =	shalt  }
0x41: {  	_ =	shalt  }
0x42: {  	_ =	shalt  }
0x43: {  	_ =	shalt  }
0x44: {  	_ =	shalt  }
0x45: {  	_ =	shalt  }
0x46: {  	_ =	shalt  }
0x47: {  	_ =	shalt  }
0x48: {  	_ =	shalt  }
0x49: {  	_ =	shalt  }
0x4a: {  	_ =	shalt  }
0x4b: {  	_ =	shalt  }
0x4c: {  	_ =	shalt  }
0x4d: {  	_ =	shalt  }
0x4e: {  	_ =	shalt  }
0x4f: {  	_ =	shalt  }
0x50: {  	_ =	shalt  }
0x51: {  	_ =	shalt  }
0x52: {  	_ =	shalt  }
0x53: {  	_ =	shalt  }
0x54: {  	_ =	shalt  }
0x55: {  	_ =	shalt  }
0x56: {  	_ =	shalt  }
0x57: {  	_ =	shalt  }
0x58: {  	_ =	shalt  }
0x59: {  	_ =	shalt  }
0x5a: {  	_ =	shalt  }
0x5b: {  	_ =	shalt  }
0x5c: {  	_ =	shalt  }
0x5d: {  	_ =	shalt  }
0x5e: {  	_ =	shalt  }
0x5f: {  	_ =	shalt  }
0x60: {  	_ =	shalt  }
0x61: {  	_ =	shalt  }
0x62: {  	_ =	shalt  }
0x63: {  	_ =	shalt  }
0x64: {  	_ =	shalt  }
0x65: {  	_ =	shalt  }
0x66: {  	_ =	shalt  }
0x67: {  	_ =	shalt  }
0x68: {  	_ =	shalt  }
0x69: {  	_ =	shalt  }
0x6a: {  	_ =	shalt  }
0x6b: {  	_ =	shalt  }
0x6c: {  	_ =	shalt  }
0x6d: {  	_ =	shalt  }
0x6e: {  	_ =	shalt  }
0x6f: {  	_ =	shalt  }
0x70: {  	_ =	shalt  }
0x71: {  	_ =	shalt  }
0x72: {  	_ =	shalt  }
0x73: {  	_ =	shalt  }
0x74: {  	_ =	shalt  }
0x75: {  	_ =	shalt  }
0x76: {  	_ =	shalt  }
0x77: {  	_ =	shalt  }
0x78: {  	_ =	shalt  }
0x79: {  	_ =	shalt  }
0x7a: {  	_ =	shalt  }
0x7b: {  	_ =	shalt  }
0x7c: {  	_ =	shalt  }
0x7d: {  	_ =	shalt  }
0x7e: {  	_ =	shalt  }
0x7f: {  	_ =	shalt  }
0x80: {  	_ =	shalt  }
0x81: {  	_ =	shalt  }
0x82: {  	_ =	shalt  }
0x83: {  	_ =	shalt  }
0x84: {  	_ =	shalt  }
0x85: {  	_ =	shalt  }
0x86: {  	_ =	shalt  }
0x87: {  	_ =	shalt  }
.Lfunc_end0:
.L_simem_size_0:
called_computation_lowered:
.L_overlay_start_0:
0x88: {  	s2 =	sld [smem:$0x3FD9]  }
0x89: {  	s3 =	sld [smem:$0x3FFE];
	_ =	sdelay $0x1  }
0x8a: {  	s1 =	srdreg.scid  }
0x8b: {  	s0 =	sand.u32 $0x1, s1  }
0x8c: {  	s16 =	sshll.u32 s0, $0xA;
	s2 =	sadd.s32 s3, s2  }
0x8d: {  	s2 =	sadd.s32 s2, s16  }
0x8e: {  	[smem:$0x3FC7] =	sst s2  }
0x8f: {  	_ = 	snop  }
0x90: {  	(tm) =	ssettm $0x1  }
0x91: {  	s17 =	sld [smem:$0x3FFB];
	_ =	sdelay $0x3  }
0x92: {  	_ =	strace s17  }
0x93: {  	s2 =	sld [smem:$0x3FFC];
	_ =	sdelay $0x3  }
0x94: {  	_ =	strace s2  }
0x95: {  	s2 =	sld [smem:$0x3FFD];
	_ =	sdelay $0x3  }
0x96: {  	_ =	strace s2  }
0x97: {  	_ =	strace $0x8FFFFFFF  }
0x98: {  	s18 =	sld [smem:$0x3FDB];
	_ =	sdelay $0x1  }
0x99: {  	s19 =	simm.s32 $_scs_section_size  }
0x9a: {  	s4 =	simm.s32 $_size__tile_overlayer_lowered;
	s5 =	simm.s32 $_tile_overlayer_lowered  }
0x9b: {  	s22 =	simm.s32 $0x1BFF;
	s21 =	sshll.u32 s5, $0x1;
	s2 =	sadd.s32 s19, s18  }
0x9c: {  	s6 =	simm.s32 $0x0;
	s20 =	sshll.u32 s4, $0x1;
	s4 =	sadd.s32 s21, s2  }
0x9d: {  	[timem:s6], [sflag:s22] =	dma.local [hbm:s4], s20  }
0x9e: {  	_ =	swait.ge [sflag:s22], s20  }
0x9f: {  	s3 =	ssub.s32 $0x0, s20;
	[sflag:s22] =	ssyncset.done $0x0  }
0xa0: {  	[sflag:s22] =	ssyncadd.s32 s3;
	_ =	sdelay $0x1  }
0xa1: {  	s23 =	simm.s32 $0x1B8B  }
0xa2: {  	_ =	swait.ge [sflag:s23], $0x1  }
0xa3: {  	[sflag:s23] =	ssyncset.done $0x0  }
0xa4: {  	s25 =	simm.s32 $0x1B8E;
	s24 =	sld [smem:$0x3FFE];
	[sflag:s23] =	ssyncadd.s32 $0xFFFFFFFF  }
0xa5: {  	s26 =	simm.s32 $execute0_lowered;
	[smem:$0x3FD2] =	sst s25  }
0xa6: {  	s4 =	sshll.u32 s26, $0x1;
	_ =	strace $0x80000046;
	[dreg:$0x1] =	wrdreg $0xFFFFFFFF  }
0xa7: {  	s28 =	simm.s32 $_size_execute0_lowered;
	s2 =	sadd.s32 s2, s4;
	[dreg:$0x0] =	wrdreg $0x0  }
0xa8: {  	s4 =	sshll.u32 s28, $0x1;
	[dreg:$0x2] =	wrdreg s2  }
0xa9: {  	[dreg:$0x3] =	wrdreg s4  }
0xaa: {  	[dreg:$0x4] =	wrdreg $0xC0  }
0xab: {  	_ =	task [dreg:s6], $0x5FFFF  }
0xac: {  	[dreg:$0x1] =	wrdreg $0xFFFFFFFF  }
0xad: {  	[dreg:$0x0] =	wrdreg $0x60  }
0xae: {  	[dreg:$0x2] =	wrdreg s24  }
0xaf: {  	[dreg:$0x3] =	wrdreg $0x9  }
0xb0: {  	_ =	task.clear_ibuf [dreg:s6], $0x4FFFF;
	_ =	strace $0x90000046  }
0xb1: {  	s29 =	simm.s32 $0x9;
	_ =	strace $0x80000048  }
0xb2: {  	_ =	swait.ge [sflag:s29], $0x1  }
0xb3: {  	[sflag:s29] =	ssyncadd.s32 $0xFFFFFFFF  }
0xb4: {  	_ =	strace $0x90000048  }
0xb5: {  	_ =	sfence  }
0xb6: {  	s30 =	sld [smem:$0x0];
	_ =	sdelay $0x2  }
0xb7: {  	s31 =	sshll.u32 s1, $0xD;
	s1 =	sshrl.u32 s1, $0x2  }
0xb8: {  	s3 =	sand.u32 $0x4000, s31;
	s1 =	sadd.s32 s1, s30  }
0xb9: {  	s0 =	sor.u32 s3, s0;
	s1 =	sshll.u32 s1, $0x11  }
0xba: {  	s0 =	sor.u32 s1, s0  }
0xbb: {  	s0 =	sadd.s32 $0x8F2B, s0  }
0xbc: {  	[sflag:s0] =	ssyncadd.remote.s32 $0x1  }
0xbd: {  	_ =	sfence.sel $0xFFFF  }
0xbe: {  	[dreg:$0x0] =	wrdreg $0xFFFFFFFF;
	(pc) =	sbr.abs _section_cstart, $3  }
0xbf: {  	[dreg:$0x1] =	wrdreg $0xFFFFFFFF  }
0xc0: {  	_ =	task.clear_ibuf [dreg:s6], $0x2FFFF;
	_ =	strace $0x9FFFFFFF  }
0xc1: {  	(tm) =	ssettm $0x7FFFFFFF  }
tec
execute0_lowered:
.L_overlay_start_1:
0x0: {  	(tag) =	ssettag $0x1  }
0x1: {  	s1 =	srdreg.scid  }
0x2: {  	s3 =	sand.u32 $0x1, s1;
	s1 =	stileid.u32  }
0x3: {  	s4 =	sshll.u32 s1, $0x1;
	s5 =	ssub.s32 $0x0, s3  }
0x4: {  	p0 =	sne.s32 s4, s5  }
.Ltmp0:
0x5: {  	_ = 	snop;
	(pc) =	sbr.rel @p0 .LBB2_9-.Ltmp0, $4  }
0x6: {  	_ = 	snop  }
0x7: {  	s7 =	rddreg [dreg:$0x0];
	s2 =	simm.s32 $0x0  }
0x8: {  	[smem:$0x7FF] =	sst s2  }
0x9: {  	s0 =	rddreg [dreg:$0x1];
	_ =	strace $0x80000047  }
0xa: {  	s6 =	ssub.s32 $0x2, s3;
	s3 =	sadd.s32 $0x1A00, s7;
	s4 =	sadd.s32 $0x5A00, s7  }
0xb: {  	s5 =	sadd.s32 $0x1800, s7;
	s9 =	simm.s32 $0x1;
	s10 =	simm.s32 $0x1000  }
0xc: {  	s11 =	simm.s32 $0x2000;
	s12 =	simm.s32 $0x3000;
	s8 =	sshrl.u32 s6, $0x1  }
0xd: {  	s13 =	simm.s32 $0x5000;
	s14 =	simm.s32 $0x0;
	s8 =	ssub.s32 s6, s8  }
0xe: {  	s6 =	sadd.s32 $0x5C00, s7;
	s7 =	sadd.s32 $0x9C00, s7;
	s8 =	smax.u32 s8, $0x1  }
.LBB2_2:
0xf: {  	s15 =	simm.s32 $0x0  }
0x10: {  	[tilespmem:s15], [sflag:$0x1] =	stream.linear.gather [hbm4b:s4+s15], $0x1000, $0x38;
	[tilespmem:$0x7000] =	vst v63  }
0x11: {  	_ =	swait.ge [sflag:s9], $0x1000  }
0x12: {  	[sflag:s9] =	ssyncset.done $0x0  }
0x13: {  	[sflag:s9] =	ssyncadd.s32 $0xFFFFF000  }
0x14: {  	[tilespmem:s10], [sflag:$0x1] =	stream.linear.gather [hbm4b:s5+s15], $0x1000, $0x38;
	[tilespmem:$0x7000] =	vst v63  }
0x15: {  	_ =	swait.ge [sflag:s9], $0x1000  }
0x16: {  	[sflag:s9] =	ssyncset.done $0x0  }
0x17: {  	s16 =	simm.s32 $0x0;
	s15 =	simm.s32 $0x40;
	[sflag:s9] =	ssyncadd.s32 $0xFFFFF000  }
.LBB2_3:
0x18: {  	p0 =	sne.s32 s15, $0x3FC0;
	v0 =	vld [tilespmem:s16+$0x0];
	_ =	sdelay $0x2  }
0x19: {  	v1 =	vld [tilespmem:s16+$0x1000]  }
.Ltmp1:
0x1a: {  	(pc) =	sbr.rel @p0 .LBB2_3-.Ltmp1, $2  }
0x1b: {  	_ =	sdelay $0x2  }
0x1c: {  	s16 =	sshra.s32 s15, $0x2;
	s15 =	sadd.s32 $0x40, s15;
	[tilespmem:v0+s11+$0x0] =	vst.idx.msk $0xffff, v1  }
0x1d: {  	v0 =	vld [tilespmem:s16+$0x0];
	_ =	sdelay $0x2  }
0x1e: {  	v1 =	vld [tilespmem:s16+$0x1000];
	_ =	sdelay $0x4  }
0x1f: {  	s15 =	simm.s32 $0x0;
	[tilespmem:v0+s11+$0x0] =	vst.idx.msk $0xffff, v1  }
0x20: {  	[hbm4b:s7+s15] =	stream.linear.scatter [tilespmem:s11], [sflag:$0x1], $0x1000, $0x38;
	[tilespmem:$0x7000] =	vst v63  }
0x21: {  	_ =	swait.ge [sflag:s9], $0x1000  }
0x22: {  	[sflag:s9] =	ssyncset.done $0x0  }
0x23: {  	s16 =	simm.s32 $0x0;
	s17 =	simm.s32 $0x0;
	[sflag:s9] =	ssyncadd.s32 $0xFFFFF000  }
.LBB2_5:
0x24: {  	s18 =	sshll.u32 s17, $0xA  }
0x25: {  	s19 =	sadd.s32 s3, s18  }
0x26: {  	[tilespmem:s12], [sflag:$0x1] =	stream.linear.gather [hbm4b:s19+s15], $0x2000, $0x38;
	[tilespmem:$0x7000] =	vst v63  }
0x27: {  	_ =	swait.ge [sflag:s9], $0x2000  }
0x28: {  	[sflag:s9] =	ssyncset.done $0x0  }
0x29: {  	v1 =	vmov s16;
	s19 =	simm.s32 $0x0;
	[sflag:s9] =	ssyncadd.s32 $0xFFFFE000  }
0x2a: {  	v1 =	vshrl.u32 v1, $0x5;
	v0 =	vld [tilespmem:s19+$0x3000]  }
0x2b: {  	v1 =	vbroadcast v1, $0x0;
	_ =	sdelay $0x5  }
0x2c: {  	v2 =	vld.idx.msk [tilespmem:v1+s2+$0x0], $0xffff  }
0x2d: {  	v0 =	vld.idx.msk [tilespmem:v0+s2+$0x0], $0xffff  }
0x2e: {  	s20 =	simm.s32 $0x10  }
0x2f: {  	s22 =	simm.s32 $0x80;
	s21 =	sadd.s32 $0x10, s16;
	v1 =	vld [tilespmem:s20+$0x3000]  }
.LBB2_6:
0x30: {  	p0 =	sne.s32 s22, $0x7FC0;
	v3 =	vmov s21  }
0x31: {  	v3 =	vshrl.u32 v3, $0x5  }
0x32: {  	vm0 =	vlt.s32 v2, v0;
	v3 =	vbroadcast v3, $0x0  }
0x33: {  	v4 =	vsel vm0, v0, v2  }
0x34: {  	v0 =	vsel vm0, v2, v0;
	v4 =	vshll.u32 v4, $0xC  }
0x35: {  	v0 =	vor.u32 v0, v4  }
0x36: {  	[tilespmem:s19+$0x5000] =	vst v0;
	s19 =	smov.u32 s20  }
.Ltmp2:
0x37: {  	v0 =	vld.idx.msk [tilespmem:v1+s2+$0x0], $0xffff;
	(pc) =	sbr.rel @p0 .LBB2_6-.Ltmp2, $3  }
0x38: {  	v2 =	vld.idx.msk [tilespmem:v3+s2+$0x0], $0xffff;
	_ =	sdelay $0x1  }
0x39: {  	s20 =	sshra.s32 s22, $0x2  }
0x3a: {  	s21 =	sadd.s32 $0x10, s21;
	s22 =	sadd.s32 $0x40, s22;
	v1 =	vld [tilespmem:s20+$0x3000]  }
0x3b: {  	_ = 	snop  }
0x3c: {  	v3 =	vmov s21  }
0x3d: {  	v3 =	vshrl.u32 v3, $0x5  }
0x3e: {  	vm0 =	vlt.s32 v2, v0;
	v3 =	vbroadcast v3, $0x0  }
0x3f: {  	v4 =	vsel vm0, v0, v2  }
0x40: {  	v61 =	vsel vm0, v2, v0;
	v4 =	vshll.u32 v4, $0xC  }
0x41: {  	v0 =	vor.u32 v61, v4  }
0x42: {  	[tilespmem:s19+$0x5000] =	vst v0  }
0x43: {  	v0 =	vld.idx.msk [tilespmem:v1+s2+$0x0], $0xffff  }
0x44: {  	v62 =	vld.idx.msk [tilespmem:v3+s2+$0x0], $0xffff;
	_ =	sdelay $0x4  }
0x45: {  	vm15 =	vlt.s32 v62, v0  }
0x46: {  	v63 =	vsel vm15, v0, v62  }
0x47: {  	s17 =	sadd.s32 $0x1, s17;
	v0 =	vsel vm15, v62, v0;
	v2 =	vshll.u32 v63, $0xC  }
0x48: {  	p0 =	sne.s32 s17, $0x10;
	v0 =	vor.u32 v0, v2  }
.Ltmp3:
0x49: {  	s18 =	sadd.s32 s6, s18;
	[tilespmem:s20+$0x5000] =	vst v0;
	(pc) =	sbr.rel @p0 .LBB2_5-.Ltmp3, $4  }
0x4a: {  	[hbm4b:s18+s2] =	stream.linear.scatter [tilespmem:s13], [sflag:$0x1], $0x2000, $0x38;
	[tilespmem:$0x7000] =	vst v63  }
0x4b: {  	_ =	swait.ge [sflag:s9], $0x2000  }
0x4c: {  	[sflag:s9] =	ssyncset.done $0x0  }
0x4d: {  	s16 =	sadd.s32 $0x2000, s16;
	[sflag:s9] =	ssyncadd.s32 $0xFFFFE000  }
0x4e: {  	s14 =	sadd.s32 $0x1, s14  }
0x4f: {  	p0 =	sne.s32 s14, s8  }
.Ltmp4:
0x50: {  	_ = 	snop;
	(pc) =	sbr.rel @p0 .LBB2_2-.Ltmp4, $1  }
0x51: {  	_ =	sdelay $0x3  }
.LBB2_9:
0x52: {  	_ =	sfence.sel $0x180000  }
0x53: {  	[bflag:$0x0] =	sbarrier.arrive $0xFFFF  }
0x54: {  	p0 =	sne.s32 s1, $0x0;
	_ =	strace $0x90000047  }
0x55: {  	s0 =	sadd.s32 @!p0 $0x100000, s0;
	[bflag:$0x2] =	sbarrier.arrive $0xFFFF  }
0x56: {  	[sflag:s0] =	ssyncadd.tile.s32 @!p0 $0x1;
	_ =	shalt  }
.Lfunc_end2:
_tile_overlayer_lowered:
.L_overlay_start_2:
0x57: {  	(tag) =	ssettag $0x2  }
0x58: {  	s0 =	rddreg [dreg:$0x0];
	s2 =	stileid.u32  }
0x59: {  	s1 =	rddreg [dreg:$0x1];
	p0 =	sne.s32 s2, $0x0  }
0x5a: {  	s3 =	rddreg [dreg:$0x2];
	[bflag:$0x3] =	sbarrier.arrive $0xFFFF;
	s2 =	simm.s32 @!p0 $0x1C01  }
0x5b: {  	[timem:s3], [sflag:s2] =	dma.local @!p0 [hbm:s0], s1  }
0x5c: {  	s0 =	simm.s32 @!p0 $0x1  }
0x5d: {  	_ =	swait.ge @!p0 [sflag:s0], s1  }
0x5e: {  	s1 =	ssub.s32 @!p0 $0x0, s1;
	[sflag:s0] =	ssyncset.done @!p0 $0x0  }
0x5f: {  	[sflag:s0] =	ssyncadd.s32 @!p0 s1  }
0x60: {  	[bflag:$0x3] =	sbarrier.arrive $0xFFFF  }
0x61: {  	_ =	shalt  }

// kernel: kernel.9.cloned.1.call-start
scs
__scs_entry_jumppad:
0x0: {  	(pc) =	sbr.rel $0x88, $3  }
0x1: {  	(tag) =	ssettag $0x0;
	lr =	simm.s32 $0x1  }
0x2: {  	[smem:$0x3FA0] =	sst lr;
	_ =	strace $0xD0000000  }
0x3: {  	_ = 	snop  }
0x4: {  	_ = 	snop  }
0x5: {  	_ = 	snop  }
0x6: {  	_ = 	snop  }
0x7: {  	_ = 	snop  }
__scs_overlays_trampoline_lowered:
0x8: {  	[smem:$0x3FAF] =	sst s0  }
0x9: {  	[smem:$0x3FB0] =	sst s1  }
0xa: {  	[smem:$0x3FB1] =	sst s2  }
0xb: {  	[smem:$0x3FB2] =	sst s3  }
0xc: {  	[smem:$0x3FB3] =	sst s4  }
0xd: {  	[smem:$0x3FB4] =	sst s5  }
0xe: {  	[smem:$0x3FB5] =	sst s6  }
0xf: {  	[smem:$0x3FB6] =	sst s7  }
0x10: {  	[smem:$0x3FB7] =	sst s8  }
0x11: {  	[smem:$0x3FB8] =	sst s9;
	s0 =	simm.s32 @!p0 $0x0  }
0x12: {  	s1 =	sld [smem:$0x3F9E];
	s0 =	simm.s32 @p0 $0x1  }
0x13: {  	[smem:$0x3FB9] =	sst s0;
	s0 =	simm.s32 @!p1 $0x0  }
0x14: {  	s2 =	sld [smem:$0x3F9D];
	s0 =	simm.s32 @p1 $0x1  }
0x15: {  	[smem:$0x3FBA] =	sst s0;
	s0 =	simm.s32 @!p2 $0x0  }
0x16: {  	s3 =	sld [smem:$0x3FDB];
	s0 =	simm.s32 @p2 $0x1  }
0x17: {  	s4 =	simm.s32 $0x1BF5;
	[smem:$0x3FBC] =	sst s0  }
0x18: {  	s0 =	sld [smem:$0x3F9F];
	_ =	swait.ge [sflag:s4], $0x0  }
0x19: {  	s7 =	sld [smem:$0x3FA0]  }
0x1a: {  	s8 =	sadd.s32 $0xFFFFE003, lr  }
0x1b: {  	s9 =	sadd.s32 $0xFFFFFEF7, lr;
	s5 =	simm.s32 $0xFFFFFFFF;
	p2 =	slt.u32 s8, $0xFFFFF086  }
0x1c: {  	p1 =	slt.u32 s9, $0xF7A;
	s5 =	simm.s32 @!p2 $0x0  }
0x1d: {  	s5 =	simm.s32 @p1 $0x1;
	p0 =	seq.s32 s7, s2  }
0x1e: {  	s7 =	smul.u32 @!p0 $0xF7A, s2;
	p2 =	seq.s32 @!p0 s5, $0x0  }
0x1f: {  	s9 =	smul.u32 $0xF7A, s1;
	s8 =	simm.s32 @!p0 $0x1BF5;
	p2 =	por !p2, p0  }
0x20: {  	[sflag:s8] =	ssyncset.s32 @!p0 $0xFFFFF086;
	s6 =	sadd.s32 @!p0 s3, s7;
	s7 =	simm.s32 @!p0 $0x108  }
0x21: {  	s3 =	sadd.s32 s3, s9;
	s6 =	sadd.s32 @!p0 $0x88, s6;
	s7 =	simm.s32 @p2 $0x1082  }
0x22: {  	[simem:s7], [sflag:s8] =	dma.local @!p0 [hbm:s6], $0xF7A  }
0x23: {  	s9 =	sor.u32 $0xD0000000, s2;
	s6 =	simm.s32 $0x108;
	_ =	swait.ge @!p0 [sflag:s8], $0x0  }
0x24: {  	s3 =	sadd.s32 $0x88, s3;
	s6 =	simm.s32 @!p1 $0x1082;
	[sflag:s4] =	ssyncset.s32 $0xFFFFF086  }
0x25: {  	[simem:s6], [sflag:s4] =	dma.local [hbm:s3], $0xF7A  }
0x26: {  	[smem:$0x3FA0] =	sst s1;
	(tag) =	ssettag s2;
	_ =	strace s9  }
0x27: {  	s1 =	sld [smem:$0x3FB0]  }
0x28: {  	s2 =	sld [smem:$0x3FB1]  }
0x29: {  	s4 =	sld [smem:$0x3FB3]  }
0x2a: {  	p0 =	seq.s32 s5, $0x0;
	s5 =	sld [smem:$0x3FB4]  }
0x2b: {  	s6 =	sld [smem:$0x3FB5]  }
0x2c: {  	s7 =	sld [smem:$0x3FB6]  }
0x2d: {  	s3 =	simm.s32 $0x108;
	s8 =	sld [smem:$0x3FB7]  }
0x2e: {  	s3 =	simm.s32 @!p0 $0x1082;
	s9 =	sld [smem:$0x3FB8]  }
0x2f: {  	lr =	sadd.s32 s0, s3;
	s0 =	sld [smem:$0x3FAF]  }
0x30: {  	s3 =	sld [smem:$0x3FB2]  }
0x31: {  	[smem:$0x3FBB] =	sst s10  }
0x32: {  	s10 =	sld [smem:$0x3FB9];
	_ =	sdelay $0x3  }
0x33: {  	p0 =	seq.s32 s10, $0x1;
	s10 =	sld [smem:$0x3FBB];
	_ =	sdelay $0x3  }
0x34: {  	[smem:$0x3FBB] =	sst s10  }
0x35: {  	s10 =	sld [smem:$0x3FBA];
	_ =	sdelay $0x3  }
0x36: {  	p1 =	seq.s32 s10, $0x1;
	s10 =	sld [smem:$0x3FBB];
	_ =	sdelay $0x3  }
0x37: {  	[smem:$0x3FBB] =	sst s10  }
0x38: {  	s10 =	sld [smem:$0x3FBC]  }
0x39: {  	_ = 	snop;
	(pc) =	sbr.ind lr, $3  }
0x3a: {  	_ = 	snop  }
0x3b: {  	_ = 	snop  }
0x3c: {  	p2 =	seq.s32 s10, $0x1;
	s10 =	sld [smem:$0x3FBB]  }
0x3d: {  	_ =	shalt  }
0x3e: {  	_ =	shalt  }
0x3f: {  	_ =	shalt  }
0x40: {  	_ =	shalt  }
0x41: {  	_ =	shalt  }
0x42: {  	_ =	shalt  }
0x43: {  	_ =	shalt  }
0x44: {  	_ =	shalt  }
0x45: {  	_ =	shalt  }
0x46: {  	_ =	shalt  }
0x47: {  	_ =	shalt  }
0x48: {  	_ =	shalt  }
0x49: {  	_ =	shalt  }
0x4a: {  	_ =	shalt  }
0x4b: {  	_ =	shalt  }
0x4c: {  	_ =	shalt  }
0x4d: {  	_ =	shalt  }
0x4e: {  	_ =	shalt  }
0x4f: {  	_ =	shalt  }
0x50: {  	_ =	shalt  }
0x51: {  	_ =	shalt  }
0x52: {  	_ =	shalt  }
0x53: {  	_ =	shalt  }
0x54: {  	_ =	shalt  }
0x55: {  	_ =	shalt  }
0x56: {  	_ =	shalt  }
0x57: {  	_ =	shalt  }
0x58: {  	_ =	shalt  }
0x59: {  	_ =	shalt  }
0x5a: {  	_ =	shalt  }
0x5b: {  	_ =	shalt  }
0x5c: {  	_ =	shalt  }
0x5d: {  	_ =	shalt  }
0x5e: {  	_ =	shalt  }
0x5f: {  	_ =	shalt  }
0x60: {  	_ =	shalt  }
0x61: {  	_ =	shalt  }
0x62: {  	_ =	shalt  }
0x63: {  	_ =	shalt  }
0x64: {  	_ =	shalt  }
0x65: {  	_ =	shalt  }
0x66: {  	_ =	shalt  }
0x67: {  	_ =	shalt  }
0x68: {  	_ =	shalt  }
0x69: {  	_ =	shalt  }
0x6a: {  	_ =	shalt  }
0x6b: {  	_ =	shalt  }
0x6c: {  	_ =	shalt  }
0x6d: {  	_ =	shalt  }
0x6e: {  	_ =	shalt  }
0x6f: {  	_ =	shalt  }
0x70: {  	_ =	shalt  }
0x71: {  	_ =	shalt  }
0x72: {  	_ =	shalt  }
0x73: {  	_ =	shalt  }
0x74: {  	_ =	shalt  }
0x75: {  	_ =	shalt  }
0x76: {  	_ =	shalt  }
0x77: {  	_ =	shalt  }
0x78: {  	_ =	shalt  }
0x79: {  	_ =	shalt  }
0x7a: {  	_ =	shalt  }
0x7b: {  	_ =	shalt  }
0x7c: {  	_ =	shalt  }
0x7d: {  	_ =	shalt  }
0x7e: {  	_ =	shalt  }
0x7f: {  	_ =	shalt  }
0x80: {  	_ =	shalt  }
0x81: {  	_ =	shalt  }
0x82: {  	_ =	shalt  }
0x83: {  	_ =	shalt  }
0x84: {  	_ =	shalt  }
0x85: {  	_ =	shalt  }
0x86: {  	_ =	shalt  }
0x87: {  	_ =	shalt  }
.Lfunc_end0:
.L_simem_size_0:
called_computation.1_lowered:
.L_overlay_start_0:
0x88: {  	s2 =	sld [smem:$0x3FD9]  }
0x89: {  	s3 =	sld [smem:$0x3FFE];
	_ =	sdelay $0x1  }
0x8a: {  	s1 =	srdreg.scid  }
0x8b: {  	s0 =	sand.u32 $0x1, s1  }
0x8c: {  	s17 =	sshll.u32 s0, $0xA;
	s2 =	sadd.s32 s3, s2  }
0x8d: {  	s2 =	sadd.s32 s2, s17  }
0x8e: {  	[smem:$0x3FC7] =	sst s2  }
0x8f: {  	_ = 	snop  }
0x90: {  	s2 =	sld [smem:$0x3FD0];
	(tm) =	ssettm $0x1  }
0x91: {  	s18 =	sld [smem:$0x3FFB];
	_ =	sdelay $0x3  }
0x92: {  	_ =	strace s18  }
0x93: {  	s3 =	sld [smem:$0x3FFC];
	_ =	sdelay $0x3  }
0x94: {  	_ =	strace s3  }
0x95: {  	s3 =	sld [smem:$0x3FFD];
	_ =	sdelay $0x3  }
0x96: {  	_ =	strace s3  }
0x97: {  	_ =	strace $0x8FFFFFFF  }
0x98: {  	s19 =	sld [smem:$0x3FDB];
	_ =	sdelay $0x1  }
0x99: {  	s4 =	simm.s32 $_scs_section_size  }
0x9a: {  	s5 =	simm.s32 $_size__tile_overlayer_lowered;
	s6 =	simm.s32 $_tile_overlayer_lowered  }
0x9b: {  	s22 =	simm.s32 $0x1BFF;
	s21 =	sshll.u32 s6, $0x1;
	s3 =	sadd.s32 s4, s19  }
0x9c: {  	s7 =	simm.s32 $0x0;
	s20 =	sshll.u32 s5, $0x1;
	s5 =	sadd.s32 s21, s3  }
0x9d: {  	[timem:s7], [sflag:s22] =	dma.local [hbm:s5], s20  }
0x9e: {  	_ =	swait.ge [sflag:s22], s20  }
0x9f: {  	s4 =	ssub.s32 $0x0, s20;
	[sflag:s22] =	ssyncset.done $0x0  }
0xa0: {  	[sflag:s22] =	ssyncadd.s32 s4;
	_ =	sdelay $0x1  }
0xa1: {  	s23 =	simm.s32 $0x1B8B  }
0xa2: {  	_ =	swait.ge [sflag:s23], $0x1  }
0xa3: {  	[sflag:s23] =	ssyncset.done $0x0  }
0xa4: {  	s25 =	simm.s32 $0x1B8E;
	s24 =	sld [smem:$0x3FFE];
	[sflag:s23] =	ssyncadd.s32 $0xFFFFFFFF  }
0xa5: {  	s26 =	simm.s32 $execute0_lowered;
	[smem:$0x3FD2] =	sst s25  }
0xa6: {  	s5 =	sshll.u32 s26, $0x1;
	_ =	strace $0x80000049;
	[dreg:$0x1] =	wrdreg $0xFFFFFFFF  }
0xa7: {  	s28 =	simm.s32 $_size_execute0_lowered;
	s3 =	sadd.s32 s3, s5;
	[dreg:$0x0] =	wrdreg $0x0  }
0xa8: {  	s5 =	sshll.u32 s28, $0x1;
	[dreg:$0x2] =	wrdreg s3  }
0xa9: {  	[dreg:$0x3] =	wrdreg s5  }
0xaa: {  	[dreg:$0x4] =	wrdreg $0xC0  }
0xab: {  	_ =	task [dreg:s7], $0x5FFFF  }
0xac: {  	[dreg:$0x1] =	wrdreg $0xFFFFFFFF  }
0xad: {  	[dreg:$0x0] =	wrdreg $0x60  }
0xae: {  	[dreg:$0x2] =	wrdreg s24  }
0xaf: {  	[dreg:$0x3] =	wrdreg s2  }
0xb0: {  	[dreg:$0x4] =	wrdreg $0x9  }
0xb1: {  	_ =	task.clear_ibuf [dreg:s7], $0x5FFFF;
	_ =	strace $0x90000049  }
0xb2: {  	s29 =	simm.s32 $0x9;
	_ =	strace $0x8000004B  }
0xb3: {  	_ =	swait.ge [sflag:s29], $0x1  }
0xb4: {  	[sflag:s29] =	ssyncadd.s32 $0xFFFFFFFF  }
0xb5: {  	_ =	strace $0x9000004B  }
0xb6: {  	_ =	sfence  }
0xb7: {  	s30 =	sld [smem:$0x0];
	_ =	sdelay $0x2  }
0xb8: {  	s31 =	sshll.u32 s1, $0xD;
	s1 =	sshrl.u32 s1, $0x2  }
0xb9: {  	s3 =	sand.u32 $0x4000, s31;
	s1 =	sadd.s32 s1, s30  }
0xba: {  	s0 =	sor.u32 s3, s0;
	s1 =	sshll.u32 s1, $0x11  }
0xbb: {  	s0 =	sor.u32 s1, s0  }
0xbc: {  	s0 =	sadd.s32 $0x8F2B, s0  }
0xbd: {  	[sflag:s0] =	ssyncadd.remote.s32 $0x1  }
0xbe: {  	_ =	sfence.sel $0xFFFF  }
0xbf: {  	[dreg:$0x0] =	wrdreg $0xFFFFFFFF;
	(pc) =	sbr.abs _section_cstart, $3  }
0xc0: {  	[dreg:$0x1] =	wrdreg $0xFFFFFFFF  }
0xc1: {  	_ =	task.clear_ibuf [dreg:s7], $0x2FFFF;
	_ =	strace $0x9FFFFFFF  }
0xc2: {  	(tm) =	ssettm $0x7FFFFFFF  }
0xc3: {  	_ =	shalt  }
tec
execute0_lowered:
.L_overlay_start_1:
0x0: {  	(tag) =	ssettag $0x1  }
0x1: {  	s2 =	srdreg.scid  }
0x2: {  	s2 =	sand.u32 $0x1, s2  }
0x3: {  	p0 =	seq.s32 s2, $0x1  }
.Ltmp0:
0x4: {  	_ = 	snop;
	(pc) =	sbr.rel @p0 .LBB2_77-.Ltmp0, $4  }
0x5: {  	s3 =	rddreg [dreg:$0x0]  }
0x6: {  	s1 =	rddreg [dreg:$0x1];
	s4 =	simm.s32 $0x0  }
0x7: {  	[smem:$0x7FF] =	sst s4  }
0x8: {  	s0 =	rddreg [dreg:$0x2];
	_ =	strace $0x8000004A;
	s2 =	stileid.u32  }
0x9: {  	s6 =	sadd.s32 $0x5C00, s3;
	s5 =	sadd.s32 $0x9C00, s3;
	s8 =	sadd.s32 $0x1800, s3  }
0xa: {  	s4 =	sadd.s32 $0x3800, s3;
	s7 =	sshll.u32 s2, $0x9;
	s9 =	smul.u32 $0x604, s2  }
0xb: {  	s3 =	sadd.s32 $0x9E00, s3;
	s11 =	sshll.u32 s2, $0xD;
	s31 =	sshll.u32 s2, $0xA  }
0xc: {  	s10 =	sadd.s32 s8, s7;
	s12 =	sadd.s32 $0x2000, s11;
	v1 =	vmov s11;
	s11 =	sadd.s32 s6, s31  }
0xd: {  	v2 =	vimm.s32 $0x0;
	s7 =	sadd.s32 s3, s9;
	v0 =	vmov s12;
	s9 =	simm.s32 $0x40;
	s12 =	simm.s32 $0x0  }
.LBB2_2:
0xe: {  	p0 =	sne.s32 s9, $0x3FC0;
	[tilespmem:s12+$0x3000] =	vst v2;
	s12 =	smov.u32 s9;
	s9 =	sadd.s32 $0x40, s9  }
.Ltmp1:
0xf: {  	(pc) =	sbr.rel @p0 .LBB2_2-.Ltmp1, $2  }
0x10: {  	_ =	sdelay $0x2  }
0x11: {  	s12 =	sshra.s32 s12, $0x2  }
0x12: {  	[tilespmem:s12+$0x3000] =	vst v2;
	s9 =	simm.s32 $0x0;
	s30 =	simm.s32 $0x8020;
	s31 =	simm.s32 $0x1  }
0x13: {  	[tilespmem:s30], [sflag:$0x1] =	stream.linear.gather [hbm4b:s11+s9], $0x2000, $0x38;
	[tilespmem:$0xA050] =	vst v63  }
0x14: {  	_ =	swait.ge [sflag:s31], $0x2000  }
0x15: {  	[sflag:s31] =	ssyncset.done $0x0  }
0x16: {  	s11 =	simm.s32 $0x3000;
	[sflag:s31] =	ssyncadd.s32 $0xFFFFE000  }
.LBB2_4:
0x17: {  	s12 =	sshra.s32 s9, $0x2  }
0x18: {  	v2 =	vld [tilespmem:s12+$0x8020];
	_ =	sdelay $0x4  }
0x19: {  	v2 =	vshrl.u32 v2, $0xC  }
0x1a: {  	v3 =	vbroadcast v2, $0x0;
	_ =	sdelay $0x5  }
0x1b: {  	v4 =	vld.idx.msk [tilespmem:v3+s11+$0x0], $0xffff;
	_ =	sdelay $0x4  }
0x1c: {  	(v2sf) =	vpush v4, $0x0;
	_ =	sdelay $0xc  }
0x1d: {  	v43 =	vbroadcast v2, $0x1;
	_ =	sdelay $0x1  }
0x1e: {  	s15 =	spop (v2sf)  }
0x1f: {  	s12 =	sadd.s32 $0x1, s15  }
0x20: {  	v5 =	vmov s12  }
0x21: {  	[tilespmem:v3+s11+$0x0] =	vst.idx.msk $0x1, v5  }
0x22: {  	v3 =	vld.idx.msk [tilespmem:v43+s11+$0x0], $0xffff;
	_ =	sdelay $0x4  }
0x23: {  	(v2sf) =	vpush v3, $0x0;
	_ =	sdelay $0xc  }
0x24: {  	v3 =	vbroadcast v2, $0x2;
	_ =	sdelay $0x1  }
0x25: {  	s16 =	spop (v2sf)  }
0x26: {  	s12 =	sadd.s32 $0x1, s16  }
0x27: {  	v44 =	vmov s12  }
0x28: {  	[tilespmem:v43+s11+$0x0] =	vst.idx.msk $0x1, v44  }
0x29: {  	v4 =	vld.idx.msk [tilespmem:v3+s11+$0x0], $0xffff;
	_ =	sdelay $0x4  }
0x2a: {  	(v2sf) =	vpush v4, $0x0;
	_ =	sdelay $0xc  }
0x2b: {  	v45 =	vbroadcast v2, $0x3;
	_ =	sdelay $0x1  }
0x2c: {  	s17 =	spop (v2sf)  }
0x2d: {  	s12 =	sadd.s32 $0x1, s17  }
0x2e: {  	v46 =	vmov s12  }
0x2f: {  	[tilespmem:v3+s11+$0x0] =	vst.idx.msk $0x1, v46  }
0x30: {  	v3 =	vld.idx.msk [tilespmem:v45+s11+$0x0], $0xffff;
	_ =	sdelay $0x4  }
0x31: {  	(v2sf) =	vpush v3, $0x0;
	_ =	sdelay $0xc  }
0x32: {  	v3 =	vbroadcast v2, $0x4;
	_ =	sdelay $0x1  }
0x33: {  	s18 =	spop (v2sf)  }
0x34: {  	s12 =	sadd.s32 $0x1, s18  }
0x35: {  	v47 =	vmov s12  }
0x36: {  	[tilespmem:v45+s11+$0x0] =	vst.idx.msk $0x1, v47  }
0x37: {  	v4 =	vld.idx.msk [tilespmem:v3+s11+$0x0], $0xffff;
	_ =	sdelay $0x4  }
0x38: {  	(v2sf) =	vpush v4, $0x0;
	_ =	sdelay $0xc  }
0x39: {  	v48 =	vbroadcast v2, $0x5;
	_ =	sdelay $0x1  }
0x3a: {  	s19 =	spop (v2sf)  }
0x3b: {  	s12 =	sadd.s32 $0x1, s19  }
0x3c: {  	v49 =	vmov s12  }
0x3d: {  	[tilespmem:v3+s11+$0x0] =	vst.idx.msk $0x1, v49  }
0x3e: {  	v3 =	vld.idx.msk [tilespmem:v48+s11+$0x0], $0xffff;
	_ =	sdelay $0x4  }
0x3f: {  	(v2sf) =	vpush v3, $0x0;
	_ =	sdelay $0xc  }
0x40: {  	v3 =	vbroadcast v2, $0x6;
	_ =	sdelay $0x1  }
0x41: {  	s20 =	spop (v2sf)  }
0x42: {  	s12 =	sadd.s32 $0x1, s20  }
0x43: {  	v50 =	vmov s12  }
0x44: {  	[tilespmem:v48+s11+$0x0] =	vst.idx.msk $0x1, v50  }
0x45: {  	v4 =	vld.idx.msk [tilespmem:v3+s11+$0x0], $0xffff;
	_ =	sdelay $0x4  }
0x46: {  	(v2sf) =	vpush v4, $0x0;
	_ =	sdelay $0xc  }
0x47: {  	v51 =	vbroadcast v2, $0x7;
	_ =	sdelay $0x1  }
0x48: {  	s21 =	spop (v2sf)  }
0x49: {  	s12 =	sadd.s32 $0x1, s21  }
0x4a: {  	v52 =	vmov s12  }
0x4b: {  	[tilespmem:v3+s11+$0x0] =	vst.idx.msk $0x1, v52  }
0x4c: {  	v3 =	vld.idx.msk [tilespmem:v51+s11+$0x0], $0xffff;
	_ =	sdelay $0x4  }
0x4d: {  	(v2sf) =	vpush v3, $0x0;
	_ =	sdelay $0xc  }
0x4e: {  	v3 =	vbroadcast v2, $0x8;
	_ =	sdelay $0x1  }
0x4f: {  	s22 =	spop (v2sf)  }
0x50: {  	s12 =	sadd.s32 $0x1, s22  }
0x51: {  	v53 =	vmov s12  }
0x52: {  	[tilespmem:v51+s11+$0x0] =	vst.idx.msk $0x1, v53  }
0x53: {  	v4 =	vld.idx.msk [tilespmem:v3+s11+$0x0], $0xffff;
	_ =	sdelay $0x4  }
0x54: {  	(v2sf) =	vpush v4, $0x0;
	_ =	sdelay $0xc  }
0x55: {  	v54 =	vbroadcast v2, $0x9;
	_ =	sdelay $0x1  }
0x56: {  	s23 =	spop (v2sf)  }
0x57: {  	s12 =	sadd.s32 $0x1, s23  }
0x58: {  	v55 =	vmov s12  }
0x59: {  	[tilespmem:v3+s11+$0x0] =	vst.idx.msk $0x1, v55  }
0x5a: {  	v3 =	vld.idx.msk [tilespmem:v54+s11+$0x0], $0xffff;
	_ =	sdelay $0x4  }
0x5b: {  	(v2sf) =	vpush v3, $0x0;
	_ =	sdelay $0xc  }
0x5c: {  	v3 =	vbroadcast v2, $0xA;
	_ =	sdelay $0x1  }
0x5d: {  	s24 =	spop (v2sf)  }
0x5e: {  	s12 =	sadd.s32 $0x1, s24  }
0x5f: {  	v56 =	vmov s12  }
0x60: {  	[tilespmem:v54+s11+$0x0] =	vst.idx.msk $0x1, v56  }
0x61: {  	v4 =	vld.idx.msk [tilespmem:v3+s11+$0x0], $0xffff;
	_ =	sdelay $0x4  }
0x62: {  	(v2sf) =	vpush v4, $0x0;
	_ =	sdelay $0xc  }
0x63: {  	v57 =	vbroadcast v2, $0xB;
	_ =	sdelay $0x1  }
0x64: {  	s25 =	spop (v2sf)  }
0x65: {  	s12 =	sadd.s32 $0x1, s25  }
0x66: {  	v58 =	vmov s12  }
0x67: {  	[tilespmem:v3+s11+$0x0] =	vst.idx.msk $0x1, v58  }
0x68: {  	v3 =	vld.idx.msk [tilespmem:v57+s11+$0x0], $0xffff;
	_ =	sdelay $0x4  }
0x69: {  	(v2sf) =	vpush v3, $0x0;
	_ =	sdelay $0xc  }
0x6a: {  	v3 =	vbroadcast v2, $0xC;
	_ =	sdelay $0x1  }
0x6b: {  	s26 =	spop (v2sf)  }
0x6c: {  	s12 =	sadd.s32 $0x1, s26  }
0x6d: {  	v59 =	vmov s12  }
0x6e: {  	[tilespmem:v57+s11+$0x0] =	vst.idx.msk $0x1, v59  }
0x6f: {  	v4 =	vld.idx.msk [tilespmem:v3+s11+$0x0], $0xffff;
	_ =	sdelay $0x4  }
0x70: {  	(v2sf) =	vpush v4, $0x0;
	_ =	sdelay $0xc  }
0x71: {  	v60 =	vbroadcast v2, $0xD;
	_ =	sdelay $0x1  }
0x72: {  	s28 =	spop (v2sf)  }
0x73: {  	s12 =	sadd.s32 $0x1, s28  }
0x74: {  	v61 =	vmov s12  }
0x75: {  	[tilespmem:v3+s11+$0x0] =	vst.idx.msk $0x1, v61  }
0x76: {  	v3 =	vld.idx.msk [tilespmem:v60+s11+$0x0], $0xffff;
	_ =	sdelay $0x4  }
0x77: {  	(v2sf) =	vpush v3, $0x0;
	_ =	sdelay $0xc  }
0x78: {  	v3 =	vbroadcast v2, $0xE;
	_ =	sdelay $0x1  }
0x79: {  	s29 =	spop (v2sf)  }
0x7a: {  	s12 =	sadd.s32 $0x1, s29  }
0x7b: {  	v62 =	vmov s12  }
0x7c: {  	[tilespmem:v60+s11+$0x0] =	vst.idx.msk $0x1, v62  }
0x7d: {  	v4 =	vld.idx.msk [tilespmem:v3+s11+$0x0], $0xffff;
	_ =	sdelay $0x4  }
0x7e: {  	(v2sf) =	vpush v4, $0x0;
	_ =	sdelay $0xc  }
0x7f: {  	v2 =	vbroadcast v2, $0xF;
	_ =	sdelay $0x1  }
0x80: {  	s30 =	spop (v2sf)  }
0x81: {  	s12 =	sadd.s32 $0x1, s30  }
0x82: {  	v63 =	vmov s12  }
0x83: {  	[tilespmem:v3+s11+$0x0] =	vst.idx.msk $0x1, v63  }
0x84: {  	v3 =	vld.idx.msk [tilespmem:v2+s11+$0x0], $0xffff;
	_ =	sdelay $0x4  }
0x85: {  	(v2sf) =	vpush v3, $0x0;
	_ =	sdelay $0xc  }
0x86: {  	p0 =	sne.s32 s9, $0x7FC0  }
.Ltmp2:
0x87: {  	_ = 	snop;
	(pc) =	sbr.rel @p0 .LBB2_4-.Ltmp2, $4  }
0x88: {  	s31 =	spop (v2sf)  }
0x89: {  	s12 =	sadd.s32 $0x1, s31  }
0x8a: {  	v3 =	vmov s12  }
0x8b: {  	s9 =	sadd.s32 $0x40, s9;
	[tilespmem:v2+s11+$0x0] =	vst.idx.msk $0x1, v3  }
0x8c: {  	s9 =	simm.s32 $0x0;
	s11 =	simm.s32 $0x3000  }
0x8d: {  	[hbm4b:s10+s9] =	stream.linear.scatter [tilespmem:s11], [sflag:$0x1], $0x1000, $0x38;
	[tilespmem:$0xA050] =	vst v63  }
0x8e: {  	p0 =	sne.s32 s2, $0x0;
	s10 =	simm.s32 $0x1  }
.Ltmp3:
0x8f: {  	_ =	swait.ge [sflag:s10], $0x1000;
	(pc) =	sbr.rel @p0 .LBB2_13-.Ltmp3, $3  }
0x90: {  	[sflag:s10] =	ssyncset.done $0x0  }
0x91: {  	[sflag:s10] =	ssyncadd.s32 $0xFFFFF000  }
0x92: {  	[bflag:$0x0] =	sbarrier.arrive $0xFFFF;
	_ =	sdelay $0x1  }
0x93: {  	s12 =	simm.s32 $0x4000;
	s13 =	simm.s32 $0x1  }
.LBB2_7:
0x94: {  	s14 =	sshll.u32 s10, $0x9  }
0x95: {  	s15 =	simm.s32 $0x0;
	s14 =	sadd.s32 s8, s14  }
0x96: {  	[tilespmem:s12], [sflag:$0x1] =	stream.linear.gather [hbm4b:s14+s15], $0x1000, $0x38;
	[tilespmem:$0xA050] =	vst v63  }
0x97: {  	_ =	swait.ge [sflag:s13], $0x1000  }
0x98: {  	[sflag:s13] =	ssyncset.done $0x0  }
0x99: {  	s14 =	simm.s32 $0x0;
	[sflag:s13] =	ssyncadd.s32 $0xFFFFF000  }
0x9a: {  	s15 =	simm.s32 $0x40;
	v2 =	vld [tilespmem:s14+$0x4000]  }
.LBB2_8:
0x9b: {  	p1 =	sne.s32 s15, $0x3FC0;
	v3 =	vld [tilespmem:s14+$0x3000];
	_ =	sdelay $0x1  }
.Ltmp4:
0x9c: {  	(pc) =	sbr.rel @p1 .LBB2_8-.Ltmp4, $3  }
0x9d: {  	_ =	sdelay $0x1  }
0x9e: {  	s16 =	sshra.s32 s15, $0x2;
	v3 =	vadd.s32 v3, v2  }
0x9f: {  	s15 =	sadd.s32 $0x40, s15;
	v2 =	vld [tilespmem:s16+$0x4000];
	[tilespmem:s14+$0x3000] =	vst v3;
	s14 =	smov.u32 s16  }
0xa0: {  	v3 =	vld [tilespmem:s14+$0x3000];
	s10 =	sadd.s32 $0x1, s10  }
0xa1: {  	p1 =	sne.s32 s10, $0x10  }
.Ltmp5:
0xa2: {  	_ = 	snop;
	(pc) =	sbr.rel @p1 .LBB2_7-.Ltmp5, $3  }
0xa3: {  	_ =	sdelay $0x1  }
0xa4: {  	v2 =	vadd.s32 v3, v2  }
0xa5: {  	[tilespmem:s14+$0x3000] =	vst v2  }
0xa6: {  	s13 =	simm.s32 $0x0  }
0xa7: {  	v2 =	vld [tilespmem:s13+$0x3000];
	_ =	sdelay $0x4  }
0xa8: {  	(xrf0) =	vadd.scan.msk.s32 $0xffff, v2;
	_ =	sdelay $0x5  }
0xa9: {  	v3, _, _ =	vpop (xrf0)  }
0xaa: {  	s8 =	simm.s32 $0x0;
	(v2sf) =	vpush v3, $0xF  }
0xab: {  	v2 =	vsub.s32 s8, v2  }
0xac: {  	v2 =	vadd.s32 v3, v2  }
0xad: {  	s10 =	simm.s32 $0x10;
	s12 =	simm.s32 $0x80;
	[tilespmem:s13+$0x3000] =	vst v2  }
.LBB2_11:
0xae: {  	p1 =	sne.s32 s12, $0x3FC0;
	v2 =	vld [tilespmem:s10+$0x3000];
	_ =	sdelay $0x4  }
0xaf: {  	(xrf0) =	vadd.scan.msk.s32 $0xffff, v2;
	_ =	sdelay $0x5  }
.Ltmp6:
0xb0: {  	v3, _, _ =	vpop (xrf0);
	s13 =	spop (v2sf);
	(pc) =	sbr.rel @p1 .LBB2_11-.Ltmp6, $4  }
0xb1: {  	(v2sf) =	vpush v3, $0xF;
	s8 =	sadd.s32 s8, s13  }
0xb2: {  	v2 =	vsub.s32 s8, v2  }
0xb3: {  	v2 =	vadd.s32 v3, v2  }
0xb4: {  	[tilespmem:s10+$0x3000] =	vst v2;
	s10 =	sshra.s32 s12, $0x2;
	s12 =	sadd.s32 $0x40, s12  }
0xb5: {  	v2 =	vld [tilespmem:s10+$0x3000];
	_ =	sdelay $0x4  }
0xb6: {  	(xrf0) =	vadd.scan.msk.s32 $0xffff, v2;
	_ =	sdelay $0x5  }
0xb7: {  	v3, _, _ =	vpop (xrf0)  }
0xb8: {  	(v2sf) =	vpush v3, $0xF;
	_ =	sdelay $0x8  }
0xb9: {  	s12 =	spop (v2sf)  }
0xba: {  	s8 =	sadd.s32 s8, s12  }
0xbb: {  	v2 =	vsub.s32 s8, v2  }
0xbc: {  	v2 =	vadd.s32 v3, v2  }
0xbd: {  	s29 =	simm.s32 $0x0;
	s30 =	simm.s32 $0x3000;
	[tilespmem:s10+$0x3000] =	vst v2  }
0xbe: {  	[hbm4b:s4+s29] =	stream.linear.scatter [tilespmem:s30], [sflag:$0x1], $0x1000, $0x38;
	[tilespmem:$0xA050] =	vst v63  }
0xbf: {  	s8 =	simm.s32 $0x1;
	s31 =	spop (v2sf)  }
0xc0: {  	_ =	swait.ge [sflag:s8], $0x1000  }
0xc1: {  	[sflag:s8] =	ssyncset.done $0x0  }
0xc2: {  	[sflag:s8] =	ssyncadd.s32 $0xFFFFF000  }
.LBB2_13:
0xc3: {  	[bflag:$0x0] =	sbarrier.arrive $0xFFFF;
	s8 =	simm.s32 $0x1  }
0xc4: {  	[tilespmem:s11], [sflag:$0x1] =	stream.linear.gather [hbm4b:s4+s9], $0x1000, $0x38;
	[tilespmem:$0xA050] =	vst v63  }
0xc5: {  	_ =	swait.ge [sflag:s8], $0x1000  }
0xc6: {  	[sflag:s8] =	ssyncset.done $0x0  }
0xc7: {  	s28 =	simm.s32 $0x0;
	[sflag:s8] =	ssyncadd.s32 $0xFFFFF000  }
0xc8: {  	v3 =	vld [tilespmem:s28+$0x3000]  }
0xc9: {  	s29 =	simm.s32 $0x10  }
0xca: {  	s30 =	simm.s32 $0x20;
	v4 =	vld [tilespmem:s29+$0x3000]  }
0xcb: {  	v5 =	vld [tilespmem:s30+$0x3000];
	_ =	sdelay $0x1  }
0xcc: {  	v2 =	vimm.s32 $0x0;
	vm0 =	vlt.s32 v3, v1  }
0xcd: {  	v3 =	vsel vm0, $0x1, v2  }
0xce: {  	vm13 =	vlt.s32 v4, v1;
	(xrf0) =	vadd.scan.msk.s32 $0xffff, v3  }
0xcf: {  	vm14 =	vlt.s32 v5, v1;
	v3 =	vsel vm13, $0x1, v2  }
0xd0: {  	(xrf0) =	vadd.scan.msk.s32 $0xffff, v3;
	v3 =	vsel vm14, $0x1, v2  }
0xd1: {  	s31 =	simm.s32 $0x30;
	(xrf0) =	vadd.scan.msk.s32 $0xffff, v3  }
0xd2: {  	v4 =	vld [tilespmem:s31+$0x3000];
	_ =	sdelay $0x1  }
0xd3: {  	v3, _, _ =	vpop (xrf0)  }
0xd4: {  	(v2sf) =	vpush v3, $0xF  }
0xd5: {  	v3, _, _ =	vpop (xrf0)  }
0xd6: {  	vm15 =	vlt.s32 v4, v1;
	(v2sf) =	vpush v3, $0xF;
	v4, _, _ =	vpop (xrf0)  }
0xd7: {  	(v2sf) =	vpush v4, $0xF;
	_ =	sdelay $0x5  }
0xd8: {  	s10 =	simm.s32 $0x40;
	v3 =	vsel vm15, $0x1, v2  }
0xd9: {  	(xrf0) =	vadd.scan.msk.s32 $0xffff, v3;
	v3 =	vld [tilespmem:s10+$0x3000];
	_ =	sdelay $0x1  }
0xda: {  	s8 =	simm.s32 $0x140  }
.LBB2_14:
0xdb: {  	p1 =	sne.s32 s8, $0x3FC0  }
.Ltmp7:
0xdc: {  	s10 =	sshra.s32 s8, $0x2;
	(pc) =	sbr.rel @p1 .LBB2_14-.Ltmp7, $4  }
0xdd: {  	s8 =	sadd.s32 $0x40, s8;
	s11 =	spop (v2sf);
	vm0 =	vlt.s32 v3, v1  }
0xde: {  	s9 =	sadd.s32 s9, s11;
	v3 =	vld [tilespmem:s10+$0x3000];
	v5 =	vsel vm0, $0x1, v2  }
0xdf: {  	(xrf0) =	vadd.scan.msk.s32 $0xffff, v5;
	v4, _, _ =	vpop (xrf0)  }
0xe0: {  	(v2sf) =	vpush v4, $0xF  }
0xe1: {  	_ =	sdelay $0x1  }
0xe2: {  	vm0 =	vlt.s32 v3, v1  }
0xe3: {  	v1 =	vsel vm0, $0x1, v2  }
0xe4: {  	(xrf0) =	vadd.scan.msk.s32 $0xffff, v1  }
0xe5: {  	s8 =	simm.s32 $0x0  }
0xe6: {  	v2 =	vld [tilespmem:s8+$0x3000]  }
0xe7: {  	s24 =	simm.s32 $0x10  }
0xe8: {  	s25 =	simm.s32 $0x20;
	v3 =	vld [tilespmem:s24+$0x3000]  }
0xe9: {  	v4 =	vld [tilespmem:s25+$0x3000];
	v1, _, _ =	vpop (xrf0)  }
0xea: {  	(v2sf) =	vpush v1, $0xF;
	v1, _, _ =	vpop (xrf0)  }
0xeb: {  	vm12 =	vlt.s32 v2, v0;
	(v2sf) =	vpush v1, $0xF;
	v1 =	vimm.s32 $0x0  }
0xec: {  	v2 =	vsel vm12, $0x1, v1  }
0xed: {  	vm13 =	vlt.s32 v3, v0;
	(xrf0) =	vadd.scan.msk.s32 $0xffff, v2  }
0xee: {  	vm14 =	vlt.s32 v4, v0;
	v2 =	vsel vm13, $0x1, v1  }
0xef: {  	(xrf0) =	vadd.scan.msk.s32 $0xffff, v2;
	v2 =	vsel vm14, $0x1, v1  }
0xf0: {  	s26 =	simm.s32 $0x30;
	(xrf0) =	vadd.scan.msk.s32 $0xffff, v2  }
0xf1: {  	v3 =	vld [tilespmem:s26+$0x3000];
	_ =	sdelay $0x1  }
0xf2: {  	v2, _, _ =	vpop (xrf0)  }
0xf3: {  	s28 =	spop (v2sf);
	(v2sf) =	vpush v2, $0xF  }
0xf4: {  	v2, _, _ =	vpop (xrf0)  }
0xf5: {  	s10 =	spop (v2sf);
	vm15 =	vlt.s32 v3, v0;
	(v2sf) =	vpush v2, $0xF;
	v3, _, _ =	vpop (xrf0)  }
0xf6: {  	s29 =	spop (v2sf);
	(v2sf) =	vpush v3, $0xF;
	_ =	sdelay $0x4  }
0xf7: {  	s8 =	sadd.s32 s9, s28  }
0xf8: {  	s11 =	simm.s32 $0x40;
	s8 =	sadd.s32 s8, s10;
	v2 =	vsel vm15, $0x1, v1  }
0xf9: {  	s8 =	sadd.s32 s8, s29;
	s30 =	spop (v2sf);
	(xrf0) =	vadd.scan.msk.s32 $0xffff, v2;
	v2 =	vld [tilespmem:s11+$0x3000]  }
0xfa: {  	s8 =	sadd.s32 s8, s30;
	s31 =	spop (v2sf)  }
0xfb: {  	s9 =	simm.s32 $0x0;
	s10 =	simm.s32 $0x140;
	s8 =	sadd.s32 s8, s31  }
.LBB2_16:
0xfc: {  	p1 =	sne.s32 s10, $0x3FC0  }
.Ltmp8:
0xfd: {  	s11 =	sshra.s32 s10, $0x2;
	(pc) =	sbr.rel @p1 .LBB2_16-.Ltmp8, $4  }
0xfe: {  	s10 =	sadd.s32 $0x40, s10;
	s12 =	spop (v2sf);
	vm0 =	vlt.s32 v2, v0  }
0xff: {  	s9 =	sadd.s32 s9, s12;
	v2 =	vld [tilespmem:s11+$0x3000];
	v4 =	vsel vm0, $0x1, v1  }
0x100: {  	(xrf0) =	vadd.scan.msk.s32 $0xffff, v4;
	v3, _, _ =	vpop (xrf0)  }
0x101: {  	(v2sf) =	vpush v3, $0xF  }
0x102: {  	p1 =	slt.s32 s8, $0xFFF;
	s10 =	smov.u32 s8  }
0x103: {  	s10 =	simm.s32 @!p1 $0xFFF  }
0x104: {  	vm0 =	vlt.s32 v2, v0;
	v0 =	vmov s10  }
0x105: {  	v1 =	vsel vm0, $0x1, v1  }
0x106: {  	(xrf0) =	vadd.scan.msk.s32 $0xffff, v1;
	_ =	sdelay $0x1  }
0x107: {  	s28 =	simm.s32 $0x3000  }
0x108: {  	v0 =	vld.idx.msk [tilespmem:v0+s28+$0x0], $0xffff;
	_ =	sdelay $0x1  }
0x109: {  	v1, _, _ =	vpop (xrf0)  }
0x10a: {  	(v2sf) =	vpush v1, $0xF;
	v1, _, _ =	vpop (xrf0)  }
0x10b: {  	(v2sf) =	vpush v1, $0xF  }
0x10c: {  	(v2sf) =	vpush v0, $0x0;
	_ =	sdelay $0x9  }
0x10d: {  	s29 =	spop (v2sf)  }
0x10e: {  	s11 =	spop (v2sf);
	s9 =	sadd.s32 s9, s29  }
.Ltmp9:
0x10f: {  	s9 =	sadd.s32 s9, s11;
	s12 =	spop (v2sf);
	(pc) =	sbr.rel .LBB2_18-.Ltmp9, $4  }
0x110: {  	s13 =	simm.s32 $0x1;
	s9 =	sadd.s32 s9, s12;
	s30 =	spop (v2sf)  }
0x111: {  	s14 =	simm.s32 $0x0;
	s10 =	sadd.s32 s9, s30;
	s31 =	spop (v2sf)  }
0x112: {  	p1 =	slt.s32 s8, $0x1000;
	s9 =	spop (v2sf);
	s10 =	sadd.s32 s10, s31  }
0x113: {  	s11 =	simm.s32 $0x0;
	v0 =	vmov s8;
	s12 =	simm.s32 $0x8020;
	s9 =	simm.s32 @!p1 $0x20000;
	v1 =	vmov s10  }
.LBB2_22:
0x114: {  	s14 =	sadd.s32 $0x1, s14  }
0x115: {  	p1 =	sne.s32 s14, $0x10  }
.Ltmp10:
0x116: {  	_ = 	snop;
	(pc) =	sbr.rel @!p1 .LBB2_23-.Ltmp10, $1  }
0x117: {  	_ =	sdelay $0x3  }
.LBB2_18:
0x118: {  	s15 =	sshll.u32 s14, $0xA  }
.Ltmp11:
0x119: {  	s15 =	sadd.s32 s6, s15;
	(pc) =	sbr.rel .LBB2_19-.Ltmp11, $4  }
0x11a: {  	[tilespmem:s12], [sflag:$0x1] =	stream.linear.gather [hbm4b:s15+s11], $0x2000, $0x38;
	[tilespmem:$0xA050] =	vst v63  }
0x11b: {  	_ =	swait.ge [sflag:s13], $0x2000  }
0x11c: {  	[sflag:s13] =	ssyncset.done $0x0  }
0x11d: {  	s15 =	simm.s32 $0x0;
	[sflag:s13] =	ssyncadd.s32 $0xFFFFE000  }
.LBB2_21:
0x11e: {  	s15 =	sadd.s32 $0x40, s15  }
0x11f: {  	p1 =	sne.s32 s15, $0x8000  }
.Ltmp12:
0x120: {  	_ = 	snop;
	(pc) =	sbr.rel @!p1 .LBB2_22-.Ltmp12, $1  }
0x121: {  	_ =	sdelay $0x3  }
.LBB2_19:
0x122: {  	s16 =	sshra.s32 s15, $0x2  }
0x123: {  	v2 =	vld [tilespmem:s16+$0x8020];
	_ =	sdelay $0x4  }
0x124: {  	v3 =	vshrl.u32 v2, $0xC  }
0x125: {  	vm0 =	vge.s32 v3, v0;
	vm1 =	vlt.s32 v3, v1  }
0x126: {  	vm0 =	vmand vm0, vm1  }
0x127: {  	v4 =	vmpcnt.ones.xlane vm0;
	_ =	sdelay $0x1  }
0x128: {  	(v2sf) =	vpush v4, $0x0;
	_ =	sdelay $0xe  }
0x129: {  	s31 =	spop (v2sf)  }
0x12a: {  	p1 =	slt.s32 s31, $0x1  }
.Ltmp13:
0x12b: {  	_ = 	snop;
	(pc) =	sbr.rel @p1 .LBB2_21-.Ltmp13, $1  }
0x12c: {  	_ =	sdelay $0x3  }
0x12d: {  	(v2sf) =	vpush v3, $0x0;
	_ =	sdelay $0xe  }
0x12e: {  	s16 =	spop (v2sf)  }
0x12f: {  	p1 =	slt.s32 s16, s8  }
0x130: {  	p2 =	sge.s32 @!p1 s16, s10  }
0x131: {  	p1 =	por p2, p1  }
0x132: {  	v4 =	vbroadcast @!p1 v3, $0x0;
	_ =	sdelay $0x4  }
0x133: {  	s16 =	simm.s32 @!p1 $0x3000  }
0x134: {  	v5 =	vld.idx.msk @!p1 [tilespmem:v4+s16+$0x0], $0xffff;
	_ =	sdelay $0x4  }
0x135: {  	(v2sf) =	vpush @!p1 v5, $0x0  }
0x136: {  	(v2sf) =	vpush v3, $0x1;
	_ =	sdelay $0xd  }
0x137: {  	s17 =	spop @!p1 (v2sf)  }
0x138: {  	s18 =	spop (v2sf)  }
0x139: {  	p2 =	slt.s32 s18, s8  }
0x13a: {  	p3 =	sge.s32 @!p2 s18, s10  }
0x13b: {  	s18 =	ssub.s32 @!p1 s17, s9;
	p2 =	por p3, p2  }
0x13c: {  	v5 =	vmov @!p1 s18;
	v6 =	vbroadcast @!p2 v3, $0x1;
	_ =	sdelay $0x1  }
0x13d: {  	s17 =	sadd.s32 @!p1 $0x1, s17  }
0x13e: {  	v8 =	vbroadcast @!p1 v2, $0x0;
	v7 =	vmov @!p1 s17  }
0x13f: {  	[tilespmem:v4+s16+$0x0] =	vst.idx.msk @!p1 $0x1, v7;
	s16 =	simm.s32 @!p1 $0x5000  }
0x140: {  	[tilespmem:v5+s16+$0x0] =	vst.idx.msk @!p1 $0x1, v8;
	s16 =	simm.s32 @!p2 $0x3000  }
0x141: {  	v4 =	vld.idx.msk @!p2 [tilespmem:v6+s16+$0x0], $0xffff;
	_ =	sdelay $0x4  }
0x142: {  	(v2sf) =	vpush @!p2 v4, $0x0  }
0x143: {  	(v2sf) =	vpush v3, $0x2;
	_ =	sdelay $0xd  }
0x144: {  	s17 =	spop @!p2 (v2sf)  }
0x145: {  	s18 =	spop (v2sf)  }
0x146: {  	p1 =	slt.s32 s18, s8  }
0x147: {  	p3 =	sge.s32 @!p1 s18, s10  }
0x148: {  	s18 =	ssub.s32 @!p2 s17, s9;
	p1 =	por p3, p1  }
0x149: {  	v4 =	vmov @!p2 s18;
	v5 =	vbroadcast @!p1 v3, $0x2;
	_ =	sdelay $0x1  }
0x14a: {  	s17 =	sadd.s32 @!p2 $0x1, s17  }
0x14b: {  	v8 =	vbroadcast @!p2 v2, $0x1;
	v7 =	vmov @!p2 s17  }
0x14c: {  	[tilespmem:v6+s16+$0x0] =	vst.idx.msk @!p2 $0x1, v7;
	s16 =	simm.s32 @!p2 $0x5000  }
0x14d: {  	[tilespmem:v4+s16+$0x0] =	vst.idx.msk @!p2 $0x1, v8;
	s16 =	simm.s32 @!p1 $0x3000  }
0x14e: {  	v4 =	vld.idx.msk @!p1 [tilespmem:v5+s16+$0x0], $0xffff;
	_ =	sdelay $0x4  }
0x14f: {  	(v2sf) =	vpush @!p1 v4, $0x0  }
0x150: {  	(v2sf) =	vpush v3, $0x3;
	_ =	sdelay $0xd  }
0x151: {  	s17 =	spop @!p1 (v2sf)  }
0x152: {  	s18 =	spop (v2sf)  }
0x153: {  	p2 =	slt.s32 s18, s8  }
0x154: {  	p3 =	sge.s32 @!p2 s18, s10  }
0x155: {  	s18 =	ssub.s32 @!p1 s17, s9;
	p2 =	por p3, p2  }
0x156: {  	v4 =	vmov @!p1 s18;
	v6 =	vbroadcast @!p2 v3, $0x3;
	_ =	sdelay $0x1  }
0x157: {  	s17 =	sadd.s32 @!p1 $0x1, s17  }
0x158: {  	v8 =	vbroadcast @!p1 v2, $0x2;
	v7 =	vmov @!p1 s17  }
0x159: {  	[tilespmem:v5+s16+$0x0] =	vst.idx.msk @!p1 $0x1, v7;
	s16 =	simm.s32 @!p1 $0x5000  }
0x15a: {  	[tilespmem:v4+s16+$0x0] =	vst.idx.msk @!p1 $0x1, v8;
	s16 =	simm.s32 @!p2 $0x3000  }
0x15b: {  	v4 =	vld.idx.msk @!p2 [tilespmem:v6+s16+$0x0], $0xffff;
	_ =	sdelay $0x4  }
0x15c: {  	(v2sf) =	vpush @!p2 v4, $0x0  }
0x15d: {  	(v2sf) =	vpush v3, $0x4;
	_ =	sdelay $0xd  }
0x15e: {  	s17 =	spop @!p2 (v2sf)  }
0x15f: {  	s18 =	spop (v2sf)  }
0x160: {  	p1 =	slt.s32 s18, s8  }
0x161: {  	p3 =	sge.s32 @!p1 s18, s10  }
0x162: {  	s18 =	ssub.s32 @!p2 s17, s9;
	p1 =	por p3, p1  }
0x163: {  	v4 =	vmov @!p2 s18;
	v5 =	vbroadcast @!p1 v3, $0x4;
	_ =	sdelay $0x1  }
0x164: {  	s17 =	sadd.s32 @!p2 $0x1, s17  }
0x165: {  	v8 =	vbroadcast @!p2 v2, $0x3;
	v7 =	vmov @!p2 s17  }
0x166: {  	[tilespmem:v6+s16+$0x0] =	vst.idx.msk @!p2 $0x1, v7;
	s16 =	simm.s32 @!p2 $0x5000  }
0x167: {  	[tilespmem:v4+s16+$0x0] =	vst.idx.msk @!p2 $0x1, v8;
	s16 =	simm.s32 @!p1 $0x3000  }
0x168: {  	v4 =	vld.idx.msk @!p1 [tilespmem:v5+s16+$0x0], $0xffff;
	_ =	sdelay $0x4  }
0x169: {  	(v2sf) =	vpush @!p1 v4, $0x0  }
0x16a: {  	(v2sf) =	vpush v3, $0x5;
	_ =	sdelay $0xd  }
0x16b: {  	s17 =	spop @!p1 (v2sf)  }
0x16c: {  	s18 =	spop (v2sf)  }
0x16d: {  	p2 =	slt.s32 s18, s8  }
0x16e: {  	p3 =	sge.s32 @!p2 s18, s10  }
0x16f: {  	s18 =	ssub.s32 @!p1 s17, s9;
	p2 =	por p3, p2  }
0x170: {  	v4 =	vmov @!p1 s18;
	v6 =	vbroadcast @!p2 v3, $0x5;
	_ =	sdelay $0x1  }
0x171: {  	s17 =	sadd.s32 @!p1 $0x1, s17  }
0x172: {  	v8 =	vbroadcast @!p1 v2, $0x4;
	v7 =	vmov @!p1 s17  }
0x173: {  	[tilespmem:v5+s16+$0x0] =	vst.idx.msk @!p1 $0x1, v7;
	s16 =	simm.s32 @!p1 $0x5000  }
0x174: {  	[tilespmem:v4+s16+$0x0] =	vst.idx.msk @!p1 $0x1, v8;
	s16 =	simm.s32 @!p2 $0x3000  }
0x175: {  	v4 =	vld.idx.msk @!p2 [tilespmem:v6+s16+$0x0], $0xffff;
	_ =	sdelay $0x4  }
0x176: {  	(v2sf) =	vpush @!p2 v4, $0x0  }
0x177: {  	(v2sf) =	vpush v3, $0x6;
	_ =	sdelay $0xd  }
0x178: {  	s17 =	spop @!p2 (v2sf)  }
0x179: {  	s18 =	spop (v2sf)  }
0x17a: {  	p1 =	slt.s32 s18, s8  }
0x17b: {  	p3 =	sge.s32 @!p1 s18, s10  }
0x17c: {  	s18 =	ssub.s32 @!p2 s17, s9;
	p1 =	por p3, p1  }
0x17d: {  	v4 =	vmov @!p2 s18;
	v5 =	vbroadcast @!p1 v3, $0x6;
	_ =	sdelay $0x1  }
0x17e: {  	s17 =	sadd.s32 @!p2 $0x1, s17  }
0x17f: {  	v8 =	vbroadcast @!p2 v2, $0x5;
	v7 =	vmov @!p2 s17  }
0x180: {  	[tilespmem:v6+s16+$0x0] =	vst.idx.msk @!p2 $0x1, v7;
	s16 =	simm.s32 @!p2 $0x5000  }
0x181: {  	[tilespmem:v4+s16+$0x0] =	vst.idx.msk @!p2 $0x1, v8;
	s16 =	simm.s32 @!p1 $0x3000  }
0x182: {  	v4 =	vld.idx.msk @!p1 [tilespmem:v5+s16+$0x0], $0xffff;
	_ =	sdelay $0x4  }
0x183: {  	(v2sf) =	vpush @!p1 v4, $0x0  }
0x184: {  	(v2sf) =	vpush v3, $0x7;
	_ =	sdelay $0xd  }
0x185: {  	s17 =	spop @!p1 (v2sf)  }
0x186: {  	s18 =	spop (v2sf)  }
0x187: {  	p2 =	slt.s32 s18, s8  }
0x188: {  	p3 =	sge.s32 @!p2 s18, s10  }
0x189: {  	s18 =	ssub.s32 @!p1 s17, s9;
	p2 =	por p3, p2  }
0x18a: {  	v4 =	vmov @!p1 s18;
	v6 =	vbroadcast @!p2 v3, $0x7;
	_ =	sdelay $0x1  }
0x18b: {  	s17 =	sadd.s32 @!p1 $0x1, s17  }
0x18c: {  	v8 =	vbroadcast @!p1 v2, $0x6;
	v7 =	vmov @!p1 s17  }
0x18d: {  	[tilespmem:v5+s16+$0x0] =	vst.idx.msk @!p1 $0x1, v7;
	s16 =	simm.s32 @!p1 $0x5000  }
0x18e: {  	[tilespmem:v4+s16+$0x0] =	vst.idx.msk @!p1 $0x1, v8;
	s16 =	simm.s32 @!p2 $0x3000  }
0x18f: {  	v4 =	vld.idx.msk @!p2 [tilespmem:v6+s16+$0x0], $0xffff;
	_ =	sdelay $0x4  }
0x190: {  	(v2sf) =	vpush @!p2 v4, $0x0  }
0x191: {  	(v2sf) =	vpush v3, $0x8;
	_ =	sdelay $0xd  }
0x192: {  	s17 =	spop @!p2 (v2sf)  }
0x193: {  	s18 =	spop (v2sf)  }
0x194: {  	p1 =	slt.s32 s18, s8  }
0x195: {  	p3 =	sge.s32 @!p1 s18, s10  }
0x196: {  	s18 =	ssub.s32 @!p2 s17, s9;
	p1 =	por p3, p1  }
0x197: {  	v4 =	vmov @!p2 s18;
	v5 =	vbroadcast @!p1 v3, $0x8;
	_ =	sdelay $0x1  }
0x198: {  	s17 =	sadd.s32 @!p2 $0x1, s17  }
0x199: {  	v8 =	vbroadcast @!p2 v2, $0x7;
	v7 =	vmov @!p2 s17  }
0x19a: {  	[tilespmem:v6+s16+$0x0] =	vst.idx.msk @!p2 $0x1, v7;
	s16 =	simm.s32 @!p2 $0x5000  }
0x19b: {  	[tilespmem:v4+s16+$0x0] =	vst.idx.msk @!p2 $0x1, v8;
	s16 =	simm.s32 @!p1 $0x3000  }
0x19c: {  	v4 =	vld.idx.msk @!p1 [tilespmem:v5+s16+$0x0], $0xffff;
	_ =	sdelay $0x4  }
0x19d: {  	(v2sf) =	vpush @!p1 v4, $0x0  }
0x19e: {  	(v2sf) =	vpush v3, $0x9;
	_ =	sdelay $0xd  }
0x19f: {  	s17 =	spop @!p1 (v2sf)  }
0x1a0: {  	s18 =	spop (v2sf)  }
0x1a1: {  	p2 =	slt.s32 s18, s8  }
0x1a2: {  	p3 =	sge.s32 @!p2 s18, s10  }
0x1a3: {  	s18 =	ssub.s32 @!p1 s17, s9;
	p2 =	por p3, p2  }
0x1a4: {  	v4 =	vmov @!p1 s18;
	v6 =	vbroadcast @!p2 v3, $0x9;
	_ =	sdelay $0x1  }
0x1a5: {  	s17 =	sadd.s32 @!p1 $0x1, s17  }
0x1a6: {  	v8 =	vbroadcast @!p1 v2, $0x8;
	v7 =	vmov @!p1 s17  }
0x1a7: {  	[tilespmem:v5+s16+$0x0] =	vst.idx.msk @!p1 $0x1, v7;
	s16 =	simm.s32 @!p1 $0x5000  }
0x1a8: {  	[tilespmem:v4+s16+$0x0] =	vst.idx.msk @!p1 $0x1, v8;
	s16 =	simm.s32 @!p2 $0x3000  }
0x1a9: {  	v4 =	vld.idx.msk @!p2 [tilespmem:v6+s16+$0x0], $0xffff;
	_ =	sdelay $0x4  }
0x1aa: {  	(v2sf) =	vpush @!p2 v4, $0x0  }
0x1ab: {  	(v2sf) =	vpush v3, $0xA;
	_ =	sdelay $0xd  }
0x1ac: {  	s17 =	spop @!p2 (v2sf)  }
0x1ad: {  	s18 =	spop (v2sf)  }
0x1ae: {  	p1 =	slt.s32 s18, s8  }
0x1af: {  	p3 =	sge.s32 @!p1 s18, s10  }
0x1b0: {  	s18 =	ssub.s32 @!p2 s17, s9;
	p1 =	por p3, p1  }
0x1b1: {  	v4 =	vmov @!p2 s18;
	v5 =	vbroadcast @!p1 v3, $0xA;
	_ =	sdelay $0x1  }
0x1b2: {  	s17 =	sadd.s32 @!p2 $0x1, s17  }
0x1b3: {  	v8 =	vbroadcast @!p2 v2, $0x9;
	v7 =	vmov @!p2 s17  }
0x1b4: {  	[tilespmem:v6+s16+$0x0] =	vst.idx.msk @!p2 $0x1, v7;
	s16 =	simm.s32 @!p2 $0x5000  }
0x1b5: {  	[tilespmem:v4+s16+$0x0] =	vst.idx.msk @!p2 $0x1, v8;
	s16 =	simm.s32 @!p1 $0x3000  }
0x1b6: {  	v4 =	vld.idx.msk @!p1 [tilespmem:v5+s16+$0x0], $0xffff;
	_ =	sdelay $0x4  }
0x1b7: {  	(v2sf) =	vpush @!p1 v4, $0x0  }
0x1b8: {  	(v2sf) =	vpush v3, $0xB;
	_ =	sdelay $0xd  }
0x1b9: {  	s17 =	spop @!p1 (v2sf)  }
0x1ba: {  	s18 =	spop (v2sf)  }
0x1bb: {  	p2 =	slt.s32 s18, s8  }
0x1bc: {  	p3 =	sge.s32 @!p2 s18, s10  }
0x1bd: {  	s18 =	ssub.s32 @!p1 s17, s9;
	p2 =	por p3, p2  }
0x1be: {  	v4 =	vmov @!p1 s18;
	v6 =	vbroadcast @!p2 v3, $0xB;
	_ =	sdelay $0x1  }
0x1bf: {  	s17 =	sadd.s32 @!p1 $0x1, s17  }
0x1c0: {  	v8 =	vbroadcast @!p1 v2, $0xA;
	v7 =	vmov @!p1 s17  }
0x1c1: {  	[tilespmem:v5+s16+$0x0] =	vst.idx.msk @!p1 $0x1, v7;
	s16 =	simm.s32 @!p1 $0x5000  }
0x1c2: {  	[tilespmem:v4+s16+$0x0] =	vst.idx.msk @!p1 $0x1, v8;
	s16 =	simm.s32 @!p2 $0x3000  }
0x1c3: {  	v4 =	vld.idx.msk @!p2 [tilespmem:v6+s16+$0x0], $0xffff;
	_ =	sdelay $0x4  }
0x1c4: {  	(v2sf) =	vpush @!p2 v4, $0x0  }
0x1c5: {  	(v2sf) =	vpush v3, $0xC;
	_ =	sdelay $0xd  }
0x1c6: {  	s17 =	spop @!p2 (v2sf)  }
0x1c7: {  	s18 =	spop (v2sf)  }
0x1c8: {  	p1 =	slt.s32 s18, s8  }
0x1c9: {  	p3 =	sge.s32 @!p1 s18, s10  }
0x1ca: {  	s18 =	ssub.s32 @!p2 s17, s9;
	p1 =	por p3, p1  }
0x1cb: {  	v4 =	vmov @!p2 s18;
	v5 =	vbroadcast @!p1 v3, $0xC;
	_ =	sdelay $0x1  }
0x1cc: {  	s17 =	sadd.s32 @!p2 $0x1, s17  }
0x1cd: {  	v8 =	vbroadcast @!p2 v2, $0xB;
	v7 =	vmov @!p2 s17  }
0x1ce: {  	[tilespmem:v6+s16+$0x0] =	vst.idx.msk @!p2 $0x1, v7;
	s16 =	simm.s32 @!p2 $0x5000  }
0x1cf: {  	[tilespmem:v4+s16+$0x0] =	vst.idx.msk @!p2 $0x1, v8;
	s16 =	simm.s32 @!p1 $0x3000  }
0x1d0: {  	v4 =	vld.idx.msk @!p1 [tilespmem:v5+s16+$0x0], $0xffff;
	_ =	sdelay $0x4  }
0x1d1: {  	(v2sf) =	vpush @!p1 v4, $0x0  }
0x1d2: {  	(v2sf) =	vpush v3, $0xD;
	_ =	sdelay $0xd  }
0x1d3: {  	s17 =	spop @!p1 (v2sf)  }
0x1d4: {  	s18 =	spop (v2sf)  }
0x1d5: {  	p2 =	slt.s32 s18, s8  }
0x1d6: {  	p3 =	sge.s32 @!p2 s18, s10  }
0x1d7: {  	s18 =	ssub.s32 @!p1 s17, s9;
	p2 =	por p3, p2  }
0x1d8: {  	v4 =	vmov @!p1 s18;
	v6 =	vbroadcast @!p2 v3, $0xD;
	_ =	sdelay $0x1  }
0x1d9: {  	s17 =	sadd.s32 @!p1 $0x1, s17  }
0x1da: {  	v8 =	vbroadcast @!p1 v2, $0xC;
	v7 =	vmov @!p1 s17  }
0x1db: {  	[tilespmem:v5+s16+$0x0] =	vst.idx.msk @!p1 $0x1, v7;
	s16 =	simm.s32 @!p1 $0x5000  }
0x1dc: {  	[tilespmem:v4+s16+$0x0] =	vst.idx.msk @!p1 $0x1, v8;
	s16 =	simm.s32 @!p2 $0x3000  }
0x1dd: {  	v4 =	vld.idx.msk @!p2 [tilespmem:v6+s16+$0x0], $0xffff;
	_ =	sdelay $0x4  }
0x1de: {  	(v2sf) =	vpush @!p2 v4, $0x0  }
0x1df: {  	(v2sf) =	vpush v3, $0xE;
	_ =	sdelay $0xd  }
0x1e0: {  	s17 =	spop @!p2 (v2sf)  }
0x1e1: {  	s18 =	spop (v2sf)  }
0x1e2: {  	p1 =	slt.s32 s18, s8  }
0x1e3: {  	p3 =	sge.s32 @!p1 s18, s10  }
0x1e4: {  	s18 =	ssub.s32 @!p2 s17, s9;
	p1 =	por p3, p1  }
0x1e5: {  	v4 =	vmov @!p2 s18;
	v5 =	vbroadcast @!p1 v3, $0xE;
	_ =	sdelay $0x1  }
0x1e6: {  	s17 =	sadd.s32 @!p2 $0x1, s17  }
0x1e7: {  	v8 =	vbroadcast @!p2 v2, $0xD;
	v7 =	vmov @!p2 s17  }
0x1e8: {  	[tilespmem:v6+s16+$0x0] =	vst.idx.msk @!p2 $0x1, v7;
	s16 =	simm.s32 @!p2 $0x5000  }
0x1e9: {  	[tilespmem:v4+s16+$0x0] =	vst.idx.msk @!p2 $0x1, v8;
	s16 =	simm.s32 @!p1 $0x3000  }
0x1ea: {  	v4 =	vld.idx.msk @!p1 [tilespmem:v5+s16+$0x0], $0xffff;
	_ =	sdelay $0x4  }
0x1eb: {  	(v2sf) =	vpush @!p1 v4, $0x0  }
0x1ec: {  	(v2sf) =	vpush v3, $0xF;
	_ =	sdelay $0xd  }
0x1ed: {  	s17 =	spop @!p1 (v2sf)  }
0x1ee: {  	s18 =	spop (v2sf)  }
0x1ef: {  	p2 =	slt.s32 s18, s8  }
0x1f0: {  	p3 =	sge.s32 @!p2 s18, s10  }
0x1f1: {  	s18 =	ssub.s32 @!p1 s17, s9;
	p2 =	por p3, p2  }
0x1f2: {  	v4 =	vmov @!p1 s18;
	v3 =	vbroadcast @!p2 v3, $0xF;
	_ =	sdelay $0x1  }
0x1f3: {  	s17 =	sadd.s32 @!p1 $0x1, s17  }
0x1f4: {  	v7 =	vbroadcast @!p1 v2, $0xE;
	v6 =	vmov @!p1 s17  }
0x1f5: {  	[tilespmem:v5+s16+$0x0] =	vst.idx.msk @!p1 $0x1, v6;
	s16 =	simm.s32 @!p1 $0x5000  }
0x1f6: {  	[tilespmem:v4+s16+$0x0] =	vst.idx.msk @!p1 $0x1, v7;
	s16 =	simm.s32 @!p2 $0x3000  }
0x1f7: {  	v4 =	vld.idx.msk @!p2 [tilespmem:v3+s16+$0x0], $0xffff;
	_ =	sdelay $0x4  }
0x1f8: {  	(v2sf) =	vpush @!p2 v4, $0x0;
	_ =	sdelay $0xe  }
0x1f9: {  	s17 =	spop @!p2 (v2sf)  }
0x1fa: {  	s18 =	ssub.s32 @!p2 s17, s9  }
0x1fb: {  	v4 =	vmov @!p2 s18  }
.Ltmp14:
0x1fc: {  	_ = 	snop;
	(pc) =	sbr.rel .LBB2_21-.Ltmp14, $4  }
0x1fd: {  	s17 =	sadd.s32 @!p2 $0x1, s17  }
0x1fe: {  	v2 =	vbroadcast @!p2 v2, $0xF;
	v5 =	vmov @!p2 s17  }
0x1ff: {  	[tilespmem:v3+s16+$0x0] =	vst.idx.msk @!p2 $0x1, v5;
	s16 =	simm.s32 @!p2 $0x5000  }
0x200: {  	[tilespmem:v4+s16+$0x0] =	vst.idx.msk @!p2 $0x1, v2  }
.LBB2_23:
0x201: {  	s6 =	simm.s32 $0x0;
	s8 =	simm.s32 $0x5000  }
0x202: {  	[hbm4b:s7+s6] =	stream.linear.scatter [tilespmem:s8], [sflag:$0x1], $0x3020, $0x38;
	[tilespmem:$0xA050] =	vst v63  }
0x203: {  	s7 =	simm.s32 $0x1  }
.Ltmp15:
0x204: {  	_ =	swait.ge [sflag:s7], $0x3020;
	(pc) =	sbr.rel @p0 .LBB2_77-.Ltmp15, $3  }
0x205: {  	[sflag:s7] =	ssyncset.done $0x0  }
0x206: {  	[sflag:s7] =	ssyncadd.s32 $0xFFFFCFE0  }
0x207: {  	[bflag:$0x0] =	sbarrier.arrive $0xFFFF;
	_ =	sdelay $0x1  }
0x208: {  	[tilespmem:s6], [sflag:$0x1] =	stream.linear.gather [hbm4b:s5+s6], $0x1000, $0x38;
	[tilespmem:$0xA050] =	vst v63  }
0x209: {  	_ =	swait.ge [sflag:s7], $0x1000  }
0x20a: {  	[sflag:s7] =	ssyncset.done $0x0  }
0x20b: {  	s31 =	simm.s32 $0x3000;
	[sflag:s7] =	ssyncadd.s32 $0xFFFFF000  }
0x20c: {  	[tilespmem:s31], [sflag:$0x1] =	stream.linear.gather [hbm4b:s4+s6], $0x1000, $0x38;
	[tilespmem:$0xA050] =	vst v63  }
0x20d: {  	_ =	swait.ge [sflag:s7], $0x1000  }
0x20e: {  	[sflag:s7] =	ssyncset.done $0x0  }
0x20f: {  	s5 =	simm.s32 $0x2000;
	v0 =	vlaneseq.u32;
	v1 =	vimm.f32 $-1.000000000e+00;
	s4 =	simm.s32 $0x1000;
	[sflag:s7] =	ssyncadd.s32 $0xFFFFF000  }
.LBB2_25:
0x210: {  	p0 =	sne.s32 s6, $0xFF0  }
.Ltmp16:
0x211: {  	_ = 	snop;
	(pc) =	sbr.rel @p0 .LBB2_25-.Ltmp16, $4  }
0x212: {  	_ = 	snop  }
0x213: {  	v2 =	vor.u32 s6, v0  }
0x214: {  	[tilespmem:s4+$0x0] =	vst v2  }
0x215: {  	s6 =	sadd.s32 $0x10, s6;
	s4 =	sadd.s32 $0x10, s4;
	[tilespmem:s5+$0x0] =	vst v1;
	s5 =	sadd.s32 $0x10, s5  }
0x216: {  	s4 =	simm.s32 $0x0;
	v0 =	vimm.s32 $0x0;
	s5 =	simm.s32 $0xA020  }
.LBB2_27:
0x217: {  	s6 =	simm.s32 $0x0  }
0x218: {  	v2 =	vld [tilespmem:s6+$0x3000]  }
0x219: {  	s26 =	simm.s32 $0x10  }
0x21a: {  	s28 =	simm.s32 $0x20;
	v3 =	vld [tilespmem:s26+$0x3000]  }
0x21b: {  	s29 =	sshll.u32 s4, $0xD;
	v4 =	vld [tilespmem:s28+$0x3000]  }
0x21c: {  	v1 =	vmov s29  }
0x21d: {  	vm0 =	vlt.s32 v2, v1  }
0x21e: {  	v2 =	vsel vm0, $0x1, v0  }
0x21f: {  	vm13 =	vlt.s32 v3, v1;
	(xrf0) =	vadd.scan.msk.s32 $0xffff, v2  }
0x220: {  	vm14 =	vlt.s32 v4, v1;
	v2 =	vsel vm13, $0x1, v0  }
0x221: {  	(xrf0) =	vadd.scan.msk.s32 $0xffff, v2;
	v2 =	vsel vm14, $0x1, v0  }
0x222: {  	s30 =	simm.s32 $0x30;
	(xrf0) =	vadd.scan.msk.s32 $0xffff, v2  }
0x223: {  	v3 =	vld [tilespmem:s30+$0x3000];
	_ =	sdelay $0x1  }
0x224: {  	v2, _, _ =	vpop (xrf0)  }
0x225: {  	(v2sf) =	vpush v2, $0xF  }
0x226: {  	v2, _, _ =	vpop (xrf0)  }
0x227: {  	vm15 =	vlt.s32 v3, v1;
	(v2sf) =	vpush v2, $0xF;
	v3, _, _ =	vpop (xrf0)  }
0x228: {  	(v2sf) =	vpush v3, $0xF;
	_ =	sdelay $0x5  }
0x229: {  	s31 =	simm.s32 $0x40;
	v2 =	vsel vm15, $0x1, v0  }
0x22a: {  	(xrf0) =	vadd.scan.msk.s32 $0xffff, v2;
	v2 =	vld [tilespmem:s31+$0x3000];
	_ =	sdelay $0x1  }
0x22b: {  	s7 =	simm.s32 $0x140;
	s6 =	simm.s32 $0x0  }
.LBB2_28:
0x22c: {  	p0 =	sne.s32 s7, $0x3FC0  }
.Ltmp17:
0x22d: {  	s8 =	sshra.s32 s7, $0x2;
	(pc) =	sbr.rel @p0 .LBB2_28-.Ltmp17, $4  }
0x22e: {  	s7 =	sadd.s32 $0x40, s7;
	s9 =	spop (v2sf);
	vm0 =	vlt.s32 v2, v1  }
0x22f: {  	s6 =	sadd.s32 s6, s9;
	v2 =	vld [tilespmem:s8+$0x3000];
	v4 =	vsel vm0, $0x1, v0  }
0x230: {  	(xrf0) =	vadd.scan.msk.s32 $0xffff, v4;
	v3, _, _ =	vpop (xrf0)  }
0x231: {  	(v2sf) =	vpush v3, $0xF  }
0x232: {  	_ =	sdelay $0x1  }
0x233: {  	vm0 =	vlt.s32 v2, v1  }
0x234: {  	v1 =	vsel vm0, $0x1, v0  }
0x235: {  	(xrf0) =	vadd.scan.msk.s32 $0xffff, v1;
	_ =	sdelay $0x4  }
0x236: {  	v1, _, _ =	vpop (xrf0)  }
0x237: {  	(v2sf) =	vpush v1, $0xF;
	v1, _, _ =	vpop (xrf0)  }
0x238: {  	(v2sf) =	vpush v1, $0xF;
	_ =	sdelay $0xa  }
0x239: {  	s7 =	spop (v2sf)  }
0x23a: {  	s6 =	sadd.s32 s6, s7;
	s28 =	spop (v2sf);
	v1 =	vmov s4;
	s4 =	sadd.s32 $0x1, s4  }
0x23b: {  	s6 =	sadd.s32 s6, s28;
	p0 =	seq.s32 s4, $0x11;
	s29 =	spop (v2sf)  }
.Ltmp18:
0x23c: {  	s6 =	sadd.s32 s6, s29;
	s30 =	spop (v2sf);
	(pc) =	sbr.rel @!p0 .LBB2_27-.Ltmp18, $4  }
0x23d: {  	s6 =	sadd.s32 s6, s30;
	s31 =	spop (v2sf)  }
0x23e: {  	s6 =	sadd.s32 s6, s31  }
0x23f: {  	v2 =	vmov s6  }
0x240: {  	[tilespmem:v1+s5+$0x0] =	vst.idx.msk $0x1, v2  }
.Ltmp19:
0x241: {  	(pc) =	sbr.rel .LBB2_32-.Ltmp19, $4  }
0x242: {  	_ = 	snop  }
0x243: {  	s4 =	simm.s32 $0x0;
	s16 =	simm.s32 $0xFFFFFFFF;
	s5 =	simm.s32 $0xA020  }
0x244: {  	s6 =	simm.s32 $0x3000;
	s7 =	simm.s32 $0x5000;
	s8 =	simm.s32 $0x1  }
0x245: {  	s9 =	simm.s32 $0x1000;
	s10 =	simm.s32 $0xFFFFFFFF;
	s11 =	simm.s32 $0x0  }
.LBB2_31:
0x246: {  	p0 =	seq.s32 s11, $0x10  }
.Ltmp20:
0x247: {  	_ = 	snop;
	(pc) =	sbr.rel @p0 .LBB2_68-.Ltmp20, $1  }
0x248: {  	_ =	sdelay $0x3  }
.LBB2_32:
0x249: {  	s12 =	smov.u32 s11;
	v0 =	vmov s11;
	s11 =	sadd.s32 $0x1, s11  }
0x24a: {  	v1 =	vmov s11;
	_ =	sdelay $0x3  }
0x24b: {  	v0 =	vld.idx.msk [tilespmem:v0+s5+$0x0], $0xffff  }
0x24c: {  	v1 =	vld.idx.msk [tilespmem:v1+s5+$0x0], $0xffff;
	_ =	sdelay $0x3  }
0x24d: {  	(v2sf) =	vpush v0, $0x0  }
0x24e: {  	(v2sf) =	vpush v1, $0x0;
	_ =	sdelay $0xd  }
0x24f: {  	s13 =	spop (v2sf)  }
0x250: {  	s14 =	spop (v2sf)  }
0x251: {  	p1 =	slt.s32 s14, $0xFFF  }
0x252: {  	p2 =	slt.s32 s13, $0xFFF;
	p0 =	slt.s32 s14, $0x1000;
	s14 =	simm.s32 @!p1 $0xFFF  }
0x253: {  	p1 =	slt.s32 s13, $0x1000;
	s13 =	simm.s32 @!p2 $0xFFF;
	v62 =	vmov s14  }
0x254: {  	v63 =	vmov s13;
	_ =	sdelay $0x3  }
0x255: {  	v0 =	vld.idx.msk [tilespmem:v62+s6+$0x0], $0xffff  }
0x256: {  	v1 =	vld.idx.msk [tilespmem:v63+s6+$0x0], $0xffff;
	_ =	sdelay $0x3  }
0x257: {  	(v2sf) =	vpush v0, $0x0  }
0x258: {  	(v2sf) =	vpush v1, $0x0;
	_ =	sdelay $0xd  }
0x259: {  	s13 =	spop (v2sf)  }
0x25a: {  	s14 =	spop (v2sf)  }
0x25b: {  	s13 =	simm.s32 @!p0 $0x20000;
	s14 =	simm.s32 @!p1 $0x20000  }
0x25c: {  	s15 =	smul.u32 $0x604, s12;
	s12 =	ssub.s32 s13, s14  }
0x25d: {  	s29 =	sadd.s32 $0xF, s12  }
0x25e: {  	s30 =	sand.u32 $0xF, s29  }
0x25f: {  	s31 =	sshra.s32 s29, $0x1F;
	p6 =	slt.s32 s29, $0x1;
	p5 =	sne.s32 s30, $0x0  }
0x260: {  	s14 =	sshrl.u32 s31, $0x1C;
	p0 =	por !p6, !p5  }
0x261: {  	s13 =	sadd.s32 s14, s29;
	s14 =	simm.s32 $0x1;
	p0 =	por !p0, !p0  }
0x262: {  	s13 =	sshra.s32 s13, $0x4;
	s14 =	simm.s32 @!p0 $0x0  }
0x263: {  	s13 =	ssub.s32 s13, s14  }
0x264: {  	p0 =	slt.s32 s13, $0x1  }
.Ltmp21:
0x265: {  	s28 =	sadd.s32 s3, s15;
	(pc) =	sbr.rel @p0 .LBB2_31-.Ltmp21, $4  }
0x266: {  	[tilespmem:s7], [sflag:$0x1] =	stream.linear.gather [hbm4b:s28+s4], $0x3020, $0x38;
	[tilespmem:$0xA050] =	vst v63  }
0x267: {  	_ =	swait.ge [sflag:s8], $0x3020  }
0x268: {  	[sflag:s8] =	ssyncset.done $0x0  }
0x269: {  	[sflag:s8] =	ssyncadd.s32 $0xFFFFCFE0;
	s14 =	simm.s32 $0x0  }
.LBB2_33:
0x26a: {  	s15 =	sshll.u32 s14, $0x4  }
0x26b: {  	v0 =	vld [tilespmem:s15+$0x5000];
	_ =	sdelay $0x4  }
0x26c: {  	v2 =	vand.u32 $0xFFF, v0  }
.LBB2_34:
0x26d: {  	v1 =	vmov v2;
	v2 =	vld.idx.msk [tilespmem:v2+s9+$0x0], $0xffff;
	_ =	sdelay $0x4  }
0x26e: {  	vm0 =	vne.s32 v2, v1  }
0x26f: {  	v1 =	vmpcnt.ones.xlane vm0;
	_ =	sdelay $0x1  }
0x270: {  	(v2sf) =	vpush v1, $0x0;
	_ =	sdelay $0xe  }
0x271: {  	s17 =	spop (v2sf)  }
0x272: {  	p0 =	sne.s32 s17, $0x0  }
.Ltmp22:
0x273: {  	_ = 	snop;
	(pc) =	sbr.rel @p0 .LBB2_34-.Ltmp22, $1  }
0x274: {  	_ =	sdelay $0x3  }
0x275: {  	(v2sf) =	vpush v2, $0x0;
	_ =	sdelay $0xe  }
0x276: {  	s18 =	spop (v2sf)  }
.LBB2_36:
0x277: {  	v3 =	vmov s18;
	_ =	sdelay $0x4  }
0x278: {  	v1 =	vld.idx.msk [tilespmem:v3+s9+$0x0], $0xffff;
	_ =	sdelay $0x4  }
0x279: {  	(v2sf) =	vpush v1, $0x0;
	_ =	sdelay $0xe  }
0x27a: {  	s17 =	smov.u32 s18;
	s18 =	spop (v2sf)  }
0x27b: {  	p0 =	sne.s32 s18, s17  }
.Ltmp23:
0x27c: {  	_ = 	snop;
	(pc) =	sbr.rel @p0 .LBB2_36-.Ltmp23, $1  }
0x27d: {  	_ =	sdelay $0x3  }
0x27e: {  	v1 =	vshrl.u32 v0, $0xC  }
0x27f: {  	(v2sf) =	vpush v1, $0x0;
	_ =	sdelay $0xe  }
0x280: {  	s18 =	spop (v2sf)  }
0x281: {  	s19 =	smov.u32 s16;
	p0 =	sne.s32 s18, s10  }
0x282: {  	p1 =	slt.s32 s15, s12;
	s20 =	smov.u32 s16;
	s19 =	smov.u32 @p0 s18  }
0x283: {  	p0 =	sge.s32 s15, s12;
	s20 =	smov.u32 @p1 s19  }
0x284: {  	s19 =	smov.u32 s17;
	p3 =	sgt.s32 s20, s17;
	p2 =	seq.s32 @!p0 s17, s20  }
0x285: {  	v4 =	vand.u32 @!p0 $0xFFF, v0;
	s19 =	smov.u32 @p3 s20;
	p4 =	por p2, p0  }
0x286: {  	v4 =	vbroadcast @!p0 v4, $0x0;
	p3 =	seq.s32 @!p4 s19, s18  }
0x287: {  	p3 =	por @!p0 p3, p2  }
0x288: {  	v5 =	vmov @!p4 s19;
	p3 =	por p3, p0  }
0x289: {  	v6 =	vbroadcast @!p3 v1, $0x0  }
0x28a: {  	p5 =	slt.s32 s20, s17;
	s19 =	smov.u32 s17  }
0x28b: {  	s19 =	smov.u32 @p5 s20;
	s20 =	simm.s32 @!p0 $0x1000  }
0x28c: {  	[tilespmem:v4+s20+$0x0] =	vst.idx.msk @!p0 $0x1, v3;
	v3 =	vmov @!p4 s19;
	s20 =	simm.s32 @!p4 $0x1000  }
0x28d: {  	[tilespmem:v5+s20+$0x0] =	vst.idx.msk @!p4 $0x1, v3;
	s20 =	simm.s32 @!p3 $0x0  }
0x28e: {  	v3 =	vld.idx.msk @!p3 [tilespmem:v5+s20+$0x0], $0xffff  }
0x28f: {  	v4 =	vld.idx.msk @!p3 [tilespmem:v6+s20+$0x0], $0xffff;
	_ =	sdelay $0x3  }
0x290: {  	(v2sf) =	vpush @!p3 v3, $0x0  }
0x291: {  	(v2sf) =	vpush @!p3 v4, $0x0;
	_ =	sdelay $0x3  }
0x292: {  	(v2sf) =	vpush v2, $0x1;
	_ =	sdelay $0x9  }
0x293: {  	s20 =	spop @!p3 (v2sf)  }
0x294: {  	s21 =	spop @!p3 (v2sf)  }
0x295: {  	s20 =	ssub.f32 @!p3 s20, s21  }
0x296: {  	p2 =	por !p2, p0  }
0x297: {  	s10 =	smov.u32 @p1 s18;
	s17 =	smov.u32 @p2 s19;
	s18 =	simm.s32 @!p3 $0x2000;
	v3 =	vmov @!p3 s20  }
0x298: {  	s17 =	smov.u32 @p0 s16;
	[tilespmem:v5+s18+$0x0] =	vst.idx.msk @!p3 $0x1, v3;
	s18 =	spop (v2sf)  }
.LBB2_38:
0x299: {  	v3 =	vmov s18;
	_ =	sdelay $0x4  }
0x29a: {  	v4 =	vld.idx.msk [tilespmem:v3+s9+$0x0], $0xffff;
	_ =	sdelay $0x4  }
0x29b: {  	(v2sf) =	vpush v4, $0x0;
	_ =	sdelay $0xe  }
0x29c: {  	s16 =	smov.u32 s18;
	s18 =	spop (v2sf)  }
0x29d: {  	p0 =	sne.s32 s18, s16  }
.Ltmp24:
0x29e: {  	_ = 	snop;
	(pc) =	sbr.rel @p0 .LBB2_38-.Ltmp24, $1  }
0x29f: {  	_ =	sdelay $0x3  }
0x2a0: {  	(v2sf) =	vpush v1, $0x1;
	_ =	sdelay $0xe  }
0x2a1: {  	s18 =	spop (v2sf)  }
0x2a2: {  	s19 =	sor.u32 $0x1, s15;
	s20 =	smov.u32 s17;
	p0 =	sne.s32 s18, s10  }
0x2a3: {  	s21 =	smov.u32 s17;
	p1 =	slt.s32 s19, s12;
	s20 =	smov.u32 @p0 s18  }
0x2a4: {  	p0 =	sge.s32 s19, s12;
	s21 =	smov.u32 @p1 s20  }
0x2a5: {  	s19 =	smov.u32 s16;
	p3 =	sgt.s32 s21, s16;
	p2 =	seq.s32 @!p0 s16, s21  }
0x2a6: {  	v4 =	vand.u32 @!p0 $0xFFF, v0;
	s19 =	smov.u32 @p3 s21;
	p4 =	por p2, p0  }
0x2a7: {  	v4 =	vbroadcast @!p0 v4, $0x1;
	p3 =	seq.s32 @!p4 s19, s18  }
0x2a8: {  	p3 =	por @!p0 p3, p2  }
0x2a9: {  	v5 =	vmov @!p4 s19;
	p3 =	por p3, p0  }
0x2aa: {  	v6 =	vbroadcast @!p3 v1, $0x1  }
0x2ab: {  	p5 =	slt.s32 s21, s16;
	s19 =	smov.u32 s16  }
0x2ac: {  	s20 =	simm.s32 @!p0 $0x1000;
	s19 =	smov.u32 @p5 s21  }
0x2ad: {  	[tilespmem:v4+s20+$0x0] =	vst.idx.msk @!p0 $0x1, v3;
	v3 =	vmov @!p4 s19;
	s20 =	simm.s32 @!p4 $0x1000  }
0x2ae: {  	[tilespmem:v5+s20+$0x0] =	vst.idx.msk @!p4 $0x1, v3;
	s20 =	simm.s32 @!p3 $0x0  }
0x2af: {  	v3 =	vld.idx.msk @!p3 [tilespmem:v5+s20+$0x0], $0xffff  }
0x2b0: {  	v4 =	vld.idx.msk @!p3 [tilespmem:v6+s20+$0x0], $0xffff;
	_ =	sdelay $0x3  }
0x2b1: {  	(v2sf) =	vpush @!p3 v3, $0x0  }
0x2b2: {  	(v2sf) =	vpush @!p3 v4, $0x0;
	_ =	sdelay $0x3  }
0x2b3: {  	(v2sf) =	vpush v2, $0x2;
	_ =	sdelay $0x9  }
0x2b4: {  	s20 =	spop @!p3 (v2sf)  }
0x2b5: {  	s21 =	spop @!p3 (v2sf)  }
0x2b6: {  	s20 =	ssub.f32 @!p3 s20, s21  }
0x2b7: {  	p2 =	por !p2, p0  }
0x2b8: {  	s10 =	smov.u32 @p1 s18;
	s16 =	smov.u32 @p2 s19;
	s18 =	simm.s32 @!p3 $0x2000;
	v3 =	vmov @!p3 s20  }
0x2b9: {  	s16 =	smov.u32 @p0 s17;
	[tilespmem:v5+s18+$0x0] =	vst.idx.msk @!p3 $0x1, v3;
	s18 =	spop (v2sf)  }
.LBB2_40:
0x2ba: {  	v3 =	vmov s18;
	_ =	sdelay $0x4  }
0x2bb: {  	v4 =	vld.idx.msk [tilespmem:v3+s9+$0x0], $0xffff;
	_ =	sdelay $0x4  }
0x2bc: {  	(v2sf) =	vpush v4, $0x0;
	_ =	sdelay $0xe  }
0x2bd: {  	s17 =	smov.u32 s18;
	s18 =	spop (v2sf)  }
0x2be: {  	p0 =	sne.s32 s18, s17  }
.Ltmp25:
0x2bf: {  	_ = 	snop;
	(pc) =	sbr.rel @p0 .LBB2_40-.Ltmp25, $1  }
0x2c0: {  	_ =	sdelay $0x3  }
0x2c1: {  	(v2sf) =	vpush v1, $0x2;
	_ =	sdelay $0xe  }
0x2c2: {  	s18 =	spop (v2sf)  }
0x2c3: {  	s19 =	sor.u32 $0x2, s15;
	s20 =	smov.u32 s16;
	p0 =	sne.s32 s18, s10  }
0x2c4: {  	s21 =	smov.u32 s16;
	p1 =	slt.s32 s19, s12;
	s20 =	smov.u32 @p0 s18  }
0x2c5: {  	p0 =	sge.s32 s19, s12;
	s21 =	smov.u32 @p1 s20  }
0x2c6: {  	s19 =	smov.u32 s17;
	p3 =	sgt.s32 s21, s17;
	p2 =	seq.s32 @!p0 s17, s21  }
0x2c7: {  	v4 =	vand.u32 @!p0 $0xFFF, v0;
	s19 =	smov.u32 @p3 s21;
	p4 =	por p2, p0  }
0x2c8: {  	v4 =	vbroadcast @!p0 v4, $0x2;
	p3 =	seq.s32 @!p4 s19, s18  }
0x2c9: {  	p3 =	por @!p0 p3, p2  }
0x2ca: {  	v5 =	vmov @!p4 s19;
	p3 =	por p3, p0  }
0x2cb: {  	v6 =	vbroadcast @!p3 v1, $0x2  }
0x2cc: {  	p5 =	slt.s32 s21, s17;
	s19 =	smov.u32 s17  }
0x2cd: {  	s20 =	simm.s32 @!p0 $0x1000;
	s19 =	smov.u32 @p5 s21  }
0x2ce: {  	[tilespmem:v4+s20+$0x0] =	vst.idx.msk @!p0 $0x1, v3;
	v3 =	vmov @!p4 s19;
	s20 =	simm.s32 @!p4 $0x1000  }
0x2cf: {  	[tilespmem:v5+s20+$0x0] =	vst.idx.msk @!p4 $0x1, v3;
	s20 =	simm.s32 @!p3 $0x0  }
0x2d0: {  	v3 =	vld.idx.msk @!p3 [tilespmem:v5+s20+$0x0], $0xffff  }
0x2d1: {  	v4 =	vld.idx.msk @!p3 [tilespmem:v6+s20+$0x0], $0xffff;
	_ =	sdelay $0x3  }
0x2d2: {  	(v2sf) =	vpush @!p3 v3, $0x0  }
0x2d3: {  	(v2sf) =	vpush @!p3 v4, $0x0;
	_ =	sdelay $0x3  }
0x2d4: {  	(v2sf) =	vpush v2, $0x3;
	_ =	sdelay $0x9  }
0x2d5: {  	s20 =	spop @!p3 (v2sf)  }
0x2d6: {  	s21 =	spop @!p3 (v2sf)  }
0x2d7: {  	s20 =	ssub.f32 @!p3 s20, s21  }
0x2d8: {  	p2 =	por !p2, p0  }
0x2d9: {  	s10 =	smov.u32 @p1 s18;
	s17 =	smov.u32 @p2 s19;
	s18 =	simm.s32 @!p3 $0x2000;
	v3 =	vmov @!p3 s20  }
0x2da: {  	s17 =	smov.u32 @p0 s16;
	[tilespmem:v5+s18+$0x0] =	vst.idx.msk @!p3 $0x1, v3;
	s18 =	spop (v2sf)  }
.LBB2_42:
0x2db: {  	v3 =	vmov s18;
	_ =	sdelay $0x4  }
0x2dc: {  	v4 =	vld.idx.msk [tilespmem:v3+s9+$0x0], $0xffff;
	_ =	sdelay $0x4  }
0x2dd: {  	(v2sf) =	vpush v4, $0x0;
	_ =	sdelay $0xe  }
0x2de: {  	s16 =	smov.u32 s18;
	s18 =	spop (v2sf)  }
0x2df: {  	p0 =	sne.s32 s18, s16  }
.Ltmp26:
0x2e0: {  	_ = 	snop;
	(pc) =	sbr.rel @p0 .LBB2_42-.Ltmp26, $1  }
0x2e1: {  	_ =	sdelay $0x3  }
0x2e2: {  	(v2sf) =	vpush v1, $0x3;
	_ =	sdelay $0xe  }
0x2e3: {  	s18 =	spop (v2sf)  }
0x2e4: {  	s19 =	sor.u32 $0x3, s15;
	s20 =	smov.u32 s17;
	p0 =	sne.s32 s18, s10  }
0x2e5: {  	s21 =	smov.u32 s17;
	p1 =	slt.s32 s19, s12;
	s20 =	smov.u32 @p0 s18  }
0x2e6: {  	p0 =	sge.s32 s19, s12;
	s21 =	smov.u32 @p1 s20  }
0x2e7: {  	s19 =	smov.u32 s16;
	p3 =	sgt.s32 s21, s16;
	p2 =	seq.s32 @!p0 s16, s21  }
0x2e8: {  	v4 =	vand.u32 @!p0 $0xFFF, v0;
	s19 =	smov.u32 @p3 s21;
	p4 =	por p2, p0  }
0x2e9: {  	v4 =	vbroadcast @!p0 v4, $0x3;
	p3 =	seq.s32 @!p4 s19, s18  }
0x2ea: {  	p3 =	por @!p0 p3, p2  }
0x2eb: {  	v5 =	vmov @!p4 s19;
	p3 =	por p3, p0  }
0x2ec: {  	v6 =	vbroadcast @!p3 v1, $0x3  }
0x2ed: {  	p5 =	slt.s32 s21, s16;
	s19 =	smov.u32 s16  }
0x2ee: {  	s20 =	simm.s32 @!p0 $0x1000;
	s19 =	smov.u32 @p5 s21  }
0x2ef: {  	[tilespmem:v4+s20+$0x0] =	vst.idx.msk @!p0 $0x1, v3;
	v3 =	vmov @!p4 s19;
	s20 =	simm.s32 @!p4 $0x1000  }
0x2f0: {  	[tilespmem:v5+s20+$0x0] =	vst.idx.msk @!p4 $0x1, v3;
	s20 =	simm.s32 @!p3 $0x0  }
0x2f1: {  	v3 =	vld.idx.msk @!p3 [tilespmem:v5+s20+$0x0], $0xffff  }
0x2f2: {  	v4 =	vld.idx.msk @!p3 [tilespmem:v6+s20+$0x0], $0xffff;
	_ =	sdelay $0x3  }
0x2f3: {  	(v2sf) =	vpush @!p3 v3, $0x0  }
0x2f4: {  	(v2sf) =	vpush @!p3 v4, $0x0;
	_ =	sdelay $0x3  }
0x2f5: {  	(v2sf) =	vpush v2, $0x4;
	_ =	sdelay $0x9  }
0x2f6: {  	s20 =	spop @!p3 (v2sf)  }
0x2f7: {  	s21 =	spop @!p3 (v2sf)  }
0x2f8: {  	s20 =	ssub.f32 @!p3 s20, s21  }
0x2f9: {  	p2 =	por !p2, p0  }
0x2fa: {  	s10 =	smov.u32 @p1 s18;
	s16 =	smov.u32 @p2 s19;
	s18 =	simm.s32 @!p3 $0x2000;
	v3 =	vmov @!p3 s20  }
0x2fb: {  	s16 =	smov.u32 @p0 s17;
	[tilespmem:v5+s18+$0x0] =	vst.idx.msk @!p3 $0x1, v3;
	s18 =	spop (v2sf)  }
.LBB2_44:
0x2fc: {  	v3 =	vmov s18;
	_ =	sdelay $0x4  }
0x2fd: {  	v4 =	vld.idx.msk [tilespmem:v3+s9+$0x0], $0xffff;
	_ =	sdelay $0x4  }
0x2fe: {  	(v2sf) =	vpush v4, $0x0;
	_ =	sdelay $0xe  }
0x2ff: {  	s17 =	smov.u32 s18;
	s18 =	spop (v2sf)  }
0x300: {  	p0 =	sne.s32 s18, s17  }
.Ltmp27:
0x301: {  	_ = 	snop;
	(pc) =	sbr.rel @p0 .LBB2_44-.Ltmp27, $1  }
0x302: {  	_ =	sdelay $0x3  }
0x303: {  	(v2sf) =	vpush v1, $0x4;
	_ =	sdelay $0xe  }
0x304: {  	s18 =	spop (v2sf)  }
0x305: {  	s19 =	sor.u32 $0x4, s15;
	s20 =	smov.u32 s16;
	p0 =	sne.s32 s18, s10  }
0x306: {  	s21 =	smov.u32 s16;
	p1 =	slt.s32 s19, s12;
	s20 =	smov.u32 @p0 s18  }
0x307: {  	p0 =	sge.s32 s19, s12;
	s21 =	smov.u32 @p1 s20  }
0x308: {  	s19 =	smov.u32 s17;
	p3 =	sgt.s32 s21, s17;
	p2 =	seq.s32 @!p0 s17, s21  }
0x309: {  	v4 =	vand.u32 @!p0 $0xFFF, v0;
	s19 =	smov.u32 @p3 s21;
	p4 =	por p2, p0  }
0x30a: {  	v4 =	vbroadcast @!p0 v4, $0x4;
	p3 =	seq.s32 @!p4 s19, s18  }
0x30b: {  	p3 =	por @!p0 p3, p2  }
0x30c: {  	v5 =	vmov @!p4 s19;
	p3 =	por p3, p0  }
0x30d: {  	v6 =	vbroadcast @!p3 v1, $0x4  }
0x30e: {  	p5 =	slt.s32 s21, s17;
	s19 =	smov.u32 s17  }
0x30f: {  	s20 =	simm.s32 @!p0 $0x1000;
	s19 =	smov.u32 @p5 s21  }
0x310: {  	[tilespmem:v4+s20+$0x0] =	vst.idx.msk @!p0 $0x1, v3;
	v3 =	vmov @!p4 s19;
	s20 =	simm.s32 @!p4 $0x1000  }
0x311: {  	[tilespmem:v5+s20+$0x0] =	vst.idx.msk @!p4 $0x1, v3;
	s20 =	simm.s32 @!p3 $0x0  }
0x312: {  	v3 =	vld.idx.msk @!p3 [tilespmem:v5+s20+$0x0], $0xffff  }
0x313: {  	v4 =	vld.idx.msk @!p3 [tilespmem:v6+s20+$0x0], $0xffff;
	_ =	sdelay $0x3  }
0x314: {  	(v2sf) =	vpush @!p3 v3, $0x0  }
0x315: {  	(v2sf) =	vpush @!p3 v4, $0x0;
	_ =	sdelay $0x3  }
0x316: {  	(v2sf) =	vpush v2, $0x5;
	_ =	sdelay $0x9  }
0x317: {  	s20 =	spop @!p3 (v2sf)  }
0x318: {  	s21 =	spop @!p3 (v2sf)  }
0x319: {  	s20 =	ssub.f32 @!p3 s20, s21  }
0x31a: {  	p2 =	por !p2, p0  }
0x31b: {  	s10 =	smov.u32 @p1 s18;
	s17 =	smov.u32 @p2 s19;
	s18 =	simm.s32 @!p3 $0x2000;
	v3 =	vmov @!p3 s20  }
0x31c: {  	s17 =	smov.u32 @p0 s16;
	[tilespmem:v5+s18+$0x0] =	vst.idx.msk @!p3 $0x1, v3;
	s18 =	spop (v2sf)  }
.LBB2_46:
0x31d: {  	v3 =	vmov s18;
	_ =	sdelay $0x4  }
0x31e: {  	v4 =	vld.idx.msk [tilespmem:v3+s9+$0x0], $0xffff;
	_ =	sdelay $0x4  }
0x31f: {  	(v2sf) =	vpush v4, $0x0;
	_ =	sdelay $0xe  }
0x320: {  	s16 =	smov.u32 s18;
	s18 =	spop (v2sf)  }
0x321: {  	p0 =	sne.s32 s18, s16  }
.Ltmp28:
0x322: {  	_ = 	snop;
	(pc) =	sbr.rel @p0 .LBB2_46-.Ltmp28, $1  }
0x323: {  	_ =	sdelay $0x3  }
0x324: {  	(v2sf) =	vpush v1, $0x5;
	_ =	sdelay $0xe  }
0x325: {  	s18 =	spop (v2sf)  }
0x326: {  	s19 =	sor.u32 $0x5, s15;
	s20 =	smov.u32 s17;
	p0 =	sne.s32 s18, s10  }
0x327: {  	s21 =	smov.u32 s17;
	p1 =	slt.s32 s19, s12;
	s20 =	smov.u32 @p0 s18  }
0x328: {  	p0 =	sge.s32 s19, s12;
	s21 =	smov.u32 @p1 s20  }
0x329: {  	s19 =	smov.u32 s16;
	p3 =	sgt.s32 s21, s16;
	p2 =	seq.s32 @!p0 s16, s21  }
0x32a: {  	v4 =	vand.u32 @!p0 $0xFFF, v0;
	s19 =	smov.u32 @p3 s21;
	p4 =	por p2, p0  }
0x32b: {  	v4 =	vbroadcast @!p0 v4, $0x5;
	p3 =	seq.s32 @!p4 s19, s18  }
0x32c: {  	p3 =	por @!p0 p3, p2  }
0x32d: {  	v5 =	vmov @!p4 s19;
	p3 =	por p3, p0  }
0x32e: {  	v6 =	vbroadcast @!p3 v1, $0x5  }
0x32f: {  	p5 =	slt.s32 s21, s16;
	s19 =	smov.u32 s16  }
0x330: {  	s20 =	simm.s32 @!p0 $0x1000;
	s19 =	smov.u32 @p5 s21  }
0x331: {  	[tilespmem:v4+s20+$0x0] =	vst.idx.msk @!p0 $0x1, v3;
	v3 =	vmov @!p4 s19;
	s20 =	simm.s32 @!p4 $0x1000  }
0x332: {  	[tilespmem:v5+s20+$0x0] =	vst.idx.msk @!p4 $0x1, v3;
	s20 =	simm.s32 @!p3 $0x0  }
0x333: {  	v3 =	vld.idx.msk @!p3 [tilespmem:v5+s20+$0x0], $0xffff  }
0x334: {  	v4 =	vld.idx.msk @!p3 [tilespmem:v6+s20+$0x0], $0xffff;
	_ =	sdelay $0x3  }
0x335: {  	(v2sf) =	vpush @!p3 v3, $0x0  }
0x336: {  	(v2sf) =	vpush @!p3 v4, $0x0;
	_ =	sdelay $0x3  }
0x337: {  	(v2sf) =	vpush v2, $0x6;
	_ =	sdelay $0x9  }
0x338: {  	s20 =	spop @!p3 (v2sf)  }
0x339: {  	s21 =	spop @!p3 (v2sf)  }
0x33a: {  	s20 =	ssub.f32 @!p3 s20, s21  }
0x33b: {  	p2 =	por !p2, p0  }
0x33c: {  	s10 =	smov.u32 @p1 s18;
	s16 =	smov.u32 @p2 s19;
	s18 =	simm.s32 @!p3 $0x2000;
	v3 =	vmov @!p3 s20  }
0x33d: {  	s16 =	smov.u32 @p0 s17;
	[tilespmem:v5+s18+$0x0] =	vst.idx.msk @!p3 $0x1, v3;
	s18 =	spop (v2sf)  }
.LBB2_48:
0x33e: {  	v3 =	vmov s18;
	_ =	sdelay $0x4  }
0x33f: {  	v4 =	vld.idx.msk [tilespmem:v3+s9+$0x0], $0xffff;
	_ =	sdelay $0x4  }
0x340: {  	(v2sf) =	vpush v4, $0x0;
	_ =	sdelay $0xe  }
0x341: {  	s17 =	smov.u32 s18;
	s18 =	spop (v2sf)  }
0x342: {  	p0 =	sne.s32 s18, s17  }
.Ltmp29:
0x343: {  	_ = 	snop;
	(pc) =	sbr.rel @p0 .LBB2_48-.Ltmp29, $1  }
0x344: {  	_ =	sdelay $0x3  }
0x345: {  	(v2sf) =	vpush v1, $0x6;
	_ =	sdelay $0xe  }
0x346: {  	s18 =	spop (v2sf)  }
0x347: {  	s19 =	sor.u32 $0x6, s15;
	s20 =	smov.u32 s16;
	p0 =	sne.s32 s18, s10  }
0x348: {  	s21 =	smov.u32 s16;
	p1 =	slt.s32 s19, s12;
	s20 =	smov.u32 @p0 s18  }
0x349: {  	p0 =	sge.s32 s19, s12;
	s21 =	smov.u32 @p1 s20  }
0x34a: {  	s19 =	smov.u32 s17;
	p3 =	sgt.s32 s21, s17;
	p2 =	seq.s32 @!p0 s17, s21  }
0x34b: {  	v4 =	vand.u32 @!p0 $0xFFF, v0;
	s19 =	smov.u32 @p3 s21;
	p4 =	por p2, p0  }
0x34c: {  	v4 =	vbroadcast @!p0 v4, $0x6;
	p3 =	seq.s32 @!p4 s19, s18  }
0x34d: {  	p3 =	por @!p0 p3, p2  }
0x34e: {  	v5 =	vmov @!p4 s19;
	p3 =	por p3, p0  }
0x34f: {  	v6 =	vbroadcast @!p3 v1, $0x6  }
0x350: {  	p5 =	slt.s32 s21, s17;
	s19 =	smov.u32 s17  }
0x351: {  	s20 =	simm.s32 @!p0 $0x1000;
	s19 =	smov.u32 @p5 s21  }
0x352: {  	[tilespmem:v4+s20+$0x0] =	vst.idx.msk @!p0 $0x1, v3;
	v3 =	vmov @!p4 s19;
	s20 =	simm.s32 @!p4 $0x1000  }
0x353: {  	[tilespmem:v5+s20+$0x0] =	vst.idx.msk @!p4 $0x1, v3;
	s20 =	simm.s32 @!p3 $0x0  }
0x354: {  	v3 =	vld.idx.msk @!p3 [tilespmem:v5+s20+$0x0], $0xffff  }
0x355: {  	v4 =	vld.idx.msk @!p3 [tilespmem:v6+s20+$0x0], $0xffff;
	_ =	sdelay $0x3  }
0x356: {  	(v2sf) =	vpush @!p3 v3, $0x0  }
0x357: {  	(v2sf) =	vpush @!p3 v4, $0x0;
	_ =	sdelay $0x3  }
0x358: {  	(v2sf) =	vpush v2, $0x7;
	_ =	sdelay $0x9  }
0x359: {  	s20 =	spop @!p3 (v2sf)  }
0x35a: {  	s21 =	spop @!p3 (v2sf)  }
0x35b: {  	s20 =	ssub.f32 @!p3 s20, s21  }
0x35c: {  	p2 =	por !p2, p0  }
0x35d: {  	s10 =	smov.u32 @p1 s18;
	s17 =	smov.u32 @p2 s19;
	s18 =	simm.s32 @!p3 $0x2000;
	v3 =	vmov @!p3 s20  }
0x35e: {  	s17 =	smov.u32 @p0 s16;
	[tilespmem:v5+s18+$0x0] =	vst.idx.msk @!p3 $0x1, v3;
	s18 =	spop (v2sf)  }
.LBB2_50:
0x35f: {  	v3 =	vmov s18;
	_ =	sdelay $0x4  }
0x360: {  	v4 =	vld.idx.msk [tilespmem:v3+s9+$0x0], $0xffff;
	_ =	sdelay $0x4  }
0x361: {  	(v2sf) =	vpush v4, $0x0;
	_ =	sdelay $0xe  }
0x362: {  	s16 =	smov.u32 s18;
	s18 =	spop (v2sf)  }
0x363: {  	p0 =	sne.s32 s18, s16  }
.Ltmp30:
0x364: {  	_ = 	snop;
	(pc) =	sbr.rel @p0 .LBB2_50-.Ltmp30, $1  }
0x365: {  	_ =	sdelay $0x3  }
0x366: {  	(v2sf) =	vpush v1, $0x7;
	_ =	sdelay $0xe  }
0x367: {  	s18 =	spop (v2sf)  }
0x368: {  	s19 =	sor.u32 $0x7, s15;
	s20 =	smov.u32 s17;
	p0 =	sne.s32 s18, s10  }
0x369: {  	s21 =	smov.u32 s17;
	p1 =	slt.s32 s19, s12;
	s20 =	smov.u32 @p0 s18  }
0x36a: {  	p0 =	sge.s32 s19, s12;
	s21 =	smov.u32 @p1 s20  }
0x36b: {  	s19 =	smov.u32 s16;
	p3 =	sgt.s32 s21, s16;
	p2 =	seq.s32 @!p0 s16, s21  }
0x36c: {  	v4 =	vand.u32 @!p0 $0xFFF, v0;
	s19 =	smov.u32 @p3 s21;
	p4 =	por p2, p0  }
0x36d: {  	v4 =	vbroadcast @!p0 v4, $0x7;
	p3 =	seq.s32 @!p4 s19, s18  }
0x36e: {  	p3 =	por @!p0 p3, p2  }
0x36f: {  	v5 =	vmov @!p4 s19;
	p3 =	por p3, p0  }
0x370: {  	v6 =	vbroadcast @!p3 v1, $0x7  }
0x371: {  	p5 =	slt.s32 s21, s16;
	s19 =	smov.u32 s16  }
0x372: {  	s20 =	simm.s32 @!p0 $0x1000;
	s19 =	smov.u32 @p5 s21  }
0x373: {  	[tilespmem:v4+s20+$0x0] =	vst.idx.msk @!p0 $0x1, v3;
	v3 =	vmov @!p4 s19;
	s20 =	simm.s32 @!p4 $0x1000  }
0x374: {  	[tilespmem:v5+s20+$0x0] =	vst.idx.msk @!p4 $0x1, v3;
	s20 =	simm.s32 @!p3 $0x0  }
0x375: {  	v3 =	vld.idx.msk @!p3 [tilespmem:v5+s20+$0x0], $0xffff  }
0x376: {  	v4 =	vld.idx.msk @!p3 [tilespmem:v6+s20+$0x0], $0xffff;
	_ =	sdelay $0x3  }
0x377: {  	(v2sf) =	vpush @!p3 v3, $0x0  }
0x378: {  	(v2sf) =	vpush @!p3 v4, $0x0;
	_ =	sdelay $0x3  }
0x379: {  	(v2sf) =	vpush v2, $0x8;
	_ =	sdelay $0x9  }
0x37a: {  	s20 =	spop @!p3 (v2sf)  }
0x37b: {  	s21 =	spop @!p3 (v2sf)  }
0x37c: {  	s20 =	ssub.f32 @!p3 s20, s21  }
0x37d: {  	p2 =	por !p2, p0  }
0x37e: {  	s10 =	smov.u32 @p1 s18;
	s16 =	smov.u32 @p2 s19;
	s18 =	simm.s32 @!p3 $0x2000;
	v3 =	vmov @!p3 s20  }
0x37f: {  	s16 =	smov.u32 @p0 s17;
	[tilespmem:v5+s18+$0x0] =	vst.idx.msk @!p3 $0x1, v3;
	s18 =	spop (v2sf)  }
.LBB2_52:
0x380: {  	v3 =	vmov s18;
	_ =	sdelay $0x4  }
0x381: {  	v4 =	vld.idx.msk [tilespmem:v3+s9+$0x0], $0xffff;
	_ =	sdelay $0x4  }
0x382: {  	(v2sf) =	vpush v4, $0x0;
	_ =	sdelay $0xe  }
0x383: {  	s17 =	smov.u32 s18;
	s18 =	spop (v2sf)  }
0x384: {  	p0 =	sne.s32 s18, s17  }
.Ltmp31:
0x385: {  	_ = 	snop;
	(pc) =	sbr.rel @p0 .LBB2_52-.Ltmp31, $1  }
0x386: {  	_ =	sdelay $0x3  }
0x387: {  	(v2sf) =	vpush v1, $0x8;
	_ =	sdelay $0xe  }
0x388: {  	s18 =	spop (v2sf)  }
0x389: {  	s19 =	sor.u32 $0x8, s15;
	s20 =	smov.u32 s16;
	p0 =	sne.s32 s18, s10  }
0x38a: {  	s21 =	smov.u32 s16;
	p1 =	slt.s32 s19, s12;
	s20 =	smov.u32 @p0 s18  }
0x38b: {  	p0 =	sge.s32 s19, s12;
	s21 =	smov.u32 @p1 s20  }
0x38c: {  	s19 =	smov.u32 s17;
	p3 =	sgt.s32 s21, s17;
	p2 =	seq.s32 @!p0 s17, s21  }
0x38d: {  	v4 =	vand.u32 @!p0 $0xFFF, v0;
	s19 =	smov.u32 @p3 s21;
	p4 =	por p2, p0  }
0x38e: {  	v4 =	vbroadcast @!p0 v4, $0x8;
	p3 =	seq.s32 @!p4 s19, s18  }
0x38f: {  	p3 =	por @!p0 p3, p2  }
0x390: {  	v5 =	vmov @!p4 s19;
	p3 =	por p3, p0  }
0x391: {  	v6 =	vbroadcast @!p3 v1, $0x8  }
0x392: {  	p5 =	slt.s32 s21, s17;
	s19 =	smov.u32 s17  }
0x393: {  	s20 =	simm.s32 @!p0 $0x1000;
	s19 =	smov.u32 @p5 s21  }
0x394: {  	[tilespmem:v4+s20+$0x0] =	vst.idx.msk @!p0 $0x1, v3;
	v3 =	vmov @!p4 s19;
	s20 =	simm.s32 @!p4 $0x1000  }
0x395: {  	[tilespmem:v5+s20+$0x0] =	vst.idx.msk @!p4 $0x1, v3;
	s20 =	simm.s32 @!p3 $0x0  }
0x396: {  	v3 =	vld.idx.msk @!p3 [tilespmem:v5+s20+$0x0], $0xffff  }
0x397: {  	v4 =	vld.idx.msk @!p3 [tilespmem:v6+s20+$0x0], $0xffff;
	_ =	sdelay $0x3  }
0x398: {  	(v2sf) =	vpush @!p3 v3, $0x0  }
0x399: {  	(v2sf) =	vpush @!p3 v4, $0x0;
	_ =	sdelay $0x3  }
0x39a: {  	(v2sf) =	vpush v2, $0x9;
	_ =	sdelay $0x9  }
0x39b: {  	s20 =	spop @!p3 (v2sf)  }
0x39c: {  	s21 =	spop @!p3 (v2sf)  }
0x39d: {  	s20 =	ssub.f32 @!p3 s20, s21  }
0x39e: {  	p2 =	por !p2, p0  }
0x39f: {  	s10 =	smov.u32 @p1 s18;
	s17 =	smov.u32 @p2 s19;
	s18 =	simm.s32 @!p3 $0x2000;
	v3 =	vmov @!p3 s20  }
0x3a0: {  	s17 =	smov.u32 @p0 s16;
	[tilespmem:v5+s18+$0x0] =	vst.idx.msk @!p3 $0x1, v3;
	s18 =	spop (v2sf)  }
.LBB2_54:
0x3a1: {  	v3 =	vmov s18;
	_ =	sdelay $0x4  }
0x3a2: {  	v4 =	vld.idx.msk [tilespmem:v3+s9+$0x0], $0xffff;
	_ =	sdelay $0x4  }
0x3a3: {  	(v2sf) =	vpush v4, $0x0;
	_ =	sdelay $0xe  }
0x3a4: {  	s16 =	smov.u32 s18;
	s18 =	spop (v2sf)  }
0x3a5: {  	p0 =	sne.s32 s18, s16  }
.Ltmp32:
0x3a6: {  	_ = 	snop;
	(pc) =	sbr.rel @p0 .LBB2_54-.Ltmp32, $1  }
0x3a7: {  	_ =	sdelay $0x3  }
0x3a8: {  	(v2sf) =	vpush v1, $0x9;
	_ =	sdelay $0xe  }
0x3a9: {  	s18 =	spop (v2sf)  }
0x3aa: {  	s19 =	sor.u32 $0x9, s15;
	s20 =	smov.u32 s17;
	p0 =	sne.s32 s18, s10  }
0x3ab: {  	s21 =	smov.u32 s17;
	p1 =	slt.s32 s19, s12;
	s20 =	smov.u32 @p0 s18  }
0x3ac: {  	p0 =	sge.s32 s19, s12;
	s21 =	smov.u32 @p1 s20  }
0x3ad: {  	s19 =	smov.u32 s16;
	p3 =	sgt.s32 s21, s16;
	p2 =	seq.s32 @!p0 s16, s21  }
0x3ae: {  	v4 =	vand.u32 @!p0 $0xFFF, v0;
	s19 =	smov.u32 @p3 s21;
	p4 =	por p2, p0  }
0x3af: {  	v4 =	vbroadcast @!p0 v4, $0x9;
	p3 =	seq.s32 @!p4 s19, s18  }
0x3b0: {  	p3 =	por @!p0 p3, p2  }
0x3b1: {  	v5 =	vmov @!p4 s19;
	p3 =	por p3, p0  }
0x3b2: {  	v6 =	vbroadcast @!p3 v1, $0x9  }
0x3b3: {  	p5 =	slt.s32 s21, s16;
	s19 =	smov.u32 s16  }
0x3b4: {  	s20 =	simm.s32 @!p0 $0x1000;
	s19 =	smov.u32 @p5 s21  }
0x3b5: {  	[tilespmem:v4+s20+$0x0] =	vst.idx.msk @!p0 $0x1, v3;
	v3 =	vmov @!p4 s19;
	s20 =	simm.s32 @!p4 $0x1000  }
0x3b6: {  	[tilespmem:v5+s20+$0x0] =	vst.idx.msk @!p4 $0x1, v3;
	s20 =	simm.s32 @!p3 $0x0  }
0x3b7: {  	v3 =	vld.idx.msk @!p3 [tilespmem:v5+s20+$0x0], $0xffff  }
0x3b8: {  	v4 =	vld.idx.msk @!p3 [tilespmem:v6+s20+$0x0], $0xffff;
	_ =	sdelay $0x3  }
0x3b9: {  	(v2sf) =	vpush @!p3 v3, $0x0  }
0x3ba: {  	(v2sf) =	vpush @!p3 v4, $0x0;
	_ =	sdelay $0x3  }
0x3bb: {  	(v2sf) =	vpush v2, $0xA;
	_ =	sdelay $0x9  }
0x3bc: {  	s20 =	spop @!p3 (v2sf)  }
0x3bd: {  	s21 =	spop @!p3 (v2sf)  }
0x3be: {  	s20 =	ssub.f32 @!p3 s20, s21  }
0x3bf: {  	p2 =	por !p2, p0  }
0x3c0: {  	s10 =	smov.u32 @p1 s18;
	s16 =	smov.u32 @p2 s19;
	s18 =	simm.s32 @!p3 $0x2000;
	v3 =	vmov @!p3 s20  }
0x3c1: {  	s16 =	smov.u32 @p0 s17;
	[tilespmem:v5+s18+$0x0] =	vst.idx.msk @!p3 $0x1, v3;
	s18 =	spop (v2sf)  }
.LBB2_56:
0x3c2: {  	v3 =	vmov s18;
	_ =	sdelay $0x4  }
0x3c3: {  	v4 =	vld.idx.msk [tilespmem:v3+s9+$0x0], $0xffff;
	_ =	sdelay $0x4  }
0x3c4: {  	(v2sf) =	vpush v4, $0x0;
	_ =	sdelay $0xe  }
0x3c5: {  	s17 =	smov.u32 s18;
	s18 =	spop (v2sf)  }
0x3c6: {  	p0 =	sne.s32 s18, s17  }
.Ltmp33:
0x3c7: {  	_ = 	snop;
	(pc) =	sbr.rel @p0 .LBB2_56-.Ltmp33, $1  }
0x3c8: {  	_ =	sdelay $0x3  }
0x3c9: {  	(v2sf) =	vpush v1, $0xA;
	_ =	sdelay $0xe  }
0x3ca: {  	s18 =	spop (v2sf)  }
0x3cb: {  	s19 =	sor.u32 $0xA, s15;
	s20 =	smov.u32 s16;
	p0 =	sne.s32 s18, s10  }
0x3cc: {  	s21 =	smov.u32 s16;
	p1 =	slt.s32 s19, s12;
	s20 =	smov.u32 @p0 s18  }
0x3cd: {  	p0 =	sge.s32 s19, s12;
	s21 =	smov.u32 @p1 s20  }
0x3ce: {  	s19 =	smov.u32 s17;
	p3 =	sgt.s32 s21, s17;
	p2 =	seq.s32 @!p0 s17, s21  }
0x3cf: {  	v4 =	vand.u32 @!p0 $0xFFF, v0;
	s19 =	smov.u32 @p3 s21;
	p4 =	por p2, p0  }
0x3d0: {  	v4 =	vbroadcast @!p0 v4, $0xA;
	p3 =	seq.s32 @!p4 s19, s18  }
0x3d1: {  	p3 =	por @!p0 p3, p2  }
0x3d2: {  	v5 =	vmov @!p4 s19;
	p3 =	por p3, p0  }
0x3d3: {  	v6 =	vbroadcast @!p3 v1, $0xA  }
0x3d4: {  	p5 =	slt.s32 s21, s17;
	s19 =	smov.u32 s17  }
0x3d5: {  	s20 =	simm.s32 @!p0 $0x1000;
	s19 =	smov.u32 @p5 s21  }
0x3d6: {  	[tilespmem:v4+s20+$0x0] =	vst.idx.msk @!p0 $0x1, v3;
	v3 =	vmov @!p4 s19;
	s20 =	simm.s32 @!p4 $0x1000  }
0x3d7: {  	[tilespmem:v5+s20+$0x0] =	vst.idx.msk @!p4 $0x1, v3;
	s20 =	simm.s32 @!p3 $0x0  }
0x3d8: {  	v3 =	vld.idx.msk @!p3 [tilespmem:v5+s20+$0x0], $0xffff  }
0x3d9: {  	v4 =	vld.idx.msk @!p3 [tilespmem:v6+s20+$0x0], $0xffff;
	_ =	sdelay $0x3  }
0x3da: {  	(v2sf) =	vpush @!p3 v3, $0x0  }
0x3db: {  	(v2sf) =	vpush @!p3 v4, $0x0;
	_ =	sdelay $0x3  }
0x3dc: {  	(v2sf) =	vpush v2, $0xB;
	_ =	sdelay $0x9  }
0x3dd: {  	s20 =	spop @!p3 (v2sf)  }
0x3de: {  	s21 =	spop @!p3 (v2sf)  }
0x3df: {  	s20 =	ssub.f32 @!p3 s20, s21  }
0x3e0: {  	p2 =	por !p2, p0  }
0x3e1: {  	s10 =	smov.u32 @p1 s18;
	s17 =	smov.u32 @p2 s19;
	s18 =	simm.s32 @!p3 $0x2000;
	v3 =	vmov @!p3 s20  }
0x3e2: {  	s17 =	smov.u32 @p0 s16;
	[tilespmem:v5+s18+$0x0] =	vst.idx.msk @!p3 $0x1, v3;
	s18 =	spop (v2sf)  }
.LBB2_58:
0x3e3: {  	v3 =	vmov s18;
	_ =	sdelay $0x4  }
0x3e4: {  	v4 =	vld.idx.msk [tilespmem:v3+s9+$0x0], $0xffff;
	_ =	sdelay $0x4  }
0x3e5: {  	(v2sf) =	vpush v4, $0x0;
	_ =	sdelay $0xe  }
0x3e6: {  	s16 =	smov.u32 s18;
	s18 =	spop (v2sf)  }
0x3e7: {  	p0 =	sne.s32 s18, s16  }
.Ltmp34:
0x3e8: {  	_ = 	snop;
	(pc) =	sbr.rel @p0 .LBB2_58-.Ltmp34, $1  }
0x3e9: {  	_ =	sdelay $0x3  }
0x3ea: {  	(v2sf) =	vpush v1, $0xB;
	_ =	sdelay $0xe  }
0x3eb: {  	s18 =	spop (v2sf)  }
0x3ec: {  	s19 =	sor.u32 $0xB, s15;
	s20 =	smov.u32 s17;
	p0 =	sne.s32 s18, s10  }
0x3ed: {  	s21 =	smov.u32 s17;
	p1 =	slt.s32 s19, s12;
	s20 =	smov.u32 @p0 s18  }
0x3ee: {  	p0 =	sge.s32 s19, s12;
	s21 =	smov.u32 @p1 s20  }
0x3ef: {  	s19 =	smov.u32 s16;
	p3 =	sgt.s32 s21, s16;
	p2 =	seq.s32 @!p0 s16, s21  }
0x3f0: {  	v4 =	vand.u32 @!p0 $0xFFF, v0;
	s19 =	smov.u32 @p3 s21;
	p4 =	por p2, p0  }
0x3f1: {  	v4 =	vbroadcast @!p0 v4, $0xB;
	p3 =	seq.s32 @!p4 s19, s18  }
0x3f2: {  	p3 =	por @!p0 p3, p2  }
0x3f3: {  	v5 =	vmov @!p4 s19;
	p3 =	por p3, p0  }
0x3f4: {  	v6 =	vbroadcast @!p3 v1, $0xB  }
0x3f5: {  	p5 =	slt.s32 s21, s16;
	s19 =	smov.u32 s16  }
0x3f6: {  	s20 =	simm.s32 @!p0 $0x1000;
	s19 =	smov.u32 @p5 s21  }
0x3f7: {  	[tilespmem:v4+s20+$0x0] =	vst.idx.msk @!p0 $0x1, v3;
	v3 =	vmov @!p4 s19;
	s20 =	simm.s32 @!p4 $0x1000  }
0x3f8: {  	[tilespmem:v5+s20+$0x0] =	vst.idx.msk @!p4 $0x1, v3;
	s20 =	simm.s32 @!p3 $0x0  }
0x3f9: {  	v3 =	vld.idx.msk @!p3 [tilespmem:v5+s20+$0x0], $0xffff  }
0x3fa: {  	v4 =	vld.idx.msk @!p3 [tilespmem:v6+s20+$0x0], $0xffff;
	_ =	sdelay $0x3  }
0x3fb: {  	(v2sf) =	vpush @!p3 v3, $0x0  }
0x3fc: {  	(v2sf) =	vpush @!p3 v4, $0x0;
	_ =	sdelay $0x3  }
0x3fd: {  	(v2sf) =	vpush v2, $0xC;
	_ =	sdelay $0x9  }
0x3fe: {  	s20 =	spop @!p3 (v2sf)  }
0x3ff: {  	s21 =	spop @!p3 (v2sf)  }
0x400: {  	s20 =	ssub.f32 @!p3 s20, s21  }
0x401: {  	p2 =	por !p2, p0  }
0x402: {  	s10 =	smov.u32 @p1 s18;
	s16 =	smov.u32 @p2 s19;
	s18 =	simm.s32 @!p3 $0x2000;
	v3 =	vmov @!p3 s20  }
0x403: {  	s16 =	smov.u32 @p0 s17;
	[tilespmem:v5+s18+$0x0] =	vst.idx.msk @!p3 $0x1, v3;
	s18 =	spop (v2sf)  }
.LBB2_60:
0x404: {  	v3 =	vmov s18;
	_ =	sdelay $0x4  }
0x405: {  	v4 =	vld.idx.msk [tilespmem:v3+s9+$0x0], $0xffff;
	_ =	sdelay $0x4  }
0x406: {  	(v2sf) =	vpush v4, $0x0;
	_ =	sdelay $0xe  }
0x407: {  	s17 =	smov.u32 s18;
	s18 =	spop (v2sf)  }
0x408: {  	p0 =	sne.s32 s18, s17  }
.Ltmp35:
0x409: {  	_ = 	snop;
	(pc) =	sbr.rel @p0 .LBB2_60-.Ltmp35, $1  }
0x40a: {  	_ =	sdelay $0x3  }
0x40b: {  	(v2sf) =	vpush v1, $0xC;
	_ =	sdelay $0xe  }
0x40c: {  	s18 =	spop (v2sf)  }
0x40d: {  	s19 =	sor.u32 $0xC, s15;
	s20 =	smov.u32 s16;
	p0 =	sne.s32 s18, s10  }
0x40e: {  	s21 =	smov.u32 s16;
	p1 =	slt.s32 s19, s12;
	s20 =	smov.u32 @p0 s18  }
0x40f: {  	p0 =	sge.s32 s19, s12;
	s21 =	smov.u32 @p1 s20  }
0x410: {  	s19 =	smov.u32 s17;
	p3 =	sgt.s32 s21, s17;
	p2 =	seq.s32 @!p0 s17, s21  }
0x411: {  	v4 =	vand.u32 @!p0 $0xFFF, v0;
	s19 =	smov.u32 @p3 s21;
	p4 =	por p2, p0  }
0x412: {  	v4 =	vbroadcast @!p0 v4, $0xC;
	p3 =	seq.s32 @!p4 s19, s18  }
0x413: {  	p3 =	por @!p0 p3, p2  }
0x414: {  	v5 =	vmov @!p4 s19;
	p3 =	por p3, p0  }
0x415: {  	v6 =	vbroadcast @!p3 v1, $0xC  }
0x416: {  	p5 =	slt.s32 s21, s17;
	s19 =	smov.u32 s17  }
0x417: {  	s20 =	simm.s32 @!p0 $0x1000;
	s19 =	smov.u32 @p5 s21  }
0x418: {  	[tilespmem:v4+s20+$0x0] =	vst.idx.msk @!p0 $0x1, v3;
	v3 =	vmov @!p4 s19;
	s20 =	simm.s32 @!p4 $0x1000  }
0x419: {  	[tilespmem:v5+s20+$0x0] =	vst.idx.msk @!p4 $0x1, v3;
	s20 =	simm.s32 @!p3 $0x0  }
0x41a: {  	v3 =	vld.idx.msk @!p3 [tilespmem:v5+s20+$0x0], $0xffff  }
0x41b: {  	v4 =	vld.idx.msk @!p3 [tilespmem:v6+s20+$0x0], $0xffff;
	_ =	sdelay $0x3  }
0x41c: {  	(v2sf) =	vpush @!p3 v3, $0x0  }
0x41d: {  	(v2sf) =	vpush @!p3 v4, $0x0;
	_ =	sdelay $0x3  }
0x41e: {  	(v2sf) =	vpush v2, $0xD;
	_ =	sdelay $0x9  }
0x41f: {  	s20 =	spop @!p3 (v2sf)  }
0x420: {  	s21 =	spop @!p3 (v2sf)  }
0x421: {  	s20 =	ssub.f32 @!p3 s20, s21  }
0x422: {  	p2 =	por !p2, p0  }
0x423: {  	s10 =	smov.u32 @p1 s18;
	s17 =	smov.u32 @p2 s19;
	s18 =	simm.s32 @!p3 $0x2000;
	v3 =	vmov @!p3 s20  }
0x424: {  	s17 =	smov.u32 @p0 s16;
	[tilespmem:v5+s18+$0x0] =	vst.idx.msk @!p3 $0x1, v3;
	s18 =	spop (v2sf)  }
.LBB2_62:
0x425: {  	v3 =	vmov s18;
	_ =	sdelay $0x4  }
0x426: {  	v4 =	vld.idx.msk [tilespmem:v3+s9+$0x0], $0xffff;
	_ =	sdelay $0x4  }
0x427: {  	(v2sf) =	vpush v4, $0x0;
	_ =	sdelay $0xe  }
0x428: {  	s16 =	smov.u32 s18;
	s18 =	spop (v2sf)  }
0x429: {  	p0 =	sne.s32 s18, s16  }
.Ltmp36:
0x42a: {  	_ = 	snop;
	(pc) =	sbr.rel @p0 .LBB2_62-.Ltmp36, $1  }
0x42b: {  	_ =	sdelay $0x3  }
0x42c: {  	(v2sf) =	vpush v1, $0xD;
	_ =	sdelay $0xe  }
0x42d: {  	s18 =	spop (v2sf)  }
0x42e: {  	s19 =	sor.u32 $0xD, s15;
	s20 =	smov.u32 s17;
	p0 =	sne.s32 s18, s10  }
0x42f: {  	s21 =	smov.u32 s17;
	p1 =	slt.s32 s19, s12;
	s20 =	smov.u32 @p0 s18  }
0x430: {  	p0 =	sge.s32 s19, s12;
	s21 =	smov.u32 @p1 s20  }
0x431: {  	s19 =	smov.u32 s16;
	p3 =	sgt.s32 s21, s16;
	p2 =	seq.s32 @!p0 s16, s21  }
0x432: {  	v4 =	vand.u32 @!p0 $0xFFF, v0;
	s19 =	smov.u32 @p3 s21;
	p4 =	por p2, p0  }
0x433: {  	v4 =	vbroadcast @!p0 v4, $0xD;
	p3 =	seq.s32 @!p4 s19, s18  }
0x434: {  	p3 =	por @!p0 p3, p2  }
0x435: {  	v5 =	vmov @!p4 s19;
	p3 =	por p3, p0  }
0x436: {  	v6 =	vbroadcast @!p3 v1, $0xD  }
0x437: {  	p5 =	slt.s32 s21, s16;
	s19 =	smov.u32 s16  }
0x438: {  	s20 =	simm.s32 @!p0 $0x1000;
	s19 =	smov.u32 @p5 s21  }
0x439: {  	[tilespmem:v4+s20+$0x0] =	vst.idx.msk @!p0 $0x1, v3;
	v3 =	vmov @!p4 s19;
	s20 =	simm.s32 @!p4 $0x1000  }
0x43a: {  	[tilespmem:v5+s20+$0x0] =	vst.idx.msk @!p4 $0x1, v3;
	s20 =	simm.s32 @!p3 $0x0  }
0x43b: {  	v3 =	vld.idx.msk @!p3 [tilespmem:v5+s20+$0x0], $0xffff  }
0x43c: {  	v4 =	vld.idx.msk @!p3 [tilespmem:v6+s20+$0x0], $0xffff;
	_ =	sdelay $0x3  }
0x43d: {  	(v2sf) =	vpush @!p3 v3, $0x0  }
0x43e: {  	(v2sf) =	vpush @!p3 v4, $0x0;
	_ =	sdelay $0x3  }
0x43f: {  	(v2sf) =	vpush v2, $0xE;
	_ =	sdelay $0x9  }
0x440: {  	s20 =	spop @!p3 (v2sf)  }
0x441: {  	s21 =	spop @!p3 (v2sf)  }
0x442: {  	s20 =	ssub.f32 @!p3 s20, s21  }
0x443: {  	p2 =	por !p2, p0  }
0x444: {  	s10 =	smov.u32 @p1 s18;
	s16 =	smov.u32 @p2 s19;
	s18 =	simm.s32 @!p3 $0x2000;
	v3 =	vmov @!p3 s20  }
0x445: {  	s16 =	smov.u32 @p0 s17;
	[tilespmem:v5+s18+$0x0] =	vst.idx.msk @!p3 $0x1, v3;
	s18 =	spop (v2sf)  }
.LBB2_64:
0x446: {  	v3 =	vmov s18;
	_ =	sdelay $0x4  }
0x447: {  	v4 =	vld.idx.msk [tilespmem:v3+s9+$0x0], $0xffff;
	_ =	sdelay $0x4  }
0x448: {  	(v2sf) =	vpush v4, $0x0;
	_ =	sdelay $0xe  }
0x449: {  	s17 =	smov.u32 s18;
	s18 =	spop (v2sf)  }
0x44a: {  	p0 =	sne.s32 s18, s17  }
.Ltmp37:
0x44b: {  	_ = 	snop;
	(pc) =	sbr.rel @p0 .LBB2_64-.Ltmp37, $1  }
0x44c: {  	_ =	sdelay $0x3  }
0x44d: {  	(v2sf) =	vpush v1, $0xE;
	_ =	sdelay $0xe  }
0x44e: {  	s18 =	spop (v2sf)  }
0x44f: {  	s19 =	sor.u32 $0xE, s15;
	s20 =	smov.u32 s16;
	p0 =	sne.s32 s18, s10  }
0x450: {  	s21 =	smov.u32 s16;
	p1 =	slt.s32 s19, s12;
	s20 =	smov.u32 @p0 s18  }
0x451: {  	p0 =	sge.s32 s19, s12;
	s21 =	smov.u32 @p1 s20  }
0x452: {  	s19 =	smov.u32 s17;
	p3 =	sgt.s32 s21, s17;
	p2 =	seq.s32 @!p0 s17, s21  }
0x453: {  	v4 =	vand.u32 @!p0 $0xFFF, v0;
	s19 =	smov.u32 @p3 s21;
	p4 =	por p2, p0  }
0x454: {  	v4 =	vbroadcast @!p0 v4, $0xE;
	p3 =	seq.s32 @!p4 s19, s18  }
0x455: {  	p3 =	por @!p0 p3, p2  }
0x456: {  	v5 =	vmov @!p4 s19;
	p3 =	por p3, p0  }
0x457: {  	v6 =	vbroadcast @!p3 v1, $0xE  }
0x458: {  	p5 =	slt.s32 s21, s17;
	s19 =	smov.u32 s17  }
0x459: {  	s20 =	simm.s32 @!p0 $0x1000;
	s19 =	smov.u32 @p5 s21  }
0x45a: {  	[tilespmem:v4+s20+$0x0] =	vst.idx.msk @!p0 $0x1, v3;
	v3 =	vmov @!p4 s19;
	s20 =	simm.s32 @!p4 $0x1000  }
0x45b: {  	[tilespmem:v5+s20+$0x0] =	vst.idx.msk @!p4 $0x1, v3;
	s20 =	simm.s32 @!p3 $0x0  }
0x45c: {  	v3 =	vld.idx.msk @!p3 [tilespmem:v5+s20+$0x0], $0xffff  }
0x45d: {  	v4 =	vld.idx.msk @!p3 [tilespmem:v6+s20+$0x0], $0xffff;
	_ =	sdelay $0x3  }
0x45e: {  	(v2sf) =	vpush @!p3 v3, $0x0  }
0x45f: {  	(v2sf) =	vpush @!p3 v4, $0x0;
	_ =	sdelay $0x3  }
0x460: {  	(v2sf) =	vpush v2, $0xF;
	_ =	sdelay $0x9  }
0x461: {  	s20 =	spop @!p3 (v2sf)  }
0x462: {  	s21 =	spop @!p3 (v2sf)  }
0x463: {  	s20 =	ssub.f32 @!p3 s20, s21  }
0x464: {  	p2 =	por !p2, p0  }
0x465: {  	s10 =	smov.u32 @p1 s18;
	s17 =	smov.u32 @p2 s19;
	s18 =	simm.s32 @!p3 $0x2000;
	v2 =	vmov @!p3 s20  }
0x466: {  	s17 =	smov.u32 @p0 s16;
	[tilespmem:v5+s18+$0x0] =	vst.idx.msk @!p3 $0x1, v2;
	s18 =	spop (v2sf)  }
.LBB2_66:
0x467: {  	v2 =	vmov s18;
	_ =	sdelay $0x4  }
0x468: {  	v3 =	vld.idx.msk [tilespmem:v2+s9+$0x0], $0xffff;
	_ =	sdelay $0x4  }
0x469: {  	(v2sf) =	vpush v3, $0x0;
	_ =	sdelay $0xe  }
0x46a: {  	s16 =	smov.u32 s18;
	s18 =	spop (v2sf)  }
0x46b: {  	p0 =	sne.s32 s18, s16  }
.Ltmp38:
0x46c: {  	_ = 	snop;
	(pc) =	sbr.rel @p0 .LBB2_66-.Ltmp38, $1  }
0x46d: {  	_ =	sdelay $0x3  }
0x46e: {  	(v2sf) =	vpush v1, $0xF;
	_ =	sdelay $0xe  }
0x46f: {  	s18 =	spop (v2sf)  }
0x470: {  	s15 =	sor.u32 $0xF, s15;
	s19 =	smov.u32 s17;
	p1 =	sne.s32 s18, s10  }
0x471: {  	s20 =	smov.u32 s17;
	p0 =	slt.s32 s15, s12;
	s19 =	smov.u32 @p1 s18  }
0x472: {  	p1 =	sge.s32 s15, s12;
	s20 =	smov.u32 @p0 s19  }
0x473: {  	s15 =	smov.u32 s16;
	p3 =	sgt.s32 s20, s16;
	p2 =	seq.s32 @!p1 s16, s20  }
0x474: {  	v0 =	vand.u32 @!p1 $0xFFF, v0;
	s15 =	smov.u32 @p3 s20;
	p4 =	por p2, p1  }
0x475: {  	v0 =	vbroadcast @!p1 v0, $0xF;
	p3 =	seq.s32 @!p4 s15, s18  }
0x476: {  	p3 =	por @!p1 p3, p2  }
0x477: {  	v3 =	vmov @!p4 s15;
	p3 =	por p3, p1  }
0x478: {  	v1 =	vbroadcast @!p3 v1, $0xF  }
0x479: {  	p5 =	slt.s32 s20, s16;
	s15 =	smov.u32 s16  }
0x47a: {  	s19 =	simm.s32 @!p1 $0x1000;
	s15 =	smov.u32 @p5 s20  }
0x47b: {  	[tilespmem:v0+s19+$0x0] =	vst.idx.msk @!p1 $0x1, v2;
	v0 =	vmov @!p4 s15;
	s19 =	simm.s32 @!p4 $0x1000  }
0x47c: {  	[tilespmem:v3+s19+$0x0] =	vst.idx.msk @!p4 $0x1, v0;
	s19 =	simm.s32 @!p3 $0x0  }
0x47d: {  	v0 =	vld.idx.msk @!p3 [tilespmem:v3+s19+$0x0], $0xffff  }
0x47e: {  	v1 =	vld.idx.msk @!p3 [tilespmem:v1+s19+$0x0], $0xffff;
	_ =	sdelay $0x3  }
0x47f: {  	(v2sf) =	vpush @!p3 v0, $0x0  }
0x480: {  	(v2sf) =	vpush @!p3 v1, $0x0;
	_ =	sdelay $0xc  }
0x481: {  	s14 =	sadd.s32 $0x1, s14;
	p2 =	por !p2, p1  }
0x482: {  	s16 =	smov.u32 @p2 s15;
	p2 =	seq.s32 s14, s13;
	s19 =	spop @!p3 (v2sf)  }
.Ltmp39:
0x483: {  	s20 =	spop @!p3 (v2sf);
	(pc) =	sbr.rel @!p2 .LBB2_33-.Ltmp39, $4  }
.Ltmp40:
0x484: {  	s19 =	ssub.f32 @!p3 s19, s20;
	(pc) =	sbr.rel @p2 .LBB2_31-.Ltmp40, $4  }
0x485: {  	_ = 	snop  }
0x486: {  	v0 =	vmov @!p3 s19;
	s19 =	simm.s32 @!p3 $0x2000  }
0x487: {  	s10 =	smov.u32 @p0 s18;
	s16 =	smov.u32 @p1 s17;
	[tilespmem:v3+s19+$0x0] =	vst.idx.msk @!p3 $0x1, v0  }
0x488: {  	_ = 	snop  }
.LBB2_68:
0x489: {  	v0 =	vimm.s32 $0xFFF;
	_ =	sdelay $0x3  }
0x48a: {  	s3 =	simm.s32 $0x0  }
0x48b: {  	v0 =	vld.idx.msk [tilespmem:v0+s3+$0x0], $0xffff  }
0x48c: {  	s5 =	simm.s32 $0x2000;
	v3 =	vld [tilespmem:s3+$0x0]  }
0x48d: {  	s6 =	simm.s32 $0x1000;
	v4 =	vld [tilespmem:s5+$0x0]  }
0x48e: {  	v5 =	vld [tilespmem:s6+$0x0];
	_ =	sdelay $0x1  }
0x48f: {  	v1 =	vbroadcast v0, $0x0  }
0x490: {  	v2 =	vlaneseq.u32  }
0x491: {  	v6 =	vor.u32 s3, v2;
	vm0 =	vge.f32 v4, $0.0e+00;
	v3 =	vsub.f32 v3, v1  }
0x492: {  	vm1 =	veq.s32 v5, v6;
	v4 =	vnsel vm0, $0xBF800000, v4  }
0x493: {  	v3 =	vsel vm1, v3, v4  }
0x494: {  	s26 =	simm.s32 $0x10;
	[tilespmem:s5+$0x0] =	vst v3  }
0x495: {  	s28 =	simm.s32 $0x2010;
	v4 =	vld [tilespmem:s26+$0x0]  }
0x496: {  	s7 =	simm.s32 $0x1010;
	v5 =	vld [tilespmem:s28+$0x0]  }
0x497: {  	v6 =	vld [tilespmem:s7+$0x0];
	_ =	sdelay $0x3  }
0x498: {  	v7 =	vor.u32 s26, v2;
	vm2 =	vge.f32 v5, $0.0e+00;
	v4 =	vsub.f32 v4, v1  }
0x499: {  	vm11 =	veq.s32 v6, v7;
	v5 =	vnsel vm2, $0xBF800000, v5  }
0x49a: {  	vm0 =	vmor vm1, vm0;
	v0 =	vimm.s32 $0x0;
	v4 =	vsel vm11, v4, v5  }
0x49b: {  	s30 =	simm.s32 $0x2020;
	v3 =	vmul.f32 v3, v3;
	v5 =	vsel vm0, $0x1, v0;
	[tilespmem:s28+$0x0] =	vst v4  }
0x49c: {  	s31 =	simm.s32 $0x1020;
	(xrf0) =	vadd.scan.msk.s32 $0xffff, v5;
	v6 =	vld [tilespmem:s30+$0x0]  }
0x49d: {  	v3 =	vnsel vm0, $0x0, v3;
	v5 =	vld [tilespmem:s31+$0x0]  }
0x49e: {  	(xrf2) =	vadd.scan.msk.f32 $0xffff, v3  }
0x49f: {  	vm12 =	vmor vm11, vm2  }
0x4a0: {  	s29 =	simm.s32 $0x20;
	v7 =	vsel vm12, $0x1, v0  }
0x4a1: {  	v3 =	vld [tilespmem:s29+$0x0];
	(xrf0) =	vadd.scan.msk.s32 $0xffff, v7;
	v7 =	vor.u32 s29, v2;
	vm13 =	vge.f32 v6, $0.0e+00  }
0x4a2: {  	vm14 =	veq.s32 v5, v7;
	v5 =	vnsel vm13, $0xBF800000, v6;
	v6, _, _ =	vpop (xrf0)  }
0x4a3: {  	(v2sf) =	vpush v6, $0xF;
	_ =	sdelay $0x1  }
0x4a4: {  	v4 =	vmul.f32 v4, v4  }
0x4a5: {  	v3 =	vsub.f32 v3, v1  }
0x4a6: {  	v4 =	vnsel vm12, $0x0, v4  }
0x4a7: {  	v3 =	vsel vm14, v3, v5;
	v5, _, _ =	vpop (xrf2);
	(xrf2) =	vadd.scan.msk.f32 $0xffff, v4  }
0x4a8: {  	(v2sf) =	vpush v5, $0xF;
	_ =	sdelay $0x1  }
0x4a9: {  	v5, _, _ =	vpop (xrf0)  }
0x4aa: {  	(v2sf) =	vpush v5, $0xF;
	_ =	sdelay $0x1  }
0x4ab: {  	vm15 =	vmor vm14, vm13  }
0x4ac: {  	s4 =	simm.f32 $0.0e+00;
	s8 =	simm.s32 $0x30;
	s9 =	simm.s32 $0x2030;
	v6 =	vsel vm15, $0x1, v0;
	[tilespmem:s30+$0x0] =	vst v3;
	v3 =	vmul.f32 v3, v3  }
0x4ad: {  	s12 =	simm.s32 $0x70;
	s10 =	simm.s32 $0x1030;
	s11 =	simm.s32 $0x30;
	(xrf0) =	vadd.scan.msk.s32 $0xffff, v6;
	v4 =	vld [tilespmem:s8+$0x0]  }
0x4ae: {  	s6 =	simm.s32 $0x50;
	s5 =	simm.s32 $0x60;
	s7 =	simm.s32 $0x40;
	v3 =	vnsel vm15, $0x0, v3;
	v5 =	vld [tilespmem:s9+$0x0]  }
.LBB2_69:
0x4af: {  	p0 =	seq.s32 s12, $0xFF0;
	v6 =	vld [tilespmem:s10+$0x0];
	(xrf2) =	vadd.scan.msk.f32 $0xffff, v3;
	v3, _, _ =	vpop (xrf2);
	s13 =	spop (v2sf)  }
0x4b0: {  	(v2sf) =	vpush v3, $0xF;
	s3 =	sadd.s32 s3, s13;
	_ =	sdelay $0x2  }
0x4b1: {  	v3 =	vor.u32 s8, v2;
	s8 =	smov.u32 s7;
	s7 =	smov.u32 s6;
	s6 =	smov.u32 s5;
	v4 =	vsub.f32 v4, v1;
	vm0 =	vge.f32 v5, $0.0e+00;
	v7, _, _ =	vpop (xrf0)  }
.Ltmp41:
0x4b2: {  	s5 =	smov.u32 s12;
	vm1 =	veq.s32 v6, v3;
	v3 =	vnsel vm0, $0xBF800000, v5;
	(v2sf) =	vpush v7, $0xF;
	(pc) =	sbr.rel @!p0 .LBB2_69-.Ltmp41, $4  }
0x4b3: {  	vm0 =	vmor vm1, vm0;
	v3 =	vsel vm1, v4, v3;
	s13 =	spop (v2sf)  }
0x4b4: {  	s11 =	sadd.s32 $0x10, s11;
	[tilespmem:s9+$0x0] =	vst v3;
	v3 =	vmul.f32 v3, v3;
	v5 =	vsel vm0, $0x1, v0;
	s4 =	sadd.f32 s13, s4  }
0x4b5: {  	s9 =	sadd.s32 $0x10, s9;
	v4 =	vld [tilespmem:s11+$0x0];
	(xrf0) =	vadd.scan.msk.s32 $0xffff, v5  }
0x4b6: {  	s10 =	sadd.s32 $0x10, s10;
	s12 =	sadd.s32 $0x10, s12;
	v5 =	vld [tilespmem:s9+$0x0];
	v3 =	vnsel vm0, $0x0, v3  }
0x4b7: {  	v6 =	vld [tilespmem:s10+$0x0];
	_ =	sdelay $0x3  }
0x4b8: {  	v7 =	vor.u32 s8, v2;
	v4 =	vsub.f32 v4, v1;
	vm0 =	vge.f32 v5, $0.0e+00  }
0x4b9: {  	vm1 =	veq.s32 v6, v7;
	v5 =	vnsel vm0, $0xBF800000, v5  }
0x4ba: {  	v4 =	vsel vm1, v4, v5  }
0x4bb: {  	s29 =	sadd.s32 $0x10, s11;
	[tilespmem:s9+$0x0] =	vst v4  }
0x4bc: {  	s30 =	sadd.s32 $0x10, s9;
	v50 =	vld [tilespmem:s29+$0x0]  }
0x4bd: {  	s31 =	sadd.s32 $0x10, s10;
	v51 =	vld [tilespmem:s30+$0x0]  }
0x4be: {  	v52 =	vld [tilespmem:s31+$0x0];
	_ =	sdelay $0x3  }
0x4bf: {  	v8 =	vor.u32 s7, v2;
	vm2 =	vge.f32 v51, $0.0e+00;
	v5 =	vsub.f32 v50, v1  }
0x4c0: {  	vm3 =	veq.s32 v52, v8;
	v6 =	vnsel vm2, $0xBF800000, v51  }
0x4c1: {  	v5 =	vsel vm3, v5, v6  }
0x4c2: {  	s11 =	sadd.s32 $0x10, s29;
	[tilespmem:s30+$0x0] =	vst v5  }
0x4c3: {  	s12 =	sadd.s32 $0x10, s30;
	v53 =	vld [tilespmem:s11+$0x0]  }
0x4c4: {  	s13 =	sadd.s32 $0x10, s31;
	v54 =	vld [tilespmem:s12+$0x0]  }
0x4c5: {  	v55 =	vld [tilespmem:s13+$0x0];
	_ =	sdelay $0x3  }
0x4c6: {  	v9 =	vor.u32 s6, v2;
	vm4 =	vge.f32 v54, $0.0e+00;
	v6 =	vsub.f32 v53, v1  }
0x4c7: {  	vm5 =	veq.s32 v55, v9;
	v7 =	vnsel vm4, $0xBF800000, v54  }
0x4c8: {  	v6 =	vsel vm5, v6, v7  }
0x4c9: {  	s14 =	sadd.s32 $0x10, s11;
	[tilespmem:s12+$0x0] =	vst v6  }
0x4ca: {  	s15 =	sadd.s32 $0x10, s12;
	v56 =	vld [tilespmem:s14+$0x0]  }
0x4cb: {  	s16 =	sadd.s32 $0x10, s13;
	v57 =	vld [tilespmem:s15+$0x0]  }
0x4cc: {  	v58 =	vld [tilespmem:s16+$0x0]  }
0x4cd: {  	v4 =	vmul.f32 v4, v4  }
0x4ce: {  	vm0 =	vmor vm1, vm0  }
0x4cf: {  	(xrf2) =	vadd.scan.msk.f32 $0xffff, v3;
	v2 =	vor.u32 s5, v2;
	v3 =	vnsel vm0, $0x0, v4;
	vm11 =	vmor vm3, vm2  }
0x4d0: {  	v59 =	vmul.f32 v5, v5;
	v1 =	vsub.f32 v56, v1;
	vm13 =	vge.f32 v57, $0.0e+00  }
0x4d1: {  	(xrf2) =	vadd.scan.msk.f32 $0xffff, v3;
	v3 =	vmul.f32 v6, v6;
	vm12 =	veq.s32 v58, v2;
	v60 =	vnsel vm13, $0xBF800000, v57  }
0x4d2: {  	vm14 =	vmor vm5, vm4;
	v2 =	vnsel vm11, $0x0, v59;
	v1 =	vsel vm12, v1, v60  }
0x4d3: {  	v61 =	vsel vm0, $0x1, v0;
	(xrf2) =	vadd.scan.msk.f32 $0xffff, v2;
	v2 =	vnsel vm14, $0x0, v3;
	v3 =	vmul.f32 v1, v1  }
0x4d4: {  	(xrf0) =	vadd.scan.msk.s32 $0xffff, v61;
	vm15 =	vmor vm12, vm13  }
0x4d5: {  	v62 =	vsel vm11, $0x1, v0;
	(xrf2) =	vadd.scan.msk.f32 $0xffff, v2;
	v2 =	vnsel vm15, $0x0, v3  }
0x4d6: {  	(xrf0) =	vadd.scan.msk.s32 $0xffff, v62  }
0x4d7: {  	v63 =	vsel vm14, $0x1, v0;
	v3, _, _ =	vpop (xrf2);
	(xrf2) =	vadd.scan.msk.f32 $0xffff, v2  }
0x4d8: {  	v0 =	vsel vm15, $0x1, v0;
	(v2sf) =	vpush v3, $0xF;
	v2, _, _ =	vpop (xrf0);
	(xrf0) =	vadd.scan.msk.s32 $0xffff, v63  }
0x4d9: {  	v3, _, _ =	vpop (xrf2);
	(v2sf) =	vpush v2, $0xF  }
0x4da: {  	v2, _, _ =	vpop (xrf0);
	(xrf0) =	vadd.scan.msk.s32 $0xffff, v0;
	(v2sf) =	vpush v3, $0xF  }
0x4db: {  	v0, _, _ =	vpop (xrf2);
	(v2sf) =	vpush v2, $0xF  }
0x4dc: {  	v2, _, _ =	vpop (xrf0);
	(v2sf) =	vpush v0, $0xF  }
0x4dd: {  	v0, _, _ =	vpop (xrf2);
	(v2sf) =	vpush v2, $0xF  }
0x4de: {  	v2, _, _ =	vpop (xrf0);
	(v2sf) =	vpush v0, $0xF  }
0x4df: {  	v0, _, _ =	vpop (xrf2);
	(v2sf) =	vpush v2, $0xF  }
0x4e0: {  	(v2sf) =	vpush v0, $0xF;
	v0, _, _ =	vpop (xrf0)  }
0x4e1: {  	(v2sf) =	vpush v0, $0xF  }
0x4e2: {  	v0, _, _ =	vpop (xrf2)  }
0x4e3: {  	(v2sf) =	vpush v0, $0xF  }
0x4e4: {  	s17 =	spop (v2sf)  }
0x4e5: {  	s18 =	spop (v2sf)  }
0x4e6: {  	s19 =	spop (v2sf)  }
0x4e7: {  	s4 =	sadd.f32 s18, s4;
	s20 =	spop (v2sf)  }
0x4e8: {  	s21 =	spop (v2sf)  }
0x4e9: {  	s4 =	sadd.f32 s20, s4;
	s22 =	spop (v2sf)  }
0x4ea: {  	s23 =	spop (v2sf)  }
0x4eb: {  	s3 =	sadd.s32 s3, s17;
	s4 =	sadd.f32 s22, s4;
	s24 =	spop (v2sf)  }
0x4ec: {  	s3 =	sadd.s32 s3, s19;
	s25 =	spop (v2sf)  }
0x4ed: {  	s3 =	sadd.s32 s3, s21;
	s4 =	sadd.f32 s24, s4;
	s26 =	spop (v2sf)  }
0x4ee: {  	s3 =	sadd.s32 s3, s23;
	s28 =	spop (v2sf)  }
0x4ef: {  	s3 =	sadd.s32 s3, s25;
	s4 =	sadd.f32 s26, s4;
	s29 =	spop (v2sf)  }
0x4f0: {  	s3 =	sadd.s32 s3, s28;
	s30 =	spop (v2sf)  }
0x4f1: {  	s7 =	sadd.f32 s29, s4;
	s4 =	sadd.s32 s3, s30  }
0x4f2: {  	s5 =	simm.s32 $0x0;
	s31 =	spop (v2sf);
	p0 =	slt.s32 s4, $0xA  }
0x4f3: {  	s6 =	simm.s32 $0x2000;
	[tilespmem:s15+$0x0] =	vst v1;
	v0 =	vimm.f32 $-3.000000000e+00;
	s3 =	sadd.f32 s31, s7;
	s4 =	simm.s32 @!p0 $0xA  }
.LBB2_71:
0x4f4: {  	s8 =	simm.s32 $0x0  }
0x4f5: {  	s30 =	simm.s32 $0x10;
	v1 =	vld [tilespmem:s8+$0x2000]  }
0x4f6: {  	v2 =	vld [tilespmem:s30+$0x2000];
	_ =	sdelay $0x3  }
0x4f7: {  	(xrf0) =	vmax.scan.msk.f32 $0xffff, v1  }
0x4f8: {  	(xrf0) =	vmax.scan.msk.f32 $0xffff, v2;
	_ =	sdelay $0x4  }
0x4f9: {  	s31 =	simm.s32 $0x20;
	v2, _, _ =	vpop (xrf0)  }
0x4fa: {  	v1 =	vld [tilespmem:s31+$0x2000];
	(v2sf) =	vpush v2, $0xF;
	v2, _, _ =	vpop (xrf0)  }
0x4fb: {  	(v2sf) =	vpush v2, $0xF;
	_ =	sdelay $0x3  }
0x4fc: {  	s9 =	simm.s32 $0x30;
	(xrf0) =	vmax.scan.msk.f32 $0xffff, v1  }
0x4fd: {  	v1 =	vld [tilespmem:s9+$0x2000];
	_ =	sdelay $0x3  }
0x4fe: {  	s7 =	simm.f32 $-3.000000000e+00;
	s8 =	simm.s32 $0x100  }
.LBB2_72:
0x4ff: {  	s9 =	sshra.s32 s8, $0x2;
	p0 =	seq.s32 s8, $0x3FC0;
	s8 =	sadd.s32 $0x40, s8;
	(xrf0) =	vmax.scan.msk.f32 $0xffff, v1;
	v2, _, _ =	vpop (xrf0)  }
.Ltmp42:
0x500: {  	v1 =	vld [tilespmem:s9+$0x2000];
	(v2sf) =	vpush v2, $0xF;
	(pc) =	sbr.rel @!p0 .LBB2_72-.Ltmp42, $3  }
0x501: {  	_ =	sdelay $0x1  }
0x502: {  	s9 =	spop (v2sf)  }
0x503: {  	s7 =	smax.f32 s7, s9  }
0x504: {  	(xrf0) =	vmax.scan.msk.f32 $0xffff, v1;
	_ =	sdelay $0x4  }
0x505: {  	v1, _, _ =	vpop (xrf0)  }
0x506: {  	(v2sf) =	vpush v1, $0xF;
	v1, _, _ =	vpop (xrf0)  }
0x507: {  	(v2sf) =	vpush v1, $0xF;
	_ =	sdelay $0xb  }
0x508: {  	s8 =	spop (v2sf);
	s9 =	simm.s32 $0x2000  }
0x509: {  	s7 =	smax.f32 s7, s8;
	v2 =	vld [tilespmem:s9+$0x0];
	s22 =	spop (v2sf)  }
0x50a: {  	s7 =	smax.f32 s7, s22;
	s23 =	spop (v2sf)  }
0x50b: {  	s7 =	smax.f32 s7, s23;
	s24 =	spop (v2sf)  }
0x50c: {  	s7 =	smax.f32 s7, s24  }
0x50d: {  	v1 =	vmov s7  }
0x50e: {  	vm0 =	veq.f32 v2, v1  }
0x50f: {  	v3 =	vmctz.xlane vm0;
	_ =	sdelay $0x1  }
0x510: {  	(xrf0) =	vmax.scan.msk.f32 $0xffff, v2;
	v3 =	vxor.u32 $0x80000000, v3  }
0x511: {  	(xrf0) =	vmax.scan.msk.u32 $0xffff, v3;
	_ =	sdelay $0x2  }
0x512: {  	s25 =	simm.s32 $0x2010  }
0x513: {  	v2 =	vld [tilespmem:s25+$0x0]  }
0x514: {  	s26 =	simm.s32 $0x2020;
	v3, _, _ =	vpop (xrf0)  }
0x515: {  	s28 =	simm.s32 $0x2030;
	v4 =	vld [tilespmem:s26+$0x0];
	(v2sf) =	vpush v3, $0xF;
	v3, _, _ =	vpop (xrf0)  }
0x516: {  	(v2sf) =	vpush v3, $0xF;
	v3 =	vld [tilespmem:s28+$0x0];
	_ =	sdelay $0x1  }
0x517: {  	vm0 =	veq.f32 v2, v1  }
0x518: {  	v5 =	vmctz.xlane vm0  }
0x519: {  	vm0 =	veq.f32 v4, v1  }
0x51a: {  	(xrf0) =	vmax.scan.msk.f32 $0xffff, v2;
	v59 =	vmctz.xlane vm0;
	v2 =	vxor.u32 $0x80000000, v5;
	vm0 =	veq.f32 v3, v1  }
0x51b: {  	(xrf0) =	vmax.scan.msk.u32 $0xffff, v2;
	v60 =	vmctz.xlane vm0  }
0x51c: {  	v2 =	vxor.u32 $0x80000000, v59;
	(xrf0) =	vmax.scan.msk.f32 $0xffff, v4  }
0x51d: {  	(xrf0) =	vmax.scan.msk.u32 $0xffff, v2;
	v2 =	vxor.u32 $0x80000000, v60  }
0x51e: {  	(xrf0) =	vmax.scan.msk.f32 $0xffff, v3  }
0x51f: {  	(xrf0) =	vmax.scan.msk.u32 $0xffff, v2  }
0x520: {  	v2, _, _ =	vpop (xrf0)  }
0x521: {  	v3, _, _ =	vpop (xrf0);
	(v2sf) =	vpush v2, $0xF  }
0x522: {  	v62, _, _ =	vpop (xrf0);
	(v2sf) =	vpush v3, $0xF  }
0x523: {  	s29 =	simm.s32 $0x2040;
	(v2sf) =	vpush v62, $0xF;
	v3, _, _ =	vpop (xrf0)  }
0x524: {  	v61 =	vld [tilespmem:s29+$0x0];
	(v2sf) =	vpush v3, $0xF;
	v3, _, _ =	vpop (xrf0)  }
0x525: {  	s31 =	spop (v2sf);
	(v2sf) =	vpush v3, $0xF;
	v3, _, _ =	vpop (xrf0)  }
0x526: {  	s10 =	spop (v2sf);
	(v2sf) =	vpush v3, $0xF;
	_ =	sdelay $0x1  }
0x527: {  	s30 =	simm.s32 $0x2050  }
0x528: {  	vm0 =	veq.f32 v61, v1;
	v2 =	vld [tilespmem:s30+$0x0]  }
0x529: {  	s13 =	simm.s32 $0x80000010;
	v63 =	vmctz.xlane vm0  }
0x52a: {  	p0 =	por $0x0, $0x0;
	s11 =	simm.s32 $0x80000020;
	s12 =	simm.s32 $0x80000030  }
0x52b: {  	s8 =	simm.s32 $0x0;
	v4 =	vxor.u32 $0x80000000, v63;
	(xrf0) =	vmax.scan.msk.f32 $0xffff, v61;
	p1 =	sge.f32 s31, s7;
	s15 =	sadd.s32 $0x80000000, s10  }
0x52c: {  	s14 =	simm.s32 $0x80000060;
	s9 =	simm.s32 $0x80000050;
	(xrf0) =	vmax.scan.msk.u32 $0xffff, v4;
	s15 =	smov.u32 @p0 s8  }
0x52d: {  	s10 =	simm.s32 $0x80000040;
	vm0 =	veq.f32 v2, v1;
	s8 =	smov.u32 @p1 s15;
	s15 =	simm.s32 $0x2060  }
.LBB2_74:
0x52e: {  	p2 =	sne.s32 s14, $0x80000FF0  }
0x52f: {  	v3 =	vld [tilespmem:s15+$0x0];
	v4 =	vmctz.xlane vm0;
	s16 =	spop (v2sf);
	s17 =	smov.u32 s14;
	s14 =	sadd.s32 $0x10, s14  }
.Ltmp43:
0x530: {  	s18 =	spop (v2sf);
	(pc) =	sbr.rel @p2 .LBB2_74-.Ltmp43, $4  }
0x531: {  	p0 =	por p0, p1;
	p1 =	sge.f32 s16, s7;
	v4 =	vxor.u32 $0x80000000, v4;
	(xrf0) =	vmax.scan.msk.f32 $0xffff, v2;
	v2, _, _ =	vpop (xrf0);
	s18 =	sadd.s32 s13, s18  }
0x532: {  	s13 =	smov.u32 s11;
	s11 =	smov.u32 s12;
	(xrf0) =	vmax.scan.msk.u32 $0xffff, v4;
	(v2sf) =	vpush v2, $0xF;
	v2, _, _ =	vpop (xrf0);
	s18 =	smov.u32 @p0 s8  }
0x533: {  	s12 =	smov.u32 s10;
	s10 =	smov.u32 s9;
	(v2sf) =	vpush v2, $0xF;
	s8 =	smov.u32 @p1 s18  }
0x534: {  	s15 =	sadd.s32 $0x10, s15;
	s9 =	smov.u32 s17;
	vm0 =	veq.f32 v3, v1;
	v2 =	vmov v3  }
0x535: {  	v1 =	vmctz.xlane vm0;
	_ =	sdelay $0x1  }
0x536: {  	(xrf0) =	vmax.scan.msk.f32 $0xffff, v2;
	v1 =	vxor.u32 $0x80000000, v1  }
0x537: {  	(xrf0) =	vmax.scan.msk.u32 $0xffff, v1;
	_ =	sdelay $0x2  }
0x538: {  	v1, _, _ =	vpop (xrf0)  }
0x539: {  	(v2sf) =	vpush v1, $0xF;
	v1, _, _ =	vpop (xrf0)  }
0x53a: {  	(v2sf) =	vpush v1, $0xF;
	v1, _, _ =	vpop (xrf0)  }
0x53b: {  	(v2sf) =	vpush v1, $0xF;
	v1, _, _ =	vpop (xrf0)  }
0x53c: {  	(v2sf) =	vpush v1, $0xF;
	_ =	sdelay $0x3  }
0x53d: {  	s14 =	spop (v2sf)  }
0x53e: {  	s15 =	spop (v2sf)  }
0x53f: {  	p0 =	por p0, p1;
	p2 =	sge.f32 s14, s7;
	s13 =	sadd.s32 s13, s15  }
0x540: {  	s22 =	spop (v2sf);
	s13 =	smov.u32 @p0 s8  }
0x541: {  	s23 =	spop (v2sf);
	p1 =	sge.f32 s22, s7;
	p0 =	por p0, p2  }
0x542: {  	s8 =	smov.u32 @p2 s13;
	s11 =	sadd.s32 s11, s23;
	s24 =	spop (v2sf)  }
0x543: {  	s11 =	smov.u32 @p0 s8;
	p0 =	por p0, p1;
	s25 =	spop (v2sf)  }
0x544: {  	s8 =	smov.u32 @p1 s11;
	p2 =	sge.f32 s24, s7;
	s11 =	sadd.s32 s12, s25  }
0x545: {  	s31 =	sadd.f32 s7, s7;
	s11 =	smov.u32 @p0 s8;
	s26 =	spop (v2sf)  }
0x546: {  	p0 =	por p0, p2;
	s8 =	smov.u32 @p2 s11;
	s28 =	spop (v2sf)  }
0x547: {  	p1 =	sge.f32 s26, s7;
	s10 =	sadd.s32 s10, s28;
	s29 =	spop (v2sf)  }
0x548: {  	s10 =	smov.u32 @p0 s8;
	p2 =	sge.f32 s29, s7;
	s30 =	spop (v2sf)  }
0x549: {  	p0 =	por p0, p1;
	s8 =	smov.u32 @p1 s10;
	s9 =	sadd.s32 s9, s30  }
0x54a: {  	s7 =	ssub.f32 $1.000000000e+00, s31;
	s9 =	smov.u32 @p0 s8  }
0x54b: {  	p0 =	slt.s32 s5, s4;
	s5 =	sadd.s32 $0x1, s5;
	s8 =	smov.u32 @p2 s9  }
0x54c: {  	s7 =	simm.s32 @!p0 $0x0;
	p0 =	sne.s32 s5, $0xA;
	v1 =	vmov s8  }
.Ltmp44:
0x54d: {  	_ = 	snop;
	(pc) =	sbr.rel @p0 .LBB2_71-.Ltmp44, $2  }
0x54e: {  	_ =	sdelay $0x2  }
0x54f: {  	s3 =	sadd.f32 s7, s3;
	[tilespmem:v1+s6+$0x0] =	vst.idx.msk $0x1, v0  }
0x550: {  	_ = 	snop  }
0x551: {  	v0 =	vmov s3  }
0x552: {  	s30 =	simm.s32 $0x0;
	s4 =	simm.s32 $0xA040;
	s31 =	simm.s32 $0x1;
	[tilespmem:$0xA040] =	vst v0  }
0x553: {  	[hbm4b:s1+s30] =	stream.linear.scatter [tilespmem:s4], [sflag:$0x1], $0x10, $0x38;
	[tilespmem:$0xA050] =	vst v63  }
0x554: {  	_ =	swait.ge [sflag:s31], $0x10  }
0x555: {  	[sflag:s31] =	ssyncset.done $0x0  }
0x556: {  	[sflag:s31] =	ssyncadd.s32 $0xFFFFFFF0  }
.LBB2_77:
0x557: {  	_ =	sfence.sel $0x180000  }
0x558: {  	[bflag:$0x0] =	sbarrier.arrive $0xFFFF  }
0x559: {  	p0 =	sne.s32 s2, $0x0;
	_ =	strace $0x9000004A  }
0x55a: {  	s0 =	sadd.s32 @!p0 $0x100000, s0;
	[bflag:$0x2] =	sbarrier.arrive $0xFFFF  }
0x55b: {  	[sflag:s0] =	ssyncadd.tile.s32 @!p0 $0x1;
	_ =	shalt  }
.Lfunc_end2:
_tile_overlayer_lowered:
.L_overlay_start_2:
0x55c: {  	(tag) =	ssettag $0x2  }
0x55d: {  	s0 =	rddreg [dreg:$0x0];
	s2 =	stileid.u32  }
0x55e: {  	s1 =	rddreg [dreg:$0x1];
	p0 =	sne.s32 s2, $0x0  }
0x55f: {  	s3 =	rddreg [dreg:$0x2];
	[bflag:$0x3] =	sbarrier.arrive $0xFFFF;
	s2 =	simm.s32 @!p0 $0x1C01  }
0x560: {  	[timem:s3], [sflag:s2] =	dma.local @!p0 [hbm:s0], s1  }
0x561: {  	s0 =	simm.s32 @!p0 $0x1  }
0x562: {  	_ =	swait.ge @!p0 [sflag:s0], s1  }
0x563: {  	s1 =	ssub.s32 @!p0 $0x0, s1;
	[sflag:s0] =	ssyncset.done @!p0 $0x0  }
0x564: {  	[sflag:s0] =	ssyncadd.s32 @!p0 s1  }
0x565: {  	[bflag:$0x3] =	sbarrier.arrive $0xFFFF  }
0x566: {  	_ =	shalt  }

</sc_bundles>
